<compile_context>
chip_gen: v7x
topology: tpu7x:2x2x1
jax: 0.10.2.dev20260603
libtpu: 0.0.44.dev20260713+nightly
codegen_flags: <defaults>
</compile_context>

<pallas_src>
import functools

import jax
import jax.numpy as jnp
from jax import lax
from jax.experimental import pallas as pl
from jax.experimental.pallas import tpu as pltpu
from jax.experimental.pallas import tpu_sc as plsc

B, S, NIN, NH, K = 16384, 8, 128, 64, 10
INV_T = 5.0
CW = 2 * NH


TB = 512
GRID = B // TB


def _stage_a_body(bf_ref, bam_ref, bfm_ref, ba_ref,
                  wn_ref, wc_ref, bn_ref, bc_ref, an_ref, ac_ref,
                  c_ref, tgt_ref):
    x1 = jnp.dot(bf_ref[...], wn_ref[...],
                 preferred_element_type=jnp.float32).reshape(TB, S, NH)
    x2 = jnp.dot(bfm_ref[...], wc_ref[...],
                 preferred_element_type=jnp.float32).reshape(TB, S, NH)
    x12 = jnp.concatenate([x1, x2], axis=2)

    acat = jnp.concatenate([bam_ref[...], ba_ref[...]], axis=2)
    acat2 = acat.reshape(TB * S, 2 * S)
    col = lax.broadcasted_iota(jnp.int32, (2 * S, S * CW), 1)
    row = lax.broadcasted_iota(jnp.int32, (2 * S, S * CW), 0)
    jcol = col // CW
    hcol = col % CW
    emat = (((row == jcol) & (hcol < NH))
            | ((row == jcol + S) & (hcol >= NH))).astype(jnp.bfloat16)
    aexp = jnp.dot(acat2.astype(jnp.bfloat16), emat,
                   preferred_element_type=jnp.float32)

    acc = jnp.zeros((TB * S, CW), jnp.float32)
    for j in range(S):
        xb = jnp.broadcast_to(x12[:, j:j + 1, :], (TB, S, CW))
        acc = acc + aexp[:, j * CW:(j + 1) * CW] * xb.reshape(TB * S, CW)

    b12 = jnp.concatenate([bn_ref[...], bc_ref[...]], axis=1)
    lane = lax.broadcasted_iota(jnp.int32, (1, CW), 1)
    slope = jnp.where(lane < NH, an_ref[0, 0], ac_ref[0, 0])
    h12 = acc + b12
    h12 = jnp.where(h12 >= 0, h12, slope * h12)
    h12 = h12.reshape(TB, S, CW)

    h1 = h12[:, :, :NH]
    h2 = h12[:, :, NH:]
    ss = jnp.sum(h1 * h1, axis=2, keepdims=True)
    inv = lax.rsqrt(jnp.maximum(ss, 1e-24))
    h1n = h1 * inv
    tgt_ref[...] = h1n[:, S - 1, :]

    psub = jnp.sum(h2[:, : S - 1, :], axis=1) * (1.0 / (S - 1))

    packed = jnp.concatenate(
        [h1n, jnp.broadcast_to(psub[:, None, :], (TB, S, NH))], axis=2)
    c_ref[...] = packed.reshape(TB * S, CW)


def _stage_a(bf2, bam, bfm2, ba, w_n, w_c, b_n2, b_c2, a_n2, a_c2):
    return pl.pallas_call(
        _stage_a_body,
        grid=(GRID,),
        in_specs=[
            pl.BlockSpec((TB * S, NIN), lambda i: (i, 0)),
            pl.BlockSpec((TB, S, S), lambda i: (i, 0, 0)),
            pl.BlockSpec((TB * S, NIN), lambda i: (i, 0)),
            pl.BlockSpec((TB, S, S), lambda i: (i, 0, 0)),
            pl.BlockSpec((NIN, NH), lambda i: (0, 0)),
            pl.BlockSpec((NIN, NH), lambda i: (0, 0)),
            pl.BlockSpec((1, NH), lambda i: (0, 0)),
            pl.BlockSpec((1, NH), lambda i: (0, 0)),
            pl.BlockSpec((1, 1), lambda i: (0, 0)),
            pl.BlockSpec((1, 1), lambda i: (0, 0)),
        ],
        out_specs=[
            pl.BlockSpec((TB * S, CW), lambda i: (i, 0)),
            pl.BlockSpec((TB, NH), lambda i: (i, 0)),
        ],
        out_shape=[
            jax.ShapeDtypeStruct((B * S, CW), jnp.float32),
            jax.ShapeDtypeStruct((B, NH), jnp.float32),
        ],
        compiler_params=pltpu.CompilerParams(
            dimension_semantics=("parallel",)),
    )(bf2, bam, bfm2, ba, w_n, w_c, b_n2, b_c2, a_n2, a_c2)



NC, NS = 2, 16
NW = NC * NS
CB = B // NW
M = 32
NSUB = CB // M
KK = K + 1
MK = M * KK
OUTW = 16


@functools.cache
def _build_stage_b():
  kern = functools.partial(
    pl.kernel,
    out_type=[jax.ShapeDtypeStruct((B, OUTW), jnp.float32),
              jax.ShapeDtypeStruct((B, OUTW), jnp.float32)],
    mesh=plsc.VectorSubcoreMesh(core_axis_name="c", subcore_axis_name="s",
                                num_cores=NC, num_subcores=NS),
    scratch_types=[
        pltpu.VMEM((CB * KK,), jnp.int32),
        pltpu.VMEM((2, M, NH), jnp.float32),
        pltpu.VMEM((2, MK, CW), jnp.float32),
        pltpu.VMEM((2, M, OUTW), jnp.float32),
        pltpu.VMEM((2, M, OUTW), jnp.float32),
        pltpu.SemaphoreType.DMA,
        pltpu.SemaphoreType.DMA,
        pltpu.SemaphoreType.DMA,
        pltpu.SemaphoreType.DMA,
        pltpu.SemaphoreType.DMA,
        pltpu.SemaphoreType.DMA,
        pltpu.SemaphoreType.DMA,
        pltpu.SemaphoreType.DMA,
    ],
  )

  @kern
  def _stage_b(c_hbm, tgt_hbm, idx_hbm, outn_hbm, outs_hbm,
               idx_all, t_v2, rows_v2, outn_v2, outs_v2,
               sg0, sg1, st0, st1, son0, son1, sos0, sos1):
    wid = lax.axis_index("s") * NC + lax.axis_index("c")
    base_w = wid * CB
    sem_g = (sg0, sg1)
    sem_t = (st0, st1)
    sem_on = (son0, son1)
    sem_os = (sos0, sos1)

    pltpu.sync_copy(idx_hbm.at[pl.ds(base_w * KK, CB * KK)], idx_all)

    def gather_cp(sc, d):
        src = c_hbm.at[idx_all.at[pl.ds(sc * MK, MK)]]
        return pltpu.make_async_copy(src, rows_v2.at[d], sem_g[d])

    def t_cp(sc, d):
        src = tgt_hbm.at[pl.ds(base_w + sc * M, M)]
        return pltpu.make_async_copy(src, t_v2.at[d], sem_t[d])

    def outn_cp(sc, d):
        dst = outn_hbm.at[pl.ds(base_w + sc * M, M)]
        return pltpu.make_async_copy(outn_v2.at[d], dst, sem_on[d])

    def outs_cp(sc, d):
        dst = outs_hbm.at[pl.ds(base_w + sc * M, M)]
        return pltpu.make_async_copy(outs_v2.at[d], dst, sem_os[d])

    def hsum(a):
        for st in (8, 4, 2, 1):
            a = a + jnp.take(a, lax.iota(jnp.int32, 16) ^ st)
        return a

    def compute(d):
        def dot_row(m, carry2):
            t0 = t_v2[d, m, pl.ds(0, 16)]
            t1 = t_v2[d, m, pl.ds(16, 16)]
            t2 = t_v2[d, m, pl.ds(32, 16)]
            t3 = t_v2[d, m, pl.ds(48, 16)]
            lane = lax.iota(jnp.int32, 16)
            res_n = jnp.zeros((16,), jnp.float32)
            res_s = jnp.zeros((16,), jnp.float32)
            for k in range(KK):
                r = m * KK + k
                a = (rows_v2[d, r, pl.ds(0, 16)] * t0
                     + rows_v2[d, r, pl.ds(16, 16)] * t1
                     + rows_v2[d, r, pl.ds(32, 16)] * t2
                     + rows_v2[d, r, pl.ds(48, 16)] * t3)
                res_n = jnp.where(lane == k, hsum(a) * INV_T, res_n)
                b = (rows_v2[d, r, pl.ds(64, 16)] * t0
                     + rows_v2[d, r, pl.ds(80, 16)] * t1
                     + rows_v2[d, r, pl.ds(96, 16)] * t2
                     + rows_v2[d, r, pl.ds(112, 16)] * t3)
                res_s = jnp.where(lane == k, hsum(b) * INV_T, res_s)
            outn_v2[d, m, pl.ds(0, 16)] = res_n
            outs_v2[d, m, pl.ds(0, 16)] = res_s
            return carry2

        lax.fori_loop(0, M, dot_row, 0)

    gather_cp(0, 0).start()
    t_cp(0, 0).start()
    gather_cp(1, 1).start()
    t_cp(1, 1).start()

    def pair(g, carry):
        for d in (0, 1):
            sc = g * 2 + d
            gather_cp(sc, d).wait()
            t_cp(sc, d).wait()

            @pl.when(sc >= 2)
            def _():
                outn_cp(sc - 2, d).wait()
                outs_cp(sc - 2, d).wait()

            compute(d)

            @pl.when(sc + 2 < NSUB)
            def _():
                gather_cp(sc + 2, d).start()
                t_cp(sc + 2, d).start()

            outn_cp(sc, d).start()
            outs_cp(sc, d).start()
        return carry

    lax.fori_loop(0, NSUB // 2, pair, 0)
    outn_cp(NSUB - 2, 0).wait()
    outs_cp(NSUB - 2, 0).wait()
    outn_cp(NSUB - 1, 1).wait()
    outs_cp(NSUB - 1, 1).wait()

  return _stage_b



def kernel(bf_mask, ba, bf, ba_mask, multi_neg_node, sample_node,
           W_node, b_node, a_node, W_ctx, b_ctx, a_ctx):
    bf2 = bf.reshape(B * S, NIN)
    bfm2 = bf_mask.reshape(B * S, NIN)
    b_n2 = b_node.reshape(1, NH)
    b_c2 = b_ctx.reshape(1, NH)
    a_n2 = a_node.reshape(1, 1)
    a_c2 = a_ctx.reshape(1, 1)

    ctab, tgt = _stage_a(
        bf2, ba_mask, bfm2, ba, W_node, W_ctx, b_n2, b_c2, a_n2, a_c2)

    mn = multi_neg_node.astype(jnp.int32)
    sn1 = sample_node.astype(jnp.int32)
    rows = mn * S + sn1[None, :]
    pos_row = (lax.iota(jnp.int32, B) * S + sn1)[None, :]
    idx = jnp.concatenate([rows, pos_row], axis=0).T.reshape(B * KK)
    outn, outs = _build_stage_b()(ctab, tgt, idx)

    node_logits = jnp.concatenate([outn[:, K:KK], outn[:, :K]], axis=1)
    sub_logits = jnp.concatenate([outs[:, K:KK], outs[:, :K]], axis=1)
    labels = jnp.zeros((B,), dtype=jnp.int32)
    return (node_logits, sub_logits, labels)

# --- scband reference (transcript-rebuilt; emitter-appended) ---
"""Pipeline reference for scband-model-60318520705249 (READ-ONLY COPY).

The authoritative reference and input builder live on the scoring server;
editing this copy changes nothing except your own understanding.
"""

import jax, jax.numpy as jnp
import numpy as np

B, S, NIN, NH, K = 16384, 8, 128, 64, 10
T = 0.2

def _normalize(x, axis):
    n = jnp.linalg.norm(x, axis=axis, keepdims=True)
    return x / jnp.maximum(n, 1e-12)

def _prelu(x, a):
    return jnp.where(x >= 0, x, a * x)

def setup_inputs(seed: int = 0):
    key = jax.random.key(seed)
    ks = jax.random.split(key, 10)
    bf_mask = jax.random.normal(ks[0], (B, S, NIN), dtype=jnp.float32)
    ba = jax.random.uniform(ks[1], (B, S, S), dtype=jnp.float32)
    bf = jax.random.normal(ks[2], (B, S, NIN), dtype=jnp.float32)
    ba_mask = jax.random.uniform(ks[3], (B, S, S), dtype=jnp.float32)
    multi_neg_node = jax.random.randint(ks[4], (K, B), 0, B)
    sample_node = jax.random.randint(ks[5], (B,), 0, S)
    lim = float(np.sqrt(6.0 / (NIN + NH)))
    W_node = jax.random.uniform(ks[6], (NIN, NH), dtype=jnp.float32, minval=-lim, maxval=lim)
    W_ctx = jax.random.uniform(ks[7], (NIN, NH), dtype=jnp.float32, minval=-lim, maxval=lim)
    b_node = jnp.zeros((NH,), dtype=jnp.float32)
    b_ctx = jnp.zeros((NH,), dtype=jnp.float32)
    a_node = jnp.array(0.25, dtype=jnp.float32)
    a_ctx = jnp.array(0.25, dtype=jnp.float32)
    return {"bf_mask": bf_mask, "ba": ba, "bf": bf, "ba_mask": ba_mask,
            "multi_neg_node": multi_neg_node, "sample_node": sample_node,
            "W_node": W_node, "b_node": b_node, "a_node": a_node,
            "W_ctx": W_ctx, "b_ctx": b_ctx, "a_ctx": a_ctx}

def reference(bf_mask, ba, bf, ba_mask, multi_neg_node, sample_node,
              W_node, b_node, a_node, W_ctx, b_ctx, a_ctx):
    # GCN node branch: h_1 = PReLU(ba_mask @ (bf @ W) + b)
    h1 = _prelu(jnp.einsum('bij,bjh->bih', ba_mask, bf @ W_node) + b_node, a_node)
    # GCN context branch: h_2 = PReLU(ba @ (bf_mask @ W) + b)
    h2 = _prelu(jnp.einsum('bij,bjh->bih', ba, bf_mask @ W_ctx) + b_ctx, a_ctx)
    target = _normalize(h1[:, -1, :], 1)
    pos_ind = _normalize(h1[jnp.arange(B), sample_node, :], 1)
    # neg: for each permutation row, element i is h1[perm[i], sample_node[i], :]
    neg_ind = _normalize(h1[multi_neg_node, sample_node[None, :], :], 2)
    pos_sub = jnp.mean(h2[:, :-1, :], axis=1)
    neg_sub = pos_sub[multi_neg_node]
    node_pos = jnp.einsum('nc,nc->n', target, pos_ind)[:, None]
    node_neg = jnp.einsum('nc,knc->nk', target, neg_ind)
    node_logits = jnp.concatenate([node_pos, node_neg], axis=1) / T
    sub_pos = jnp.einsum('nc,nc->n', target, pos_sub)[:, None]
    sub_neg = jnp.einsum('nc,knc->nk', target, neg_sub)
    sub_logits = jnp.concatenate([sub_pos, sub_neg], axis=1) / T
    labels = jnp.zeros((B,), dtype=jnp.int32)
    return (node_logits, sub_logits, labels)

if __name__ == "__main__":
    import jax
    _d = setup_inputs()
    print(jax.jit(kernel)(*tuple(_d.values())))

</pallas_src>

<mosaic_0001>
#map = affine_map<(d0, d1) -> (0, 0)>
#map1 = affine_map<(d0, d1) -> (0)>
module attributes {stable_mosaic.version = 14 : i64} {
  func.func @_stage_b(%arg0: i32, %arg1: i32, %arg2: memref<131072x128xf32, #tpu.memory_space<hbm>>, %arg3: memref<16384x64xf32, #tpu.memory_space<hbm>>, %arg4: memref<180224xi32, #tpu.memory_space<hbm>>, %arg5: memref<16384x16xf32, #tpu.memory_space<hbm>>, %arg6: memref<16384x16xf32, #tpu.memory_space<hbm>>, %arg7: memref<5632xi32, #tpu.memory_space<vmem>>, %arg8: memref<2x32x64xf32, #tpu.memory_space<vmem>>, %arg9: memref<2x352x128xf32, #tpu.memory_space<vmem>>, %arg10: memref<2x32x16xf32, #tpu.memory_space<vmem>>, %arg11: memref<2x32x16xf32, #tpu.memory_space<vmem>>, %arg12: memref<!tpu.dma_semaphore, #tpu.memory_space<semaphore_mem>>, %arg13: memref<!tpu.dma_semaphore, #tpu.memory_space<semaphore_mem>>, %arg14: memref<!tpu.dma_semaphore, #tpu.memory_space<semaphore_mem>>, %arg15: memref<!tpu.dma_semaphore, #tpu.memory_space<semaphore_mem>>, %arg16: memref<!tpu.dma_semaphore, #tpu.memory_space<semaphore_mem>>, %arg17: memref<!tpu.dma_semaphore, #tpu.memory_space<semaphore_mem>>, %arg18: memref<!tpu.dma_semaphore, #tpu.memory_space<semaphore_mem>>, %arg19: memref<!tpu.dma_semaphore, #tpu.memory_space<semaphore_mem>>) attributes {dimension_semantics = [#tpu.dimension_semantics<core_parallel>, #tpu.dimension_semantics<subcore_parallel>], iteration_bounds = array<i64: 2, 16>, scalar_prefetch = 0 : i64, scratch_operands = 13 : i64, tpu.core_type = #tpu.core_type<sc_vector_subcore>, window_params = [{transform_indices = #map}, {transform_indices = #map}, {transform_indices = #map1}, {transform_indices = #map}, {transform_indices = #map}]} {
    %mul3A = arith.constant 2 : i32
    %mul3A_0 = arith.muli %arg1, %mul3A : i32
    %add3A = arith.addi %mul3A_0, %arg0 : i32
    %mul3A_1 = arith.constant 512 : i32
    %mul3A_2 = arith.muli %add3A, %mul3A_1 : i32
    %mul3A_3 = arith.constant 11 : i32
    %mul3A_4 = arith.muli %mul3A_2, %mul3A_3 : i32
    "tpu.region"() ({
      %run_scoped3A = tpu.sem_alloc : memref<!tpu.dma_semaphore, #tpu.memory_space<semaphore_mem>>
      %dma_start3A_118 = tpu.memref_slice %arg4[%mul3A_4] : memref<180224xi32, #tpu.memory_space<hbm>> -> memref<5632xi32, #tpu.memory_space<hbm>>
      %dma_start3A_119 = tpu.memref_slice %arg4[%mul3A_4] : memref<180224xi32, #tpu.memory_space<hbm>> -> memref<5632xi32, #tpu.memory_space<hbm>>
      tpu.enqueue_dma source(%dma_start3A_119 : memref<5632xi32, #tpu.memory_space<hbm>>) target(%arg7 : memref<5632xi32, #tpu.memory_space<vmem>>) target_semaphore(%run_scoped3A : memref<!tpu.dma_semaphore, #tpu.memory_space<semaphore_mem>>)
      %dma_wait3A_120 = tpu.memref_slice %arg4[%mul3A_4] : memref<180224xi32, #tpu.memory_space<hbm>> -> memref<5632xi32, #tpu.memory_space<hbm>>
      %dma_wait3A_121 = tpu.memref_slice %arg4[%mul3A_4] : memref<180224xi32, #tpu.memory_space<hbm>> -> memref<5632xi32, #tpu.memory_space<hbm>>
      tpu.wait_dma2 semaphore(%run_scoped3A : memref<!tpu.dma_semaphore, #tpu.memory_space<semaphore_mem>>) src(%dma_wait3A_121 : memref<5632xi32, #tpu.memory_space<hbm>>) dst(%arg7 : memref<5632xi32, #tpu.memory_space<vmem>>)
      tpu.yield
    }) : () -> ()
    %dma_start3A = arith.constant 0 : i32
    %dma_start3A_5 = arith.constant 0 : i32
    %dma_start3A_6 = arith.constant 0 : i32
    %dma_start3A_7 = tpu.memref_slice %arg9[%dma_start3A, %dma_start3A_5, %dma_start3A_6] : memref<2x352x128xf32, #tpu.memory_space<vmem>> -> memref<1x352x128xf32, #tpu.memory_space<vmem>>
    %dma_start3A_8 = tpu.memref_squeeze %dma_start3A_7 : memref<1x352x128xf32, #tpu.memory_space<vmem>> -> memref<352x128xf32, #tpu.memory_space<vmem>>
    %dma_start3A_9 = arith.constant 0 : i32
    %dma_start3A_10 = tpu.memref_slice %arg7[%dma_start3A_9] : memref<5632xi32, #tpu.memory_space<vmem>> -> memref<352xi32, #tpu.memory_space<vmem>>
    %dma_start3A_11 = arith.constant 0 : i32
    %dma_start3A_12 = arith.constant 0 : i32
    %dma_start3A_13 = tpu.memref_slice %arg2[%dma_start3A_11, %dma_start3A_12] : memref<131072x128xf32, #tpu.memory_space<hbm>> -> memref<131072x128xf32, #tpu.memory_space<hbm>>
    tpu.enqueue_indirect_dma source(%dma_start3A_13 : memref<131072x128xf32, #tpu.memory_space<hbm>>) target(%dma_start3A_8 : memref<352x128xf32, #tpu.memory_space<vmem>>) offsets(%dma_start3A_10 : memref<352xi32, #tpu.memory_space<vmem>>) semaphore(%arg12 : memref<!tpu.dma_semaphore, #tpu.memory_space<semaphore_mem>>)
    %add3A_14 = arith.constant 0 : i32
    %add3A_15 = arith.addi %mul3A_2, %add3A_14 : i32
    %dma_start3A_16 = arith.constant 0 : i32
    %dma_start3A_17 = arith.constant 0 : i32
    %dma_start3A_18 = arith.constant 0 : i32
    %dma_start3A_19 = tpu.memref_slice %arg8[%dma_start3A_16, %dma_start3A_17, %dma_start3A_18] : memref<2x32x64xf32, #tpu.memory_space<vmem>> -> memref<1x32x64xf32, #tpu.memory_space<vmem>>
    %dma_start3A_20 = tpu.memref_squeeze %dma_start3A_19 : memref<1x32x64xf32, #tpu.memory_space<vmem>> -> memref<32x64xf32, #tpu.memory_space<vmem>>
    %dma_start3A_21 = arith.constant 0 : i32
    %dma_start3A_22 = tpu.memref_slice %arg3[%add3A_15, %dma_start3A_21] : memref<16384x64xf32, #tpu.memory_space<hbm>> -> memref<32x64xf32, #tpu.memory_space<hbm>>
    %dma_start3A_23 = arith.constant 0 : i32
    %dma_start3A_24 = arith.constant 0 : i32
    %dma_start3A_25 = tpu.memref_slice %arg8[%dma_start3A_16, %dma_start3A_23, %dma_start3A_24] : memref<2x32x64xf32, #tpu.memory_space<vmem>> -> memref<1x32x64xf32, #tpu.memory_space<vmem>>
    %dma_start3A_26 = tpu.memref_squeeze %dma_start3A_25 : memref<1x32x64xf32, #tpu.memory_space<vmem>> -> memref<32x64xf32, #tpu.memory_space<vmem>>
    %dma_start3A_27 = arith.constant 0 : i32
    %dma_start3A_28 = tpu.memref_slice %arg3[%add3A_15, %dma_start3A_27] : memref<16384x64xf32, #tpu.memory_space<hbm>> -> memref<32x64xf32, #tpu.memory_space<hbm>>
    tpu.enqueue_dma source(%dma_start3A_28 : memref<32x64xf32, #tpu.memory_space<hbm>>) target(%dma_start3A_26 : memref<32x64xf32, #tpu.memory_space<vmem>>) target_semaphore(%arg14 : memref<!tpu.dma_semaphore, #tpu.memory_space<semaphore_mem>>)
    %dma_start3A_29 = arith.constant 1 : i32
    %dma_start3A_30 = arith.constant 0 : i32
    %dma_start3A_31 = arith.constant 0 : i32
    %dma_start3A_32 = tpu.memref_slice %arg9[%dma_start3A_29, %dma_start3A_30, %dma_start3A_31] : memref<2x352x128xf32, #tpu.memory_space<vmem>> -> memref<1x352x128xf32, #tpu.memory_space<vmem>>
    %dma_start3A_33 = tpu.memref_squeeze %dma_start3A_32 : memref<1x352x128xf32, #tpu.memory_space<vmem>> -> memref<352x128xf32, #tpu.memory_space<vmem>>
    %dma_start3A_34 = arith.constant 352 : i32
    %dma_start3A_35 = tpu.memref_slice %arg7[%dma_start3A_34] : memref<5632xi32, #tpu.memory_space<vmem>> -> memref<352xi32, #tpu.memory_space<vmem>>
    %dma_start3A_36 = arith.constant 0 : i32
    %dma_start3A_37 = arith.constant 0 : i32
    %dma_start3A_38 = tpu.memref_slice %arg2[%dma_start3A_36, %dma_start3A_37] : memref<131072x128xf32, #tpu.memory_space<hbm>> -> memref<131072x128xf32, #tpu.memory_space<hbm>>
    tpu.enqueue_indirect_dma source(%dma_start3A_38 : memref<131072x128xf32, #tpu.memory_space<hbm>>) target(%dma_start3A_33 : memref<352x128xf32, #tpu.memory_space<vmem>>) offsets(%dma_start3A_35 : memref<352xi32, #tpu.memory_space<vmem>>) semaphore(%arg13 : memref<!tpu.dma_semaphore, #tpu.memory_space<semaphore_mem>>)
    %add3A_39 = arith.constant 32 : i32
    %add3A_40 = arith.addi %mul3A_2, %add3A_39 : i32
    %dma_start3A_41 = arith.constant 1 : i32
    %dma_start3A_42 = arith.constant 0 : i32
    %dma_start3A_43 = arith.constant 0 : i32
    %dma_start3A_44 = tpu.memref_slice %arg8[%dma_start3A_41, %dma_start3A_42, %dma_start3A_43] : memref<2x32x64xf32, #tpu.memory_space<vmem>> -> memref<1x32x64xf32, #tpu.memory_space<vmem>>
    %dma_start3A_45 = tpu.memref_squeeze %dma_start3A_44 : memref<1x32x64xf32, #tpu.memory_space<vmem>> -> memref<32x64xf32, #tpu.memory_space<vmem>>
    %dma_start3A_46 = arith.constant 0 : i32
    %dma_start3A_47 = tpu.memref_slice %arg3[%add3A_40, %dma_start3A_46] : memref<16384x64xf32, #tpu.memory_space<hbm>> -> memref<32x64xf32, #tpu.memory_space<hbm>>
    %dma_start3A_48 = arith.constant 0 : i32
    %dma_start3A_49 = arith.constant 0 : i32
    %dma_start3A_50 = tpu.memref_slice %arg8[%dma_start3A_41, %dma_start3A_48, %dma_start3A_49] : memref<2x32x64xf32, #tpu.memory_space<vmem>> -> memref<1x32x64xf32, #tpu.memory_space<vmem>>
    %dma_start3A_51 = tpu.memref_squeeze %dma_start3A_50 : memref<1x32x64xf32, #tpu.memory_space<vmem>> -> memref<32x64xf32, #tpu.memory_space<vmem>>
    %dma_start3A_52 = arith.constant 0 : i32
    %dma_start3A_53 = tpu.memref_slice %arg3[%add3A_40, %dma_start3A_52] : memref<16384x64xf32, #tpu.memory_space<hbm>> -> memref<32x64xf32, #tpu.memory_space<hbm>>
    tpu.enqueue_dma source(%dma_start3A_53 : memref<32x64xf32, #tpu.memory_space<hbm>>) target(%dma_start3A_51 : memref<32x64xf32, #tpu.memory_space<vmem>>) target_semaphore(%arg15 : memref<!tpu.dma_semaphore, #tpu.memory_space<semaphore_mem>>)
    %scan3A = arith.constant 0 : i32
    %scan3A_54 = arith.constant 0 : i32
    %scan3A_55 = arith.constant 8 : i32
    %scan3A_56 = arith.addi %scan3A_54, %scan3A_55 : i32
    %scan3A_57 = arith.constant 1 : i32
    scf.for %scan3A_118 = %scan3A_54 to %scan3A_56 step %scan3A_57  : i32 {
      %mul3A_119 = arith.constant 2 : i32
      %mul3A_120 = arith.muli %scan3A_118, %mul3A_119 : i32
      %add3A_121 = arith.constant 0 : i32
      %add3A_122 = arith.addi %mul3A_120, %add3A_121 : i32
      %mul3A_123 = arith.constant 352 : i32
      %mul3A_124 = arith.muli %add3A_122, %mul3A_123 : i32
      %dma_wait3A_125 = arith.constant 0 : i32
      %dma_wait3A_126 = arith.constant 0 : i32
      %dma_wait3A_127 = arith.constant 0 : i32
      %dma_wait3A_128 = tpu.memref_slice %arg9[%dma_wait3A_125, %dma_wait3A_126, %dma_wait3A_127] : memref<2x352x128xf32, #tpu.memory_space<vmem>> -> memref<1x352x128xf32, #tpu.memory_space<vmem>>
      %dma_wait3A_129 = tpu.memref_squeeze %dma_wait3A_128 : memref<1x352x128xf32, #tpu.memory_space<vmem>> -> memref<352x128xf32, #tpu.memory_space<vmem>>
      %dma_wait3A_130 = tpu.memref_slice %arg7[%mul3A_124] : memref<5632xi32, #tpu.memory_space<vmem>> -> memref<352xi32, #tpu.memory_space<vmem>>
      %dma_wait3A_131 = arith.constant 0 : i32
      %dma_wait3A_132 = arith.constant 0 : i32
      %dma_wait3A_133 = tpu.memref_slice %arg2[%dma_wait3A_131, %dma_wait3A_132] : memref<131072x128xf32, #tpu.memory_space<hbm>> -> memref<131072x128xf32, #tpu.memory_space<hbm>>
      tpu.wait_indirect_dma semaphore(%arg12 : memref<!tpu.dma_semaphore, #tpu.memory_space<semaphore_mem>>) src(%dma_wait3A_133 : memref<131072x128xf32, #tpu.memory_space<hbm>>) dst(%dma_wait3A_129 : memref<352x128xf32, #tpu.memory_space<vmem>>)
      %mul3A_134 = arith.constant 32 : i32
      %mul3A_135 = arith.muli %add3A_122, %mul3A_134 : i32
      %add3A_136 = arith.addi %mul3A_2, %mul3A_135 : i32
      %dma_wait3A_137 = arith.constant 0 : i32
      %dma_wait3A_138 = arith.constant 0 : i32
      %dma_wait3A_139 = arith.constant 0 : i32
      %dma_wait3A_140 = tpu.memref_slice %arg8[%dma_wait3A_137, %dma_wait3A_138, %dma_wait3A_139] : memref<2x32x64xf32, #tpu.memory_space<vmem>> -> memref<1x32x64xf32, #tpu.memory_space<vmem>>
      %dma_wait3A_141 = tpu.memref_squeeze %dma_wait3A_140 : memref<1x32x64xf32, #tpu.memory_space<vmem>> -> memref<32x64xf32, #tpu.memory_space<vmem>>
      %dma_wait3A_142 = arith.constant 0 : i32
      %dma_wait3A_143 = tpu.memref_slice %arg3[%add3A_136, %dma_wait3A_142] : memref<16384x64xf32, #tpu.memory_space<hbm>> -> memref<32x64xf32, #tpu.memory_space<hbm>>
      %dma_wait3A_144 = arith.constant 0 : i32
      %dma_wait3A_145 = arith.constant 0 : i32
      %dma_wait3A_146 = tpu.memref_slice %arg8[%dma_wait3A_137, %dma_wait3A_144, %dma_wait3A_145] : memref<2x32x64xf32, #tpu.memory_space<vmem>> -> memref<1x32x64xf32, #tpu.memory_space<vmem>>
      %dma_wait3A_147 = tpu.memref_squeeze %dma_wait3A_146 : memref<1x32x64xf32, #tpu.memory_space<vmem>> -> memref<32x64xf32, #tpu.memory_space<vmem>>
      %dma_wait3A_148 = arith.constant 0 : i32
      %dma_wait3A_149 = tpu.memref_slice %arg3[%add3A_136, %dma_wait3A_148] : memref<16384x64xf32, #tpu.memory_space<hbm>> -> memref<32x64xf32, #tpu.memory_space<hbm>>
      tpu.wait_dma2 semaphore(%arg14 : memref<!tpu.dma_semaphore, #tpu.memory_space<semaphore_mem>>) src(%dma_wait3A_149 : memref<32x64xf32, #tpu.memory_space<hbm>>) dst(%dma_wait3A_147 : memref<32x64xf32, #tpu.memory_space<vmem>>)
      %ge3A = arith.constant 2 : i32
      %ge3A_150 = arith.cmpi sge, %add3A_122, %ge3A : i32
      %convert_element_type3A = arith.extui %ge3A_150 : i1 to i32
      %cond3A = arith.constant 0 : i32
      %cond3A_151 = arith.cmpi ne, %convert_element_type3A, %cond3A : i32
      scf.if %cond3A_151 {
        %sub3A = arith.constant 2 : i32
        %sub3A_277 = arith.subi %add3A_122, %sub3A : i32
        %mul3A_278 = arith.constant 32 : i32
        %mul3A_279 = arith.muli %sub3A_277, %mul3A_278 : i32
        %add3A_280 = arith.addi %mul3A_2, %mul3A_279 : i32
        %dma_wait3A_281 = arith.constant 0 : i32
        %dma_wait3A_282 = arith.constant 0 : i32
        %dma_wait3A_283 = arith.constant 0 : i32
        %dma_wait3A_284 = tpu.memref_slice %arg10[%dma_wait3A_281, %dma_wait3A_282, %dma_wait3A_283] : memref<2x32x16xf32, #tpu.memory_space<vmem>> -> memref<1x32x16xf32, #tpu.memory_space<vmem>>
        %dma_wait3A_285 = tpu.memref_squeeze %dma_wait3A_284 : memref<1x32x16xf32, #tpu.memory_space<vmem>> -> memref<32x16xf32, #tpu.memory_space<vmem>>
        %dma_wait3A_286 = arith.constant 0 : i32
        %dma_wait3A_287 = tpu.memref_slice %arg5[%add3A_280, %dma_wait3A_286] : memref<16384x16xf32, #tpu.memory_space<hbm>> -> memref<32x16xf32, #tpu.memory_space<hbm>>
        %dma_wait3A_288 = arith.constant 0 : i32
        %dma_wait3A_289 = tpu.memref_slice %arg5[%add3A_280, %dma_wait3A_288] : memref<16384x16xf32, #tpu.memory_space<hbm>> -> memref<32x16xf32, #tpu.memory_space<hbm>>
        %dma_wait3A_290 = arith.constant 0 : i32
        %dma_wait3A_291 = arith.constant 0 : i32
        %dma_wait3A_292 = tpu.memref_slice %arg10[%dma_wait3A_281, %dma_wait3A_290, %dma_wait3A_291] : memref<2x32x16xf32, #tpu.memory_space<vmem>> -> memref<1x32x16xf32, #tpu.memory_space<vmem>>
        %dma_wait3A_293 = tpu.memref_squeeze %dma_wait3A_292 : memref<1x32x16xf32, #tpu.memory_space<vmem>> -> memref<32x16xf32, #tpu.memory_space<vmem>>
        tpu.wait_dma2 semaphore(%arg16 : memref<!tpu.dma_semaphore, #tpu.memory_space<semaphore_mem>>) src(%dma_wait3A_293 : memref<32x16xf32, #tpu.memory_space<vmem>>) dst(%dma_wait3A_289 : memref<32x16xf32, #tpu.memory_space<hbm>>)
        %sub3A_294 = arith.constant 2 : i32
        %sub3A_295 = arith.subi %add3A_122, %sub3A_294 : i32
        %mul3A_296 = arith.constant 32 : i32
        %mul3A_297 = arith.muli %sub3A_295, %mul3A_296 : i32
        %add3A_298 = arith.addi %mul3A_2, %mul3A_297 : i32
        %dma_wait3A_299 = arith.constant 0 : i32
        %dma_wait3A_300 = arith.constant 0 : i32
        %dma_wait3A_301 = arith.constant 0 : i32
        %dma_wait3A_302 = tpu.memref_slice %arg11[%dma_wait3A_299, %dma_wait3A_300, %dma_wait3A_301] : memref<2x32x16xf32, #tpu.memory_space<vmem>> -> memref<1x32x16xf32, #tpu.memory_space<vmem>>
        %dma_wait3A_303 = tpu.memref_squeeze %dma_wait3A_302 : memref<1x32x16xf32, #tpu.memory_space<vmem>> -> memref<32x16xf32, #tpu.memory_space<vmem>>
        %dma_wait3A_304 = arith.constant 0 : i32
        %dma_wait3A_305 = tpu.memref_slice %arg6[%add3A_298, %dma_wait3A_304] : memref<16384x16xf32, #tpu.memory_space<hbm>> -> memref<32x16xf32, #tpu.memory_space<hbm>>
        %dma_wait3A_306 = arith.constant 0 : i32
        %dma_wait3A_307 = tpu.memref_slice %arg6[%add3A_298, %dma_wait3A_306] : memref<16384x16xf32, #tpu.memory_space<hbm>> -> memref<32x16xf32, #tpu.memory_space<hbm>>
        %dma_wait3A_308 = arith.constant 0 : i32
        %dma_wait3A_309 = arith.constant 0 : i32
        %dma_wait3A_310 = tpu.memref_slice %arg11[%dma_wait3A_299, %dma_wait3A_308, %dma_wait3A_309] : memref<2x32x16xf32, #tpu.memory_space<vmem>> -> memref<1x32x16xf32, #tpu.memory_space<vmem>>
        %dma_wait3A_311 = tpu.memref_squeeze %dma_wait3A_310 : memref<1x32x16xf32, #tpu.memory_space<vmem>> -> memref<32x16xf32, #tpu.memory_space<vmem>>
        tpu.wait_dma2 semaphore(%arg18 : memref<!tpu.dma_semaphore, #tpu.memory_space<semaphore_mem>>) src(%dma_wait3A_311 : memref<32x16xf32, #tpu.memory_space<vmem>>) dst(%dma_wait3A_307 : memref<32x16xf32, #tpu.memory_space<hbm>>)
      } else {
      }
      %scan3A_152 = arith.constant 0 : i32
      %scan3A_153 = arith.constant 0 : i32
      %scan3A_154 = arith.constant 32 : i32
      %scan3A_155 = arith.addi %scan3A_153, %scan3A_154 : i32
      %scan3A_156 = arith.constant 1 : i32
      scf.for %scan3A_277 = %scan3A_153 to %scan3A_155 step %scan3A_156  : i32 {
        %get3A = arith.constant 0 : i32
        %get3A_278 = arith.index_cast %get3A : i32 to index
        %get3A_279 = arith.index_cast %scan3A_277 : i32 to index
        %get3A_280 = arith.constant 0 : index
        %get3A_281 = tpu.vector_load %arg8[%get3A_278, %get3A_279, %get3A_280] {strides = array<i32>} : memref<2x32x64xf32, #tpu.memory_space<vmem>>, vector<1x1x16xf32>,
        %get3A_282 = vector.shape_cast %get3A_281 : vector<1x1x16xf32> to vector<16xf32>
        %get3A_283 = arith.constant 0 : i32
        %get3A_284 = arith.index_cast %get3A_283 : i32 to index
        %get3A_285 = arith.index_cast %scan3A_277 : i32 to index
        %get3A_286 = arith.constant 16 : index
        %get3A_287 = tpu.vector_load %arg8[%get3A_284, %get3A_285, %get3A_286] {strides = array<i32>} : memref<2x32x64xf32, #tpu.memory_space<vmem>>, vector<1x1x16xf32>,
        %get3A_288 = vector.shape_cast %get3A_287 : vector<1x1x16xf32> to vector<16xf32>
        %get3A_289 = arith.constant 0 : i32
        %get3A_290 = arith.index_cast %get3A_289 : i32 to index
        %get3A_291 = arith.index_cast %scan3A_277 : i32 to index
        %get3A_292 = arith.constant 32 : index
        %get3A_293 = tpu.vector_load %arg8[%get3A_290, %get3A_291, %get3A_292] {strides = array<i32>} : memref<2x32x64xf32, #tpu.memory_space<vmem>>, vector<1x1x16xf32>,
        %get3A_294 = vector.shape_cast %get3A_293 : vector<1x1x16xf32> to vector<16xf32>
        %get3A_295 = arith.constant 0 : i32
        %get3A_296 = arith.index_cast %get3A_295 : i32 to index
        %get3A_297 = arith.index_cast %scan3A_277 : i32 to index
        %get3A_298 = arith.constant 48 : index
        %get3A_299 = tpu.vector_load %arg8[%get3A_296, %get3A_297, %get3A_298] {strides = array<i32>} : memref<2x32x64xf32, #tpu.memory_space<vmem>>, vector<1x1x16xf32>,
        %get3A_300 = vector.shape_cast %get3A_299 : vector<1x1x16xf32> to vector<16xf32>
        %iota3A = tpu.iota {dimensions = array<i32: 0>} : vector<16xi32>
        %broadcast_in_dim3A = arith.constant 0.000000e+00 : f32
        %broadcast_in_dim3A_301 = vector.broadcast %broadcast_in_dim3A : f32 to vector<16xf32>
        %broadcast_in_dim3A_302 = arith.constant 0.000000e+00 : f32
        %broadcast_in_dim3A_303 = vector.broadcast %broadcast_in_dim3A_302 : f32 to vector<16xf32>
        %mul3A_304 = arith.constant 11 : i32
        %mul3A_305 = arith.muli %scan3A_277, %mul3A_304 : i32
        %add3A_306 = arith.constant 0 : i32
        %add3A_307 = arith.addi %mul3A_305, %add3A_306 : i32
        %get3A_308 = arith.constant 0 : i32
        %get3A_309 = arith.index_cast %get3A_308 : i32 to index
        %get3A_310 = arith.index_cast %add3A_307 : i32 to index
        %get3A_311 = arith.constant 0 : index
        %get3A_312 = tpu.vector_load %arg9[%get3A_309, %get3A_310, %get3A_311] {strides = array<i32>} : memref<2x352x128xf32, #tpu.memory_space<vmem>>, vector<1x1x16xf32>,
        %get3A_313 = vector.shape_cast %get3A_312 : vector<1x1x16xf32> to vector<16xf32>
        %mul3A_314 = arith.mulf %get3A_313, %get3A_282 : vector<16xf32>
        %get3A_315 = arith.constant 0 : i32
        %get3A_316 = arith.index_cast %get3A_315 : i32 to index
        %get3A_317 = arith.index_cast %add3A_307 : i32 to index
        %get3A_318 = arith.constant 16 : index
        %get3A_319 = tpu.vector_load %arg9[%get3A_316, %get3A_317, %get3A_318] {strides = array<i32>} : memref<2x352x128xf32, #tpu.memory_space<vmem>>, vector<1x1x16xf32>,
        %get3A_320 = vector.shape_cast %get3A_319 : vector<1x1x16xf32> to vector<16xf32>
        %mul3A_321 = arith.mulf %get3A_320, %get3A_288 : vector<16xf32>
        %add3A_322 = arith.addf %mul3A_314, %mul3A_321 : vector<16xf32>
        %get3A_323 = arith.constant 0 : i32
        %get3A_324 = arith.index_cast %get3A_323 : i32 to index
        %get3A_325 = arith.index_cast %add3A_307 : i32 to index
        %get3A_326 = arith.constant 32 : index
        %get3A_327 = tpu.vector_load %arg9[%get3A_324, %get3A_325, %get3A_326] {strides = array<i32>} : memref<2x352x128xf32, #tpu.memory_space<vmem>>, vector<1x1x16xf32>,
        %get3A_328 = vector.shape_cast %get3A_327 : vector<1x1x16xf32> to vector<16xf32>
        %mul3A_329 = arith.mulf %get3A_328, %get3A_294 : vector<16xf32>
        %add3A_330 = arith.addf %add3A_322, %mul3A_329 : vector<16xf32>
        %get3A_331 = arith.constant 0 : i32
        %get3A_332 = arith.index_cast %get3A_331 : i32 to index
        %get3A_333 = arith.index_cast %add3A_307 : i32 to index
        %get3A_334 = arith.constant 48 : index
        %get3A_335 = tpu.vector_load %arg9[%get3A_332, %get3A_333, %get3A_334] {strides = array<i32>} : memref<2x352x128xf32, #tpu.memory_space<vmem>>, vector<1x1x16xf32>,
        %get3A_336 = vector.shape_cast %get3A_335 : vector<1x1x16xf32> to vector<16xf32>
        %mul3A_337 = arith.mulf %get3A_336, %get3A_300 : vector<16xf32>
        %add3A_338 = arith.addf %add3A_330, %mul3A_337 : vector<16xf32>
        %eq3A = arith.constant 0 : i32
        %eq3A_339 = vector.broadcast %eq3A : i32 to vector<16xi32>
        %eq3A_340 = arith.cmpi eq, %iota3A, %eq3A_339 : vector<16xi32>
        %iota3A_341 = tpu.iota {dimensions = array<i32: 0>} : vector<16xi32>
        %xor3A = arith.constant 8 : i32
        %xor3A_342 = vector.broadcast %xor3A : i32 to vector<16xi32>
        %xor3A_343 = arith.xori %iota3A_341, %xor3A_342 : vector<16xi32>
        %lt3A_344 = arith.constant 0 : i32
        %lt3A_345 = vector.broadcast %lt3A_344 : i32 to vector<16xi32>
        %lt3A_346 = arith.cmpi slt, %xor3A_343, %lt3A_345 : vector<16xi32>
        %add3A_347 = arith.constant 16 : i32
        %add3A_348 = vector.broadcast %add3A_347 : i32 to vector<16xi32>
        %add3A_349 = arith.addi %xor3A_343, %add3A_348 : vector<16xi32>
        %select_n3A = arith.select %lt3A_346, %add3A_349, %xor3A_343 : vector<16xi1>, vector<16xi32>
        %broadcast_in_dim3A_350 = vector.shape_cast %select_n3A : vector<16xi32> to vector<16x1xi32>
        %gather3A = vector.shape_cast %broadcast_in_dim3A_350 : vector<16x1xi32> to vector<16xi32>
        %gather3A_351 = tpu.dynamic_gather %add3A_338[%gather3A] in [0] : vector<16xf32>, vector<16xi32> -> vector<16xf32>
        %add3A_352 = arith.addf %add3A_338, %gather3A_351 : vector<16xf32>
        %iota3A_353 = tpu.iota {dimensions = array<i32: 0>} : vector<16xi32>
        %xor3A_354 = arith.constant 4 : i32
        %xor3A_355 = vector.broadcast %xor3A_354 : i32 to vector<16xi32>
        %xor3A_356 = arith.xori %iota3A_353, %xor3A_355 : vector<16xi32>
        %lt3A_357 = arith.constant 0 : i32
        %lt3A_358 = vector.broadcast %lt3A_357 : i32 to vector<16xi32>
        %lt3A_359 = arith.cmpi slt, %xor3A_356, %lt3A_358 : vector<16xi32>
        %add3A_360 = arith.constant 16 : i32
        %add3A_361 = vector.broadcast %add3A_360 : i32 to vector<16xi32>
        %add3A_362 = arith.addi %xor3A_356, %add3A_361 : vector<16xi32>
        %select_n3A_363 = arith.select %lt3A_359, %add3A_362, %xor3A_356 : vector<16xi1>, vector<16xi32>
        %broadcast_in_dim3A_364 = vector.shape_cast %select_n3A_363 : vector<16xi32> to vector<16x1xi32>
        %gather3A_365 = vector.shape_cast %broadcast_in_dim3A_364 : vector<16x1xi32> to vector<16xi32>
        %gather3A_366 = tpu.dynamic_gather %add3A_352[%gather3A_365] in [0] : vector<16xf32>, vector<16xi32> -> vector<16xf32>
        %add3A_367 = arith.addf %add3A_352, %gather3A_366 : vector<16xf32>
        %iota3A_368 = tpu.iota {dimensions = array<i32: 0>} : vector<16xi32>
        %xor3A_369 = arith.constant 2 : i32
        %xor3A_370 = vector.broadcast %xor3A_369 : i32 to vector<16xi32>
        %xor3A_371 = arith.xori %iota3A_368, %xor3A_370 : vector<16xi32>
        %lt3A_372 = arith.constant 0 : i32
        %lt3A_373 = vector.broadcast %lt3A_372 : i32 to vector<16xi32>
        %lt3A_374 = arith.cmpi slt, %xor3A_371, %lt3A_373 : vector<16xi32>
        %add3A_375 = arith.constant 16 : i32
        %add3A_376 = vector.broadcast %add3A_375 : i32 to vector<16xi32>
        %add3A_377 = arith.addi %xor3A_371, %add3A_376 : vector<16xi32>
        %select_n3A_378 = arith.select %lt3A_374, %add3A_377, %xor3A_371 : vector<16xi1>, vector<16xi32>
        %broadcast_in_dim3A_379 = vector.shape_cast %select_n3A_378 : vector<16xi32> to vector<16x1xi32>
        %gather3A_380 = vector.shape_cast %broadcast_in_dim3A_379 : vector<16x1xi32> to vector<16xi32>
        %gather3A_381 = tpu.dynamic_gather %add3A_367[%gather3A_380] in [0] : vector<16xf32>, vector<16xi32> -> vector<16xf32>
        %add3A_382 = arith.addf %add3A_367, %gather3A_381 : vector<16xf32>
        %iota3A_383 = tpu.iota {dimensions = array<i32: 0>} : vector<16xi32>
        %xor3A_384 = arith.constant 1 : i32
        %xor3A_385 = vector.broadcast %xor3A_384 : i32 to vector<16xi32>
        %xor3A_386 = arith.xori %iota3A_383, %xor3A_385 : vector<16xi32>
        %lt3A_387 = arith.constant 0 : i32
        %lt3A_388 = vector.broadcast %lt3A_387 : i32 to vector<16xi32>
        %lt3A_389 = arith.cmpi slt, %xor3A_386, %lt3A_388 : vector<16xi32>
        %add3A_390 = arith.constant 16 : i32
        %add3A_391 = vector.broadcast %add3A_390 : i32 to vector<16xi32>
        %add3A_392 = arith.addi %xor3A_386, %add3A_391 : vector<16xi32>
        %select_n3A_393 = arith.select %lt3A_389, %add3A_392, %xor3A_386 : vector<16xi1>, vector<16xi32>
        %broadcast_in_dim3A_394 = vector.shape_cast %select_n3A_393 : vector<16xi32> to vector<16x1xi32>
        %gather3A_395 = vector.shape_cast %broadcast_in_dim3A_394 : vector<16x1xi32> to vector<16xi32>
        %gather3A_396 = tpu.dynamic_gather %add3A_382[%gather3A_395] in [0] : vector<16xf32>, vector<16xi32> -> vector<16xf32>
        %add3A_397 = arith.addf %add3A_382, %gather3A_396 : vector<16xf32>
        %mul3A_398 = arith.constant 5.000000e+00 : f32
        %mul3A_399 = vector.broadcast %mul3A_398 : f32 to vector<16xf32>
        %mul3A_400 = arith.mulf %add3A_397, %mul3A_399 : vector<16xf32>
        %select_n3A_401 = arith.select %eq3A_340, %mul3A_400, %broadcast_in_dim3A_301 : vector<16xi1>, vector<16xf32>
        %get3A_402 = arith.constant 0 : i32
        %get3A_403 = arith.index_cast %get3A_402 : i32 to index
        %get3A_404 = arith.index_cast %add3A_307 : i32 to index
        %get3A_405 = arith.constant 64 : index
        %get3A_406 = tpu.vector_load %arg9[%get3A_403, %get3A_404, %get3A_405] {strides = array<i32>} : memref<2x352x128xf32, #tpu.memory_space<vmem>>, vector<1x1x16xf32>,
        %get3A_407 = vector.shape_cast %get3A_406 : vector<1x1x16xf32> to vector<16xf32>
        %mul3A_408 = arith.mulf %get3A_407, %get3A_282 : vector<16xf32>
        %get3A_409 = arith.constant 0 : i32
        %get3A_410 = arith.index_cast %get3A_409 : i32 to index
        %get3A_411 = arith.index_cast %add3A_307 : i32 to index
        %get3A_412 = arith.constant 80 : index
        %get3A_413 = tpu.vector_load %arg9[%get3A_410, %get3A_411, %get3A_412] {strides = array<i32>} : memref<2x352x128xf32, #tpu.memory_space<vmem>>, vector<1x1x16xf32>,
        %get3A_414 = vector.shape_cast %get3A_413 : vector<1x1x16xf32> to vector<16xf32>
        %mul3A_415 = arith.mulf %get3A_414, %get3A_288 : vector<16xf32>
        %add3A_416 = arith.addf %mul3A_408, %mul3A_415 : vector<16xf32>
        %get3A_417 = arith.constant 0 : i32
        %get3A_418 = arith.index_cast %get3A_417 : i32 to index
        %get3A_419 = arith.index_cast %add3A_307 : i32 to index
        %get3A_420 = arith.constant 96 : index
        %get3A_421 = tpu.vector_load %arg9[%get3A_418, %get3A_419, %get3A_420] {strides = array<i32>} : memref<2x352x128xf32, #tpu.memory_space<vmem>>, vector<1x1x16xf32>,
        %get3A_422 = vector.shape_cast %get3A_421 : vector<1x1x16xf32> to vector<16xf32>
        %mul3A_423 = arith.mulf %get3A_422, %get3A_294 : vector<16xf32>
        %add3A_424 = arith.addf %add3A_416, %mul3A_423 : vector<16xf32>
        %get3A_425 = arith.constant 0 : i32
        %get3A_426 = arith.index_cast %get3A_425 : i32 to index
        %get3A_427 = arith.index_cast %add3A_307 : i32 to index
        %get3A_428 = arith.constant 112 : index
        %get3A_429 = tpu.vector_load %arg9[%get3A_426, %get3A_427, %get3A_428] {strides = array<i32>} : memref<2x352x128xf32, #tpu.memory_space<vmem>>, vector<1x1x16xf32>,
        %get3A_430 = vector.shape_cast %get3A_429 : vector<1x1x16xf32> to vector<16xf32>
        %mul3A_431 = arith.mulf %get3A_430, %get3A_300 : vector<16xf32>
        %add3A_432 = arith.addf %add3A_424, %mul3A_431 : vector<16xf32>
        %eq3A_433 = arith.constant 0 : i32
        %eq3A_434 = vector.broadcast %eq3A_433 : i32 to vector<16xi32>
        %eq3A_435 = arith.cmpi eq, %iota3A, %eq3A_434 : vector<16xi32>
        %iota3A_436 = tpu.iota {dimensions = array<i32: 0>} : vector<16xi32>
        %xor3A_437 = arith.constant 8 : i32
        %xor3A_438 = vector.broadcast %xor3A_437 : i32 to vector<16xi32>
        %xor3A_439 = arith.xori %iota3A_436, %xor3A_438 : vector<16xi32>
        %lt3A_440 = arith.constant 0 : i32
        %lt3A_441 = vector.broadcast %lt3A_440 : i32 to vector<16xi32>
        %lt3A_442 = arith.cmpi slt, %xor3A_439, %lt3A_441 : vector<16xi32>
        %add3A_443 = arith.constant 16 : i32
        %add3A_444 = vector.broadcast %add3A_443 : i32 to vector<16xi32>
        %add3A_445 = arith.addi %xor3A_439, %add3A_444 : vector<16xi32>
        %select_n3A_446 = arith.select %lt3A_442, %add3A_445, %xor3A_439 : vector<16xi1>, vector<16xi32>
        %broadcast_in_dim3A_447 = vector.shape_cast %select_n3A_446 : vector<16xi32> to vector<16x1xi32>
        %gather3A_448 = vector.shape_cast %broadcast_in_dim3A_447 : vector<16x1xi32> to vector<16xi32>
        %gather3A_449 = tpu.dynamic_gather %add3A_432[%gather3A_448] in [0] : vector<16xf32>, vector<16xi32> -> vector<16xf32>
        %add3A_450 = arith.addf %add3A_432, %gather3A_449 : vector<16xf32>
        %iota3A_451 = tpu.iota {dimensions = array<i32: 0>} : vector<16xi32>
        %xor3A_452 = arith.constant 4 : i32
        %xor3A_453 = vector.broadcast %xor3A_452 : i32 to vector<16xi32>
        %xor3A_454 = arith.xori %iota3A_451, %xor3A_453 : vector<16xi32>
        %lt3A_455 = arith.constant 0 : i32
        %lt3A_456 = vector.broadcast %lt3A_455 : i32 to vector<16xi32>
        %lt3A_457 = arith.cmpi slt, %xor3A_454, %lt3A_456 : vector<16xi32>
        %add3A_458 = arith.constant 16 : i32
        %add3A_459 = vector.broadcast %add3A_458 : i32 to vector<16xi32>
        %add3A_460 = arith.addi %xor3A_454, %add3A_459 : vector<16xi32>
        %select_n3A_461 = arith.select %lt3A_457, %add3A_460, %xor3A_454 : vector<16xi1>, vector<16xi32>
        %broadcast_in_dim3A_462 = vector.shape_cast %select_n3A_461 : vector<16xi32> to vector<16x1xi32>
        %gather3A_463 = vector.shape_cast %broadcast_in_dim3A_462 : vector<16x1xi32> to vector<16xi32>
        %gather3A_464 = tpu.dynamic_gather %add3A_450[%gather3A_463] in [0] : vector<16xf32>, vector<16xi32> -> vector<16xf32>
        %add3A_465 = arith.addf %add3A_450, %gather3A_464 : vector<16xf32>
        %iota3A_466 = tpu.iota {dimensions = array<i32: 0>} : vector<16xi32>
        %xor3A_467 = arith.constant 2 : i32
        %xor3A_468 = vector.broadcast %xor3A_467 : i32 to vector<16xi32>
        %xor3A_469 = arith.xori %iota3A_466, %xor3A_468 : vector<16xi32>
        %lt3A_470 = arith.constant 0 : i32
        %lt3A_471 = vector.broadcast %lt3A_470 : i32 to vector<16xi32>
        %lt3A_472 = arith.cmpi slt, %xor3A_469, %lt3A_471 : vector<16xi32>
        %add3A_473 = arith.constant 16 : i32
        %add3A_474 = vector.broadcast %add3A_473 : i32 to vector<16xi32>
        %add3A_475 = arith.addi %xor3A_469, %add3A_474 : vector<16xi32>
        %select_n3A_476 = arith.select %lt3A_472, %add3A_475, %xor3A_469 : vector<16xi1>, vector<16xi32>
        %broadcast_in_dim3A_477 = vector.shape_cast %select_n3A_476 : vector<16xi32> to vector<16x1xi32>
        %gather3A_478 = vector.shape_cast %broadcast_in_dim3A_477 : vector<16x1xi32> to vector<16xi32>
        %gather3A_479 = tpu.dynamic_gather %add3A_465[%gather3A_478] in [0] : vector<16xf32>, vector<16xi32> -> vector<16xf32>
        %add3A_480 = arith.addf %add3A_465, %gather3A_479 : vector<16xf32>
        %iota3A_481 = tpu.iota {dimensions = array<i32: 0>} : vector<16xi32>
        %xor3A_482 = arith.constant 1 : i32
        %xor3A_483 = vector.broadcast %xor3A_482 : i32 to vector<16xi32>
        %xor3A_484 = arith.xori %iota3A_481, %xor3A_483 : vector<16xi32>
        %lt3A_485 = arith.constant 0 : i32
        %lt3A_486 = vector.broadcast %lt3A_485 : i32 to vector<16xi32>
        %lt3A_487 = arith.cmpi slt, %xor3A_484, %lt3A_486 : vector<16xi32>
        %add3A_488 = arith.constant 16 : i32
        %add3A_489 = vector.broadcast %add3A_488 : i32 to vector<16xi32>
        %add3A_490 = arith.addi %xor3A_484, %add3A_489 : vector<16xi32>
        %select_n3A_491 = arith.select %lt3A_487, %add3A_490, %xor3A_484 : vector<16xi1>, vector<16xi32>
        %broadcast_in_dim3A_492 = vector.shape_cast %select_n3A_491 : vector<16xi32> to vector<16x1xi32>
        %gather3A_493 = vector.shape_cast %broadcast_in_dim3A_492 : vector<16x1xi32> to vector<16xi32>
        %gather3A_494 = tpu.dynamic_gather %add3A_480[%gather3A_493] in [0] : vector<16xf32>, vector<16xi32> -> vector<16xf32>
        %add3A_495 = arith.addf %add3A_480, %gather3A_494 : vector<16xf32>
        %mul3A_496 = arith.constant 5.000000e+00 : f32
        %mul3A_497 = vector.broadcast %mul3A_496 : f32 to vector<16xf32>
        %mul3A_498 = arith.mulf %add3A_495, %mul3A_497 : vector<16xf32>
        %select_n3A_499 = arith.select %eq3A_435, %mul3A_498, %broadcast_in_dim3A_303 : vector<16xi1>, vector<16xf32>
        %mul3A_500 = arith.constant 11 : i32
        %mul3A_501 = arith.muli %scan3A_277, %mul3A_500 : i32
        %add3A_502 = arith.constant 1 : i32
        %add3A_503 = arith.addi %mul3A_501, %add3A_502 : i32
        %get3A_504 = arith.constant 0 : i32
        %get3A_505 = arith.index_cast %get3A_504 : i32 to index
        %get3A_506 = arith.index_cast %add3A_503 : i32 to index
        %get3A_507 = arith.constant 0 : index
        %get3A_508 = tpu.vector_load %arg9[%get3A_505, %get3A_506, %get3A_507] {strides = array<i32>} : memref<2x352x128xf32, #tpu.memory_space<vmem>>, vector<1x1x16xf32>,
        %get3A_509 = vector.shape_cast %get3A_508 : vector<1x1x16xf32> to vector<16xf32>
        %mul3A_510 = arith.mulf %get3A_509, %get3A_282 : vector<16xf32>
        %get3A_511 = arith.constant 0 : i32
        %get3A_512 = arith.index_cast %get3A_511 : i32 to index
        %get3A_513 = arith.index_cast %add3A_503 : i32 to index
        %get3A_514 = arith.constant 16 : index
        %get3A_515 = tpu.vector_load %arg9[%get3A_512, %get3A_513, %get3A_514] {strides = array<i32>} : memref<2x352x128xf32, #tpu.memory_space<vmem>>, vector<1x1x16xf32>,
        %get3A_516 = vector.shape_cast %get3A_515 : vector<1x1x16xf32> to vector<16xf32>
        %mul3A_517 = arith.mulf %get3A_516, %get3A_288 : vector<16xf32>
        %add3A_518 = arith.addf %mul3A_510, %mul3A_517 : vector<16xf32>
        %get3A_519 = arith.constant 0 : i32
        %get3A_520 = arith.index_cast %get3A_519 : i32 to index
        %get3A_521 = arith.index_cast %add3A_503 : i32 to index
        %get3A_522 = arith.constant 32 : index
        %get3A_523 = tpu.vector_load %arg9[%get3A_520, %get3A_521, %get3A_522] {strides = array<i32>} : memref<2x352x128xf32, #tpu.memory_space<vmem>>, vector<1x1x16xf32>,
        %get3A_524 = vector.shape_cast %get3A_523 : vector<1x1x16xf32> to vector<16xf32>
        %mul3A_525 = arith.mulf %get3A_524, %get3A_294 : vector<16xf32>
        %add3A_526 = arith.addf %add3A_518, %mul3A_525 : vector<16xf32>
        %get3A_527 = arith.constant 0 : i32
        %get3A_528 = arith.index_cast %get3A_527 : i32 to index
        %get3A_529 = arith.index_cast %add3A_503 : i32 to index
        %get3A_530 = arith.constant 48 : index
        %get3A_531 = tpu.vector_load %arg9[%get3A_528, %get3A_529, %get3A_530] {strides = array<i32>} : memref<2x352x128xf32, #tpu.memory_space<vmem>>, vector<1x1x16xf32>,
        %get3A_532 = vector.shape_cast %get3A_531 : vector<1x1x16xf32> to vector<16xf32>
        %mul3A_533 = arith.mulf %get3A_532, %get3A_300 : vector<16xf32>
        %add3A_534 = arith.addf %add3A_526, %mul3A_533 : vector<16xf32>
        %eq3A_535 = arith.constant 1 : i32
        %eq3A_536 = vector.broadcast %eq3A_535 : i32 to vector<16xi32>
        %eq3A_537 = arith.cmpi eq, %iota3A, %eq3A_536 : vector<16xi32>
        %iota3A_538 = tpu.iota {dimensions = array<i32: 0>} : vector<16xi32>
        %xor3A_539 = arith.constant 8 : i32
        %xor3A_540 = vector.broadcast %xor3A_539 : i32 to vector<16xi32>
        %xor3A_541 = arith.xori %iota3A_538, %xor3A_540 : vector<16xi32>
        %lt3A_542 = arith.constant 0 : i32
        %lt3A_543 = vector.broadcast %lt3A_542 : i32 to vector<16xi32>
        %lt3A_544 = arith.cmpi slt, %xor3A_541, %lt3A_543 : vector<16xi32>
        %add3A_545 = arith.constant 16 : i32
        %add3A_546 = vector.broadcast %add3A_545 : i32 to vector<16xi32>
        %add3A_547 = arith.addi %xor3A_541, %add3A_546 : vector<16xi32>
        %select_n3A_548 = arith.select %lt3A_544, %add3A_547, %xor3A_541 : vector<16xi1>, vector<16xi32>
        %broadcast_in_dim3A_549 = vector.shape_cast %select_n3A_548 : vector<16xi32> to vector<16x1xi32>
        %gather3A_550 = vector.shape_cast %broadcast_in_dim3A_549 : vector<16x1xi32> to vector<16xi32>
        %gather3A_551 = tpu.dynamic_gather %add3A_534[%gather3A_550] in [0] : vector<16xf32>, vector<16xi32> -> vector<16xf32>
        %add3A_552 = arith.addf %add3A_534, %gather3A_551 : vector<16xf32>
        %iota3A_553 = tpu.iota {dimensions = array<i32: 0>} : vector<16xi32>
        %xor3A_554 = arith.constant 4 : i32
        %xor3A_555 = vector.broadcast %xor3A_554 : i32 to vector<16xi32>
        %xor3A_556 = arith.xori %iota3A_553, %xor3A_555 : vector<16xi32>
        %lt3A_557 = arith.constant 0 : i32
        %lt3A_558 = vector.broadcast %lt3A_557 : i32 to vector<16xi32>
        %lt3A_559 = arith.cmpi slt, %xor3A_556, %lt3A_558 : vector<16xi32>
        %add3A_560 = arith.constant 16 : i32
        %add3A_561 = vector.broadcast %add3A_560 : i32 to vector<16xi32>
        %add3A_562 = arith.addi %xor3A_556, %add3A_561 : vector<16xi32>
        %select_n3A_563 = arith.select %lt3A_559, %add3A_562, %xor3A_556 : vector<16xi1>, vector<16xi32>
        %broadcast_in_dim3A_564 = vector.shape_cast %select_n3A_563 : vector<16xi32> to vector<16x1xi32>
        %gather3A_565 = vector.shape_cast %broadcast_in_dim3A_564 : vector<16x1xi32> to vector<16xi32>
        %gather3A_566 = tpu.dynamic_gather %add3A_552[%gather3A_565] in [0] : vector<16xf32>, vector<16xi32> -> vector<16xf32>
        %add3A_567 = arith.addf %add3A_552, %gather3A_566 : vector<16xf32>
        %iota3A_568 = tpu.iota {dimensions = array<i32: 0>} : vector<16xi32>
        %xor3A_569 = arith.constant 2 : i32
        %xor3A_570 = vector.broadcast %xor3A_569 : i32 to vector<16xi32>
        %xor3A_571 = arith.xori %iota3A_568, %xor3A_570 : vector<16xi32>
        %lt3A_572 = arith.constant 0 : i32
        %lt3A_573 = vector.broadcast %lt3A_572 : i32 to vector<16xi32>
        %lt3A_574 = arith.cmpi slt, %xor3A_571, %lt3A_573 : vector<16xi32>
        %add3A_575 = arith.constant 16 : i32
        %add3A_576 = vector.broadcast %add3A_575 : i32 to vector<16xi32>
        %add3A_577 = arith.addi %xor3A_571, %add3A_576 : vector<16xi32>
        %select_n3A_578 = arith.select %lt3A_574, %add3A_577, %xor3A_571 : vector<16xi1>, vector<16xi32>
        %broadcast_in_dim3A_579 = vector.shape_cast %select_n3A_578 : vector<16xi32> to vector<16x1xi32>
        %gather3A_580 = vector.shape_cast %broadcast_in_dim3A_579 : vector<16x1xi32> to vector<16xi32>
        %gather3A_581 = tpu.dynamic_gather %add3A_567[%gather3A_580] in [0] : vector<16xf32>, vector<16xi32> -> vector<16xf32>
        %add3A_582 = arith.addf %add3A_567, %gather3A_581 : vector<16xf32>
        %iota3A_583 = tpu.iota {dimensions = array<i32: 0>} : vector<16xi32>
        %xor3A_584 = arith.constant 1 : i32
        %xor3A_585 = vector.broadcast %xor3A_584 : i32 to vector<16xi32>
        %xor3A_586 = arith.xori %iota3A_583, %xor3A_585 : vector<16xi32>
        %lt3A_587 = arith.constant 0 : i32
        %lt3A_588 = vector.broadcast %lt3A_587 : i32 to vector<16xi32>
        %lt3A_589 = arith.cmpi slt, %xor3A_586, %lt3A_588 : vector<16xi32>
        %add3A_590 = arith.constant 16 : i32
        %add3A_591 = vector.broadcast %add3A_590 : i32 to vector<16xi32>
        %add3A_592 = arith.addi %xor3A_586, %add3A_591 : vector<16xi32>
        %select_n3A_593 = arith.select %lt3A_589, %add3A_592, %xor3A_586 : vector<16xi1>, vector<16xi32>
        %broadcast_in_dim3A_594 = vector.shape_cast %select_n3A_593 : vector<16xi32> to vector<16x1xi32>
        %gather3A_595 = vector.shape_cast %broadcast_in_dim3A_594 : vector<16x1xi32> to vector<16xi32>
        %gather3A_596 = tpu.dynamic_gather %add3A_582[%gather3A_595] in [0] : vector<16xf32>, vector<16xi32> -> vector<16xf32>
        %add3A_597 = arith.addf %add3A_582, %gather3A_596 : vector<16xf32>
        %mul3A_598 = arith.constant 5.000000e+00 : f32
        %mul3A_599 = vector.broadcast %mul3A_598 : f32 to vector<16xf32>
        %mul3A_600 = arith.mulf %add3A_597, %mul3A_599 : vector<16xf32>
        %select_n3A_601 = arith.select %eq3A_537, %mul3A_600, %select_n3A_401 : vector<16xi1>, vector<16xf32>
        %get3A_602 = arith.constant 0 : i32
        %get3A_603 = arith.index_cast %get3A_602 : i32 to index
        %get3A_604 = arith.index_cast %add3A_503 : i32 to index
        %get3A_605 = arith.constant 64 : index
        %get3A_606 = tpu.vector_load %arg9[%get3A_603, %get3A_604, %get3A_605] {strides = array<i32>} : memref<2x352x128xf32, #tpu.memory_space<vmem>>, vector<1x1x16xf32>,
        %get3A_607 = vector.shape_cast %get3A_606 : vector<1x1x16xf32> to vector<16xf32>
        %mul3A_608 = arith.mulf %get3A_607, %get3A_282 : vector<16xf32>
        %get3A_609 = arith.constant 0 : i32
        %get3A_610 = arith.index_cast %get3A_609 : i32 to index
        %get3A_611 = arith.index_cast %add3A_503 : i32 to index
        %get3A_612 = arith.constant 80 : index
        %get3A_613 = tpu.vector_load %arg9[%get3A_610, %get3A_611, %get3A_612] {strides = array<i32>} : memref<2x352x128xf32, #tpu.memory_space<vmem>>, vector<1x1x16xf32>,
        %get3A_614 = vector.shape_cast %get3A_613 : vector<1x1x16xf32> to vector<16xf32>
        %mul3A_615 = arith.mulf %get3A_614, %get3A_288 : vector<16xf32>
        %add3A_616 = arith.addf %mul3A_608, %mul3A_615 : vector<16xf32>
        %get3A_617 = arith.constant 0 : i32
        %get3A_618 = arith.index_cast %get3A_617 : i32 to index
        %get3A_619 = arith.index_cast %add3A_503 : i32 to index
        %get3A_620 = arith.constant 96 : index
        %get3A_621 = tpu.vector_load %arg9[%get3A_618, %get3A_619, %get3A_620] {strides = array<i32>} : memref<2x352x128xf32, #tpu.memory_space<vmem>>, vector<1x1x16xf32>,
        %get3A_622 = vector.shape_cast %get3A_621 : vector<1x1x16xf32> to vector<16xf32>
        %mul3A_623 = arith.mulf %get3A_622, %get3A_294 : vector<16xf32>
        %add3A_624 = arith.addf %add3A_616, %mul3A_623 : vector<16xf32>
        %get3A_625 = arith.constant 0 : i32
        %get3A_626 = arith.index_cast %get3A_625 : i32 to index
        %get3A_627 = arith.index_cast %add3A_503 : i32 to index
        %get3A_628 = arith.constant 112 : index
        %get3A_629 = tpu.vector_load %arg9[%get3A_626, %get3A_627, %get3A_628] {strides = array<i32>} : memref<2x352x128xf32, #tpu.memory_space<vmem>>, vector<1x1x16xf32>,
        %get3A_630 = vector.shape_cast %get3A_629 : vector<1x1x16xf32> to vector<16xf32>
        %mul3A_631 = arith.mulf %get3A_630, %get3A_300 : vector<16xf32>
        %add3A_632 = arith.addf %add3A_624, %mul3A_631 : vector<16xf32>
        %eq3A_633 = arith.constant 1 : i32
        %eq3A_634 = vector.broadcast %eq3A_633 : i32 to vector<16xi32>
        %eq3A_635 = arith.cmpi eq, %iota3A, %eq3A_634 : vector<16xi32>
        %iota3A_636 = tpu.iota {dimensions = array<i32: 0>} : vector<16xi32>
        %xor3A_637 = arith.constant 8 : i32
        %xor3A_638 = vector.broadcast %xor3A_637 : i32 to vector<16xi32>
        %xor3A_639 = arith.xori %iota3A_636, %xor3A_638 : vector<16xi32>
        %lt3A_640 = arith.constant 0 : i32
        %lt3A_641 = vector.broadcast %lt3A_640 : i32 to vector<16xi32>
        %lt3A_642 = arith.cmpi slt, %xor3A_639, %lt3A_641 : vector<16xi32>
        %add3A_643 = arith.constant 16 : i32
        %add3A_644 = vector.broadcast %add3A_643 : i32 to vector<16xi32>
        %add3A_645 = arith.addi %xor3A_639, %add3A_644 : vector<16xi32>
        %select_n3A_646 = arith.select %lt3A_642, %add3A_645, %xor3A_639 : vector<16xi1>, vector<16xi32>
        %broadcast_in_dim3A_647 = vector.shape_cast %select_n3A_646 : vector<16xi32> to vector<16x1xi32>
        %gather3A_648 = vector.shape_cast %broadcast_in_dim3A_647 : vector<16x1xi32> to vector<16xi32>
        %gather3A_649 = tpu.dynamic_gather %add3A_632[%gather3A_648] in [0] : vector<16xf32>, vector<16xi32> -> vector<16xf32>
        %add3A_650 = arith.addf %add3A_632, %gather3A_649 : vector<16xf32>
        %iota3A_651 = tpu.iota {dimensions = array<i32: 0>} : vector<16xi32>
        %xor3A_652 = arith.constant 4 : i32
        %xor3A_653 = vector.broadcast %xor3A_652 : i32 to vector<16xi32>
        %xor3A_654 = arith.xori %iota3A_651, %xor3A_653 : vector<16xi32>
        %lt3A_655 = arith.constant 0 : i32
        %lt3A_656 = vector.broadcast %lt3A_655 : i32 to vector<16xi32>
        %lt3A_657 = arith.cmpi slt, %xor3A_654, %lt3A_656 : vector<16xi32>
        %add3A_658 = arith.constant 16 : i32
        %add3A_659 = vector.broadcast %add3A_658 : i32 to vector<16xi32>
        %add3A_660 = arith.addi %xor3A_654, %add3A_659 : vector<16xi32>
        %select_n3A_661 = arith.select %lt3A_657, %add3A_660, %xor3A_654 : vector<16xi1>, vector<16xi32>
        %broadcast_in_dim3A_662 = vector.shape_cast %select_n3A_661 : vector<16xi32> to vector<16x1xi32>
        %gather3A_663 = vector.shape_cast %broadcast_in_dim3A_662 : vector<16x1xi32> to vector<16xi32>
        %gather3A_664 = tpu.dynamic_gather %add3A_650[%gather3A_663] in [0] : vector<16xf32>, vector<16xi32> -> vector<16xf32>
        %add3A_665 = arith.addf %add3A_650, %gather3A_664 : vector<16xf32>
        %iota3A_666 = tpu.iota {dimensions = array<i32: 0>} : vector<16xi32>
        %xor3A_667 = arith.constant 2 : i32
        %xor3A_668 = vector.broadcast %xor3A_667 : i32 to vector<16xi32>
        %xor3A_669 = arith.xori %iota3A_666, %xor3A_668 : vector<16xi32>
        %lt3A_670 = arith.constant 0 : i32
        %lt3A_671 = vector.broadcast %lt3A_670 : i32 to vector<16xi32>
        %lt3A_672 = arith.cmpi slt, %xor3A_669, %lt3A_671 : vector<16xi32>
        %add3A_673 = arith.constant 16 : i32
        %add3A_674 = vector.broadcast %add3A_673 : i32 to vector<16xi32>
        %add3A_675 = arith.addi %xor3A_669, %add3A_674 : vector<16xi32>
        %select_n3A_676 = arith.select %lt3A_672, %add3A_675, %xor3A_669 : vector<16xi1>, vector<16xi32>
        %broadcast_in_dim3A_677 = vector.shape_cast %select_n3A_676 : vector<16xi32> to vector<16x1xi32>
        %gather3A_678 = vector.shape_cast %broadcast_in_dim3A_677 : vector<16x1xi32> to vector<16xi32>
        %gather3A_679 = tpu.dynamic_gather %add3A_665[%gather3A_678] in [0] : vector<16xf32>, vector<16xi32> -> vector<16xf32>
        %add3A_680 = arith.addf %add3A_665, %gather3A_679 : vector<16xf32>
        %iota3A_681 = tpu.iota {dimensions = array<i32: 0>} : vector<16xi32>
        %xor3A_682 = arith.constant 1 : i32
        %xor3A_683 = vector.broadcast %xor3A_682 : i32 to vector<16xi32>
        %xor3A_684 = arith.xori %iota3A_681, %xor3A_683 : vector<16xi32>
        %lt3A_685 = arith.constant 0 : i32
        %lt3A_686 = vector.broadcast %lt3A_685 : i32 to vector<16xi32>
        %lt3A_687 = arith.cmpi slt, %xor3A_684, %lt3A_686 : vector<16xi32>
        %add3A_688 = arith.constant 16 : i32
        %add3A_689 = vector.broadcast %add3A_688 : i32 to vector<16xi32>
        %add3A_690 = arith.addi %xor3A_684, %add3A_689 : vector<16xi32>
        %select_n3A_691 = arith.select %lt3A_687, %add3A_690, %xor3A_684 : vector<16xi1>, vector<16xi32>
        %broadcast_in_dim3A_692 = vector.shape_cast %select_n3A_691 : vector<16xi32> to vector<16x1xi32>
        %gather3A_693 = vector.shape_cast %broadcast_in_dim3A_692 : vector<16x1xi32> to vector<16xi32>
        %gather3A_694 = tpu.dynamic_gather %add3A_680[%gather3A_693] in [0] : vector<16xf32>, vector<16xi32> -> vector<16xf32>
        %add3A_695 = arith.addf %add3A_680, %gather3A_694 : vector<16xf32>
        %mul3A_696 = arith.constant 5.000000e+00 : f32
        %mul3A_697 = vector.broadcast %mul3A_696 : f32 to vector<16xf32>
        %mul3A_698 = arith.mulf %add3A_695, %mul3A_697 : vector<16xf32>
        %select_n3A_699 = arith.select %eq3A_635, %mul3A_698, %select_n3A_499 : vector<16xi1>, vector<16xf32>
        %mul3A_700 = arith.constant 11 : i32
        %mul3A_701 = arith.muli %scan3A_277, %mul3A_700 : i32
        %add3A_702 = arith.constant 2 : i32
        %add3A_703 = arith.addi %mul3A_701, %add3A_702 : i32
        %get3A_704 = arith.constant 0 : i32
        %get3A_705 = arith.index_cast %get3A_704 : i32 to index
        %get3A_706 = arith.index_cast %add3A_703 : i32 to index
        %get3A_707 = arith.constant 0 : index
        %get3A_708 = tpu.vector_load %arg9[%get3A_705, %get3A_706, %get3A_707] {strides = array<i32>} : memref<2x352x128xf32, #tpu.memory_space<vmem>>, vector<1x1x16xf32>,
        %get3A_709 = vector.shape_cast %get3A_708 : vector<1x1x16xf32> to vector<16xf32>
        %mul3A_710 = arith.mulf %get3A_709, %get3A_282 : vector<16xf32>
        %get3A_711 = arith.constant 0 : i32
        %get3A_712 = arith.index_cast %get3A_711 : i32 to index
        %get3A_713 = arith.index_cast %add3A_703 : i32 to index
        %get3A_714 = arith.constant 16 : index
        %get3A_715 = tpu.vector_load %arg9[%get3A_712, %get3A_713, %get3A_714] {strides = array<i32>} : memref<2x352x128xf32, #tpu.memory_space<vmem>>, vector<1x1x16xf32>,
        %get3A_716 = vector.shape_cast %get3A_715 : vector<1x1x16xf32> to vector<16xf32>
        %mul3A_717 = arith.mulf %get3A_716, %get3A_288 : vector<16xf32>
        %add3A_718 = arith.addf %mul3A_710, %mul3A_717 : vector<16xf32>
        %get3A_719 = arith.constant 0 : i32
        %get3A_720 = arith.index_cast %get3A_719 : i32 to index
        %get3A_721 = arith.index_cast %add3A_703 : i32 to index
        %get3A_722 = arith.constant 32 : index
        %get3A_723 = tpu.vector_load %arg9[%get3A_720, %get3A_721, %get3A_722] {strides = array<i32>} : memref<2x352x128xf32, #tpu.memory_space<vmem>>, vector<1x1x16xf32>,
        %get3A_724 = vector.shape_cast %get3A_723 : vector<1x1x16xf32> to vector<16xf32>
        %mul3A_725 = arith.mulf %get3A_724, %get3A_294 : vector<16xf32>
        %add3A_726 = arith.addf %add3A_718, %mul3A_725 : vector<16xf32>
        %get3A_727 = arith.constant 0 : i32
        %get3A_728 = arith.index_cast %get3A_727 : i32 to index
        %get3A_729 = arith.index_cast %add3A_703 : i32 to index
        %get3A_730 = arith.constant 48 : index
        %get3A_731 = tpu.vector_load %arg9[%get3A_728, %get3A_729, %get3A_730] {strides = array<i32>} : memref<2x352x128xf32, #tpu.memory_space<vmem>>, vector<1x1x16xf32>,
        %get3A_732 = vector.shape_cast %get3A_731 : vector<1x1x16xf32> to vector<16xf32>
        %mul3A_733 = arith.mulf %get3A_732, %get3A_300 : vector<16xf32>
        %add3A_734 = arith.addf %add3A_726, %mul3A_733 : vector<16xf32>
        %eq3A_735 = arith.constant 2 : i32
        %eq3A_736 = vector.broadcast %eq3A_735 : i32 to vector<16xi32>
        %eq3A_737 = arith.cmpi eq, %iota3A, %eq3A_736 : vector<16xi32>
        %iota3A_738 = tpu.iota {dimensions = array<i32: 0>} : vector<16xi32>
        %xor3A_739 = arith.constant 8 : i32
        %xor3A_740 = vector.broadcast %xor3A_739 : i32 to vector<16xi32>
        %xor3A_741 = arith.xori %iota3A_738, %xor3A_740 : vector<16xi32>
        %lt3A_742 = arith.constant 0 : i32
        %lt3A_743 = vector.broadcast %lt3A_742 : i32 to vector<16xi32>
        %lt3A_744 = arith.cmpi slt, %xor3A_741, %lt3A_743 : vector<16xi32>
        %add3A_745 = arith.constant 16 : i32
        %add3A_746 = vector.broadcast %add3A_745 : i32 to vector<16xi32>
        %add3A_747 = arith.addi %xor3A_741, %add3A_746 : vector<16xi32>
        %select_n3A_748 = arith.select %lt3A_744, %add3A_747, %xor3A_741 : vector<16xi1>, vector<16xi32>
        %broadcast_in_dim3A_749 = vector.shape_cast %select_n3A_748 : vector<16xi32> to vector<16x1xi32>
        %gather3A_750 = vector.shape_cast %broadcast_in_dim3A_749 : vector<16x1xi32> to vector<16xi32>
        %gather3A_751 = tpu.dynamic_gather %add3A_734[%gather3A_750] in [0] : vector<16xf32>, vector<16xi32> -> vector<16xf32>
        %add3A_752 = arith.addf %add3A_734, %gather3A_751 : vector<16xf32>
        %iota3A_753 = tpu.iota {dimensions = array<i32: 0>} : vector<16xi32>
        %xor3A_754 = arith.constant 4 : i32
        %xor3A_755 = vector.broadcast %xor3A_754 : i32 to vector<16xi32>
        %xor3A_756 = arith.xori %iota3A_753, %xor3A_755 : vector<16xi32>
        %lt3A_757 = arith.constant 0 : i32
        %lt3A_758 = vector.broadcast %lt3A_757 : i32 to vector<16xi32>
        %lt3A_759 = arith.cmpi slt, %xor3A_756, %lt3A_758 : vector<16xi32>
        %add3A_760 = arith.constant 16 : i32
        %add3A_761 = vector.broadcast %add3A_760 : i32 to vector<16xi32>
        %add3A_762 = arith.addi %xor3A_756, %add3A_761 : vector<16xi32>
        %select_n3A_763 = arith.select %lt3A_759, %add3A_762, %xor3A_756 : vector<16xi1>, vector<16xi32>
        %broadcast_in_dim3A_764 = vector.shape_cast %select_n3A_763 : vector<16xi32> to vector<16x1xi32>
        %gather3A_765 = vector.shape_cast %broadcast_in_dim3A_764 : vector<16x1xi32> to vector<16xi32>
        %gather3A_766 = tpu.dynamic_gather %add3A_752[%gather3A_765] in [0] : vector<16xf32>, vector<16xi32> -> vector<16xf32>
        %add3A_767 = arith.addf %add3A_752, %gather3A_766 : vector<16xf32>
        %iota3A_768 = tpu.iota {dimensions = array<i32: 0>} : vector<16xi32>
        %xor3A_769 = arith.constant 2 : i32
        %xor3A_770 = vector.broadcast %xor3A_769 : i32 to vector<16xi32>
        %xor3A_771 = arith.xori %iota3A_768, %xor3A_770 : vector<16xi32>
        %lt3A_772 = arith.constant 0 : i32
        %lt3A_773 = vector.broadcast %lt3A_772 : i32 to vector<16xi32>
        %lt3A_774 = arith.cmpi slt, %xor3A_771, %lt3A_773 : vector<16xi32>
        %add3A_775 = arith.constant 16 : i32
        %add3A_776 = vector.broadcast %add3A_775 : i32 to vector<16xi32>
        %add3A_777 = arith.addi %xor3A_771, %add3A_776 : vector<16xi32>
        %select_n3A_778 = arith.select %lt3A_774, %add3A_777, %xor3A_771 : vector<16xi1>, vector<16xi32>
        %broadcast_in_dim3A_779 = vector.shape_cast %select_n3A_778 : vector<16xi32> to vector<16x1xi32>
        %gather3A_780 = vector.shape_cast %broadcast_in_dim3A_779 : vector<16x1xi32> to vector<16xi32>
        %gather3A_781 = tpu.dynamic_gather %add3A_767[%gather3A_780] in [0] : vector<16xf32>, vector<16xi32> -> vector<16xf32>
        %add3A_782 = arith.addf %add3A_767, %gather3A_781 : vector<16xf32>
        %iota3A_783 = tpu.iota {dimensions = array<i32: 0>} : vector<16xi32>
        %xor3A_784 = arith.constant 1 : i32
        %xor3A_785 = vector.broadcast %xor3A_784 : i32 to vector<16xi32>
        %xor3A_786 = arith.xori %iota3A_783, %xor3A_785 : vector<16xi32>
        %lt3A_787 = arith.constant 0 : i32
        %lt3A_788 = vector.broadcast %lt3A_787 : i32 to vector<16xi32>
        %lt3A_789 = arith.cmpi slt, %xor3A_786, %lt3A_788 : vector<16xi32>
        %add3A_790 = arith.constant 16 : i32
        %add3A_791 = vector.broadcast %add3A_790 : i32 to vector<16xi32>
        %add3A_792 = arith.addi %xor3A_786, %add3A_791 : vector<16xi32>
        %select_n3A_793 = arith.select %lt3A_789, %add3A_792, %xor3A_786 : vector<16xi1>, vector<16xi32>
        %broadcast_in_dim3A_794 = vector.shape_cast %select_n3A_793 : vector<16xi32> to vector<16x1xi32>
        %gather3A_795 = vector.shape_cast %broadcast_in_dim3A_794 : vector<16x1xi32> to vector<16xi32>
        %gather3A_796 = tpu.dynamic_gather %add3A_782[%gather3A_795] in [0] : vector<16xf32>, vector<16xi32> -> vector<16xf32>
        %add3A_797 = arith.addf %add3A_782, %gather3A_796 : vector<16xf32>
        %mul3A_798 = arith.constant 5.000000e+00 : f32
        %mul3A_799 = vector.broadcast %mul3A_798 : f32 to vector<16xf32>
        %mul3A_800 = arith.mulf %add3A_797, %mul3A_799 : vector<16xf32>
        %select_n3A_801 = arith.select %eq3A_737, %mul3A_800, %select_n3A_601 : vector<16xi1>, vector<16xf32>
        %get3A_802 = arith.constant 0 : i32
        %get3A_803 = arith.index_cast %get3A_802 : i32 to index
        %get3A_804 = arith.index_cast %add3A_703 : i32 to index
        %get3A_805 = arith.constant 64 : index
        %get3A_806 = tpu.vector_load %arg9[%get3A_803, %get3A_804, %get3A_805] {strides = array<i32>} : memref<2x352x128xf32, #tpu.memory_space<vmem>>, vector<1x1x16xf32>,
        %get3A_807 = vector.shape_cast %get3A_806 : vector<1x1x16xf32> to vector<16xf32>
        %mul3A_808 = arith.mulf %get3A_807, %get3A_282 : vector<16xf32>
        %get3A_809 = arith.constant 0 : i32
        %get3A_810 = arith.index_cast %get3A_809 : i32 to index
        %get3A_811 = arith.index_cast %add3A_703 : i32 to index
        %get3A_812 = arith.constant 80 : index
        %get3A_813 = tpu.vector_load %arg9[%get3A_810, %get3A_811, %get3A_812] {strides = array<i32>} : memref<2x352x128xf32, #tpu.memory_space<vmem>>, vector<1x1x16xf32>,
        %get3A_814 = vector.shape_cast %get3A_813 : vector<1x1x16xf32> to vector<16xf32>
        %mul3A_815 = arith.mulf %get3A_814, %get3A_288 : vector<16xf32>
        %add3A_816 = arith.addf %mul3A_808, %mul3A_815 : vector<16xf32>
        %get3A_817 = arith.constant 0 : i32
        %get3A_818 = arith.index_cast %get3A_817 : i32 to index
        %get3A_819 = arith.index_cast %add3A_703 : i32 to index
        %get3A_820 = arith.constant 96 : index
        %get3A_821 = tpu.vector_load %arg9[%get3A_818, %get3A_819, %get3A_820] {strides = array<i32>} : memref<2x352x128xf32, #tpu.memory_space<vmem>>, vector<1x1x16xf32>,
        %get3A_822 = vector.shape_cast %get3A_821 : vector<1x1x16xf32> to vector<16xf32>
        %mul3A_823 = arith.mulf %get3A_822, %get3A_294 : vector<16xf32>
        %add3A_824 = arith.addf %add3A_816, %mul3A_823 : vector<16xf32>
        %get3A_825 = arith.constant 0 : i32
        %get3A_826 = arith.index_cast %get3A_825 : i32 to index
        %get3A_827 = arith.index_cast %add3A_703 : i32 to index
        %get3A_828 = arith.constant 112 : index
        %get3A_829 = tpu.vector_load %arg9[%get3A_826, %get3A_827, %get3A_828] {strides = array<i32>} : memref<2x352x128xf32, #tpu.memory_space<vmem>>, vector<1x1x16xf32>,
        %get3A_830 = vector.shape_cast %get3A_829 : vector<1x1x16xf32> to vector<16xf32>
        %mul3A_831 = arith.mulf %get3A_830, %get3A_300 : vector<16xf32>
        %add3A_832 = arith.addf %add3A_824, %mul3A_831 : vector<16xf32>
        %eq3A_833 = arith.constant 2 : i32
        %eq3A_834 = vector.broadcast %eq3A_833 : i32 to vector<16xi32>
        %eq3A_835 = arith.cmpi eq, %iota3A, %eq3A_834 : vector<16xi32>
        %iota3A_836 = tpu.iota {dimensions = array<i32: 0>} : vector<16xi32>
        %xor3A_837 = arith.constant 8 : i32
        %xor3A_838 = vector.broadcast %xor3A_837 : i32 to vector<16xi32>
        %xor3A_839 = arith.xori %iota3A_836, %xor3A_838 : vector<16xi32>
        %lt3A_840 = arith.constant 0 : i32
        %lt3A_841 = vector.broadcast %lt3A_840 : i32 to vector<16xi32>
        %lt3A_842 = arith.cmpi slt, %xor3A_839, %lt3A_841 : vector<16xi32>
        %add3A_843 = arith.constant 16 : i32
        %add3A_844 = vector.broadcast %add3A_843 : i32 to vector<16xi32>
        %add3A_845 = arith.addi %xor3A_839, %add3A_844 : vector<16xi32>
        %select_n3A_846 = arith.select %lt3A_842, %add3A_845, %xor3A_839 : vector<16xi1>, vector<16xi32>
        %broadcast_in_dim3A_847 = vector.shape_cast %select_n3A_846 : vector<16xi32> to vector<16x1xi32>
        %gather3A_848 = vector.shape_cast %broadcast_in_dim3A_847 : vector<16x1xi32> to vector<16xi32>
        %gather3A_849 = tpu.dynamic_gather %add3A_832[%gather3A_848] in [0] : vector<16xf32>, vector<16xi32> -> vector<16xf32>
        %add3A_850 = arith.addf %add3A_832, %gather3A_849 : vector<16xf32>
        %iota3A_851 = tpu.iota {dimensions = array<i32: 0>} : vector<16xi32>
        %xor3A_852 = arith.constant 4 : i32
        %xor3A_853 = vector.broadcast %xor3A_852 : i32 to vector<16xi32>
        %xor3A_854 = arith.xori %iota3A_851, %xor3A_853 : vector<16xi32>
        %lt3A_855 = arith.constant 0 : i32
        %lt3A_856 = vector.broadcast %lt3A_855 : i32 to vector<16xi32>
        %lt3A_857 = arith.cmpi slt, %xor3A_854, %lt3A_856 : vector<16xi32>
        %add3A_858 = arith.constant 16 : i32
        %add3A_859 = vector.broadcast %add3A_858 : i32 to vector<16xi32>
        %add3A_860 = arith.addi %xor3A_854, %add3A_859 : vector<16xi32>
        %select_n3A_861 = arith.select %lt3A_857, %add3A_860, %xor3A_854 : vector<16xi1>, vector<16xi32>
        %broadcast_in_dim3A_862 = vector.shape_cast %select_n3A_861 : vector<16xi32> to vector<16x1xi32>
        %gather3A_863 = vector.shape_cast %broadcast_in_dim3A_862 : vector<16x1xi32> to vector<16xi32>
        %gather3A_864 = tpu.dynamic_gather %add3A_850[%gather3A_863] in [0] : vector<16xf32>, vector<16xi32> -> vector<16xf32>
        %add3A_865 = arith.addf %add3A_850, %gather3A_864 : vector<16xf32>
        %iota3A_866 = tpu.iota {dimensions = array<i32: 0>} : vector<16xi32>
        %xor3A_867 = arith.constant 2 : i32
        %xor3A_868 = vector.broadcast %xor3A_867 : i32 to vector<16xi32>
        %xor3A_869 = arith.xori %iota3A_866, %xor3A_868 : vector<16xi32>
        %lt3A_870 = arith.constant 0 : i32
        %lt3A_871 = vector.broadcast %lt3A_870 : i32 to vector<16xi32>
        %lt3A_872 = arith.cmpi slt, %xor3A_869, %lt3A_871 : vector<16xi32>
        %add3A_873 = arith.constant 16 : i32
        %add3A_874 = vector.broadcast %add3A_873 : i32 to vector<16xi32>
        %add3A_875 = arith.addi %xor3A_869, %add3A_874 : vector<16xi32>
        %select_n3A_876 = arith.select %lt3A_872, %add3A_875, %xor3A_869 : vector<16xi1>, vector<16xi32>
        %broadcast_in_dim3A_877 = vector.shape_cast %select_n3A_876 : vector<16xi32> to vector<16x1xi32>
        %gather3A_878 = vector.shape_cast %broadcast_in_dim3A_877 : vector<16x1xi32> to vector<16xi32>
        %gather3A_879 = tpu.dynamic_gather %add3A_865[%gather3A_878] in [0] : vector<16xf32>, vector<16xi32> -> vector<16xf32>
        %add3A_880 = arith.addf %add3A_865, %gather3A_879 : vector<16xf32>
        %iota3A_881 = tpu.iota {dimensions = array<i32: 0>} : vector<16xi32>
        %xor3A_882 = arith.constant 1 : i32
        %xor3A_883 = vector.broadcast %xor3A_882 : i32 to vector<16xi32>
        %xor3A_884 = arith.xori %iota3A_881, %xor3A_883 : vector<16xi32>
        %lt3A_885 = arith.constant 0 : i32
        %lt3A_886 = vector.broadcast %lt3A_885 : i32 to vector<16xi32>
        %lt3A_887 = arith.cmpi slt, %xor3A_884, %lt3A_886 : vector<16xi32>
        %add3A_888 = arith.constant 16 : i32
        %add3A_889 = vector.broadcast %add3A_888 : i32 to vector<16xi32>
        %add3A_890 = arith.addi %xor3A_884, %add3A_889 : vector<16xi32>
        %select_n3A_891 = arith.select %lt3A_887, %add3A_890, %xor3A_884 : vector<16xi1>, vector<16xi32>
        %broadcast_in_dim3A_892 = vector.shape_cast %select_n3A_891 : vector<16xi32> to vector<16x1xi32>
        %gather3A_893 = vector.shape_cast %broadcast_in_dim3A_892 : vector<16x1xi32> to vector<16xi32>
        %gather3A_894 = tpu.dynamic_gather %add3A_880[%gather3A_893] in [0] : vector<16xf32>, vector<16xi32> -> vector<16xf32>
        %add3A_895 = arith.addf %add3A_880, %gather3A_894 : vector<16xf32>
        %mul3A_896 = arith.constant 5.000000e+00 : f32
        %mul3A_897 = vector.broadcast %mul3A_896 : f32 to vector<16xf32>
        %mul3A_898 = arith.mulf %add3A_895, %mul3A_897 : vector<16xf32>
        %select_n3A_899 = arith.select %eq3A_835, %mul3A_898, %select_n3A_699 : vector<16xi1>, vector<16xf32>
        %mul3A_900 = arith.constant 11 : i32
        %mul3A_901 = arith.muli %scan3A_277, %mul3A_900 : i32
        %add3A_902 = arith.constant 3 : i32
        %add3A_903 = arith.addi %mul3A_901, %add3A_902 : i32
        %get3A_904 = arith.constant 0 : i32
        %get3A_905 = arith.index_cast %get3A_904 : i32 to index
        %get3A_906 = arith.index_cast %add3A_903 : i32 to index
        %get3A_907 = arith.constant 0 : index
        %get3A_908 = tpu.vector_load %arg9[%get3A_905, %get3A_906, %get3A_907] {strides = array<i32>} : memref<2x352x128xf32, #tpu.memory_space<vmem>>, vector<1x1x16xf32>,
        %get3A_909 = vector.shape_cast %get3A_908 : vector<1x1x16xf32> to vector<16xf32>
        %mul3A_910 = arith.mulf %get3A_909, %get3A_282 : vector<16xf32>
        %get3A_911 = arith.constant 0 : i32
        %get3A_912 = arith.index_cast %get3A_911 : i32 to index
        %get3A_913 = arith.index_cast %add3A_903 : i32 to index
        %get3A_914 = arith.constant 16 : index
        %get3A_915 = tpu.vector_load %arg9[%get3A_912, %get3A_913, %get3A_914] {strides = array<i32>} : memref<2x352x128xf32, #tpu.memory_space<vmem>>, vector<1x1x16xf32>,
        %get3A_916 = vector.shape_cast %get3A_915 : vector<1x1x16xf32> to vector<16xf32>
        %mul3A_917 = arith.mulf %get3A_916, %get3A_288 : vector<16xf32>
        %add3A_918 = arith.addf %mul3A_910, %mul3A_917 : vector<16xf32>
        %get3A_919 = arith.constant 0 : i32
        %get3A_920 = arith.index_cast %get3A_919 : i32 to index
        %get3A_921 = arith.index_cast %add3A_903 : i32 to index
        %get3A_922 = arith.constant 32 : index
        %get3A_923 = tpu.vector_load %arg9[%get3A_920, %get3A_921, %get3A_922] {strides = array<i32>} : memref<2x352x128xf32, #tpu.memory_space<vmem>>, vector<1x1x16xf32>,
        %get3A_924 = vector.shape_cast %get3A_923 : vector<1x1x16xf32> to vector<16xf32>
        %mul3A_925 = arith.mulf %get3A_924, %get3A_294 : vector<16xf32>
        %add3A_926 = arith.addf %add3A_918, %mul3A_925 : vector<16xf32>
        %get3A_927 = arith.constant 0 : i32
        %get3A_928 = arith.index_cast %get3A_927 : i32 to index
        %get3A_929 = arith.index_cast %add3A_903 : i32 to index
        %get3A_930 = arith.constant 48 : index
        %get3A_931 = tpu.vector_load %arg9[%get3A_928, %get3A_929, %get3A_930] {strides = array<i32>} : memref<2x352x128xf32, #tpu.memory_space<vmem>>, vector<1x1x16xf32>,
        %get3A_932 = vector.shape_cast %get3A_931 : vector<1x1x16xf32> to vector<16xf32>
        %mul3A_933 = arith.mulf %get3A_932, %get3A_300 : vector<16xf32>
        %add3A_934 = arith.addf %add3A_926, %mul3A_933 : vector<16xf32>
        %eq3A_935 = arith.constant 3 : i32
        %eq3A_936 = vector.broadcast %eq3A_935 : i32 to vector<16xi32>
        %eq3A_937 = arith.cmpi eq, %iota3A, %eq3A_936 : vector<16xi32>
        %iota3A_938 = tpu.iota {dimensions = array<i32: 0>} : vector<16xi32>
        %xor3A_939 = arith.constant 8 : i32
        %xor3A_940 = vector.broadcast %xor3A_939 : i32 to vector<16xi32>
        %xor3A_941 = arith.xori %iota3A_938, %xor3A_940 : vector<16xi32>
        %lt3A_942 = arith.constant 0 : i32
        %lt3A_943 = vector.broadcast %lt3A_942 : i32 to vector<16xi32>
        %lt3A_944 = arith.cmpi slt, %xor3A_941, %lt3A_943 : vector<16xi32>
        %add3A_945 = arith.constant 16 : i32
        %add3A_946 = vector.broadcast %add3A_945 : i32 to vector<16xi32>
        %add3A_947 = arith.addi %xor3A_941, %add3A_946 : vector<16xi32>
        %select_n3A_948 = arith.select %lt3A_944, %add3A_947, %xor3A_941 : vector<16xi1>, vector<16xi32>
        %broadcast_in_dim3A_949 = vector.shape_cast %select_n3A_948 : vector<16xi32> to vector<16x1xi32>
        %gather3A_950 = vector.shape_cast %broadcast_in_dim3A_949 : vector<16x1xi32> to vector<16xi32>
        %gather3A_951 = tpu.dynamic_gather %add3A_934[%gather3A_950] in [0] : vector<16xf32>, vector<16xi32> -> vector<16xf32>
        %add3A_952 = arith.addf %add3A_934, %gather3A_951 : vector<16xf32>
        %iota3A_953 = tpu.iota {dimensions = array<i32: 0>} : vector<16xi32>
        %xor3A_954 = arith.constant 4 : i32
        %xor3A_955 = vector.broadcast %xor3A_954 : i32 to vector<16xi32>
        %xor3A_956 = arith.xori %iota3A_953, %xor3A_955 : vector<16xi32>
        %lt3A_957 = arith.constant 0 : i32
        %lt3A_958 = vector.broadcast %lt3A_957 : i32 to vector<16xi32>
        %lt3A_959 = arith.cmpi slt, %xor3A_956, %lt3A_958 : vector<16xi32>
        %add3A_960 = arith.constant 16 : i32
        %add3A_961 = vector.broadcast %add3A_960 : i32 to vector<16xi32>
        %add3A_962 = arith.addi %xor3A_956, %add3A_961 : vector<16xi32>
        %select_n3A_963 = arith.select %lt3A_959, %add3A_962, %xor3A_956 : vector<16xi1>, vector<16xi32>
        %broadcast_in_dim3A_964 = vector.shape_cast %select_n3A_963 : vector<16xi32> to vector<16x1xi32>
        %gather3A_965 = vector.shape_cast %broadcast_in_dim3A_964 : vector<16x1xi32> to vector<16xi32>
        %gather3A_966 = tpu.dynamic_gather %add3A_952[%gather3A_965] in [0] : vector<16xf32>, vector<16xi32> -> vector<16xf32>
        %add3A_967 = arith.addf %add3A_952, %gather3A_966 : vector<16xf32>
        %iota3A_968 = tpu.iota {dimensions = array<i32: 0>} : vector<16xi32>
        %xor3A_969 = arith.constant 2 : i32
        %xor3A_970 = vector.broadcast %xor3A_969 : i32 to vector<16xi32>
        %xor3A_971 = arith.xori %iota3A_968, %xor3A_970 : vector<16xi32>
        %lt3A_972 = arith.constant 0 : i32
        %lt3A_973 = vector.broadcast %lt3A_972 : i32 to vector<16xi32>
        %lt3A_974 = arith.cmpi slt, %xor3A_971, %lt3A_973 : vector<16xi32>
        %add3A_975 = arith.constant 16 : i32
        %add3A_976 = vector.broadcast %add3A_975 : i32 to vector<16xi32>
        %add3A_977 = arith.addi %xor3A_971, %add3A_976 : vector<16xi32>
        %select_n3A_978 = arith.select %lt3A_974, %add3A_977, %xor3A_971 : vector<16xi1>, vector<16xi32>
        %broadcast_in_dim3A_979 = vector.shape_cast %select_n3A_978 : vector<16xi32> to vector<16x1xi32>
        %gather3A_980 = vector.shape_cast %broadcast_in_dim3A_979 : vector<16x1xi32> to vector<16xi32>
        %gather3A_981 = tpu.dynamic_gather %add3A_967[%gather3A_980] in [0] : vector<16xf32>, vector<16xi32> -> vector<16xf32>
        %add3A_982 = arith.addf %add3A_967, %gather3A_981 : vector<16xf32>
        %iota3A_983 = tpu.iota {dimensions = array<i32: 0>} : vector<16xi32>
        %xor3A_984 = arith.constant 1 : i32
        %xor3A_985 = vector.broadcast %xor3A_984 : i32 to vector<16xi32>
        %xor3A_986 = arith.xori %iota3A_983, %xor3A_985 : vector<16xi32>
        %lt3A_987 = arith.constant 0 : i32
        %lt3A_988 = vector.broadcast %lt3A_987 : i32 to vector<16xi32>
        %lt3A_989 = arith.cmpi slt, %xor3A_986, %lt3A_988 : vector<16xi32>
        %add3A_990 = arith.constant 16 : i32
        %add3A_991 = vector.broadcast %add3A_990 : i32 to vector<16xi32>
        %add3A_992 = arith.addi %xor3A_986, %add3A_991 : vector<16xi32>
        %select_n3A_993 = arith.select %lt3A_989, %add3A_992, %xor3A_986 : vector<16xi1>, vector<16xi32>
        %broadcast_in_dim3A_994 = vector.shape_cast %select_n3A_993 : vector<16xi32> to vector<16x1xi32>
        %gather3A_995 = vector.shape_cast %broadcast_in_dim3A_994 : vector<16x1xi32> to vector<16xi32>
        %gather3A_996 = tpu.dynamic_gather %add3A_982[%gather3A_995] in [0] : vector<16xf32>, vector<16xi32> -> vector<16xf32>
        %add3A_997 = arith.addf %add3A_982, %gather3A_996 : vector<16xf32>
        %mul3A_998 = arith.constant 5.000000e+00 : f32
        %mul3A_999 = vector.broadcast %mul3A_998 : f32 to vector<16xf32>
        %mul3A_1000 = arith.mulf %add3A_997, %mul3A_999 : vector<16xf32>
        %select_n3A_1001 = arith.select %eq3A_937, %mul3A_1000, %select_n3A_801 : vector<16xi1>, vector<16xf32>
        %get3A_1002 = arith.constant 0 : i32
        %get3A_1003 = arith.index_cast %get3A_1002 : i32 to index
        %get3A_1004 = arith.index_cast %add3A_903 : i32 to index
        %get3A_1005 = arith.constant 64 : index
        %get3A_1006 = tpu.vector_load %arg9[%get3A_1003, %get3A_1004, %get3A_1005] {strides = array<i32>} : memref<2x352x128xf32, #tpu.memory_space<vmem>>, vector<1x1x16xf32>,
        %get3A_1007 = vector.shape_cast %get3A_1006 : vector<1x1x16xf32> to vector<16xf32>
        %mul3A_1008 = arith.mulf %get3A_1007, %get3A_282 : vector<16xf32>
        %get3A_1009 = arith.constant 0 : i32
        %get3A_1010 = arith.index_cast %get3A_1009 : i32 to index
        %get3A_1011 = arith.index_cast %add3A_903 : i32 to index
        %get3A_1012 = arith.constant 80 : index
        %get3A_1013 = tpu.vector_load %arg9[%get3A_1010, %get3A_1011, %get3A_1012] {strides = array<i32>} : memref<2x352x128xf32, #tpu.memory_space<vmem>>, vector<1x1x16xf32>,
        %get3A_1014 = vector.shape_cast %get3A_1013 : vector<1x1x16xf32> to vector<16xf32>
        %mul3A_1015 = arith.mulf %get3A_1014, %get3A_288 : vector<16xf32>
        %add3A_1016 = arith.addf %mul3A_1008, %mul3A_1015 : vector<16xf32>
        %get3A_1017 = arith.constant 0 : i32
        %get3A_1018 = arith.index_cast %get3A_1017 : i32 to index
        %get3A_1019 = arith.index_cast %add3A_903 : i32 to index
        %get3A_1020 = arith.constant 96 : index
        %get3A_1021 = tpu.vector_load %arg9[%get3A_1018, %get3A_1019, %get3A_1020] {strides = array<i32>} : memref<2x352x128xf32, #tpu.memory_space<vmem>>, vector<1x1x16xf32>,
        %get3A_1022 = vector.shape_cast %get3A_1021 : vector<1x1x16xf32> to vector<16xf32>
        %mul3A_1023 = arith.mulf %get3A_1022, %get3A_294 : vector<16xf32>
        %add3A_1024 = arith.addf %add3A_1016, %mul3A_1023 : vector<16xf32>
        %get3A_1025 = arith.constant 0 : i32
        %get3A_1026 = arith.index_cast %get3A_1025 : i32 to index
        %get3A_1027 = arith.index_cast %add3A_903 : i32 to index
        %get3A_1028 = arith.constant 112 : index
        %get3A_1029 = tpu.vector_load %arg9[%get3A_1026, %get3A_1027, %get3A_1028] {strides = array<i32>} : memref<2x352x128xf32, #tpu.memory_space<vmem>>, vector<1x1x16xf32>,
        %get3A_1030 = vector.shape_cast %get3A_1029 : vector<1x1x16xf32> to vector<16xf32>
        %mul3A_1031 = arith.mulf %get3A_1030, %get3A_300 : vector<16xf32>
        %add3A_1032 = arith.addf %add3A_1024, %mul3A_1031 : vector<16xf32>
        %eq3A_1033 = arith.constant 3 : i32
        %eq3A_1034 = vector.broadcast %eq3A_1033 : i32 to vector<16xi32>
        %eq3A_1035 = arith.cmpi eq, %iota3A, %eq3A_1034 : vector<16xi32>
        %iota3A_1036 = tpu.iota {dimensions = array<i32: 0>} : vector<16xi32>
        %xor3A_1037 = arith.constant 8 : i32
        %xor3A_1038 = vector.broadcast %xor3A_1037 : i32 to vector<16xi32>
        %xor3A_1039 = arith.xori %iota3A_1036, %xor3A_1038 : vector<16xi32>
        %lt3A_1040 = arith.constant 0 : i32
        %lt3A_1041 = vector.broadcast %lt3A_1040 : i32 to vector<16xi32>
        %lt3A_1042 = arith.cmpi slt, %xor3A_1039, %lt3A_1041 : vector<16xi32>
        %add3A_1043 = arith.constant 16 : i32
        %add3A_1044 = vector.broadcast %add3A_1043 : i32 to vector<16xi32>
        %add3A_1045 = arith.addi %xor3A_1039, %add3A_1044 : vector<16xi32>
        %select_n3A_1046 = arith.select %lt3A_1042, %add3A_1045, %xor3A_1039 : vector<16xi1>, vector<16xi32>
        %broadcast_in_dim3A_1047 = vector.shape_cast %select_n3A_1046 : vector<16xi32> to vector<16x1xi32>
        %gather3A_1048 = vector.shape_cast %broadcast_in_dim3A_1047 : vector<16x1xi32> to vector<16xi32>
        %gather3A_1049 = tpu.dynamic_gather %add3A_1032[%gather3A_1048] in [0] : vector<16xf32>, vector<16xi32> -> vector<16xf32>
        %add3A_1050 = arith.addf %add3A_1032, %gather3A_1049 : vector<16xf32>
        %iota3A_1051 = tpu.iota {dimensions = array<i32: 0>} : vector<16xi32>
        %xor3A_1052 = arith.constant 4 : i32
        %xor3A_1053 = vector.broadcast %xor3A_1052 : i32 to vector<16xi32>
        %xor3A_1054 = arith.xori %iota3A_1051, %xor3A_1053 : vector<16xi32>
        %lt3A_1055 = arith.constant 0 : i32
        %lt3A_1056 = vector.broadcast %lt3A_1055 : i32 to vector<16xi32>
        %lt3A_1057 = arith.cmpi slt, %xor3A_1054, %lt3A_1056 : vector<16xi32>
        %add3A_1058 = arith.constant 16 : i32
        %add3A_1059 = vector.broadcast %add3A_1058 : i32 to vector<16xi32>
        %add3A_1060 = arith.addi %xor3A_1054, %add3A_1059 : vector<16xi32>
        %select_n3A_1061 = arith.select %lt3A_1057, %add3A_1060, %xor3A_1054 : vector<16xi1>, vector<16xi32>
        %broadcast_in_dim3A_1062 = vector.shape_cast %select_n3A_1061 : vector<16xi32> to vector<16x1xi32>
        %gather3A_1063 = vector.shape_cast %broadcast_in_dim3A_1062 : vector<16x1xi32> to vector<16xi32>
        %gather3A_1064 = tpu.dynamic_gather %add3A_1050[%gather3A_1063] in [0] : vector<16xf32>, vector<16xi32> -> vector<16xf32>
        %add3A_1065 = arith.addf %add3A_1050, %gather3A_1064 : vector<16xf32>
        %iota3A_1066 = tpu.iota {dimensions = array<i32: 0>} : vector<16xi32>
        %xor3A_1067 = arith.constant 2 : i32
        %xor3A_1068 = vector.broadcast %xor3A_1067 : i32 to vector<16xi32>
        %xor3A_1069 = arith.xori %iota3A_1066, %xor3A_1068 : vector<16xi32>
        %lt3A_1070 = arith.constant 0 : i32
        %lt3A_1071 = vector.broadcast %lt3A_1070 : i32 to vector<16xi32>
        %lt3A_1072 = arith.cmpi slt, %xor3A_1069, %lt3A_1071 : vector<16xi32>
        %add3A_1073 = arith.constant 16 : i32
        %add3A_1074 = vector.broadcast %add3A_1073 : i32 to vector<16xi32>
        %add3A_1075 = arith.addi %xor3A_1069, %add3A_1074 : vector<16xi32>
        %select_n3A_1076 = arith.select %lt3A_1072, %add3A_1075, %xor3A_1069 : vector<16xi1>, vector<16xi32>
        %broadcast_in_dim3A_1077 = vector.shape_cast %select_n3A_1076 : vector<16xi32> to vector<16x1xi32>
        %gather3A_1078 = vector.shape_cast %broadcast_in_dim3A_1077 : vector<16x1xi32> to vector<16xi32>
        %gather3A_1079 = tpu.dynamic_gather %add3A_1065[%gather3A_1078] in [0] : vector<16xf32>, vector<16xi32> -> vector<16xf32>
        %add3A_1080 = arith.addf %add3A_1065, %gather3A_1079 : vector<16xf32>
        %iota3A_1081 = tpu.iota {dimensions = array<i32: 0>} : vector<16xi32>
        %xor3A_1082 = arith.constant 1 : i32
        %xor3A_1083 = vector.broadcast %xor3A_1082 : i32 to vector<16xi32>
        %xor3A_1084 = arith.xori %iota3A_1081, %xor3A_1083 : vector<16xi32>
        %lt3A_1085 = arith.constant 0 : i32
        %lt3A_1086 = vector.broadcast %lt3A_1085 : i32 to vector<16xi32>
        %lt3A_1087 = arith.cmpi slt, %xor3A_1084, %lt3A_1086 : vector<16xi32>
        %add3A_1088 = arith.constant 16 : i32
        %add3A_1089 = vector.broadcast %add3A_1088 : i32 to vector<16xi32>
        %add3A_1090 = arith.addi %xor3A_1084, %add3A_1089 : vector<16xi32>
        %select_n3A_1091 = arith.select %lt3A_1087, %add3A_1090, %xor3A_1084 : vector<16xi1>, vector<16xi32>
        %broadcast_in_dim3A_1092 = vector.shape_cast %select_n3A_1091 : vector<16xi32> to vector<16x1xi32>
        %gather3A_1093 = vector.shape_cast %broadcast_in_dim3A_1092 : vector<16x1xi32> to vector<16xi32>
        %gather3A_1094 = tpu.dynamic_gather %add3A_1080[%gather3A_1093] in [0] : vector<16xf32>, vector<16xi32> -> vector<16xf32>
        %add3A_1095 = arith.addf %add3A_1080, %gather3A_1094 : vector<16xf32>
        %mul3A_1096 = arith.constant 5.000000e+00 : f32
        %mul3A_1097 = vector.broadcast %mul3A_1096 : f32 to vector<16xf32>
        %mul3A_1098 = arith.mulf %add3A_1095, %mul3A_1097 : vector<16xf32>
        %select_n3A_1099 = arith.select %eq3A_1035, %mul3A_1098, %select_n3A_899 : vector<16xi1>, vector<16xf32>
        %mul3A_1100 = arith.constant 11 : i32
        %mul3A_1101 = arith.muli %scan3A_277, %mul3A_1100 : i32
        %add3A_1102 = arith.constant 4 : i32
        %add3A_1103 = arith.addi %mul3A_1101, %add3A_1102 : i32
        %get3A_1104 = arith.constant 0 : i32
        %get3A_1105 = arith.index_cast %get3A_1104 : i32 to index
        %get3A_1106 = arith.index_cast %add3A_1103 : i32 to index
        %get3A_1107 = arith.constant 0 : index
        %get3A_1108 = tpu.vector_load %arg9[%get3A_1105, %get3A_1106, %get3A_1107] {strides = array<i32>} : memref<2x352x128xf32, #tpu.memory_space<vmem>>, vector<1x1x16xf32>,
        %get3A_1109 = vector.shape_cast %get3A_1108 : vector<1x1x16xf32> to vector<16xf32>
        %mul3A_1110 = arith.mulf %get3A_1109, %get3A_282 : vector<16xf32>
        %get3A_1111 = arith.constant 0 : i32
        %get3A_1112 = arith.index_cast %get3A_1111 : i32 to index
        %get3A_1113 = arith.index_cast %add3A_1103 : i32 to index
        %get3A_1114 = arith.constant 16 : index
        %get3A_1115 = tpu.vector_load %arg9[%get3A_1112, %get3A_1113, %get3A_1114] {strides = array<i32>} : memref<2x352x128xf32, #tpu.memory_space<vmem>>, vector<1x1x16xf32>,
        %get3A_1116 = vector.shape_cast %get3A_1115 : vector<1x1x16xf32> to vector<16xf32>
        %mul3A_1117 = arith.mulf %get3A_1116, %get3A_288 : vector<16xf32>
        %add3A_1118 = arith.addf %mul3A_1110, %mul3A_1117 : vector<16xf32>
        %get3A_1119 = arith.constant 0 : i32
        %get3A_1120 = arith.index_cast %get3A_1119 : i32 to index
        %get3A_1121 = arith.index_cast %add3A_1103 : i32 to index
        %get3A_1122 = arith.constant 32 : index
        %get3A_1123 = tpu.vector_load %arg9[%get3A_1120, %get3A_1121, %get3A_1122] {strides = array<i32>} : memref<2x352x128xf32, #tpu.memory_space<vmem>>, vector<1x1x16xf32>,
        %get3A_1124 = vector.shape_cast %get3A_1123 : vector<1x1x16xf32> to vector<16xf32>
        %mul3A_1125 = arith.mulf %get3A_1124, %get3A_294 : vector<16xf32>
        %add3A_1126 = arith.addf %add3A_1118, %mul3A_1125 : vector<16xf32>
        %get3A_1127 = arith.constant 0 : i32
        %get3A_1128 = arith.index_cast %get3A_1127 : i32 to index
        %get3A_1129 = arith.index_cast %add3A_1103 : i32 to index
        %get3A_1130 = arith.constant 48 : index
        %get3A_1131 = tpu.vector_load %arg9[%get3A_1128, %get3A_1129, %get3A_1130] {strides = array<i32>} : memref<2x352x128xf32, #tpu.memory_space<vmem>>, vector<1x1x16xf32>,
        %get3A_1132 = vector.shape_cast %get3A_1131 : vector<1x1x16xf32> to vector<16xf32>
        %mul3A_1133 = arith.mulf %get3A_1132, %get3A_300 : vector<16xf32>
        %add3A_1134 = arith.addf %add3A_1126, %mul3A_1133 : vector<16xf32>
        %eq3A_1135 = arith.constant 4 : i32
        %eq3A_1136 = vector.broadcast %eq3A_1135 : i32 to vector<16xi32>
        %eq3A_1137 = arith.cmpi eq, %iota3A, %eq3A_1136 : vector<16xi32>
        %iota3A_1138 = tpu.iota {dimensions = array<i32: 0>} : vector<16xi32>
        %xor3A_1139 = arith.constant 8 : i32
        %xor3A_1140 = vector.broadcast %xor3A_1139 : i32 to vector<16xi32>
        %xor3A_1141 = arith.xori %iota3A_1138, %xor3A_1140 : vector<16xi32>
        %lt3A_1142 = arith.constant 0 : i32
        %lt3A_1143 = vector.broadcast %lt3A_1142 : i32 to vector<16xi32>
        %lt3A_1144 = arith.cmpi slt, %xor3A_1141, %lt3A_1143 : vector<16xi32>
        %add3A_1145 = arith.constant 16 : i32
        %add3A_1146 = vector.broadcast %add3A_1145 : i32 to vector<16xi32>
        %add3A_1147 = arith.addi %xor3A_1141, %add3A_1146 : vector<16xi32>
        %select_n3A_1148 = arith.select %lt3A_1144, %add3A_1147, %xor3A_1141 : vector<16xi1>, vector<16xi32>
        %broadcast_in_dim3A_1149 = vector.shape_cast %select_n3A_1148 : vector<16xi32> to vector<16x1xi32>
        %gather3A_1150 = vector.shape_cast %broadcast_in_dim3A_1149 : vector<16x1xi32> to vector<16xi32>
        %gather3A_1151 = tpu.dynamic_gather %add3A_1134[%gather3A_1150] in [0] : vector<16xf32>, vector<16xi32> -> vector<16xf32>
        %add3A_1152 = arith.addf %add3A_1134, %gather3A_1151 : vector<16xf32>
        %iota3A_1153 = tpu.iota {dimensions = array<i32: 0>} : vector<16xi32>
        %xor3A_1154 = arith.constant 4 : i32
        %xor3A_1155 = vector.broadcast %xor3A_1154 : i32 to vector<16xi32>
        %xor3A_1156 = arith.xori %iota3A_1153, %xor3A_1155 : vector<16xi32>
        %lt3A_1157 = arith.constant 0 : i32
        %lt3A_1158 = vector.broadcast %lt3A_1157 : i32 to vector<16xi32>
        %lt3A_1159 = arith.cmpi slt, %xor3A_1156, %lt3A_1158 : vector<16xi32>
        %add3A_1160 = arith.constant 16 : i32
        %add3A_1161 = vector.broadcast %add3A_1160 : i32 to vector<16xi32>
        %add3A_1162 = arith.addi %xor3A_1156, %add3A_1161 : vector<16xi32>
        %select_n3A_1163 = arith.select %lt3A_1159, %add3A_1162, %xor3A_1156 : vector<16xi1>, vector<16xi32>
        %broadcast_in_dim3A_1164 = vector.shape_cast %select_n3A_1163 : vector<16xi32> to vector<16x1xi32>
        %gather3A_1165 = vector.shape_cast %broadcast_in_dim3A_1164 : vector<16x1xi32> to vector<16xi32>
        %gather3A_1166 = tpu.dynamic_gather %add3A_1152[%gather3A_1165] in [0] : vector<16xf32>, vector<16xi32> -> vector<16xf32>
        %add3A_1167 = arith.addf %add3A_1152, %gather3A_1166 : vector<16xf32>
        %iota3A_1168 = tpu.iota {dimensions = array<i32: 0>} : vector<16xi32>
        %xor3A_1169 = arith.constant 2 : i32
        %xor3A_1170 = vector.broadcast %xor3A_1169 : i32 to vector<16xi32>
        %xor3A_1171 = arith.xori %iota3A_1168, %xor3A_1170 : vector<16xi32>
        %lt3A_1172 = arith.constant 0 : i32
        %lt3A_1173 = vector.broadcast %lt3A_1172 : i32 to vector<16xi32>
        %lt3A_1174 = arith.cmpi slt, %xor3A_1171, %lt3A_1173 : vector<16xi32>
        %add3A_1175 = arith.constant 16 : i32
        %add3A_1176 = vector.broadcast %add3A_1175 : i32 to vector<16xi32>
        %add3A_1177 = arith.addi %xor3A_1171, %add3A_1176 : vector<16xi32>
        %select_n3A_1178 = arith.select %lt3A_1174, %add3A_1177, %xor3A_1171 : vector<16xi1>, vector<16xi32>
        %broadcast_in_dim3A_1179 = vector.shape_cast %select_n3A_1178 : vector<16xi32> to vector<16x1xi32>
        %gather3A_1180 = vector.shape_cast %broadcast_in_dim3A_1179 : vector<16x1xi32> to vector<16xi32>
        %gather3A_1181 = tpu.dynamic_gather %add3A_1167[%gather3A_1180] in [0] : vector<16xf32>, vector<16xi32> -> vector<16xf32>
        %add3A_1182 = arith.addf %add3A_1167, %gather3A_1181 : vector<16xf32>
        %iota3A_1183 = tpu.iota {dimensions = array<i32: 0>} : vector<16xi32>
        %xor3A_1184 = arith.constant 1 : i32
        %xor3A_1185 = vector.broadcast %xor3A_1184 : i32 to vector<16xi32>
        %xor3A_1186 = arith.xori %iota3A_1183, %xor3A_1185 : vector<16xi32>
        %lt3A_1187 = arith.constant 0 : i32
        %lt3A_1188 = vector.broadcast %lt3A_1187 : i32 to vector<16xi32>
        %lt3A_1189 = arith.cmpi slt, %xor3A_1186, %lt3A_1188 : vector<16xi32>
        %add3A_1190 = arith.constant 16 : i32
        %add3A_1191 = vector.broadcast %add3A_1190 : i32 to vector<16xi32>
        %add3A_1192 = arith.addi %xor3A_1186, %add3A_1191 : vector<16xi32>
        %select_n3A_1193 = arith.select %lt3A_1189, %add3A_1192, %xor3A_1186 : vector<16xi1>, vector<16xi32>
        %broadcast_in_dim3A_1194 = vector.shape_cast %select_n3A_1193 : vector<16xi32> to vector<16x1xi32>
        %gather3A_1195 = vector.shape_cast %broadcast_in_dim3A_1194 : vector<16x1xi32> to vector<16xi32>
        %gather3A_1196 = tpu.dynamic_gather %add3A_1182[%gather3A_1195] in [0] : vector<16xf32>, vector<16xi32> -> vector<16xf32>
        %add3A_1197 = arith.addf %add3A_1182, %gather3A_1196 : vector<16xf32>
        %mul3A_1198 = arith.constant 5.000000e+00 : f32
        %mul3A_1199 = vector.broadcast %mul3A_1198 : f32 to vector<16xf32>
        %mul3A_1200 = arith.mulf %add3A_1197, %mul3A_1199 : vector<16xf32>
        %select_n3A_1201 = arith.select %eq3A_1137, %mul3A_1200, %select_n3A_1001 : vector<16xi1>, vector<16xf32>
        %get3A_1202 = arith.constant 0 : i32
        %get3A_1203 = arith.index_cast %get3A_1202 : i32 to index
        %get3A_1204 = arith.index_cast %add3A_1103 : i32 to index
        %get3A_1205 = arith.constant 64 : index
        %get3A_1206 = tpu.vector_load %arg9[%get3A_1203, %get3A_1204, %get3A_1205] {strides = array<i32>} : memref<2x352x128xf32, #tpu.memory_space<vmem>>, vector<1x1x16xf32>,
        %get3A_1207 = vector.shape_cast %get3A_1206 : vector<1x1x16xf32> to vector<16xf32>
        %mul3A_1208 = arith.mulf %get3A_1207, %get3A_282 : vector<16xf32>
        %get3A_1209 = arith.constant 0 : i32
        %get3A_1210 = arith.index_cast %get3A_1209 : i32 to index
        %get3A_1211 = arith.index_cast %add3A_1103 : i32 to index
        %get3A_1212 = arith.constant 80 : index
        %get3A_1213 = tpu.vector_load %arg9[%get3A_1210, %get3A_1211, %get3A_1212] {strides = array<i32>} : memref<2x352x128xf32, #tpu.memory_space<vmem>>, vector<1x1x16xf32>,
        %get3A_1214 = vector.shape_cast %get3A_1213 : vector<1x1x16xf32> to vector<16xf32>
        %mul3A_1215 = arith.mulf %get3A_1214, %get3A_288 : vector<16xf32>
        %add3A_1216 = arith.addf %mul3A_1208, %mul3A_1215 : vector<16xf32>
        %get3A_1217 = arith.constant 0 : i32
        %get3A_1218 = arith.index_cast %get3A_1217 : i32 to index
        %get3A_1219 = arith.index_cast %add3A_1103 : i32 to index
        %get3A_1220 = arith.constant 96 : index
        %get3A_1221 = tpu.vector_load %arg9[%get3A_1218, %get3A_1219, %get3A_1220] {strides = array<i32>} : memref<2x352x128xf32, #tpu.memory_space<vmem>>, vector<1x1x16xf32>,
        %get3A_1222 = vector.shape_cast %get3A_1221 : vector<1x1x16xf32> to vector<16xf32>
        %mul3A_1223 = arith.mulf %get3A_1222, %get3A_294 : vector<16xf32>
        %add3A_1224 = arith.addf %add3A_1216, %mul3A_1223 : vector<16xf32>
        %get3A_1225 = arith.constant 0 : i32
        %get3A_1226 = arith.index_cast %get3A_1225 : i32 to index
        %get3A_1227 = arith.index_cast %add3A_1103 : i32 to index
        %get3A_1228 = arith.constant 112 : index
        %get3A_1229 = tpu.vector_load %arg9[%get3A_1226, %get3A_1227, %get3A_1228] {strides = array<i32>} : memref<2x352x128xf32, #tpu.memory_space<vmem>>, vector<1x1x16xf32>,
        %get3A_1230 = vector.shape_cast %get3A_1229 : vector<1x1x16xf32> to vector<16xf32>
        %mul3A_1231 = arith.mulf %get3A_1230, %get3A_300 : vector<16xf32>
        %add3A_1232 = arith.addf %add3A_1224, %mul3A_1231 : vector<16xf32>
        %eq3A_1233 = arith.constant 4 : i32
        %eq3A_1234 = vector.broadcast %eq3A_1233 : i32 to vector<16xi32>
        %eq3A_1235 = arith.cmpi eq, %iota3A, %eq3A_1234 : vector<16xi32>
        %iota3A_1236 = tpu.iota {dimensions = array<i32: 0>} : vector<16xi32>
        %xor3A_1237 = arith.constant 8 : i32
        %xor3A_1238 = vector.broadcast %xor3A_1237 : i32 to vector<16xi32>
        %xor3A_1239 = arith.xori %iota3A_1236, %xor3A_1238 : vector<16xi32>
        %lt3A_1240 = arith.constant 0 : i32
        %lt3A_1241 = vector.broadcast %lt3A_1240 : i32 to vector<16xi32>
        %lt3A_1242 = arith.cmpi slt, %xor3A_1239, %lt3A_1241 : vector<16xi32>
        %add3A_1243 = arith.constant 16 : i32
        %add3A_1244 = vector.broadcast %add3A_1243 : i32 to vector<16xi32>
        %add3A_1245 = arith.addi %xor3A_1239, %add3A_1244 : vector<16xi32>
        %select_n3A_1246 = arith.select %lt3A_1242, %add3A_1245, %xor3A_1239 : vector<16xi1>, vector<16xi32>
        %broadcast_in_dim3A_1247 = vector.shape_cast %select_n3A_1246 : vector<16xi32> to vector<16x1xi32>
        %gather3A_1248 = vector.shape_cast %broadcast_in_dim3A_1247 : vector<16x1xi32> to vector<16xi32>
        %gather3A_1249 = tpu.dynamic_gather %add3A_1232[%gather3A_1248] in [0] : vector<16xf32>, vector<16xi32> -> vector<16xf32>
        %add3A_1250 = arith.addf %add3A_1232, %gather3A_1249 : vector<16xf32>
        %iota3A_1251 = tpu.iota {dimensions = array<i32: 0>} : vector<16xi32>
        %xor3A_1252 = arith.constant 4 : i32
        %xor3A_1253 = vector.broadcast %xor3A_1252 : i32 to vector<16xi32>
        %xor3A_1254 = arith.xori %iota3A_1251, %xor3A_1253 : vector<16xi32>
        %lt3A_1255 = arith.constant 0 : i32
        %lt3A_1256 = vector.broadcast %lt3A_1255 : i32 to vector<16xi32>
        %lt3A_1257 = arith.cmpi slt, %xor3A_1254, %lt3A_1256 : vector<16xi32>
        %add3A_1258 = arith.constant 16 : i32
        %add3A_1259 = vector.broadcast %add3A_1258 : i32 to vector<16xi32>
        %add3A_1260 = arith.addi %xor3A_1254, %add3A_1259 : vector<16xi32>
        %select_n3A_1261 = arith.select %lt3A_1257, %add3A_1260, %xor3A_1254 : vector<16xi1>, vector<16xi32>
        %broadcast_in_dim3A_1262 = vector.shape_cast %select_n3A_1261 : vector<16xi32> to vector<16x1xi32>
        %gather3A_1263 = vector.shape_cast %broadcast_in_dim3A_1262 : vector<16x1xi32> to vector<16xi32>
        %gather3A_1264 = tpu.dynamic_gather %add3A_1250[%gather3A_1263] in [0] : vector<16xf32>, vector<16xi32> -> vector<16xf32>
        %add3A_1265 = arith.addf %add3A_1250, %gather3A_1264 : vector<16xf32>
        %iota3A_1266 = tpu.iota {dimensions = array<i32: 0>} : vector<16xi32>
        %xor3A_1267 = arith.constant 2 : i32
        %xor3A_1268 = vector.broadcast %xor3A_1267 : i32 to vector<16xi32>
        %xor3A_1269 = arith.xori %iota3A_1266, %xor3A_1268 : vector<16xi32>
        %lt3A_1270 = arith.constant 0 : i32
        %lt3A_1271 = vector.broadcast %lt3A_1270 : i32 to vector<16xi32>
        %lt3A_1272 = arith.cmpi slt, %xor3A_1269, %lt3A_1271 : vector<16xi32>
        %add3A_1273 = arith.constant 16 : i32
        %add3A_1274 = vector.broadcast %add3A_1273 : i32 to vector<16xi32>
        %add3A_1275 = arith.addi %xor3A_1269, %add3A_1274 : vector<16xi32>
        %select_n3A_1276 = arith.select %lt3A_1272, %add3A_1275, %xor3A_1269 : vector<16xi1>, vector<16xi32>
        %broadcast_in_dim3A_1277 = vector.shape_cast %select_n3A_1276 : vector<16xi32> to vector<16x1xi32>
        %gather3A_1278 = vector.shape_cast %broadcast_in_dim3A_1277 : vector<16x1xi32> to vector<16xi32>
        %gather3A_1279 = tpu.dynamic_gather %add3A_1265[%gather3A_1278] in [0] : vector<16xf32>, vector<16xi32> -> vector<16xf32>
        %add3A_1280 = arith.addf %add3A_1265, %gather3A_1279 : vector<16xf32>
        %iota3A_1281 = tpu.iota {dimensions = array<i32: 0>} : vector<16xi32>
        %xor3A_1282 = arith.constant 1 : i32
        %xor3A_1283 = vector.broadcast %xor3A_1282 : i32 to vector<16xi32>
        %xor3A_1284 = arith.xori %iota3A_1281, %xor3A_1283 : vector<16xi32>
        %lt3A_1285 = arith.constant 0 : i32
        %lt3A_1286 = vector.broadcast %lt3A_1285 : i32 to vector<16xi32>
        %lt3A_1287 = arith.cmpi slt, %xor3A_1284, %lt3A_1286 : vector<16xi32>
        %add3A_1288 = arith.constant 16 : i32
        %add3A_1289 = vector.broadcast %add3A_1288 : i32 to vector<16xi32>
        %add3A_1290 = arith.addi %xor3A_1284, %add3A_1289 : vector<16xi32>
        %select_n3A_1291 = arith.select %lt3A_1287, %add3A_1290, %xor3A_1284 : vector<16xi1>, vector<16xi32>
        %broadcast_in_dim3A_1292 = vector.shape_cast %select_n3A_1291 : vector<16xi32> to vector<16x1xi32>
        %gather3A_1293 = vector.shape_cast %broadcast_in_dim3A_1292 : vector<16x1xi32> to vector<16xi32>
        %gather3A_1294 = tpu.dynamic_gather %add3A_1280[%gather3A_1293] in [0] : vector<16xf32>, vector<16xi32> -> vector<16xf32>
        %add3A_1295 = arith.addf %add3A_1280, %gather3A_1294 : vector<16xf32>
        %mul3A_1296 = arith.constant 5.000000e+00 : f32
        %mul3A_1297 = vector.broadcast %mul3A_1296 : f32 to vector<16xf32>
        %mul3A_1298 = arith.mulf %add3A_1295, %mul3A_1297 : vector<16xf32>
        %select_n3A_1299 = arith.select %eq3A_1235, %mul3A_1298, %select_n3A_1099 : vector<16xi1>, vector<16xf32>
        %mul3A_1300 = arith.constant 11 : i32
        %mul3A_1301 = arith.muli %scan3A_277, %mul3A_1300 : i32
        %add3A_1302 = arith.constant 5 : i32
        %add3A_1303 = arith.addi %mul3A_1301, %add3A_1302 : i32
        %get3A_1304 = arith.constant 0 : i32
        %get3A_1305 = arith.index_cast %get3A_1304 : i32 to index
        %get3A_1306 = arith.index_cast %add3A_1303 : i32 to index
        %get3A_1307 = arith.constant 0 : index
        %get3A_1308 = tpu.vector_load %arg9[%get3A_1305, %get3A_1306, %get3A_1307] {strides = array<i32>} : memref<2x352x128xf32, #tpu.memory_space<vmem>>, vector<1x1x16xf32>,
        %get3A_1309 = vector.shape_cast %get3A_1308 : vector<1x1x16xf32> to vector<16xf32>
        %mul3A_1310 = arith.mulf %get3A_1309, %get3A_282 : vector<16xf32>
        %get3A_1311 = arith.constant 0 : i32
        %get3A_1312 = arith.index_cast %get3A_1311 : i32 to index
        %get3A_1313 = arith.index_cast %add3A_1303 : i32 to index
        %get3A_1314 = arith.constant 16 : index
        %get3A_1315 = tpu.vector_load %arg9[%get3A_1312, %get3A_1313, %get3A_1314] {strides = array<i32>} : memref<2x352x128xf32, #tpu.memory_space<vmem>>, vector<1x1x16xf32>,
        %get3A_1316 = vector.shape_cast %get3A_1315 : vector<1x1x16xf32> to vector<16xf32>
        %mul3A_1317 = arith.mulf %get3A_1316, %get3A_288 : vector<16xf32>
        %add3A_1318 = arith.addf %mul3A_1310, %mul3A_1317 : vector<16xf32>
        %get3A_1319 = arith.constant 0 : i32
        %get3A_1320 = arith.index_cast %get3A_1319 : i32 to index
        %get3A_1321 = arith.index_cast %add3A_1303 : i32 to index
        %get3A_1322 = arith.constant 32 : index
        %get3A_1323 = tpu.vector_load %arg9[%get3A_1320, %get3A_1321, %get3A_1322] {strides = array<i32>} : memref<2x352x128xf32, #tpu.memory_space<vmem>>, vector<1x1x16xf32>,
        %get3A_1324 = vector.shape_cast %get3A_1323 : vector<1x1x16xf32> to vector<16xf32>
        %mul3A_1325 = arith.mulf %get3A_1324, %get3A_294 : vector<16xf32>
        %add3A_1326 = arith.addf %add3A_1318, %mul3A_1325 : vector<16xf32>
        %get3A_1327 = arith.constant 0 : i32
        %get3A_1328 = arith.index_cast %get3A_1327 : i32 to index
        %get3A_1329 = arith.index_cast %add3A_1303 : i32 to index
        %get3A_1330 = arith.constant 48 : index
        %get3A_1331 = tpu.vector_load %arg9[%get3A_1328, %get3A_1329, %get3A_1330] {strides = array<i32>} : memref<2x352x128xf32, #tpu.memory_space<vmem>>, vector<1x1x16xf32>,
        %get3A_1332 = vector.shape_cast %get3A_1331 : vector<1x1x16xf32> to vector<16xf32>
        %mul3A_1333 = arith.mulf %get3A_1332, %get3A_300 : vector<16xf32>
        %add3A_1334 = arith.addf %add3A_1326, %mul3A_1333 : vector<16xf32>
        %eq3A_1335 = arith.constant 5 : i32
        %eq3A_1336 = vector.broadcast %eq3A_1335 : i32 to vector<16xi32>
        %eq3A_1337 = arith.cmpi eq, %iota3A, %eq3A_1336 : vector<16xi32>
        %iota3A_1338 = tpu.iota {dimensions = array<i32: 0>} : vector<16xi32>
        %xor3A_1339 = arith.constant 8 : i32
        %xor3A_1340 = vector.broadcast %xor3A_1339 : i32 to vector<16xi32>
        %xor3A_1341 = arith.xori %iota3A_1338, %xor3A_1340 : vector<16xi32>
        %lt3A_1342 = arith.constant 0 : i32
        %lt3A_1343 = vector.broadcast %lt3A_1342 : i32 to vector<16xi32>
        %lt3A_1344 = arith.cmpi slt, %xor3A_1341, %lt3A_1343 : vector<16xi32>
        %add3A_1345 = arith.constant 16 : i32
        %add3A_1346 = vector.broadcast %add3A_1345 : i32 to vector<16xi32>
        %add3A_1347 = arith.addi %xor3A_1341, %add3A_1346 : vector<16xi32>
        %select_n3A_1348 = arith.select %lt3A_1344, %add3A_1347, %xor3A_1341 : vector<16xi1>, vector<16xi32>
        %broadcast_in_dim3A_1349 = vector.shape_cast %select_n3A_1348 : vector<16xi32> to vector<16x1xi32>
        %gather3A_1350 = vector.shape_cast %broadcast_in_dim3A_1349 : vector<16x1xi32> to vector<16xi32>
        %gather3A_1351 = tpu.dynamic_gather %add3A_1334[%gather3A_1350] in [0] : vector<16xf32>, vector<16xi32> -> vector<16xf32>
        %add3A_1352 = arith.addf %add3A_1334, %gather3A_1351 : vector<16xf32>
        %iota3A_1353 = tpu.iota {dimensions = array<i32: 0>} : vector<16xi32>
        %xor3A_1354 = arith.constant 4 : i32
        %xor3A_1355 = vector.broadcast %xor3A_1354 : i32 to vector<16xi32>
        %xor3A_1356 = arith.xori %iota3A_1353, %xor3A_1355 : vector<16xi32>
        %lt3A_1357 = arith.constant 0 : i32
        %lt3A_1358 = vector.broadcast %lt3A_1357 : i32 to vector<16xi32>
        %lt3A_1359 = arith.cmpi slt, %xor3A_1356, %lt3A_1358 : vector<16xi32>
        %add3A_1360 = arith.constant 16 : i32
        %add3A_1361 = vector.broadcast %add3A_1360 : i32 to vector<16xi32>
        %add3A_1362 = arith.addi %xor3A_1356, %add3A_1361 : vector<16xi32>
        %select_n3A_1363 = arith.select %lt3A_1359, %add3A_1362, %xor3A_1356 : vector<16xi1>, vector<16xi32>
        %broadcast_in_dim3A_1364 = vector.shape_cast %select_n3A_1363 : vector<16xi32> to vector<16x1xi32>
        %gather3A_1365 = vector.shape_cast %broadcast_in_dim3A_1364 : vector<16x1xi32> to vector<16xi32>
        %gather3A_1366 = tpu.dynamic_gather %add3A_1352[%gather3A_1365] in [0] : vector<16xf32>, vector<16xi32> -> vector<16xf32>
        %add3A_1367 = arith.addf %add3A_1352, %gather3A_1366 : vector<16xf32>
        %iota3A_1368 = tpu.iota {dimensions = array<i32: 0>} : vector<16xi32>
        %xor3A_1369 = arith.constant 2 : i32
        %xor3A_1370 = vector.broadcast %xor3A_1369 : i32 to vector<16xi32>
        %xor3A_1371 = arith.xori %iota3A_1368, %xor3A_1370 : vector<16xi32>
        %lt3A_1372 = arith.constant 0 : i32
        %lt3A_1373 = vector.broadcast %lt3A_1372 : i32 to vector<16xi32>
        %lt3A_1374 = arith.cmpi slt, %xor3A_1371, %lt3A_1373 : vector<16xi32>
        %add3A_1375 = arith.constant 16 : i32
        %add3A_1376 = vector.broadcast %add3A_1375 : i32 to vector<16xi32>
        %add3A_1377 = arith.addi %xor3A_1371, %add3A_1376 : vector<16xi32>
        %select_n3A_1378 = arith.select %lt3A_1374, %add3A_1377, %xor3A_1371 : vector<16xi1>, vector<16xi32>
        %broadcast_in_dim3A_1379 = vector.shape_cast %select_n3A_1378 : vector<16xi32> to vector<16x1xi32>
        %gather3A_1380 = vector.shape_cast %broadcast_in_dim3A_1379 : vector<16x1xi32> to vector<16xi32>
        %gather3A_1381 = tpu.dynamic_gather %add3A_1367[%gather3A_1380] in [0] : vector<16xf32>, vector<16xi32> -> vector<16xf32>
        %add3A_1382 = arith.addf %add3A_1367, %gather3A_1381 : vector<16xf32>
        %iota3A_1383 = tpu.iota {dimensions = array<i32: 0>} : vector<16xi32>
        %xor3A_1384 = arith.constant 1 : i32
        %xor3A_1385 = vector.broadcast %xor3A_1384 : i32 to vector<16xi32>
        %xor3A_1386 = arith.xori %iota3A_1383, %xor3A_1385 : vector<16xi32>
        %lt3A_1387 = arith.constant 0 : i32
        %lt3A_1388 = vector.broadcast %lt3A_1387 : i32 to vector<16xi32>
        %lt3A_1389 = arith.cmpi slt, %xor3A_1386, %lt3A_1388 : vector<16xi32>
        %add3A_1390 = arith.constant 16 : i32
        %add3A_1391 = vector.broadcast %add3A_1390 : i32 to vector<16xi32>
        %add3A_1392 = arith.addi %xor3A_1386, %add3A_1391 : vector<16xi32>
        %select_n3A_1393 = arith.select %lt3A_1389, %add3A_1392, %xor3A_1386 : vector<16xi1>, vector<16xi32>
        %broadcast_in_dim3A_1394 = vector.shape_cast %select_n3A_1393 : vector<16xi32> to vector<16x1xi32>
        %gather3A_1395 = vector.shape_cast %broadcast_in_dim3A_1394 : vector<16x1xi32> to vector<16xi32>
        %gather3A_1396 = tpu.dynamic_gather %add3A_1382[%gather3A_1395] in [0] : vector<16xf32>, vector<16xi32> -> vector<16xf32>
        %add3A_1397 = arith.addf %add3A_1382, %gather3A_1396 : vector<16xf32>
        %mul3A_1398 = arith.constant 5.000000e+00 : f32
        %mul3A_1399 = vector.broadcast %mul3A_1398 : f32 to vector<16xf32>
        %mul3A_1400 = arith.mulf %add3A_1397, %mul3A_1399 : vector<16xf32>
        %select_n3A_1401 = arith.select %eq3A_1337, %mul3A_1400, %select_n3A_1201 : vector<16xi1>, vector<16xf32>
        %get3A_1402 = arith.constant 0 : i32
        %get3A_1403 = arith.index_cast %get3A_1402 : i32 to index
        %get3A_1404 = arith.index_cast %add3A_1303 : i32 to index
        %get3A_1405 = arith.constant 64 : index
        %get3A_1406 = tpu.vector_load %arg9[%get3A_1403, %get3A_1404, %get3A_1405] {strides = array<i32>} : memref<2x352x128xf32, #tpu.memory_space<vmem>>, vector<1x1x16xf32>,
        %get3A_1407 = vector.shape_cast %get3A_1406 : vector<1x1x16xf32> to vector<16xf32>
        %mul3A_1408 = arith.mulf %get3A_1407, %get3A_282 : vector<16xf32>
        %get3A_1409 = arith.constant 0 : i32
        %get3A_1410 = arith.index_cast %get3A_1409 : i32 to index
        %get3A_1411 = arith.index_cast %add3A_1303 : i32 to index
        %get3A_1412 = arith.constant 80 : index
        %get3A_1413 = tpu.vector_load %arg9[%get3A_1410, %get3A_1411, %get3A_1412] {strides = array<i32>} : memref<2x352x128xf32, #tpu.memory_space<vmem>>, vector<1x1x16xf32>,
        %get3A_1414 = vector.shape_cast %get3A_1413 : vector<1x1x16xf32> to vector<16xf32>
        %mul3A_1415 = arith.mulf %get3A_1414, %get3A_288 : vector<16xf32>
        %add3A_1416 = arith.addf %mul3A_1408, %mul3A_1415 : vector<16xf32>
        %get3A_1417 = arith.constant 0 : i32
        %get3A_1418 = arith.index_cast %get3A_1417 : i32 to index
        %get3A_1419 = arith.index_cast %add3A_1303 : i32 to index
        %get3A_1420 = arith.constant 96 : index
        %get3A_1421 = tpu.vector_load %arg9[%get3A_1418, %get3A_1419, %get3A_1420] {strides = array<i32>} : memref<2x352x128xf32, #tpu.memory_space<vmem>>, vector<1x1x16xf32>,
        %get3A_1422 = vector.shape_cast %get3A_1421 : vector<1x1x16xf32> to vector<16xf32>
        %mul3A_1423 = arith.mulf %get3A_1422, %get3A_294 : vector<16xf32>
        %add3A_1424 = arith.addf %add3A_1416, %mul3A_1423 : vector<16xf32>
        %get3A_1425 = arith.constant 0 : i32
        %get3A_1426 = arith.index_cast %get3A_1425 : i32 to index
        %get3A_1427 = arith.index_cast %add3A_1303 : i32 to index
        %get3A_1428 = arith.constant 112 : index
        %get3A_1429 = tpu.vector_load %arg9[%get3A_1426, %get3A_1427, %get3A_1428] {strides = array<i32>} : memref<2x352x128xf32, #tpu.memory_space<vmem>>, vector<1x1x16xf32>,
        %get3A_1430 = vector.shape_cast %get3A_1429 : vector<1x1x16xf32> to vector<16xf32>
        %mul3A_1431 = arith.mulf %get3A_1430, %get3A_300 : vector<16xf32>
        %add3A_1432 = arith.addf %add3A_1424, %mul3A_1431 : vector<16xf32>
        %eq3A_1433 = arith.constant 5 : i32
        %eq3A_1434 = vector.broadcast %eq3A_1433 : i32 to vector<16xi32>
        %eq3A_1435 = arith.cmpi eq, %iota3A, %eq3A_1434 : vector<16xi32>
        %iota3A_1436 = tpu.iota {dimensions = array<i32: 0>} : vector<16xi32>
        %xor3A_1437 = arith.constant 8 : i32
        %xor3A_1438 = vector.broadcast %xor3A_1437 : i32 to vector<16xi32>
        %xor3A_1439 = arith.xori %iota3A_1436, %xor3A_1438 : vector<16xi32>
        %lt3A_1440 = arith.constant 0 : i32
        %lt3A_1441 = vector.broadcast %lt3A_1440 : i32 to vector<16xi32>
        %lt3A_1442 = arith.cmpi slt, %xor3A_1439, %lt3A_1441 : vector<16xi32>
        %add3A_1443 = arith.constant 16 : i32
        %add3A_1444 = vector.broadcast %add3A_1443 : i32 to vector<16xi32>
        %add3A_1445 = arith.addi %xor3A_1439, %add3A_1444 : vector<16xi32>
        %select_n3A_1446 = arith.select %lt3A_1442, %add3A_1445, %xor3A_1439 : vector<16xi1>, vector<16xi32>
        %broadcast_in_dim3A_1447 = vector.shape_cast %select_n3A_1446 : vector<16xi32> to vector<16x1xi32>
        %gather3A_1448 = vector.shape_cast %broadcast_in_dim3A_1447 : vector<16x1xi32> to vector<16xi32>
        %gather3A_1449 = tpu.dynamic_gather %add3A_1432[%gather3A_1448] in [0] : vector<16xf32>, vector<16xi32> -> vector<16xf32>
        %add3A_1450 = arith.addf %add3A_1432, %gather3A_1449 : vector<16xf32>
        %iota3A_1451 = tpu.iota {dimensions = array<i32: 0>} : vector<16xi32>
        %xor3A_1452 = arith.constant 4 : i32
        %xor3A_1453 = vector.broadcast %xor3A_1452 : i32 to vector<16xi32>
        %xor3A_1454 = arith.xori %iota3A_1451, %xor3A_1453 : vector<16xi32>
        %lt3A_1455 = arith.constant 0 : i32
        %lt3A_1456 = vector.broadcast %lt3A_1455 : i32 to vector<16xi32>
        %lt3A_1457 = arith.cmpi slt, %xor3A_1454, %lt3A_1456 : vector<16xi32>
        %add3A_1458 = arith.constant 16 : i32
        %add3A_1459 = vector.broadcast %add3A_1458 : i32 to vector<16xi32>
        %add3A_1460 = arith.addi %xor3A_1454, %add3A_1459 : vector<16xi32>
        %select_n3A_1461 = arith.select %lt3A_1457, %add3A_1460, %xor3A_1454 : vector<16xi1>, vector<16xi32>
        %broadcast_in_dim3A_1462 = vector.shape_cast %select_n3A_1461 : vector<16xi32> to vector<16x1xi32>
        %gather3A_1463 = vector.shape_cast %broadcast_in_dim3A_1462 : vector<16x1xi32> to vector<16xi32>
        %gather3A_1464 = tpu.dynamic_gather %add3A_1450[%gather3A_1463] in [0] : vector<16xf32>, vector<16xi32> -> vector<16xf32>
        %add3A_1465 = arith.addf %add3A_1450, %gather3A_1464 : vector<16xf32>
        %iota3A_1466 = tpu.iota {dimensions = array<i32: 0>} : vector<16xi32>
        %xor3A_1467 = arith.constant 2 : i32
        %xor3A_1468 = vector.broadcast %xor3A_1467 : i32 to vector<16xi32>
        %xor3A_1469 = arith.xori %iota3A_1466, %xor3A_1468 : vector<16xi32>
        %lt3A_1470 = arith.constant 0 : i32
        %lt3A_1471 = vector.broadcast %lt3A_1470 : i32 to vector<16xi32>
        %lt3A_1472 = arith.cmpi slt, %xor3A_1469, %lt3A_1471 : vector<16xi32>
        %add3A_1473 = arith.constant 16 : i32
        %add3A_1474 = vector.broadcast %add3A_1473 : i32 to vector<16xi32>
        %add3A_1475 = arith.addi %xor3A_1469, %add3A_1474 : vector<16xi32>
        %select_n3A_1476 = arith.select %lt3A_1472, %add3A_1475, %xor3A_1469 : vector<16xi1>, vector<16xi32>
        %broadcast_in_dim3A_1477 = vector.shape_cast %select_n3A_1476 : vector<16xi32> to vector<16x1xi32>
        %gather3A_1478 = vector.shape_cast %broadcast_in_dim3A_1477 : vector<16x1xi32> to vector<16xi32>
        %gather3A_1479 = tpu.dynamic_gather %add3A_1465[%gather3A_1478] in [0] : vector<16xf32>, vector<16xi32> -> vector<16xf32>
        %add3A_1480 = arith.addf %add3A_1465, %gather3A_1479 : vector<16xf32>
        %iota3A_1481 = tpu.iota {dimensions = array<i32: 0>} : vector<16xi32>
        %xor3A_1482 = arith.constant 1 : i32
        %xor3A_1483 = vector.broadcast %xor3A_1482 : i32 to vector<16xi32>
        %xor3A_1484 = arith.xori %iota3A_1481, %xor3A_1483 : vector<16xi32>
        %lt3A_1485 = arith.constant 0 : i32
        %lt3A_1486 = vector.broadcast %lt3A_1485 : i32 to vector<16xi32>
        %lt3A_1487 = arith.cmpi slt, %xor3A_1484, %lt3A_1486 : vector<16xi32>
        %add3A_1488 = arith.constant 16 : i32
        %add3A_1489 = vector.broadcast %add3A_1488 : i32 to vector<16xi32>
        %add3A_1490 = arith.addi %xor3A_1484, %add3A_1489 : vector<16xi32>
        %select_n3A_1491 = arith.select %lt3A_1487, %add3A_1490, %xor3A_1484 : vector<16xi1>, vector<16xi32>
        %broadcast_in_dim3A_1492 = vector.shape_cast %select_n3A_1491 : vector<16xi32> to vector<16x1xi32>
        %gather3A_1493 = vector.shape_cast %broadcast_in_dim3A_1492 : vector<16x1xi32> to vector<16xi32>
        %gather3A_1494 = tpu.dynamic_gather %add3A_1480[%gather3A_1493] in [0] : vector<16xf32>, vector<16xi32> -> vector<16xf32>
        %add3A_1495 = arith.addf %add3A_1480, %gather3A_1494 : vector<16xf32>
        %mul3A_1496 = arith.constant 5.000000e+00 : f32
        %mul3A_1497 = vector.broadcast %mul3A_1496 : f32 to vector<16xf32>
        %mul3A_1498 = arith.mulf %add3A_1495, %mul3A_1497 : vector<16xf32>
        %select_n3A_1499 = arith.select %eq3A_1435, %mul3A_1498, %select_n3A_1299 : vector<16xi1>, vector<16xf32>
        %mul3A_1500 = arith.constant 11 : i32
        %mul3A_1501 = arith.muli %scan3A_277, %mul3A_1500 : i32
        %add3A_1502 = arith.constant 6 : i32
        %add3A_1503 = arith.addi %mul3A_1501, %add3A_1502 : i32
        %get3A_1504 = arith.constant 0 : i32
        %get3A_1505 = arith.index_cast %get3A_1504 : i32 to index
        %get3A_1506 = arith.index_cast %add3A_1503 : i32 to index
        %get3A_1507 = arith.constant 0 : index
        %get3A_1508 = tpu.vector_load %arg9[%get3A_1505, %get3A_1506, %get3A_1507] {strides = array<i32>} : memref<2x352x128xf32, #tpu.memory_space<vmem>>, vector<1x1x16xf32>,
        %get3A_1509 = vector.shape_cast %get3A_1508 : vector<1x1x16xf32> to vector<16xf32>
        %mul3A_1510 = arith.mulf %get3A_1509, %get3A_282 : vector<16xf32>
        %get3A_1511 = arith.constant 0 : i32
        %get3A_1512 = arith.index_cast %get3A_1511 : i32 to index
        %get3A_1513 = arith.index_cast %add3A_1503 : i32 to index
        %get3A_1514 = arith.constant 16 : index
        %get3A_1515 = tpu.vector_load %arg9[%get3A_1512, %get3A_1513, %get3A_1514] {strides = array<i32>} : memref<2x352x128xf32, #tpu.memory_space<vmem>>, vector<1x1x16xf32>,
        %get3A_1516 = vector.shape_cast %get3A_1515 : vector<1x1x16xf32> to vector<16xf32>
        %mul3A_1517 = arith.mulf %get3A_1516, %get3A_288 : vector<16xf32>
        %add3A_1518 = arith.addf %mul3A_1510, %mul3A_1517 : vector<16xf32>
        %get3A_1519 = arith.constant 0 : i32
        %get3A_1520 = arith.index_cast %get3A_1519 : i32 to index
        %get3A_1521 = arith.index_cast %add3A_1503 : i32 to index
        %get3A_1522 = arith.constant 32 : index
        %get3A_1523 = tpu.vector_load %arg9[%get3A_1520, %get3A_1521, %get3A_1522] {strides = array<i32>} : memref<2x352x128xf32, #tpu.memory_space<vmem>>, vector<1x1x16xf32>,
        %get3A_1524 = vector.shape_cast %get3A_1523 : vector<1x1x16xf32> to vector<16xf32>
        %mul3A_1525 = arith.mulf %get3A_1524, %get3A_294 : vector<16xf32>
        %add3A_1526 = arith.addf %add3A_1518, %mul3A_1525 : vector<16xf32>
        %get3A_1527 = arith.constant 0 : i32
        %get3A_1528 = arith.index_cast %get3A_1527 : i32 to index
        %get3A_1529 = arith.index_cast %add3A_1503 : i32 to index
        %get3A_1530 = arith.constant 48 : index
        %get3A_1531 = tpu.vector_load %arg9[%get3A_1528, %get3A_1529, %get3A_1530] {strides = array<i32>} : memref<2x352x128xf32, #tpu.memory_space<vmem>>, vector<1x1x16xf32>,
        %get3A_1532 = vector.shape_cast %get3A_1531 : vector<1x1x16xf32> to vector<16xf32>
        %mul3A_1533 = arith.mulf %get3A_1532, %get3A_300 : vector<16xf32>
        %add3A_1534 = arith.addf %add3A_1526, %mul3A_1533 : vector<16xf32>
        %eq3A_1535 = arith.constant 6 : i32
        %eq3A_1536 = vector.broadcast %eq3A_1535 : i32 to vector<16xi32>
        %eq3A_1537 = arith.cmpi eq, %iota3A, %eq3A_1536 : vector<16xi32>
        %iota3A_1538 = tpu.iota {dimensions = array<i32: 0>} : vector<16xi32>
        %xor3A_1539 = arith.constant 8 : i32
        %xor3A_1540 = vector.broadcast %xor3A_1539 : i32 to vector<16xi32>
        %xor3A_1541 = arith.xori %iota3A_1538, %xor3A_1540 : vector<16xi32>
        %lt3A_1542 = arith.constant 0 : i32
        %lt3A_1543 = vector.broadcast %lt3A_1542 : i32 to vector<16xi32>
        %lt3A_1544 = arith.cmpi slt, %xor3A_1541, %lt3A_1543 : vector<16xi32>
        %add3A_1545 = arith.constant 16 : i32
        %add3A_1546 = vector.broadcast %add3A_1545 : i32 to vector<16xi32>
        %add3A_1547 = arith.addi %xor3A_1541, %add3A_1546 : vector<16xi32>
        %select_n3A_1548 = arith.select %lt3A_1544, %add3A_1547, %xor3A_1541 : vector<16xi1>, vector<16xi32>
        %broadcast_in_dim3A_1549 = vector.shape_cast %select_n3A_1548 : vector<16xi32> to vector<16x1xi32>
        %gather3A_1550 = vector.shape_cast %broadcast_in_dim3A_1549 : vector<16x1xi32> to vector<16xi32>
        %gather3A_1551 = tpu.dynamic_gather %add3A_1534[%gather3A_1550] in [0] : vector<16xf32>, vector<16xi32> -> vector<16xf32>
        %add3A_1552 = arith.addf %add3A_1534, %gather3A_1551 : vector<16xf32>
        %iota3A_1553 = tpu.iota {dimensions = array<i32: 0>} : vector<16xi32>
        %xor3A_1554 = arith.constant 4 : i32
        %xor3A_1555 = vector.broadcast %xor3A_1554 : i32 to vector<16xi32>
        %xor3A_1556 = arith.xori %iota3A_1553, %xor3A_1555 : vector<16xi32>
        %lt3A_1557 = arith.constant 0 : i32
        %lt3A_1558 = vector.broadcast %lt3A_1557 : i32 to vector<16xi32>
        %lt3A_1559 = arith.cmpi slt, %xor3A_1556, %lt3A_1558 : vector<16xi32>
        %add3A_1560 = arith.constant 16 : i32
        %add3A_1561 = vector.broadcast %add3A_1560 : i32 to vector<16xi32>
        %add3A_1562 = arith.addi %xor3A_1556, %add3A_1561 : vector<16xi32>
        %select_n3A_1563 = arith.select %lt3A_1559, %add3A_1562, %xor3A_1556 : vector<16xi1>, vector<16xi32>
        %broadcast_in_dim3A_1564 = vector.shape_cast %select_n3A_1563 : vector<16xi32> to vector<16x1xi32>
        %gather3A_1565 = vector.shape_cast %broadcast_in_dim3A_1564 : vector<16x1xi32> to vector<16xi32>
        %gather3A_1566 = tpu.dynamic_gather %add3A_1552[%gather3A_1565] in [0] : vector<16xf32>, vector<16xi32> -> vector<16xf32>
        %add3A_1567 = arith.addf %add3A_1552, %gather3A_1566 : vector<16xf32>
        %iota3A_1568 = tpu.iota {dimensions = array<i32: 0>} : vector<16xi32>
        %xor3A_1569 = arith.constant 2 : i32
        %xor3A_1570 = vector.broadcast %xor3A_1569 : i32 to vector<16xi32>
        %xor3A_1571 = arith.xori %iota3A_1568, %xor3A_1570 : vector<16xi32>
        %lt3A_1572 = arith.constant 0 : i32
        %lt3A_1573 = vector.broadcast %lt3A_1572 : i32 to vector<16xi32>
        %lt3A_1574 = arith.cmpi slt, %xor3A_1571, %lt3A_1573 : vector<16xi32>
        %add3A_1575 = arith.constant 16 : i32
        %add3A_1576 = vector.broadcast %add3A_1575 : i32 to vector<16xi32>
        %add3A_1577 = arith.addi %xor3A_1571, %add3A_1576 : vector<16xi32>
        %select_n3A_1578 = arith.select %lt3A_1574, %add3A_1577, %xor3A_1571 : vector<16xi1>, vector<16xi32>
        %broadcast_in_dim3A_1579 = vector.shape_cast %select_n3A_1578 : vector<16xi32> to vector<16x1xi32>
        %gather3A_1580 = vector.shape_cast %broadcast_in_dim3A_1579 : vector<16x1xi32> to vector<16xi32>
        %gather3A_1581 = tpu.dynamic_gather %add3A_1567[%gather3A_1580] in [0] : vector<16xf32>, vector<16xi32> -> vector<16xf32>
        %add3A_1582 = arith.addf %add3A_1567, %gather3A_1581 : vector<16xf32>
        %iota3A_1583 = tpu.iota {dimensions = array<i32: 0>} : vector<16xi32>
        %xor3A_1584 = arith.constant 1 : i32
        %xor3A_1585 = vector.broadcast %xor3A_1584 : i32 to vector<16xi32>
        %xor3A_1586 = arith.xori %iota3A_1583, %xor3A_1585 : vector<16xi32>
        %lt3A_1587 = arith.constant 0 : i32
        %lt3A_1588 = vector.broadcast %lt3A_1587 : i32 to vector<16xi32>
        %lt3A_1589 = arith.cmpi slt, %xor3A_1586, %lt3A_1588 : vector<16xi32>
        %add3A_1590 = arith.constant 16 : i32
        %add3A_1591 = vector.broadcast %add3A_1590 : i32 to vector<16xi32>
        %add3A_1592 = arith.addi %xor3A_1586, %add3A_1591 : vector<16xi32>
        %select_n3A_1593 = arith.select %lt3A_1589, %add3A_1592, %xor3A_1586 : vector<16xi1>, vector<16xi32>
        %broadcast_in_dim3A_1594 = vector.shape_cast %select_n3A_1593 : vector<16xi32> to vector<16x1xi32>
        %gather3A_1595 = vector.shape_cast %broadcast_in_dim3A_1594 : vector<16x1xi32> to vector<16xi32>
        %gather3A_1596 = tpu.dynamic_gather %add3A_1582[%gather3A_1595] in [0] : vector<16xf32>, vector<16xi32> -> vector<16xf32>
        %add3A_1597 = arith.addf %add3A_1582, %gather3A_1596 : vector<16xf32>
        %mul3A_1598 = arith.constant 5.000000e+00 : f32
        %mul3A_1599 = vector.broadcast %mul3A_1598 : f32 to vector<16xf32>
        %mul3A_1600 = arith.mulf %add3A_1597, %mul3A_1599 : vector<16xf32>
        %select_n3A_1601 = arith.select %eq3A_1537, %mul3A_1600, %select_n3A_1401 : vector<16xi1>, vector<16xf32>
        %get3A_1602 = arith.constant 0 : i32
        %get3A_1603 = arith.index_cast %get3A_1602 : i32 to index
        %get3A_1604 = arith.index_cast %add3A_1503 : i32 to index
        %get3A_1605 = arith.constant 64 : index
        %get3A_1606 = tpu.vector_load %arg9[%get3A_1603, %get3A_1604, %get3A_1605] {strides = array<i32>} : memref<2x352x128xf32, #tpu.memory_space<vmem>>, vector<1x1x16xf32>,
        %get3A_1607 = vector.shape_cast %get3A_1606 : vector<1x1x16xf32> to vector<16xf32>
        %mul3A_1608 = arith.mulf %get3A_1607, %get3A_282 : vector<16xf32>
        %get3A_1609 = arith.constant 0 : i32
        %get3A_1610 = arith.index_cast %get3A_1609 : i32 to index
        %get3A_1611 = arith.index_cast %add3A_1503 : i32 to index
        %get3A_1612 = arith.constant 80 : index
        %get3A_1613 = tpu.vector_load %arg9[%get3A_1610, %get3A_1611, %get3A_1612] {strides = array<i32>} : memref<2x352x128xf32, #tpu.memory_space<vmem>>, vector<1x1x16xf32>,
        %get3A_1614 = vector.shape_cast %get3A_1613 : vector<1x1x16xf32> to vector<16xf32>
        %mul3A_1615 = arith.mulf %get3A_1614, %get3A_288 : vector<16xf32>
        %add3A_1616 = arith.addf %mul3A_1608, %mul3A_1615 : vector<16xf32>
        %get3A_1617 = arith.constant 0 : i32
        %get3A_1618 = arith.index_cast %get3A_1617 : i32 to index
        %get3A_1619 = arith.index_cast %add3A_1503 : i32 to index
        %get3A_1620 = arith.constant 96 : index
        %get3A_1621 = tpu.vector_load %arg9[%get3A_1618, %get3A_1619, %get3A_1620] {strides = array<i32>} : memref<2x352x128xf32, #tpu.memory_space<vmem>>, vector<1x1x16xf32>,
        %get3A_1622 = vector.shape_cast %get3A_1621 : vector<1x1x16xf32> to vector<16xf32>
        %mul3A_1623 = arith.mulf %get3A_1622, %get3A_294 : vector<16xf32>
        %add3A_1624 = arith.addf %add3A_1616, %mul3A_1623 : vector<16xf32>
        %get3A_1625 = arith.constant 0 : i32
        %get3A_1626 = arith.index_cast %get3A_1625 : i32 to index
        %get3A_1627 = arith.index_cast %add3A_1503 : i32 to index
        %get3A_1628 = arith.constant 112 : index
        %get3A_1629 = tpu.vector_load %arg9[%get3A_1626, %get3A_1627, %get3A_1628] {strides = array<i32>} : memref<2x352x128xf32, #tpu.memory_space<vmem>>, vector<1x1x16xf32>,
        %get3A_1630 = vector.shape_cast %get3A_1629 : vector<1x1x16xf32> to vector<16xf32>
        %mul3A_1631 = arith.mulf %get3A_1630, %get3A_300 : vector<16xf32>
        %add3A_1632 = arith.addf %add3A_1624, %mul3A_1631 : vector<16xf32>
        %eq3A_1633 = arith.constant 6 : i32
        %eq3A_1634 = vector.broadcast %eq3A_1633 : i32 to vector<16xi32>
        %eq3A_1635 = arith.cmpi eq, %iota3A, %eq3A_1634 : vector<16xi32>
        %iota3A_1636 = tpu.iota {dimensions = array<i32: 0>} : vector<16xi32>
        %xor3A_1637 = arith.constant 8 : i32
        %xor3A_1638 = vector.broadcast %xor3A_1637 : i32 to vector<16xi32>
        %xor3A_1639 = arith.xori %iota3A_1636, %xor3A_1638 : vector<16xi32>
        %lt3A_1640 = arith.constant 0 : i32
        %lt3A_1641 = vector.broadcast %lt3A_1640 : i32 to vector<16xi32>
        %lt3A_1642 = arith.cmpi slt, %xor3A_1639, %lt3A_1641 : vector<16xi32>
        %add3A_1643 = arith.constant 16 : i32
        %add3A_1644 = vector.broadcast %add3A_1643 : i32 to vector<16xi32>
        %add3A_1645 = arith.addi %xor3A_1639, %add3A_1644 : vector<16xi32>
        %select_n3A_1646 = arith.select %lt3A_1642, %add3A_1645, %xor3A_1639 : vector<16xi1>, vector<16xi32>
        %broadcast_in_dim3A_1647 = vector.shape_cast %select_n3A_1646 : vector<16xi32> to vector<16x1xi32>
        %gather3A_1648 = vector.shape_cast %broadcast_in_dim3A_1647 : vector<16x1xi32> to vector<16xi32>
        %gather3A_1649 = tpu.dynamic_gather %add3A_1632[%gather3A_1648] in [0] : vector<16xf32>, vector<16xi32> -> vector<16xf32>
        %add3A_1650 = arith.addf %add3A_1632, %gather3A_1649 : vector<16xf32>
        %iota3A_1651 = tpu.iota {dimensions = array<i32: 0>} : vector<16xi32>
        %xor3A_1652 = arith.constant 4 : i32
        %xor3A_1653 = vector.broadcast %xor3A_1652 : i32 to vector<16xi32>
        %xor3A_1654 = arith.xori %iota3A_1651, %xor3A_1653 : vector<16xi32>
        %lt3A_1655 = arith.constant 0 : i32
        %lt3A_1656 = vector.broadcast %lt3A_1655 : i32 to vector<16xi32>
        %lt3A_1657 = arith.cmpi slt, %xor3A_1654, %lt3A_1656 : vector<16xi32>
        %add3A_1658 = arith.constant 16 : i32
        %add3A_1659 = vector.broadcast %add3A_1658 : i32 to vector<16xi32>
        %add3A_1660 = arith.addi %xor3A_1654, %add3A_1659 : vector<16xi32>
        %select_n3A_1661 = arith.select %lt3A_1657, %add3A_1660, %xor3A_1654 : vector<16xi1>, vector<16xi32>
        %broadcast_in_dim3A_1662 = vector.shape_cast %select_n3A_1661 : vector<16xi32> to vector<16x1xi32>
        %gather3A_1663 = vector.shape_cast %broadcast_in_dim3A_1662 : vector<16x1xi32> to vector<16xi32>
        %gather3A_1664 = tpu.dynamic_gather %add3A_1650[%gather3A_1663] in [0] : vector<16xf32>, vector<16xi32> -> vector<16xf32>
        %add3A_1665 = arith.addf %add3A_1650, %gather3A_1664 : vector<16xf32>
        %iota3A_1666 = tpu.iota {dimensions = array<i32: 0>} : vector<16xi32>
        %xor3A_1667 = arith.constant 2 : i32
        %xor3A_1668 = vector.broadcast %xor3A_1667 : i32 to vector<16xi32>
        %xor3A_1669 = arith.xori %iota3A_1666, %xor3A_1668 : vector<16xi32>
        %lt3A_1670 = arith.constant 0 : i32
        %lt3A_1671 = vector.broadcast %lt3A_1670 : i32 to vector<16xi32>
        %lt3A_1672 = arith.cmpi slt, %xor3A_1669, %lt3A_1671 : vector<16xi32>
        %add3A_1673 = arith.constant 16 : i32
        %add3A_1674 = vector.broadcast %add3A_1673 : i32 to vector<16xi32>
        %add3A_1675 = arith.addi %xor3A_1669, %add3A_1674 : vector<16xi32>
        %select_n3A_1676 = arith.select %lt3A_1672, %add3A_1675, %xor3A_1669 : vector<16xi1>, vector<16xi32>
        %broadcast_in_dim3A_1677 = vector.shape_cast %select_n3A_1676 : vector<16xi32> to vector<16x1xi32>
        %gather3A_1678 = vector.shape_cast %broadcast_in_dim3A_1677 : vector<16x1xi32> to vector<16xi32>
        %gather3A_1679 = tpu.dynamic_gather %add3A_1665[%gather3A_1678] in [0] : vector<16xf32>, vector<16xi32> -> vector<16xf32>
        %add3A_1680 = arith.addf %add3A_1665, %gather3A_1679 : vector<16xf32>
        %iota3A_1681 = tpu.iota {dimensions = array<i32: 0>} : vector<16xi32>
        %xor3A_1682 = arith.constant 1 : i32
        %xor3A_1683 = vector.broadcast %xor3A_1682 : i32 to vector<16xi32>
        %xor3A_1684 = arith.xori %iota3A_1681, %xor3A_1683 : vector<16xi32>
        %lt3A_1685 = arith.constant 0 : i32
        %lt3A_1686 = vector.broadcast %lt3A_1685 : i32 to vector<16xi32>
        %lt3A_1687 = arith.cmpi slt, %xor3A_1684, %lt3A_1686 : vector<16xi32>
        %add3A_1688 = arith.constant 16 : i32
        %add3A_1689 = vector.broadcast %add3A_1688 : i32 to vector<16xi32>
        %add3A_1690 = arith.addi %xor3A_1684, %add3A_1689 : vector<16xi32>
        %select_n3A_1691 = arith.select %lt3A_1687, %add3A_1690, %xor3A_1684 : vector<16xi1>, vector<16xi32>
        %broadcast_in_dim3A_1692 = vector.shape_cast %select_n3A_1691 : vector<16xi32> to vector<16x1xi32>
        %gather3A_1693 = vector.shape_cast %broadcast_in_dim3A_1692 : vector<16x1xi32> to vector<16xi32>
        %gather3A_1694 = tpu.dynamic_gather %add3A_1680[%gather3A_1693] in [0] : vector<16xf32>, vector<16xi32> -> vector<16xf32>
        %add3A_1695 = arith.addf %add3A_1680, %gather3A_1694 : vector<16xf32>
        %mul3A_1696 = arith.constant 5.000000e+00 : f32
        %mul3A_1697 = vector.broadcast %mul3A_1696 : f32 to vector<16xf32>
        %mul3A_1698 = arith.mulf %add3A_1695, %mul3A_1697 : vector<16xf32>
        %select_n3A_1699 = arith.select %eq3A_1635, %mul3A_1698, %select_n3A_1499 : vector<16xi1>, vector<16xf32>
        %mul3A_1700 = arith.constant 11 : i32
        %mul3A_1701 = arith.muli %scan3A_277, %mul3A_1700 : i32
        %add3A_1702 = arith.constant 7 : i32
        %add3A_1703 = arith.addi %mul3A_1701, %add3A_1702 : i32
        %get3A_1704 = arith.constant 0 : i32
        %get3A_1705 = arith.index_cast %get3A_1704 : i32 to index
        %get3A_1706 = arith.index_cast %add3A_1703 : i32 to index
        %get3A_1707 = arith.constant 0 : index
        %get3A_1708 = tpu.vector_load %arg9[%get3A_1705, %get3A_1706, %get3A_1707] {strides = array<i32>} : memref<2x352x128xf32, #tpu.memory_space<vmem>>, vector<1x1x16xf32>,
        %get3A_1709 = vector.shape_cast %get3A_1708 : vector<1x1x16xf32> to vector<16xf32>
        %mul3A_1710 = arith.mulf %get3A_1709, %get3A_282 : vector<16xf32>
        %get3A_1711 = arith.constant 0 : i32
        %get3A_1712 = arith.index_cast %get3A_1711 : i32 to index
        %get3A_1713 = arith.index_cast %add3A_1703 : i32 to index
        %get3A_1714 = arith.constant 16 : index
        %get3A_1715 = tpu.vector_load %arg9[%get3A_1712, %get3A_1713, %get3A_1714] {strides = array<i32>} : memref<2x352x128xf32, #tpu.memory_space<vmem>>, vector<1x1x16xf32>,
        %get3A_1716 = vector.shape_cast %get3A_1715 : vector<1x1x16xf32> to vector<16xf32>
        %mul3A_1717 = arith.mulf %get3A_1716, %get3A_288 : vector<16xf32>
        %add3A_1718 = arith.addf %mul3A_1710, %mul3A_1717 : vector<16xf32>
        %get3A_1719 = arith.constant 0 : i32
        %get3A_1720 = arith.index_cast %get3A_1719 : i32 to index
        %get3A_1721 = arith.index_cast %add3A_1703 : i32 to index
        %get3A_1722 = arith.constant 32 : index
        %get3A_1723 = tpu.vector_load %arg9[%get3A_1720, %get3A_1721, %get3A_1722] {strides = array<i32>} : memref<2x352x128xf32, #tpu.memory_space<vmem>>, vector<1x1x16xf32>,
        %get3A_1724 = vector.shape_cast %get3A_1723 : vector<1x1x16xf32> to vector<16xf32>
        %mul3A_1725 = arith.mulf %get3A_1724, %get3A_294 : vector<16xf32>
        %add3A_1726 = arith.addf %add3A_1718, %mul3A_1725 : vector<16xf32>
        %get3A_1727 = arith.constant 0 : i32
        %get3A_1728 = arith.index_cast %get3A_1727 : i32 to index
        %get3A_1729 = arith.index_cast %add3A_1703 : i32 to index
        %get3A_1730 = arith.constant 48 : index
        %get3A_1731 = tpu.vector_load %arg9[%get3A_1728, %get3A_1729, %get3A_1730] {strides = array<i32>} : memref<2x352x128xf32, #tpu.memory_space<vmem>>, vector<1x1x16xf32>,
        %get3A_1732 = vector.shape_cast %get3A_1731 : vector<1x1x16xf32> to vector<16xf32>
        %mul3A_1733 = arith.mulf %get3A_1732, %get3A_300 : vector<16xf32>
        %add3A_1734 = arith.addf %add3A_1726, %mul3A_1733 : vector<16xf32>
        %eq3A_1735 = arith.constant 7 : i32
        %eq3A_1736 = vector.broadcast %eq3A_1735 : i32 to vector<16xi32>
        %eq3A_1737 = arith.cmpi eq, %iota3A, %eq3A_1736 : vector<16xi32>
        %iota3A_1738 = tpu.iota {dimensions = array<i32: 0>} : vector<16xi32>
        %xor3A_1739 = arith.constant 8 : i32
        %xor3A_1740 = vector.broadcast %xor3A_1739 : i32 to vector<16xi32>
        %xor3A_1741 = arith.xori %iota3A_1738, %xor3A_1740 : vector<16xi32>
        %lt3A_1742 = arith.constant 0 : i32
        %lt3A_1743 = vector.broadcast %lt3A_1742 : i32 to vector<16xi32>
        %lt3A_1744 = arith.cmpi slt, %xor3A_1741, %lt3A_1743 : vector<16xi32>
        %add3A_1745 = arith.constant 16 : i32
        %add3A_1746 = vector.broadcast %add3A_1745 : i32 to vector<16xi32>
        %add3A_1747 = arith.addi %xor3A_1741, %add3A_1746 : vector<16xi32>
        %select_n3A_1748 = arith.select %lt3A_1744, %add3A_1747, %xor3A_1741 : vector<16xi1>, vector<16xi32>
        %broadcast_in_dim3A_1749 = vector.shape_cast %select_n3A_1748 : vector<16xi32> to vector<16x1xi32>
        %gather3A_1750 = vector.shape_cast %broadcast_in_dim3A_1749 : vector<16x1xi32> to vector<16xi32>
        %gather3A_1751 = tpu.dynamic_gather %add3A_1734[%gather3A_1750] in [0] : vector<16xf32>, vector<16xi32> -> vector<16xf32>
        %add3A_1752 = arith.addf %add3A_1734, %gather3A_1751 : vector<16xf32>
        %iota3A_1753 = tpu.iota {dimensions = array<i32: 0>} : vector<16xi32>
        %xor3A_1754 = arith.constant 4 : i32
        %xor3A_1755 = vector.broadcast %xor3A_1754 : i32 to vector<16xi32>
        %xor3A_1756 = arith.xori %iota3A_1753, %xor3A_1755 : vector<16xi32>
        %lt3A_1757 = arith.constant 0 : i32
        %lt3A_1758 = vector.broadcast %lt3A_1757 : i32 to vector<16xi32>
        %lt3A_1759 = arith.cmpi slt, %xor3A_1756, %lt3A_1758 : vector<16xi32>
        %add3A_1760 = arith.constant 16 : i32
        %add3A_1761 = vector.broadcast %add3A_1760 : i32 to vector<16xi32>
        %add3A_1762 = arith.addi %xor3A_1756, %add3A_1761 : vector<16xi32>
        %select_n3A_1763 = arith.select %lt3A_1759, %add3A_1762, %xor3A_1756 : vector<16xi1>, vector<16xi32>
        %broadcast_in_dim3A_1764 = vector.shape_cast %select_n3A_1763 : vector<16xi32> to vector<16x1xi32>
        %gather3A_1765 = vector.shape_cast %broadcast_in_dim3A_1764 : vector<16x1xi32> to vector<16xi32>
        %gather3A_1766 = tpu.dynamic_gather %add3A_1752[%gather3A_1765] in [0] : vector<16xf32>, vector<16xi32> -> vector<16xf32>
        %add3A_1767 = arith.addf %add3A_1752, %gather3A_1766 : vector<16xf32>
        %iota3A_1768 = tpu.iota {dimensions = array<i32: 0>} : vector<16xi32>
        %xor3A_1769 = arith.constant 2 : i32
        %xor3A_1770 = vector.broadcast %xor3A_1769 : i32 to vector<16xi32>
        %xor3A_1771 = arith.xori %iota3A_1768, %xor3A_1770 : vector<16xi32>
        %lt3A_1772 = arith.constant 0 : i32
        %lt3A_1773 = vector.broadcast %lt3A_1772 : i32 to vector<16xi32>
        %lt3A_1774 = arith.cmpi slt, %xor3A_1771, %lt3A_1773 : vector<16xi32>
        %add3A_1775 = arith.constant 16 : i32
        %add3A_1776 = vector.broadcast %add3A_1775 : i32 to vector<16xi32>
        %add3A_1777 = arith.addi %xor3A_1771, %add3A_1776 : vector<16xi32>
        %select_n3A_1778 = arith.select %lt3A_1774, %add3A_1777, %xor3A_1771 : vector<16xi1>, vector<16xi32>
        %broadcast_in_dim3A_1779 = vector.shape_cast %select_n3A_1778 : vector<16xi32> to vector<16x1xi32>
        %gather3A_1780 = vector.shape_cast %broadcast_in_dim3A_1779 : vector<16x1xi32> to vector<16xi32>
        %gather3A_1781 = tpu.dynamic_gather %add3A_1767[%gather3A_1780] in [0] : vector<16xf32>, vector<16xi32> -> vector<16xf32>
        %add3A_1782 = arith.addf %add3A_1767, %gather3A_1781 : vector<16xf32>
        %iota3A_1783 = tpu.iota {dimensions = array<i32: 0>} : vector<16xi32>
        %xor3A_1784 = arith.constant 1 : i32
        %xor3A_1785 = vector.broadcast %xor3A_1784 : i32 to vector<16xi32>
        %xor3A_1786 = arith.xori %iota3A_1783, %xor3A_1785 : vector<16xi32>
        %lt3A_1787 = arith.constant 0 : i32
        %lt3A_1788 = vector.broadcast %lt3A_1787 : i32 to vector<16xi32>
        %lt3A_1789 = arith.cmpi slt, %xor3A_1786, %lt3A_1788 : vector<16xi32>
        %add3A_1790 = arith.constant 16 : i32
        %add3A_1791 = vector.broadcast %add3A_1790 : i32 to vector<16xi32>
        %add3A_1792 = arith.addi %xor3A_1786, %add3A_1791 : vector<16xi32>
        %select_n3A_1793 = arith.select %lt3A_1789, %add3A_1792, %xor3A_1786 : vector<16xi1>, vector<16xi32>
        %broadcast_in_dim3A_1794 = vector.shape_cast %select_n3A_1793 : vector<16xi32> to vector<16x1xi32>
        %gather3A_1795 = vector.shape_cast %broadcast_in_dim3A_1794 : vector<16x1xi32> to vector<16xi32>
        %gather3A_1796 = tpu.dynamic_gather %add3A_1782[%gather3A_1795] in [0] : vector<16xf32>, vector<16xi32> -> vector<16xf32>
        %add3A_1797 = arith.addf %add3A_1782, %gather3A_1796 : vector<16xf32>
        %mul3A_1798 = arith.constant 5.000000e+00 : f32
        %mul3A_1799 = vector.broadcast %mul3A_1798 : f32 to vector<16xf32>
        %mul3A_1800 = arith.mulf %add3A_1797, %mul3A_1799 : vector<16xf32>
        %select_n3A_1801 = arith.select %eq3A_1737, %mul3A_1800, %select_n3A_1601 : vector<16xi1>, vector<16xf32>
        %get3A_1802 = arith.constant 0 : i32
        %get3A_1803 = arith.index_cast %get3A_1802 : i32 to index
        %get3A_1804 = arith.index_cast %add3A_1703 : i32 to index
        %get3A_1805 = arith.constant 64 : index
        %get3A_1806 = tpu.vector_load %arg9[%get3A_1803, %get3A_1804, %get3A_1805] {strides = array<i32>} : memref<2x352x128xf32, #tpu.memory_space<vmem>>, vector<1x1x16xf32>,
        %get3A_1807 = vector.shape_cast %get3A_1806 : vector<1x1x16xf32> to vector<16xf32>
        %mul3A_1808 = arith.mulf %get3A_1807, %get3A_282 : vector<16xf32>
        %get3A_1809 = arith.constant 0 : i32
        %get3A_1810 = arith.index_cast %get3A_1809 : i32 to index
        %get3A_1811 = arith.index_cast %add3A_1703 : i32 to index
        %get3A_1812 = arith.constant 80 : index
        %get3A_1813 = tpu.vector_load %arg9[%get3A_1810, %get3A_1811, %get3A_1812] {strides = array<i32>} : memref<2x352x128xf32, #tpu.memory_space<vmem>>, vector<1x1x16xf32>,
        %get3A_1814 = vector.shape_cast %get3A_1813 : vector<1x1x16xf32> to vector<16xf32>
        %mul3A_1815 = arith.mulf %get3A_1814, %get3A_288 : vector<16xf32>
        %add3A_1816 = arith.addf %mul3A_1808, %mul3A_1815 : vector<16xf32>
        %get3A_1817 = arith.constant 0 : i32
        %get3A_1818 = arith.index_cast %get3A_1817 : i32 to index
        %get3A_1819 = arith.index_cast %add3A_1703 : i32 to index
        %get3A_1820 = arith.constant 96 : index
        %get3A_1821 = tpu.vector_load %arg9[%get3A_1818, %get3A_1819, %get3A_1820] {strides = array<i32>} : memref<2x352x128xf32, #tpu.memory_space<vmem>>, vector<1x1x16xf32>,
        %get3A_1822 = vector.shape_cast %get3A_1821 : vector<1x1x16xf32> to vector<16xf32>
        %mul3A_1823 = arith.mulf %get3A_1822, %get3A_294 : vector<16xf32>
        %add3A_1824 = arith.addf %add3A_1816, %mul3A_1823 : vector<16xf32>
        %get3A_1825 = arith.constant 0 : i32
        %get3A_1826 = arith.index_cast %get3A_1825 : i32 to index
        %get3A_1827 = arith.index_cast %add3A_1703 : i32 to index
        %get3A_1828 = arith.constant 112 : index
        %get3A_1829 = tpu.vector_load %arg9[%get3A_1826, %get3A_1827, %get3A_1828] {strides = array<i32>} : memref<2x352x128xf32, #tpu.memory_space<vmem>>, vector<1x1x16xf32>,
        %get3A_1830 = vector.shape_cast %get3A_1829 : vector<1x1x16xf32> to vector<16xf32>
        %mul3A_1831 = arith.mulf %get3A_1830, %get3A_300 : vector<16xf32>
        %add3A_1832 = arith.addf %add3A_1824, %mul3A_1831 : vector<16xf32>
        %eq3A_1833 = arith.constant 7 : i32
        %eq3A_1834 = vector.broadcast %eq3A_1833 : i32 to vector<16xi32>
        %eq3A_1835 = arith.cmpi eq, %iota3A, %eq3A_1834 : vector<16xi32>
        %iota3A_1836 = tpu.iota {dimensions = array<i32: 0>} : vector<16xi32>
        %xor3A_1837 = arith.constant 8 : i32
        %xor3A_1838 = vector.broadcast %xor3A_1837 : i32 to vector<16xi32>
        %xor3A_1839 = arith.xori %iota3A_1836, %xor3A_1838 : vector<16xi32>
        %lt3A_1840 = arith.constant 0 : i32
        %lt3A_1841 = vector.broadcast %lt3A_1840 : i32 to vector<16xi32>
        %lt3A_1842 = arith.cmpi slt, %xor3A_1839, %lt3A_1841 : vector<16xi32>
        %add3A_1843 = arith.constant 16 : i32
        %add3A_1844 = vector.broadcast %add3A_1843 : i32 to vector<16xi32>
        %add3A_1845 = arith.addi %xor3A_1839, %add3A_1844 : vector<16xi32>
        %select_n3A_1846 = arith.select %lt3A_1842, %add3A_1845, %xor3A_1839 : vector<16xi1>, vector<16xi32>
        %broadcast_in_dim3A_1847 = vector.shape_cast %select_n3A_1846 : vector<16xi32> to vector<16x1xi32>
        %gather3A_1848 = vector.shape_cast %broadcast_in_dim3A_1847 : vector<16x1xi32> to vector<16xi32>
        %gather3A_1849 = tpu.dynamic_gather %add3A_1832[%gather3A_1848] in [0] : vector<16xf32>, vector<16xi32> -> vector<16xf32>
        %add3A_1850 = arith.addf %add3A_1832, %gather3A_1849 : vector<16xf32>
        %iota3A_1851 = tpu.iota {dimensions = array<i32: 0>} : vector<16xi32>
        %xor3A_1852 = arith.constant 4 : i32
        %xor3A_1853 = vector.broadcast %xor3A_1852 : i32 to vector<16xi32>
        %xor3A_1854 = arith.xori %iota3A_1851, %xor3A_1853 : vector<16xi32>
        %lt3A_1855 = arith.constant 0 : i32
        %lt3A_1856 = vector.broadcast %lt3A_1855 : i32 to vector<16xi32>
        %lt3A_1857 = arith.cmpi slt, %xor3A_1854, %lt3A_1856 : vector<16xi32>
        %add3A_1858 = arith.constant 16 : i32
        %add3A_1859 = vector.broadcast %add3A_1858 : i32 to vector<16xi32>
        %add3A_1860 = arith.addi %xor3A_1854, %add3A_1859 : vector<16xi32>
        %select_n3A_1861 = arith.select %lt3A_1857, %add3A_1860, %xor3A_1854 : vector<16xi1>, vector<16xi32>
        %broadcast_in_dim3A_1862 = vector.shape_cast %select_n3A_1861 : vector<16xi32> to vector<16x1xi32>
        %gather3A_1863 = vector.shape_cast %broadcast_in_dim3A_1862 : vector<16x1xi32> to vector<16xi32>
        %gather3A_1864 = tpu.dynamic_gather %add3A_1850[%gather3A_1863] in [0] : vector<16xf32>, vector<16xi32> -> vector<16xf32>
        %add3A_1865 = arith.addf %add3A_1850, %gather3A_1864 : vector<16xf32>
        %iota3A_1866 = tpu.iota {dimensions = array<i32: 0>} : vector<16xi32>
        %xor3A_1867 = arith.constant 2 : i32
        %xor3A_1868 = vector.broadcast %xor3A_1867 : i32 to vector<16xi32>
        %xor3A_1869 = arith.xori %iota3A_1866, %xor3A_1868 : vector<16xi32>
        %lt3A_1870 = arith.constant 0 : i32
        %lt3A_1871 = vector.broadcast %lt3A_1870 : i32 to vector<16xi32>
        %lt3A_1872 = arith.cmpi slt, %xor3A_1869, %lt3A_1871 : vector<16xi32>
        %add3A_1873 = arith.constant 16 : i32
        %add3A_1874 = vector.broadcast %add3A_1873 : i32 to vector<16xi32>
        %add3A_1875 = arith.addi %xor3A_1869, %add3A_1874 : vector<16xi32>
        %select_n3A_1876 = arith.select %lt3A_1872, %add3A_1875, %xor3A_1869 : vector<16xi1>, vector<16xi32>
        %broadcast_in_dim3A_1877 = vector.shape_cast %select_n3A_1876 : vector<16xi32> to vector<16x1xi32>
        %gather3A_1878 = vector.shape_cast %broadcast_in_dim3A_1877 : vector<16x1xi32> to vector<16xi32>
        %gather3A_1879 = tpu.dynamic_gather %add3A_1865[%gather3A_1878] in [0] : vector<16xf32>, vector<16xi32> -> vector<16xf32>
        %add3A_1880 = arith.addf %add3A_1865, %gather3A_1879 : vector<16xf32>
        %iota3A_1881 = tpu.iota {dimensions = array<i32: 0>} : vector<16xi32>
        %xor3A_1882 = arith.constant 1 : i32
        %xor3A_1883 = vector.broadcast %xor3A_1882 : i32 to vector<16xi32>
        %xor3A_1884 = arith.xori %iota3A_1881, %xor3A_1883 : vector<16xi32>
        %lt3A_1885 = arith.constant 0 : i32
        %lt3A_1886 = vector.broadcast %lt3A_1885 : i32 to vector<16xi32>
        %lt3A_1887 = arith.cmpi slt, %xor3A_1884, %lt3A_1886 : vector<16xi32>
        %add3A_1888 = arith.constant 16 : i32
        %add3A_1889 = vector.broadcast %add3A_1888 : i32 to vector<16xi32>
        %add3A_1890 = arith.addi %xor3A_1884, %add3A_1889 : vector<16xi32>
        %select_n3A_1891 = arith.select %lt3A_1887, %add3A_1890, %xor3A_1884 : vector<16xi1>, vector<16xi32>
        %broadcast_in_dim3A_1892 = vector.shape_cast %select_n3A_1891 : vector<16xi32> to vector<16x1xi32>
        %gather3A_1893 = vector.shape_cast %broadcast_in_dim3A_1892 : vector<16x1xi32> to vector<16xi32>
        %gather3A_1894 = tpu.dynamic_gather %add3A_1880[%gather3A_1893] in [0] : vector<16xf32>, vector<16xi32> -> vector<16xf32>
        %add3A_1895 = arith.addf %add3A_1880, %gather3A_1894 : vector<16xf32>
        %mul3A_1896 = arith.constant 5.000000e+00 : f32
        %mul3A_1897 = vector.broadcast %mul3A_1896 : f32 to vector<16xf32>
        %mul3A_1898 = arith.mulf %add3A_1895, %mul3A_1897 : vector<16xf32>
        %select_n3A_1899 = arith.select %eq3A_1835, %mul3A_1898, %select_n3A_1699 : vector<16xi1>, vector<16xf32>
        %mul3A_1900 = arith.constant 11 : i32
        %mul3A_1901 = arith.muli %scan3A_277, %mul3A_1900 : i32
        %add3A_1902 = arith.constant 8 : i32
        %add3A_1903 = arith.addi %mul3A_1901, %add3A_1902 : i32
        %get3A_1904 = arith.constant 0 : i32
        %get3A_1905 = arith.index_cast %get3A_1904 : i32 to index
        %get3A_1906 = arith.index_cast %add3A_1903 : i32 to index
        %get3A_1907 = arith.constant 0 : index
        %get3A_1908 = tpu.vector_load %arg9[%get3A_1905, %get3A_1906, %get3A_1907] {strides = array<i32>} : memref<2x352x128xf32, #tpu.memory_space<vmem>>, vector<1x1x16xf32>,
        %get3A_1909 = vector.shape_cast %get3A_1908 : vector<1x1x16xf32> to vector<16xf32>
        %mul3A_1910 = arith.mulf %get3A_1909, %get3A_282 : vector<16xf32>
        %get3A_1911 = arith.constant 0 : i32
        %get3A_1912 = arith.index_cast %get3A_1911 : i32 to index
        %get3A_1913 = arith.index_cast %add3A_1903 : i32 to index
        %get3A_1914 = arith.constant 16 : index
        %get3A_1915 = tpu.vector_load %arg9[%get3A_1912, %get3A_1913, %get3A_1914] {strides = array<i32>} : memref<2x352x128xf32, #tpu.memory_space<vmem>>, vector<1x1x16xf32>,
        %get3A_1916 = vector.shape_cast %get3A_1915 : vector<1x1x16xf32> to vector<16xf32>
        %mul3A_1917 = arith.mulf %get3A_1916, %get3A_288 : vector<16xf32>
        %add3A_1918 = arith.addf %mul3A_1910, %mul3A_1917 : vector<16xf32>
        %get3A_1919 = arith.constant 0 : i32
        %get3A_1920 = arith.index_cast %get3A_1919 : i32 to index
        %get3A_1921 = arith.index_cast %add3A_1903 : i32 to index
        %get3A_1922 = arith.constant 32 : index
        %get3A_1923 = tpu.vector_load %arg9[%get3A_1920, %get3A_1921, %get3A_1922] {strides = array<i32>} : memref<2x352x128xf32, #tpu.memory_space<vmem>>, vector<1x1x16xf32>,
        %get3A_1924 = vector.shape_cast %get3A_1923 : vector<1x1x16xf32> to vector<16xf32>
        %mul3A_1925 = arith.mulf %get3A_1924, %get3A_294 : vector<16xf32>
        %add3A_1926 = arith.addf %add3A_1918, %mul3A_1925 : vector<16xf32>
        %get3A_1927 = arith.constant 0 : i32
        %get3A_1928 = arith.index_cast %get3A_1927 : i32 to index
        %get3A_1929 = arith.index_cast %add3A_1903 : i32 to index
        %get3A_1930 = arith.constant 48 : index
        %get3A_1931 = tpu.vector_load %arg9[%get3A_1928, %get3A_1929, %get3A_1930] {strides = array<i32>} : memref<2x352x128xf32, #tpu.memory_space<vmem>>, vector<1x1x16xf32>,
        %get3A_1932 = vector.shape_cast %get3A_1931 : vector<1x1x16xf32> to vector<16xf32>
        %mul3A_1933 = arith.mulf %get3A_1932, %get3A_300 : vector<16xf32>
        %add3A_1934 = arith.addf %add3A_1926, %mul3A_1933 : vector<16xf32>
        %eq3A_1935 = arith.constant 8 : i32
        %eq3A_1936 = vector.broadcast %eq3A_1935 : i32 to vector<16xi32>
        %eq3A_1937 = arith.cmpi eq, %iota3A, %eq3A_1936 : vector<16xi32>
        %iota3A_1938 = tpu.iota {dimensions = array<i32: 0>} : vector<16xi32>
        %xor3A_1939 = arith.constant 8 : i32
        %xor3A_1940 = vector.broadcast %xor3A_1939 : i32 to vector<16xi32>
        %xor3A_1941 = arith.xori %iota3A_1938, %xor3A_1940 : vector<16xi32>
        %lt3A_1942 = arith.constant 0 : i32
        %lt3A_1943 = vector.broadcast %lt3A_1942 : i32 to vector<16xi32>
        %lt3A_1944 = arith.cmpi slt, %xor3A_1941, %lt3A_1943 : vector<16xi32>
        %add3A_1945 = arith.constant 16 : i32
        %add3A_1946 = vector.broadcast %add3A_1945 : i32 to vector<16xi32>
        %add3A_1947 = arith.addi %xor3A_1941, %add3A_1946 : vector<16xi32>
        %select_n3A_1948 = arith.select %lt3A_1944, %add3A_1947, %xor3A_1941 : vector<16xi1>, vector<16xi32>
        %broadcast_in_dim3A_1949 = vector.shape_cast %select_n3A_1948 : vector<16xi32> to vector<16x1xi32>
        %gather3A_1950 = vector.shape_cast %broadcast_in_dim3A_1949 : vector<16x1xi32> to vector<16xi32>
        %gather3A_1951 = tpu.dynamic_gather %add3A_1934[%gather3A_1950] in [0] : vector<16xf32>, vector<16xi32> -> vector<16xf32>
        %add3A_1952 = arith.addf %add3A_1934, %gather3A_1951 : vector<16xf32>
        %iota3A_1953 = tpu.iota {dimensions = array<i32: 0>} : vector<16xi32>
        %xor3A_1954 = arith.constant 4 : i32
        %xor3A_1955 = vector.broadcast %xor3A_1954 : i32 to vector<16xi32>
        %xor3A_1956 = arith.xori %iota3A_1953, %xor3A_1955 : vector<16xi32>
        %lt3A_1957 = arith.constant 0 : i32
        %lt3A_1958 = vector.broadcast %lt3A_1957 : i32 to vector<16xi32>
        %lt3A_1959 = arith.cmpi slt, %xor3A_1956, %lt3A_1958 : vector<16xi32>
        %add3A_1960 = arith.constant 16 : i32
        %add3A_1961 = vector.broadcast %add3A_1960 : i32 to vector<16xi32>
        %add3A_1962 = arith.addi %xor3A_1956, %add3A_1961 : vector<16xi32>
        %select_n3A_1963 = arith.select %lt3A_1959, %add3A_1962, %xor3A_1956 : vector<16xi1>, vector<16xi32>
        %broadcast_in_dim3A_1964 = vector.shape_cast %select_n3A_1963 : vector<16xi32> to vector<16x1xi32>
        %gather3A_1965 = vector.shape_cast %broadcast_in_dim3A_1964 : vector<16x1xi32> to vector<16xi32>
        %gather3A_1966 = tpu.dynamic_gather %add3A_1952[%gather3A_1965] in [0] : vector<16xf32>, vector<16xi32> -> vector<16xf32>
        %add3A_1967 = arith.addf %add3A_1952, %gather3A_1966 : vector<16xf32>
        %iota3A_1968 = tpu.iota {dimensions = array<i32: 0>} : vector<16xi32>
        %xor3A_1969 = arith.constant 2 : i32
        %xor3A_1970 = vector.broadcast %xor3A_1969 : i32 to vector<16xi32>
        %xor3A_1971 = arith.xori %iota3A_1968, %xor3A_1970 : vector<16xi32>
        %lt3A_1972 = arith.constant 0 : i32
        %lt3A_1973 = vector.broadcast %lt3A_1972 : i32 to vector<16xi32>
        %lt3A_1974 = arith.cmpi slt, %xor3A_1971, %lt3A_1973 : vector<16xi32>
        %add3A_1975 = arith.constant 16 : i32
        %add3A_1976 = vector.broadcast %add3A_1975 : i32 to vector<16xi32>
        %add3A_1977 = arith.addi %xor3A_1971, %add3A_1976 : vector<16xi32>
        %select_n3A_1978 = arith.select %lt3A_1974, %add3A_1977, %xor3A_1971 : vector<16xi1>, vector<16xi32>
        %broadcast_in_dim3A_1979 = vector.shape_cast %select_n3A_1978 : vector<16xi32> to vector<16x1xi32>
        %gather3A_1980 = vector.shape_cast %broadcast_in_dim3A_1979 : vector<16x1xi32> to vector<16xi32>
        %gather3A_1981 = tpu.dynamic_gather %add3A_1967[%gather3A_1980] in [0] : vector<16xf32>, vector<16xi32> -> vector<16xf32>
        %add3A_1982 = arith.addf %add3A_1967, %gather3A_1981 : vector<16xf32>
        %iota3A_1983 = tpu.iota {dimensions = array<i32: 0>} : vector<16xi32>
        %xor3A_1984 = arith.constant 1 : i32
        %xor3A_1985 = vector.broadcast %xor3A_1984 : i32 to vector<16xi32>
        %xor3A_1986 = arith.xori %iota3A_1983, %xor3A_1985 : vector<16xi32>
        %lt3A_1987 = arith.constant 0 : i32
        %lt3A_1988 = vector.broadcast %lt3A_1987 : i32 to vector<16xi32>
        %lt3A_1989 = arith.cmpi slt, %xor3A_1986, %lt3A_1988 : vector<16xi32>
        %add3A_1990 = arith.constant 16 : i32
        %add3A_1991 = vector.broadcast %add3A_1990 : i32 to vector<16xi32>
        %add3A_1992 = arith.addi %xor3A_1986, %add3A_1991 : vector<16xi32>
        %select_n3A_1993 = arith.select %lt3A_1989, %add3A_1992, %xor3A_1986 : vector<16xi1>, vector<16xi32>
        %broadcast_in_dim3A_1994 = vector.shape_cast %select_n3A_1993 : vector<16xi32> to vector<16x1xi32>
        %gather3A_1995 = vector.shape_cast %broadcast_in_dim3A_1994 : vector<16x1xi32> to vector<16xi32>
        %gather3A_1996 = tpu.dynamic_gather %add3A_1982[%gather3A_1995] in [0] : vector<16xf32>, vector<16xi32> -> vector<16xf32>
        %add3A_1997 = arith.addf %add3A_1982, %gather3A_1996 : vector<16xf32>
        %mul3A_1998 = arith.constant 5.000000e+00 : f32
        %mul3A_1999 = vector.broadcast %mul3A_1998 : f32 to vector<16xf32>
        %mul3A_2000 = arith.mulf %add3A_1997, %mul3A_1999 : vector<16xf32>
        %select_n3A_2001 = arith.select %eq3A_1937, %mul3A_2000, %select_n3A_1801 : vector<16xi1>, vector<16xf32>
        %get3A_2002 = arith.constant 0 : i32
        %get3A_2003 = arith.index_cast %get3A_2002 : i32 to index
        %get3A_2004 = arith.index_cast %add3A_1903 : i32 to index
        %get3A_2005 = arith.constant 64 : index
        %get3A_2006 = tpu.vector_load %arg9[%get3A_2003, %get3A_2004, %get3A_2005] {strides = array<i32>} : memref<2x352x128xf32, #tpu.memory_space<vmem>>, vector<1x1x16xf32>,
        %get3A_2007 = vector.shape_cast %get3A_2006 : vector<1x1x16xf32> to vector<16xf32>
        %mul3A_2008 = arith.mulf %get3A_2007, %get3A_282 : vector<16xf32>
        %get3A_2009 = arith.constant 0 : i32
        %get3A_2010 = arith.index_cast %get3A_2009 : i32 to index
        %get3A_2011 = arith.index_cast %add3A_1903 : i32 to index
        %get3A_2012 = arith.constant 80 : index
        %get3A_2013 = tpu.vector_load %arg9[%get3A_2010, %get3A_2011, %get3A_2012] {strides = array<i32>} : memref<2x352x128xf32, #tpu.memory_space<vmem>>, vector<1x1x16xf32>,
        %get3A_2014 = vector.shape_cast %get3A_2013 : vector<1x1x16xf32> to vector<16xf32>
        %mul3A_2015 = arith.mulf %get3A_2014, %get3A_288 : vector<16xf32>
        %add3A_2016 = arith.addf %mul3A_2008, %mul3A_2015 : vector<16xf32>
        %get3A_2017 = arith.constant 0 : i32
        %get3A_2018 = arith.index_cast %get3A_2017 : i32 to index
        %get3A_2019 = arith.index_cast %add3A_1903 : i32 to index
        %get3A_2020 = arith.constant 96 : index
        %get3A_2021 = tpu.vector_load %arg9[%get3A_2018, %get3A_2019, %get3A_2020] {strides = array<i32>} : memref<2x352x128xf32, #tpu.memory_space<vmem>>, vector<1x1x16xf32>,
        %get3A_2022 = vector.shape_cast %get3A_2021 : vector<1x1x16xf32> to vector<16xf32>
        %mul3A_2023 = arith.mulf %get3A_2022, %get3A_294 : vector<16xf32>
        %add3A_2024 = arith.addf %add3A_2016, %mul3A_2023 : vector<16xf32>
        %get3A_2025 = arith.constant 0 : i32
        %get3A_2026 = arith.index_cast %get3A_2025 : i32 to index
        %get3A_2027 = arith.index_cast %add3A_1903 : i32 to index
        %get3A_2028 = arith.constant 112 : index
        %get3A_2029 = tpu.vector_load %arg9[%get3A_2026, %get3A_2027, %get3A_2028] {strides = array<i32>} : memref<2x352x128xf32, #tpu.memory_space<vmem>>, vector<1x1x16xf32>,
        %get3A_2030 = vector.shape_cast %get3A_2029 : vector<1x1x16xf32> to vector<16xf32>
        %mul3A_2031 = arith.mulf %get3A_2030, %get3A_300 : vector<16xf32>
        %add3A_2032 = arith.addf %add3A_2024, %mul3A_2031 : vector<16xf32>
        %eq3A_2033 = arith.constant 8 : i32
        %eq3A_2034 = vector.broadcast %eq3A_2033 : i32 to vector<16xi32>
        %eq3A_2035 = arith.cmpi eq, %iota3A, %eq3A_2034 : vector<16xi32>
        %iota3A_2036 = tpu.iota {dimensions = array<i32: 0>} : vector<16xi32>
        %xor3A_2037 = arith.constant 8 : i32
        %xor3A_2038 = vector.broadcast %xor3A_2037 : i32 to vector<16xi32>
        %xor3A_2039 = arith.xori %iota3A_2036, %xor3A_2038 : vector<16xi32>
        %lt3A_2040 = arith.constant 0 : i32
        %lt3A_2041 = vector.broadcast %lt3A_2040 : i32 to vector<16xi32>
        %lt3A_2042 = arith.cmpi slt, %xor3A_2039, %lt3A_2041 : vector<16xi32>
        %add3A_2043 = arith.constant 16 : i32
        %add3A_2044 = vector.broadcast %add3A_2043 : i32 to vector<16xi32>
        %add3A_2045 = arith.addi %xor3A_2039, %add3A_2044 : vector<16xi32>
        %select_n3A_2046 = arith.select %lt3A_2042, %add3A_2045, %xor3A_2039 : vector<16xi1>, vector<16xi32>
        %broadcast_in_dim3A_2047 = vector.shape_cast %select_n3A_2046 : vector<16xi32> to vector<16x1xi32>
        %gather3A_2048 = vector.shape_cast %broadcast_in_dim3A_2047 : vector<16x1xi32> to vector<16xi32>
        %gather3A_2049 = tpu.dynamic_gather %add3A_2032[%gather3A_2048] in [0] : vector<16xf32>, vector<16xi32> -> vector<16xf32>
        %add3A_2050 = arith.addf %add3A_2032, %gather3A_2049 : vector<16xf32>
        %iota3A_2051 = tpu.iota {dimensions = array<i32: 0>} : vector<16xi32>
        %xor3A_2052 = arith.constant 4 : i32
        %xor3A_2053 = vector.broadcast %xor3A_2052 : i32 to vector<16xi32>
        %xor3A_2054 = arith.xori %iota3A_2051, %xor3A_2053 : vector<16xi32>
        %lt3A_2055 = arith.constant 0 : i32
        %lt3A_2056 = vector.broadcast %lt3A_2055 : i32 to vector<16xi32>
        %lt3A_2057 = arith.cmpi slt, %xor3A_2054, %lt3A_2056 : vector<16xi32>
        %add3A_2058 = arith.constant 16 : i32
        %add3A_2059 = vector.broadcast %add3A_2058 : i32 to vector<16xi32>
        %add3A_2060 = arith.addi %xor3A_2054, %add3A_2059 : vector<16xi32>
        %select_n3A_2061 = arith.select %lt3A_2057, %add3A_2060, %xor3A_2054 : vector<16xi1>, vector<16xi32>
        %broadcast_in_dim3A_2062 = vector.shape_cast %select_n3A_2061 : vector<16xi32> to vector<16x1xi32>
        %gather3A_2063 = vector.shape_cast %broadcast_in_dim3A_2062 : vector<16x1xi32> to vector<16xi32>
        %gather3A_2064 = tpu.dynamic_gather %add3A_2050[%gather3A_2063] in [0] : vector<16xf32>, vector<16xi32> -> vector<16xf32>
        %add3A_2065 = arith.addf %add3A_2050, %gather3A_2064 : vector<16xf32>
        %iota3A_2066 = tpu.iota {dimensions = array<i32: 0>} : vector<16xi32>
        %xor3A_2067 = arith.constant 2 : i32
        %xor3A_2068 = vector.broadcast %xor3A_2067 : i32 to vector<16xi32>
        %xor3A_2069 = arith.xori %iota3A_2066, %xor3A_2068 : vector<16xi32>
        %lt3A_2070 = arith.constant 0 : i32
        %lt3A_2071 = vector.broadcast %lt3A_2070 : i32 to vector<16xi32>
        %lt3A_2072 = arith.cmpi slt, %xor3A_2069, %lt3A_2071 : vector<16xi32>
        %add3A_2073 = arith.constant 16 : i32
        %add3A_2074 = vector.broadcast %add3A_2073 : i32 to vector<16xi32>
        %add3A_2075 = arith.addi %xor3A_2069, %add3A_2074 : vector<16xi32>
        %select_n3A_2076 = arith.select %lt3A_2072, %add3A_2075, %xor3A_2069 : vector<16xi1>, vector<16xi32>
        %broadcast_in_dim3A_2077 = vector.shape_cast %select_n3A_2076 : vector<16xi32> to vector<16x1xi32>
        %gather3A_2078 = vector.shape_cast %broadcast_in_dim3A_2077 : vector<16x1xi32> to vector<16xi32>
        %gather3A_2079 = tpu.dynamic_gather %add3A_2065[%gather3A_2078] in [0] : vector<16xf32>, vector<16xi32> -> vector<16xf32>
        %add3A_2080 = arith.addf %add3A_2065, %gather3A_2079 : vector<16xf32>
        %iota3A_2081 = tpu.iota {dimensions = array<i32: 0>} : vector<16xi32>
        %xor3A_2082 = arith.constant 1 : i32
        %xor3A_2083 = vector.broadcast %xor3A_2082 : i32 to vector<16xi32>
        %xor3A_2084 = arith.xori %iota3A_2081, %xor3A_2083 : vector<16xi32>
        %lt3A_2085 = arith.constant 0 : i32
        %lt3A_2086 = vector.broadcast %lt3A_2085 : i32 to vector<16xi32>
        %lt3A_2087 = arith.cmpi slt, %xor3A_2084, %lt3A_2086 : vector<16xi32>
        %add3A_2088 = arith.constant 16 : i32
        %add3A_2089 = vector.broadcast %add3A_2088 : i32 to vector<16xi32>
        %add3A_2090 = arith.addi %xor3A_2084, %add3A_2089 : vector<16xi32>
        %select_n3A_2091 = arith.select %lt3A_2087, %add3A_2090, %xor3A_2084 : vector<16xi1>, vector<16xi32>
        %broadcast_in_dim3A_2092 = vector.shape_cast %select_n3A_2091 : vector<16xi32> to vector<16x1xi32>
        %gather3A_2093 = vector.shape_cast %broadcast_in_dim3A_2092 : vector<16x1xi32> to vector<16xi32>
        %gather3A_2094 = tpu.dynamic_gather %add3A_2080[%gather3A_2093] in [0] : vector<16xf32>, vector<16xi32> -> vector<16xf32>
        %add3A_2095 = arith.addf %add3A_2080, %gather3A_2094 : vector<16xf32>
        %mul3A_2096 = arith.constant 5.000000e+00 : f32
        %mul3A_2097 = vector.broadcast %mul3A_2096 : f32 to vector<16xf32>
        %mul3A_2098 = arith.mulf %add3A_2095, %mul3A_2097 : vector<16xf32>
        %select_n3A_2099 = arith.select %eq3A_2035, %mul3A_2098, %select_n3A_1899 : vector<16xi1>, vector<16xf32>
        %mul3A_2100 = arith.constant 11 : i32
        %mul3A_2101 = arith.muli %scan3A_277, %mul3A_2100 : i32
        %add3A_2102 = arith.constant 9 : i32
        %add3A_2103 = arith.addi %mul3A_2101, %add3A_2102 : i32
        %get3A_2104 = arith.constant 0 : i32
        %get3A_2105 = arith.index_cast %get3A_2104 : i32 to index
        %get3A_2106 = arith.index_cast %add3A_2103 : i32 to index
        %get3A_2107 = arith.constant 0 : index
        %get3A_2108 = tpu.vector_load %arg9[%get3A_2105, %get3A_2106, %get3A_2107] {strides = array<i32>} : memref<2x352x128xf32, #tpu.memory_space<vmem>>, vector<1x1x16xf32>,
        %get3A_2109 = vector.shape_cast %get3A_2108 : vector<1x1x16xf32> to vector<16xf32>
        %mul3A_2110 = arith.mulf %get3A_2109, %get3A_282 : vector<16xf32>
        %get3A_2111 = arith.constant 0 : i32
        %get3A_2112 = arith.index_cast %get3A_2111 : i32 to index
        %get3A_2113 = arith.index_cast %add3A_2103 : i32 to index
        %get3A_2114 = arith.constant 16 : index
        %get3A_2115 = tpu.vector_load %arg9[%get3A_2112, %get3A_2113, %get3A_2114] {strides = array<i32>} : memref<2x352x128xf32, #tpu.memory_space<vmem>>, vector<1x1x16xf32>,
        %get3A_2116 = vector.shape_cast %get3A_2115 : vector<1x1x16xf32> to vector<16xf32>
        %mul3A_2117 = arith.mulf %get3A_2116, %get3A_288 : vector<16xf32>
        %add3A_2118 = arith.addf %mul3A_2110, %mul3A_2117 : vector<16xf32>
        %get3A_2119 = arith.constant 0 : i32
        %get3A_2120 = arith.index_cast %get3A_2119 : i32 to index
        %get3A_2121 = arith.index_cast %add3A_2103 : i32 to index
        %get3A_2122 = arith.constant 32 : index
        %get3A_2123 = tpu.vector_load %arg9[%get3A_2120, %get3A_2121, %get3A_2122] {strides = array<i32>} : memref<2x352x128xf32, #tpu.memory_space<vmem>>, vector<1x1x16xf32>,
        %get3A_2124 = vector.shape_cast %get3A_2123 : vector<1x1x16xf32> to vector<16xf32>
        %mul3A_2125 = arith.mulf %get3A_2124, %get3A_294 : vector<16xf32>
        %add3A_2126 = arith.addf %add3A_2118, %mul3A_2125 : vector<16xf32>
        %get3A_2127 = arith.constant 0 : i32
        %get3A_2128 = arith.index_cast %get3A_2127 : i32 to index
        %get3A_2129 = arith.index_cast %add3A_2103 : i32 to index
        %get3A_2130 = arith.constant 48 : index
        %get3A_2131 = tpu.vector_load %arg9[%get3A_2128, %get3A_2129, %get3A_2130] {strides = array<i32>} : memref<2x352x128xf32, #tpu.memory_space<vmem>>, vector<1x1x16xf32>,
        %get3A_2132 = vector.shape_cast %get3A_2131 : vector<1x1x16xf32> to vector<16xf32>
        %mul3A_2133 = arith.mulf %get3A_2132, %get3A_300 : vector<16xf32>
        %add3A_2134 = arith.addf %add3A_2126, %mul3A_2133 : vector<16xf32>
        %eq3A_2135 = arith.constant 9 : i32
        %eq3A_2136 = vector.broadcast %eq3A_2135 : i32 to vector<16xi32>
        %eq3A_2137 = arith.cmpi eq, %iota3A, %eq3A_2136 : vector<16xi32>
        %iota3A_2138 = tpu.iota {dimensions = array<i32: 0>} : vector<16xi32>
        %xor3A_2139 = arith.constant 8 : i32
        %xor3A_2140 = vector.broadcast %xor3A_2139 : i32 to vector<16xi32>
        %xor3A_2141 = arith.xori %iota3A_2138, %xor3A_2140 : vector<16xi32>
        %lt3A_2142 = arith.constant 0 : i32
        %lt3A_2143 = vector.broadcast %lt3A_2142 : i32 to vector<16xi32>
        %lt3A_2144 = arith.cmpi slt, %xor3A_2141, %lt3A_2143 : vector<16xi32>
        %add3A_2145 = arith.constant 16 : i32
        %add3A_2146 = vector.broadcast %add3A_2145 : i32 to vector<16xi32>
        %add3A_2147 = arith.addi %xor3A_2141, %add3A_2146 : vector<16xi32>
        %select_n3A_2148 = arith.select %lt3A_2144, %add3A_2147, %xor3A_2141 : vector<16xi1>, vector<16xi32>
        %broadcast_in_dim3A_2149 = vector.shape_cast %select_n3A_2148 : vector<16xi32> to vector<16x1xi32>
        %gather3A_2150 = vector.shape_cast %broadcast_in_dim3A_2149 : vector<16x1xi32> to vector<16xi32>
        %gather3A_2151 = tpu.dynamic_gather %add3A_2134[%gather3A_2150] in [0] : vector<16xf32>, vector<16xi32> -> vector<16xf32>
        %add3A_2152 = arith.addf %add3A_2134, %gather3A_2151 : vector<16xf32>
        %iota3A_2153 = tpu.iota {dimensions = array<i32: 0>} : vector<16xi32>
        %xor3A_2154 = arith.constant 4 : i32
        %xor3A_2155 = vector.broadcast %xor3A_2154 : i32 to vector<16xi32>
        %xor3A_2156 = arith.xori %iota3A_2153, %xor3A_2155 : vector<16xi32>
        %lt3A_2157 = arith.constant 0 : i32
        %lt3A_2158 = vector.broadcast %lt3A_2157 : i32 to vector<16xi32>
        %lt3A_2159 = arith.cmpi slt, %xor3A_2156, %lt3A_2158 : vector<16xi32>
        %add3A_2160 = arith.constant 16 : i32
        %add3A_2161 = vector.broadcast %add3A_2160 : i32 to vector<16xi32>
        %add3A_2162 = arith.addi %xor3A_2156, %add3A_2161 : vector<16xi32>
        %select_n3A_2163 = arith.select %lt3A_2159, %add3A_2162, %xor3A_2156 : vector<16xi1>, vector<16xi32>
        %broadcast_in_dim3A_2164 = vector.shape_cast %select_n3A_2163 : vector<16xi32> to vector<16x1xi32>
        %gather3A_2165 = vector.shape_cast %broadcast_in_dim3A_2164 : vector<16x1xi32> to vector<16xi32>
        %gather3A_2166 = tpu.dynamic_gather %add3A_2152[%gather3A_2165] in [0] : vector<16xf32>, vector<16xi32> -> vector<16xf32>
        %add3A_2167 = arith.addf %add3A_2152, %gather3A_2166 : vector<16xf32>
        %iota3A_2168 = tpu.iota {dimensions = array<i32: 0>} : vector<16xi32>
        %xor3A_2169 = arith.constant 2 : i32
        %xor3A_2170 = vector.broadcast %xor3A_2169 : i32 to vector<16xi32>
        %xor3A_2171 = arith.xori %iota3A_2168, %xor3A_2170 : vector<16xi32>
        %lt3A_2172 = arith.constant 0 : i32
        %lt3A_2173 = vector.broadcast %lt3A_2172 : i32 to vector<16xi32>
        %lt3A_2174 = arith.cmpi slt, %xor3A_2171, %lt3A_2173 : vector<16xi32>
        %add3A_2175 = arith.constant 16 : i32
        %add3A_2176 = vector.broadcast %add3A_2175 : i32 to vector<16xi32>
        %add3A_2177 = arith.addi %xor3A_2171, %add3A_2176 : vector<16xi32>
        %select_n3A_2178 = arith.select %lt3A_2174, %add3A_2177, %xor3A_2171 : vector<16xi1>, vector<16xi32>
        %broadcast_in_dim3A_2179 = vector.shape_cast %select_n3A_2178 : vector<16xi32> to vector<16x1xi32>
        %gather3A_2180 = vector.shape_cast %broadcast_in_dim3A_2179 : vector<16x1xi32> to vector<16xi32>
        %gather3A_2181 = tpu.dynamic_gather %add3A_2167[%gather3A_2180] in [0] : vector<16xf32>, vector<16xi32> -> vector<16xf32>
        %add3A_2182 = arith.addf %add3A_2167, %gather3A_2181 : vector<16xf32>
        %iota3A_2183 = tpu.iota {dimensions = array<i32: 0>} : vector<16xi32>
        %xor3A_2184 = arith.constant 1 : i32
        %xor3A_2185 = vector.broadcast %xor3A_2184 : i32 to vector<16xi32>
        %xor3A_2186 = arith.xori %iota3A_2183, %xor3A_2185 : vector<16xi32>
        %lt3A_2187 = arith.constant 0 : i32
        %lt3A_2188 = vector.broadcast %lt3A_2187 : i32 to vector<16xi32>
        %lt3A_2189 = arith.cmpi slt, %xor3A_2186, %lt3A_2188 : vector<16xi32>
        %add3A_2190 = arith.constant 16 : i32
        %add3A_2191 = vector.broadcast %add3A_2190 : i32 to vector<16xi32>
        %add3A_2192 = arith.addi %xor3A_2186, %add3A_2191 : vector<16xi32>
        %select_n3A_2193 = arith.select %lt3A_2189, %add3A_2192, %xor3A_2186 : vector<16xi1>, vector<16xi32>
        %broadcast_in_dim3A_2194 = vector.shape_cast %select_n3A_2193 : vector<16xi32> to vector<16x1xi32>
        %gather3A_2195 = vector.shape_cast %broadcast_in_dim3A_2194 : vector<16x1xi32> to vector<16xi32>
        %gather3A_2196 = tpu.dynamic_gather %add3A_2182[%gather3A_2195] in [0] : vector<16xf32>, vector<16xi32> -> vector<16xf32>
        %add3A_2197 = arith.addf %add3A_2182, %gather3A_2196 : vector<16xf32>
        %mul3A_2198 = arith.constant 5.000000e+00 : f32
        %mul3A_2199 = vector.broadcast %mul3A_2198 : f32 to vector<16xf32>
        %mul3A_2200 = arith.mulf %add3A_2197, %mul3A_2199 : vector<16xf32>
        %select_n3A_2201 = arith.select %eq3A_2137, %mul3A_2200, %select_n3A_2001 : vector<16xi1>, vector<16xf32>
        %get3A_2202 = arith.constant 0 : i32
        %get3A_2203 = arith.index_cast %get3A_2202 : i32 to index
        %get3A_2204 = arith.index_cast %add3A_2103 : i32 to index
        %get3A_2205 = arith.constant 64 : index
        %get3A_2206 = tpu.vector_load %arg9[%get3A_2203, %get3A_2204, %get3A_2205] {strides = array<i32>} : memref<2x352x128xf32, #tpu.memory_space<vmem>>, vector<1x1x16xf32>,
        %get3A_2207 = vector.shape_cast %get3A_2206 : vector<1x1x16xf32> to vector<16xf32>
        %mul3A_2208 = arith.mulf %get3A_2207, %get3A_282 : vector<16xf32>
        %get3A_2209 = arith.constant 0 : i32
        %get3A_2210 = arith.index_cast %get3A_2209 : i32 to index
        %get3A_2211 = arith.index_cast %add3A_2103 : i32 to index
        %get3A_2212 = arith.constant 80 : index
        %get3A_2213 = tpu.vector_load %arg9[%get3A_2210, %get3A_2211, %get3A_2212] {strides = array<i32>} : memref<2x352x128xf32, #tpu.memory_space<vmem>>, vector<1x1x16xf32>,
        %get3A_2214 = vector.shape_cast %get3A_2213 : vector<1x1x16xf32> to vector<16xf32>
        %mul3A_2215 = arith.mulf %get3A_2214, %get3A_288 : vector<16xf32>
        %add3A_2216 = arith.addf %mul3A_2208, %mul3A_2215 : vector<16xf32>
        %get3A_2217 = arith.constant 0 : i32
        %get3A_2218 = arith.index_cast %get3A_2217 : i32 to index
        %get3A_2219 = arith.index_cast %add3A_2103 : i32 to index
        %get3A_2220 = arith.constant 96 : index
        %get3A_2221 = tpu.vector_load %arg9[%get3A_2218, %get3A_2219, %get3A_2220] {strides = array<i32>} : memref<2x352x128xf32, #tpu.memory_space<vmem>>, vector<1x1x16xf32>,
        %get3A_2222 = vector.shape_cast %get3A_2221 : vector<1x1x16xf32> to vector<16xf32>
        %mul3A_2223 = arith.mulf %get3A_2222, %get3A_294 : vector<16xf32>
        %add3A_2224 = arith.addf %add3A_2216, %mul3A_2223 : vector<16xf32>
        %get3A_2225 = arith.constant 0 : i32
        %get3A_2226 = arith.index_cast %get3A_2225 : i32 to index
        %get3A_2227 = arith.index_cast %add3A_2103 : i32 to index
        %get3A_2228 = arith.constant 112 : index
        %get3A_2229 = tpu.vector_load %arg9[%get3A_2226, %get3A_2227, %get3A_2228] {strides = array<i32>} : memref<2x352x128xf32, #tpu.memory_space<vmem>>, vector<1x1x16xf32>,
        %get3A_2230 = vector.shape_cast %get3A_2229 : vector<1x1x16xf32> to vector<16xf32>
        %mul3A_2231 = arith.mulf %get3A_2230, %get3A_300 : vector<16xf32>
        %add3A_2232 = arith.addf %add3A_2224, %mul3A_2231 : vector<16xf32>
        %eq3A_2233 = arith.constant 9 : i32
        %eq3A_2234 = vector.broadcast %eq3A_2233 : i32 to vector<16xi32>
        %eq3A_2235 = arith.cmpi eq, %iota3A, %eq3A_2234 : vector<16xi32>
        %iota3A_2236 = tpu.iota {dimensions = array<i32: 0>} : vector<16xi32>
        %xor3A_2237 = arith.constant 8 : i32
        %xor3A_2238 = vector.broadcast %xor3A_2237 : i32 to vector<16xi32>
        %xor3A_2239 = arith.xori %iota3A_2236, %xor3A_2238 : vector<16xi32>
        %lt3A_2240 = arith.constant 0 : i32
        %lt3A_2241 = vector.broadcast %lt3A_2240 : i32 to vector<16xi32>
        %lt3A_2242 = arith.cmpi slt, %xor3A_2239, %lt3A_2241 : vector<16xi32>
        %add3A_2243 = arith.constant 16 : i32
        %add3A_2244 = vector.broadcast %add3A_2243 : i32 to vector<16xi32>
        %add3A_2245 = arith.addi %xor3A_2239, %add3A_2244 : vector<16xi32>
        %select_n3A_2246 = arith.select %lt3A_2242, %add3A_2245, %xor3A_2239 : vector<16xi1>, vector<16xi32>
        %broadcast_in_dim3A_2247 = vector.shape_cast %select_n3A_2246 : vector<16xi32> to vector<16x1xi32>
        %gather3A_2248 = vector.shape_cast %broadcast_in_dim3A_2247 : vector<16x1xi32> to vector<16xi32>
        %gather3A_2249 = tpu.dynamic_gather %add3A_2232[%gather3A_2248] in [0] : vector<16xf32>, vector<16xi32> -> vector<16xf32>
        %add3A_2250 = arith.addf %add3A_2232, %gather3A_2249 : vector<16xf32>
        %iota3A_2251 = tpu.iota {dimensions = array<i32: 0>} : vector<16xi32>
        %xor3A_2252 = arith.constant 4 : i32
        %xor3A_2253 = vector.broadcast %xor3A_2252 : i32 to vector<16xi32>
        %xor3A_2254 = arith.xori %iota3A_2251, %xor3A_2253 : vector<16xi32>
        %lt3A_2255 = arith.constant 0 : i32
        %lt3A_2256 = vector.broadcast %lt3A_2255 : i32 to vector<16xi32>
        %lt3A_2257 = arith.cmpi slt, %xor3A_2254, %lt3A_2256 : vector<16xi32>
        %add3A_2258 = arith.constant 16 : i32
        %add3A_2259 = vector.broadcast %add3A_2258 : i32 to vector<16xi32>
        %add3A_2260 = arith.addi %xor3A_2254, %add3A_2259 : vector<16xi32>
        %select_n3A_2261 = arith.select %lt3A_2257, %add3A_2260, %xor3A_2254 : vector<16xi1>, vector<16xi32>
        %broadcast_in_dim3A_2262 = vector.shape_cast %select_n3A_2261 : vector<16xi32> to vector<16x1xi32>
        %gather3A_2263 = vector.shape_cast %broadcast_in_dim3A_2262 : vector<16x1xi32> to vector<16xi32>
        %gather3A_2264 = tpu.dynamic_gather %add3A_2250[%gather3A_2263] in [0] : vector<16xf32>, vector<16xi32> -> vector<16xf32>
        %add3A_2265 = arith.addf %add3A_2250, %gather3A_2264 : vector<16xf32>
        %iota3A_2266 = tpu.iota {dimensions = array<i32: 0>} : vector<16xi32>
        %xor3A_2267 = arith.constant 2 : i32
        %xor3A_2268 = vector.broadcast %xor3A_2267 : i32 to vector<16xi32>
        %xor3A_2269 = arith.xori %iota3A_2266, %xor3A_2268 : vector<16xi32>
        %lt3A_2270 = arith.constant 0 : i32
        %lt3A_2271 = vector.broadcast %lt3A_2270 : i32 to vector<16xi32>
        %lt3A_2272 = arith.cmpi slt, %xor3A_2269, %lt3A_2271 : vector<16xi32>
        %add3A_2273 = arith.constant 16 : i32
        %add3A_2274 = vector.broadcast %add3A_2273 : i32 to vector<16xi32>
        %add3A_2275 = arith.addi %xor3A_2269, %add3A_2274 : vector<16xi32>
        %select_n3A_2276 = arith.select %lt3A_2272, %add3A_2275, %xor3A_2269 : vector<16xi1>, vector<16xi32>
        %broadcast_in_dim3A_2277 = vector.shape_cast %select_n3A_2276 : vector<16xi32> to vector<16x1xi32>
        %gather3A_2278 = vector.shape_cast %broadcast_in_dim3A_2277 : vector<16x1xi32> to vector<16xi32>
        %gather3A_2279 = tpu.dynamic_gather %add3A_2265[%gather3A_2278] in [0] : vector<16xf32>, vector<16xi32> -> vector<16xf32>
        %add3A_2280 = arith.addf %add3A_2265, %gather3A_2279 : vector<16xf32>
        %iota3A_2281 = tpu.iota {dimensions = array<i32: 0>} : vector<16xi32>
        %xor3A_2282 = arith.constant 1 : i32
        %xor3A_2283 = vector.broadcast %xor3A_2282 : i32 to vector<16xi32>
        %xor3A_2284 = arith.xori %iota3A_2281, %xor3A_2283 : vector<16xi32>
        %lt3A_2285 = arith.constant 0 : i32
        %lt3A_2286 = vector.broadcast %lt3A_2285 : i32 to vector<16xi32>
        %lt3A_2287 = arith.cmpi slt, %xor3A_2284, %lt3A_2286 : vector<16xi32>
        %add3A_2288 = arith.constant 16 : i32
        %add3A_2289 = vector.broadcast %add3A_2288 : i32 to vector<16xi32>
        %add3A_2290 = arith.addi %xor3A_2284, %add3A_2289 : vector<16xi32>
        %select_n3A_2291 = arith.select %lt3A_2287, %add3A_2290, %xor3A_2284 : vector<16xi1>, vector<16xi32>
        %broadcast_in_dim3A_2292 = vector.shape_cast %select_n3A_2291 : vector<16xi32> to vector<16x1xi32>
        %gather3A_2293 = vector.shape_cast %broadcast_in_dim3A_2292 : vector<16x1xi32> to vector<16xi32>
        %gather3A_2294 = tpu.dynamic_gather %add3A_2280[%gather3A_2293] in [0] : vector<16xf32>, vector<16xi32> -> vector<16xf32>
        %add3A_2295 = arith.addf %add3A_2280, %gather3A_2294 : vector<16xf32>
        %mul3A_2296 = arith.constant 5.000000e+00 : f32
        %mul3A_2297 = vector.broadcast %mul3A_2296 : f32 to vector<16xf32>
        %mul3A_2298 = arith.mulf %add3A_2295, %mul3A_2297 : vector<16xf32>
        %select_n3A_2299 = arith.select %eq3A_2235, %mul3A_2298, %select_n3A_2099 : vector<16xi1>, vector<16xf32>
        %mul3A_2300 = arith.constant 11 : i32
        %mul3A_2301 = arith.muli %scan3A_277, %mul3A_2300 : i32
        %add3A_2302 = arith.constant 10 : i32
        %add3A_2303 = arith.addi %mul3A_2301, %add3A_2302 : i32
        %get3A_2304 = arith.constant 0 : i32
        %get3A_2305 = arith.index_cast %get3A_2304 : i32 to index
        %get3A_2306 = arith.index_cast %add3A_2303 : i32 to index
        %get3A_2307 = arith.constant 0 : index
        %get3A_2308 = tpu.vector_load %arg9[%get3A_2305, %get3A_2306, %get3A_2307] {strides = array<i32>} : memref<2x352x128xf32, #tpu.memory_space<vmem>>, vector<1x1x16xf32>,
        %get3A_2309 = vector.shape_cast %get3A_2308 : vector<1x1x16xf32> to vector<16xf32>
        %mul3A_2310 = arith.mulf %get3A_2309, %get3A_282 : vector<16xf32>
        %get3A_2311 = arith.constant 0 : i32
        %get3A_2312 = arith.index_cast %get3A_2311 : i32 to index
        %get3A_2313 = arith.index_cast %add3A_2303 : i32 to index
        %get3A_2314 = arith.constant 16 : index
        %get3A_2315 = tpu.vector_load %arg9[%get3A_2312, %get3A_2313, %get3A_2314] {strides = array<i32>} : memref<2x352x128xf32, #tpu.memory_space<vmem>>, vector<1x1x16xf32>,
        %get3A_2316 = vector.shape_cast %get3A_2315 : vector<1x1x16xf32> to vector<16xf32>
        %mul3A_2317 = arith.mulf %get3A_2316, %get3A_288 : vector<16xf32>
        %add3A_2318 = arith.addf %mul3A_2310, %mul3A_2317 : vector<16xf32>
        %get3A_2319 = arith.constant 0 : i32
        %get3A_2320 = arith.index_cast %get3A_2319 : i32 to index
        %get3A_2321 = arith.index_cast %add3A_2303 : i32 to index
        %get3A_2322 = arith.constant 32 : index
        %get3A_2323 = tpu.vector_load %arg9[%get3A_2320, %get3A_2321, %get3A_2322] {strides = array<i32>} : memref<2x352x128xf32, #tpu.memory_space<vmem>>, vector<1x1x16xf32>,
        %get3A_2324 = vector.shape_cast %get3A_2323 : vector<1x1x16xf32> to vector<16xf32>
        %mul3A_2325 = arith.mulf %get3A_2324, %get3A_294 : vector<16xf32>
        %add3A_2326 = arith.addf %add3A_2318, %mul3A_2325 : vector<16xf32>
        %get3A_2327 = arith.constant 0 : i32
        %get3A_2328 = arith.index_cast %get3A_2327 : i32 to index
        %get3A_2329 = arith.index_cast %add3A_2303 : i32 to index
        %get3A_2330 = arith.constant 48 : index
        %get3A_2331 = tpu.vector_load %arg9[%get3A_2328, %get3A_2329, %get3A_2330] {strides = array<i32>} : memref<2x352x128xf32, #tpu.memory_space<vmem>>, vector<1x1x16xf32>,
        %get3A_2332 = vector.shape_cast %get3A_2331 : vector<1x1x16xf32> to vector<16xf32>
        %mul3A_2333 = arith.mulf %get3A_2332, %get3A_300 : vector<16xf32>
        %add3A_2334 = arith.addf %add3A_2326, %mul3A_2333 : vector<16xf32>
        %eq3A_2335 = arith.constant 10 : i32
        %eq3A_2336 = vector.broadcast %eq3A_2335 : i32 to vector<16xi32>
        %eq3A_2337 = arith.cmpi eq, %iota3A, %eq3A_2336 : vector<16xi32>
        %iota3A_2338 = tpu.iota {dimensions = array<i32: 0>} : vector<16xi32>
        %xor3A_2339 = arith.constant 8 : i32
        %xor3A_2340 = vector.broadcast %xor3A_2339 : i32 to vector<16xi32>
        %xor3A_2341 = arith.xori %iota3A_2338, %xor3A_2340 : vector<16xi32>
        %lt3A_2342 = arith.constant 0 : i32
        %lt3A_2343 = vector.broadcast %lt3A_2342 : i32 to vector<16xi32>
        %lt3A_2344 = arith.cmpi slt, %xor3A_2341, %lt3A_2343 : vector<16xi32>
        %add3A_2345 = arith.constant 16 : i32
        %add3A_2346 = vector.broadcast %add3A_2345 : i32 to vector<16xi32>
        %add3A_2347 = arith.addi %xor3A_2341, %add3A_2346 : vector<16xi32>
        %select_n3A_2348 = arith.select %lt3A_2344, %add3A_2347, %xor3A_2341 : vector<16xi1>, vector<16xi32>
        %broadcast_in_dim3A_2349 = vector.shape_cast %select_n3A_2348 : vector<16xi32> to vector<16x1xi32>
        %gather3A_2350 = vector.shape_cast %broadcast_in_dim3A_2349 : vector<16x1xi32> to vector<16xi32>
        %gather3A_2351 = tpu.dynamic_gather %add3A_2334[%gather3A_2350] in [0] : vector<16xf32>, vector<16xi32> -> vector<16xf32>
        %add3A_2352 = arith.addf %add3A_2334, %gather3A_2351 : vector<16xf32>
        %iota3A_2353 = tpu.iota {dimensions = array<i32: 0>} : vector<16xi32>
        %xor3A_2354 = arith.constant 4 : i32
        %xor3A_2355 = vector.broadcast %xor3A_2354 : i32 to vector<16xi32>
        %xor3A_2356 = arith.xori %iota3A_2353, %xor3A_2355 : vector<16xi32>
        %lt3A_2357 = arith.constant 0 : i32
        %lt3A_2358 = vector.broadcast %lt3A_2357 : i32 to vector<16xi32>
        %lt3A_2359 = arith.cmpi slt, %xor3A_2356, %lt3A_2358 : vector<16xi32>
        %add3A_2360 = arith.constant 16 : i32
        %add3A_2361 = vector.broadcast %add3A_2360 : i32 to vector<16xi32>
        %add3A_2362 = arith.addi %xor3A_2356, %add3A_2361 : vector<16xi32>
        %select_n3A_2363 = arith.select %lt3A_2359, %add3A_2362, %xor3A_2356 : vector<16xi1>, vector<16xi32>
        %broadcast_in_dim3A_2364 = vector.shape_cast %select_n3A_2363 : vector<16xi32> to vector<16x1xi32>
        %gather3A_2365 = vector.shape_cast %broadcast_in_dim3A_2364 : vector<16x1xi32> to vector<16xi32>
        %gather3A_2366 = tpu.dynamic_gather %add3A_2352[%gather3A_2365] in [0] : vector<16xf32>, vector<16xi32> -> vector<16xf32>
        %add3A_2367 = arith.addf %add3A_2352, %gather3A_2366 : vector<16xf32>
        %iota3A_2368 = tpu.iota {dimensions = array<i32: 0>} : vector<16xi32>
        %xor3A_2369 = arith.constant 2 : i32
        %xor3A_2370 = vector.broadcast %xor3A_2369 : i32 to vector<16xi32>
        %xor3A_2371 = arith.xori %iota3A_2368, %xor3A_2370 : vector<16xi32>
        %lt3A_2372 = arith.constant 0 : i32
        %lt3A_2373 = vector.broadcast %lt3A_2372 : i32 to vector<16xi32>
        %lt3A_2374 = arith.cmpi slt, %xor3A_2371, %lt3A_2373 : vector<16xi32>
        %add3A_2375 = arith.constant 16 : i32
        %add3A_2376 = vector.broadcast %add3A_2375 : i32 to vector<16xi32>
        %add3A_2377 = arith.addi %xor3A_2371, %add3A_2376 : vector<16xi32>
        %select_n3A_2378 = arith.select %lt3A_2374, %add3A_2377, %xor3A_2371 : vector<16xi1>, vector<16xi32>
        %broadcast_in_dim3A_2379 = vector.shape_cast %select_n3A_2378 : vector<16xi32> to vector<16x1xi32>
        %gather3A_2380 = vector.shape_cast %broadcast_in_dim3A_2379 : vector<16x1xi32> to vector<16xi32>
        %gather3A_2381 = tpu.dynamic_gather %add3A_2367[%gather3A_2380] in [0] : vector<16xf32>, vector<16xi32> -> vector<16xf32>
        %add3A_2382 = arith.addf %add3A_2367, %gather3A_2381 : vector<16xf32>
        %iota3A_2383 = tpu.iota {dimensions = array<i32: 0>} : vector<16xi32>
        %xor3A_2384 = arith.constant 1 : i32
        %xor3A_2385 = vector.broadcast %xor3A_2384 : i32 to vector<16xi32>
        %xor3A_2386 = arith.xori %iota3A_2383, %xor3A_2385 : vector<16xi32>
        %lt3A_2387 = arith.constant 0 : i32
        %lt3A_2388 = vector.broadcast %lt3A_2387 : i32 to vector<16xi32>
        %lt3A_2389 = arith.cmpi slt, %xor3A_2386, %lt3A_2388 : vector<16xi32>
        %add3A_2390 = arith.constant 16 : i32
        %add3A_2391 = vector.broadcast %add3A_2390 : i32 to vector<16xi32>
        %add3A_2392 = arith.addi %xor3A_2386, %add3A_2391 : vector<16xi32>
        %select_n3A_2393 = arith.select %lt3A_2389, %add3A_2392, %xor3A_2386 : vector<16xi1>, vector<16xi32>
        %broadcast_in_dim3A_2394 = vector.shape_cast %select_n3A_2393 : vector<16xi32> to vector<16x1xi32>
        %gather3A_2395 = vector.shape_cast %broadcast_in_dim3A_2394 : vector<16x1xi32> to vector<16xi32>
        %gather3A_2396 = tpu.dynamic_gather %add3A_2382[%gather3A_2395] in [0] : vector<16xf32>, vector<16xi32> -> vector<16xf32>
        %add3A_2397 = arith.addf %add3A_2382, %gather3A_2396 : vector<16xf32>
        %mul3A_2398 = arith.constant 5.000000e+00 : f32
        %mul3A_2399 = vector.broadcast %mul3A_2398 : f32 to vector<16xf32>
        %mul3A_2400 = arith.mulf %add3A_2397, %mul3A_2399 : vector<16xf32>
        %select_n3A_2401 = arith.select %eq3A_2337, %mul3A_2400, %select_n3A_2201 : vector<16xi1>, vector<16xf32>
        %get3A_2402 = arith.constant 0 : i32
        %get3A_2403 = arith.index_cast %get3A_2402 : i32 to index
        %get3A_2404 = arith.index_cast %add3A_2303 : i32 to index
        %get3A_2405 = arith.constant 64 : index
        %get3A_2406 = tpu.vector_load %arg9[%get3A_2403, %get3A_2404, %get3A_2405] {strides = array<i32>} : memref<2x352x128xf32, #tpu.memory_space<vmem>>, vector<1x1x16xf32>,
        %get3A_2407 = vector.shape_cast %get3A_2406 : vector<1x1x16xf32> to vector<16xf32>
        %mul3A_2408 = arith.mulf %get3A_2407, %get3A_282 : vector<16xf32>
        %get3A_2409 = arith.constant 0 : i32
        %get3A_2410 = arith.index_cast %get3A_2409 : i32 to index
        %get3A_2411 = arith.index_cast %add3A_2303 : i32 to index
        %get3A_2412 = arith.constant 80 : index
        %get3A_2413 = tpu.vector_load %arg9[%get3A_2410, %get3A_2411, %get3A_2412] {strides = array<i32>} : memref<2x352x128xf32, #tpu.memory_space<vmem>>, vector<1x1x16xf32>,
        %get3A_2414 = vector.shape_cast %get3A_2413 : vector<1x1x16xf32> to vector<16xf32>
        %mul3A_2415 = arith.mulf %get3A_2414, %get3A_288 : vector<16xf32>
        %add3A_2416 = arith.addf %mul3A_2408, %mul3A_2415 : vector<16xf32>
        %get3A_2417 = arith.constant 0 : i32
        %get3A_2418 = arith.index_cast %get3A_2417 : i32 to index
        %get3A_2419 = arith.index_cast %add3A_2303 : i32 to index
        %get3A_2420 = arith.constant 96 : index
        %get3A_2421 = tpu.vector_load %arg9[%get3A_2418, %get3A_2419, %get3A_2420] {strides = array<i32>} : memref<2x352x128xf32, #tpu.memory_space<vmem>>, vector<1x1x16xf32>,
        %get3A_2422 = vector.shape_cast %get3A_2421 : vector<1x1x16xf32> to vector<16xf32>
        %mul3A_2423 = arith.mulf %get3A_2422, %get3A_294 : vector<16xf32>
        %add3A_2424 = arith.addf %add3A_2416, %mul3A_2423 : vector<16xf32>
        %get3A_2425 = arith.constant 0 : i32
        %get3A_2426 = arith.index_cast %get3A_2425 : i32 to index
        %get3A_2427 = arith.index_cast %add3A_2303 : i32 to index
        %get3A_2428 = arith.constant 112 : index
        %get3A_2429 = tpu.vector_load %arg9[%get3A_2426, %get3A_2427, %get3A_2428] {strides = array<i32>} : memref<2x352x128xf32, #tpu.memory_space<vmem>>, vector<1x1x16xf32>,
        %get3A_2430 = vector.shape_cast %get3A_2429 : vector<1x1x16xf32> to vector<16xf32>
        %mul3A_2431 = arith.mulf %get3A_2430, %get3A_300 : vector<16xf32>
        %add3A_2432 = arith.addf %add3A_2424, %mul3A_2431 : vector<16xf32>
        %eq3A_2433 = arith.constant 10 : i32
        %eq3A_2434 = vector.broadcast %eq3A_2433 : i32 to vector<16xi32>
        %eq3A_2435 = arith.cmpi eq, %iota3A, %eq3A_2434 : vector<16xi32>
        %iota3A_2436 = tpu.iota {dimensions = array<i32: 0>} : vector<16xi32>
        %xor3A_2437 = arith.constant 8 : i32
        %xor3A_2438 = vector.broadcast %xor3A_2437 : i32 to vector<16xi32>
        %xor3A_2439 = arith.xori %iota3A_2436, %xor3A_2438 : vector<16xi32>
        %lt3A_2440 = arith.constant 0 : i32
        %lt3A_2441 = vector.broadcast %lt3A_2440 : i32 to vector<16xi32>
        %lt3A_2442 = arith.cmpi slt, %xor3A_2439, %lt3A_2441 : vector<16xi32>
        %add3A_2443 = arith.constant 16 : i32
        %add3A_2444 = vector.broadcast %add3A_2443 : i32 to vector<16xi32>
        %add3A_2445 = arith.addi %xor3A_2439, %add3A_2444 : vector<16xi32>
        %select_n3A_2446 = arith.select %lt3A_2442, %add3A_2445, %xor3A_2439 : vector<16xi1>, vector<16xi32>
        %broadcast_in_dim3A_2447 = vector.shape_cast %select_n3A_2446 : vector<16xi32> to vector<16x1xi32>
        %gather3A_2448 = vector.shape_cast %broadcast_in_dim3A_2447 : vector<16x1xi32> to vector<16xi32>
        %gather3A_2449 = tpu.dynamic_gather %add3A_2432[%gather3A_2448] in [0] : vector<16xf32>, vector<16xi32> -> vector<16xf32>
        %add3A_2450 = arith.addf %add3A_2432, %gather3A_2449 : vector<16xf32>
        %iota3A_2451 = tpu.iota {dimensions = array<i32: 0>} : vector<16xi32>
        %xor3A_2452 = arith.constant 4 : i32
        %xor3A_2453 = vector.broadcast %xor3A_2452 : i32 to vector<16xi32>
        %xor3A_2454 = arith.xori %iota3A_2451, %xor3A_2453 : vector<16xi32>
        %lt3A_2455 = arith.constant 0 : i32
        %lt3A_2456 = vector.broadcast %lt3A_2455 : i32 to vector<16xi32>
        %lt3A_2457 = arith.cmpi slt, %xor3A_2454, %lt3A_2456 : vector<16xi32>
        %add3A_2458 = arith.constant 16 : i32
        %add3A_2459 = vector.broadcast %add3A_2458 : i32 to vector<16xi32>
        %add3A_2460 = arith.addi %xor3A_2454, %add3A_2459 : vector<16xi32>
        %select_n3A_2461 = arith.select %lt3A_2457, %add3A_2460, %xor3A_2454 : vector<16xi1>, vector<16xi32>
        %broadcast_in_dim3A_2462 = vector.shape_cast %select_n3A_2461 : vector<16xi32> to vector<16x1xi32>
        %gather3A_2463 = vector.shape_cast %broadcast_in_dim3A_2462 : vector<16x1xi32> to vector<16xi32>
        %gather3A_2464 = tpu.dynamic_gather %add3A_2450[%gather3A_2463] in [0] : vector<16xf32>, vector<16xi32> -> vector<16xf32>
        %add3A_2465 = arith.addf %add3A_2450, %gather3A_2464 : vector<16xf32>
        %iota3A_2466 = tpu.iota {dimensions = array<i32: 0>} : vector<16xi32>
        %xor3A_2467 = arith.constant 2 : i32
        %xor3A_2468 = vector.broadcast %xor3A_2467 : i32 to vector<16xi32>
        %xor3A_2469 = arith.xori %iota3A_2466, %xor3A_2468 : vector<16xi32>
        %lt3A_2470 = arith.constant 0 : i32
        %lt3A_2471 = vector.broadcast %lt3A_2470 : i32 to vector<16xi32>
        %lt3A_2472 = arith.cmpi slt, %xor3A_2469, %lt3A_2471 : vector<16xi32>
        %add3A_2473 = arith.constant 16 : i32
        %add3A_2474 = vector.broadcast %add3A_2473 : i32 to vector<16xi32>
        %add3A_2475 = arith.addi %xor3A_2469, %add3A_2474 : vector<16xi32>
        %select_n3A_2476 = arith.select %lt3A_2472, %add3A_2475, %xor3A_2469 : vector<16xi1>, vector<16xi32>
        %broadcast_in_dim3A_2477 = vector.shape_cast %select_n3A_2476 : vector<16xi32> to vector<16x1xi32>
        %gather3A_2478 = vector.shape_cast %broadcast_in_dim3A_2477 : vector<16x1xi32> to vector<16xi32>
        %gather3A_2479 = tpu.dynamic_gather %add3A_2465[%gather3A_2478] in [0] : vector<16xf32>, vector<16xi32> -> vector<16xf32>
        %add3A_2480 = arith.addf %add3A_2465, %gather3A_2479 : vector<16xf32>
        %iota3A_2481 = tpu.iota {dimensions = array<i32: 0>} : vector<16xi32>
        %xor3A_2482 = arith.constant 1 : i32
        %xor3A_2483 = vector.broadcast %xor3A_2482 : i32 to vector<16xi32>
        %xor3A_2484 = arith.xori %iota3A_2481, %xor3A_2483 : vector<16xi32>
        %lt3A_2485 = arith.constant 0 : i32
        %lt3A_2486 = vector.broadcast %lt3A_2485 : i32 to vector<16xi32>
        %lt3A_2487 = arith.cmpi slt, %xor3A_2484, %lt3A_2486 : vector<16xi32>
        %add3A_2488 = arith.constant 16 : i32
        %add3A_2489 = vector.broadcast %add3A_2488 : i32 to vector<16xi32>
        %add3A_2490 = arith.addi %xor3A_2484, %add3A_2489 : vector<16xi32>
        %select_n3A_2491 = arith.select %lt3A_2487, %add3A_2490, %xor3A_2484 : vector<16xi1>, vector<16xi32>
        %broadcast_in_dim3A_2492 = vector.shape_cast %select_n3A_2491 : vector<16xi32> to vector<16x1xi32>
        %gather3A_2493 = vector.shape_cast %broadcast_in_dim3A_2492 : vector<16x1xi32> to vector<16xi32>
        %gather3A_2494 = tpu.dynamic_gather %add3A_2480[%gather3A_2493] in [0] : vector<16xf32>, vector<16xi32> -> vector<16xf32>
        %add3A_2495 = arith.addf %add3A_2480, %gather3A_2494 : vector<16xf32>
        %mul3A_2496 = arith.constant 5.000000e+00 : f32
        %mul3A_2497 = vector.broadcast %mul3A_2496 : f32 to vector<16xf32>
        %mul3A_2498 = arith.mulf %add3A_2495, %mul3A_2497 : vector<16xf32>
        %select_n3A_2499 = arith.select %eq3A_2435, %mul3A_2498, %select_n3A_2299 : vector<16xi1>, vector<16xf32>
        %swap3A = arith.constant 0 : i32
        %swap3A_2500 = arith.index_cast %swap3A : i32 to index
        %swap3A_2501 = arith.index_cast %scan3A_277 : i32 to index
        %swap3A_2502 = arith.constant 0 : index
        %swap3A_2503 = tpu.vector_load %arg10[%swap3A_2500, %swap3A_2501, %swap3A_2502] {strides = array<i32>} : memref<2x32x16xf32, #tpu.memory_space<vmem>>, vector<1x1x16xf32>,
        %swap3A_2504 = vector.shape_cast %swap3A_2503 : vector<1x1x16xf32> to vector<16xf32>
        %swap3A_2505 = vector.shape_cast %select_n3A_2401 : vector<16xf32> to vector<1x1x16xf32>
        tpu.vector_store %arg10[%swap3A_2500, %swap3A_2501, %swap3A_2502], %swap3A_2505 {strides = array<i32>} : memref<2x32x16xf32, #tpu.memory_space<vmem>>, vector<1x1x16xf32>,
        %swap3A_2506 = arith.constant 0 : i32
        %swap3A_2507 = arith.index_cast %swap3A_2506 : i32 to index
        %swap3A_2508 = arith.index_cast %scan3A_277 : i32 to index
        %swap3A_2509 = arith.constant 0 : index
        %swap3A_2510 = tpu.vector_load %arg11[%swap3A_2507, %swap3A_2508, %swap3A_2509] {strides = array<i32>} : memref<2x32x16xf32, #tpu.memory_space<vmem>>, vector<1x1x16xf32>,
        %swap3A_2511 = vector.shape_cast %swap3A_2510 : vector<1x1x16xf32> to vector<16xf32>
        %swap3A_2512 = vector.shape_cast %select_n3A_2499 : vector<16xf32> to vector<1x1x16xf32>
        tpu.vector_store %arg11[%swap3A_2507, %swap3A_2508, %swap3A_2509], %swap3A_2512 {strides = array<i32>} : memref<2x32x16xf32, #tpu.memory_space<vmem>>, vector<1x1x16xf32>,
      }
      %scan3A_157 = arith.constant 32 : i32
      %add3A_158 = arith.constant 2 : i32
      %add3A_159 = arith.addi %add3A_122, %add3A_158 : i32
      %lt3A = arith.constant 16 : i32
      %lt3A_160 = arith.cmpi slt, %add3A_159, %lt3A : i32
      %convert_element_type3A_161 = arith.extui %lt3A_160 : i1 to i32
      %cond3A_162 = arith.constant 0 : i32
      %cond3A_163 = arith.cmpi ne, %convert_element_type3A_161, %cond3A_162 : i32
      scf.if %cond3A_163 {
        %add3A_277 = arith.constant 2 : i32
        %add3A_278 = arith.addi %add3A_122, %add3A_277 : i32
        %mul3A_279 = arith.constant 352 : i32
        %mul3A_280 = arith.muli %add3A_278, %mul3A_279 : i32
        %dma_start3A_281 = arith.constant 0 : i32
        %dma_start3A_282 = arith.constant 0 : i32
        %dma_start3A_283 = arith.constant 0 : i32
        %dma_start3A_284 = tpu.memref_slice %arg9[%dma_start3A_281, %dma_start3A_282, %dma_start3A_283] : memref<2x352x128xf32, #tpu.memory_space<vmem>> -> memref<1x352x128xf32, #tpu.memory_space<vmem>>
        %dma_start3A_285 = tpu.memref_squeeze %dma_start3A_284 : memref<1x352x128xf32, #tpu.memory_space<vmem>> -> memref<352x128xf32, #tpu.memory_space<vmem>>
        %dma_start3A_286 = tpu.memref_slice %arg7[%mul3A_280] : memref<5632xi32, #tpu.memory_space<vmem>> -> memref<352xi32, #tpu.memory_space<vmem>>
        %dma_start3A_287 = arith.constant 0 : i32
        %dma_start3A_288 = arith.constant 0 : i32
        %dma_start3A_289 = tpu.memref_slice %arg2[%dma_start3A_287, %dma_start3A_288] : memref<131072x128xf32, #tpu.memory_space<hbm>> -> memref<131072x128xf32, #tpu.memory_space<hbm>>
        tpu.enqueue_indirect_dma source(%dma_start3A_289 : memref<131072x128xf32, #tpu.memory_space<hbm>>) target(%dma_start3A_285 : memref<352x128xf32, #tpu.memory_space<vmem>>) offsets(%dma_start3A_286 : memref<352xi32, #tpu.memory_space<vmem>>) semaphore(%arg12 : memref<!tpu.dma_semaphore, #tpu.memory_space<semaphore_mem>>)
        %add3A_290 = arith.constant 2 : i32
        %add3A_291 = arith.addi %add3A_122, %add3A_290 : i32
        %mul3A_292 = arith.constant 32 : i32
        %mul3A_293 = arith.muli %add3A_291, %mul3A_292 : i32
        %add3A_294 = arith.addi %mul3A_2, %mul3A_293 : i32
        %dma_start3A_295 = arith.constant 0 : i32
        %dma_start3A_296 = arith.constant 0 : i32
        %dma_start3A_297 = arith.constant 0 : i32
        %dma_start3A_298 = tpu.memref_slice %arg8[%dma_start3A_295, %dma_start3A_296, %dma_start3A_297] : memref<2x32x64xf32, #tpu.memory_space<vmem>> -> memref<1x32x64xf32, #tpu.memory_space<vmem>>
        %dma_start3A_299 = tpu.memref_squeeze %dma_start3A_298 : memref<1x32x64xf32, #tpu.memory_space<vmem>> -> memref<32x64xf32, #tpu.memory_space<vmem>>
        %dma_start3A_300 = arith.constant 0 : i32
        %dma_start3A_301 = tpu.memref_slice %arg3[%add3A_294, %dma_start3A_300] : memref<16384x64xf32, #tpu.memory_space<hbm>> -> memref<32x64xf32, #tpu.memory_space<hbm>>
        %dma_start3A_302 = arith.constant 0 : i32
        %dma_start3A_303 = arith.constant 0 : i32
        %dma_start3A_304 = tpu.memref_slice %arg8[%dma_start3A_295, %dma_start3A_302, %dma_start3A_303] : memref<2x32x64xf32, #tpu.memory_space<vmem>> -> memref<1x32x64xf32, #tpu.memory_space<vmem>>
        %dma_start3A_305 = tpu.memref_squeeze %dma_start3A_304 : memref<1x32x64xf32, #tpu.memory_space<vmem>> -> memref<32x64xf32, #tpu.memory_space<vmem>>
        %dma_start3A_306 = arith.constant 0 : i32
        %dma_start3A_307 = tpu.memref_slice %arg3[%add3A_294, %dma_start3A_306] : memref<16384x64xf32, #tpu.memory_space<hbm>> -> memref<32x64xf32, #tpu.memory_space<hbm>>
        tpu.enqueue_dma source(%dma_start3A_307 : memref<32x64xf32, #tpu.memory_space<hbm>>) target(%dma_start3A_305 : memref<32x64xf32, #tpu.memory_space<vmem>>) target_semaphore(%arg14 : memref<!tpu.dma_semaphore, #tpu.memory_space<semaphore_mem>>)
      } else {
      }
      %mul3A_164 = arith.constant 32 : i32
      %mul3A_165 = arith.muli %add3A_122, %mul3A_164 : i32
      %add3A_166 = arith.addi %mul3A_2, %mul3A_165 : i32
      %dma_start3A_167 = arith.constant 0 : i32
      %dma_start3A_168 = arith.constant 0 : i32
      %dma_start3A_169 = arith.constant 0 : i32
      %dma_start3A_170 = tpu.memref_slice %arg10[%dma_start3A_167, %dma_start3A_168, %dma_start3A_169] : memref<2x32x16xf32, #tpu.memory_space<vmem>> -> memref<1x32x16xf32, #tpu.memory_space<vmem>>
      %dma_start3A_171 = tpu.memref_squeeze %dma_start3A_170 : memref<1x32x16xf32, #tpu.memory_space<vmem>> -> memref<32x16xf32, #tpu.memory_space<vmem>>
      %dma_start3A_172 = arith.constant 0 : i32
      %dma_start3A_173 = tpu.memref_slice %arg5[%add3A_166, %dma_start3A_172] : memref<16384x16xf32, #tpu.memory_space<hbm>> -> memref<32x16xf32, #tpu.memory_space<hbm>>
      %dma_start3A_174 = arith.constant 0 : i32
      %dma_start3A_175 = tpu.memref_slice %arg5[%add3A_166, %dma_start3A_174] : memref<16384x16xf32, #tpu.memory_space<hbm>> -> memref<32x16xf32, #tpu.memory_space<hbm>>
      %dma_start3A_176 = arith.constant 0 : i32
      %dma_start3A_177 = arith.constant 0 : i32
      %dma_start3A_178 = tpu.memref_slice %arg10[%dma_start3A_167, %dma_start3A_176, %dma_start3A_177] : memref<2x32x16xf32, #tpu.memory_space<vmem>> -> memref<1x32x16xf32, #tpu.memory_space<vmem>>
      %dma_start3A_179 = tpu.memref_squeeze %dma_start3A_178 : memref<1x32x16xf32, #tpu.memory_space<vmem>> -> memref<32x16xf32, #tpu.memory_space<vmem>>
      tpu.enqueue_dma source(%dma_start3A_179 : memref<32x16xf32, #tpu.memory_space<vmem>>) target(%dma_start3A_175 : memref<32x16xf32, #tpu.memory_space<hbm>>) target_semaphore(%arg16 : memref<!tpu.dma_semaphore, #tpu.memory_space<semaphore_mem>>)
      %mul3A_180 = arith.constant 32 : i32
      %mul3A_181 = arith.muli %add3A_122, %mul3A_180 : i32
      %add3A_182 = arith.addi %mul3A_2, %mul3A_181 : i32
      %dma_start3A_183 = arith.constant 0 : i32
      %dma_start3A_184 = arith.constant 0 : i32
      %dma_start3A_185 = arith.constant 0 : i32
      %dma_start3A_186 = tpu.memref_slice %arg11[%dma_start3A_183, %dma_start3A_184, %dma_start3A_185] : memref<2x32x16xf32, #tpu.memory_space<vmem>> -> memref<1x32x16xf32, #tpu.memory_space<vmem>>
      %dma_start3A_187 = tpu.memref_squeeze %dma_start3A_186 : memref<1x32x16xf32, #tpu.memory_space<vmem>> -> memref<32x16xf32, #tpu.memory_space<vmem>>
      %dma_start3A_188 = arith.constant 0 : i32
      %dma_start3A_189 = tpu.memref_slice %arg6[%add3A_182, %dma_start3A_188] : memref<16384x16xf32, #tpu.memory_space<hbm>> -> memref<32x16xf32, #tpu.memory_space<hbm>>
      %dma_start3A_190 = arith.constant 0 : i32
      %dma_start3A_191 = tpu.memref_slice %arg6[%add3A_182, %dma_start3A_190] : memref<16384x16xf32, #tpu.memory_space<hbm>> -> memref<32x16xf32, #tpu.memory_space<hbm>>
      %dma_start3A_192 = arith.constant 0 : i32
      %dma_start3A_193 = arith.constant 0 : i32
      %dma_start3A_194 = tpu.memref_slice %arg11[%dma_start3A_183, %dma_start3A_192, %dma_start3A_193] : memref<2x32x16xf32, #tpu.memory_space<vmem>> -> memref<1x32x16xf32, #tpu.memory_space<vmem>>
      %dma_start3A_195 = tpu.memref_squeeze %dma_start3A_194 : memref<1x32x16xf32, #tpu.memory_space<vmem>> -> memref<32x16xf32, #tpu.memory_space<vmem>>
      tpu.enqueue_dma source(%dma_start3A_195 : memref<32x16xf32, #tpu.memory_space<vmem>>) target(%dma_start3A_191 : memref<32x16xf32, #tpu.memory_space<hbm>>) target_semaphore(%arg18 : memref<!tpu.dma_semaphore, #tpu.memory_space<semaphore_mem>>)
      %mul3A_196 = arith.constant 2 : i32
      %mul3A_197 = arith.muli %scan3A_118, %mul3A_196 : i32
      %add3A_198 = arith.constant 1 : i32
      %add3A_199 = arith.addi %mul3A_197, %add3A_198 : i32
      %mul3A_200 = arith.constant 352 : i32
      %mul3A_201 = arith.muli %add3A_199, %mul3A_200 : i32
      %dma_wait3A_202 = arith.constant 1 : i32
      %dma_wait3A_203 = arith.constant 0 : i32
      %dma_wait3A_204 = arith.constant 0 : i32
      %dma_wait3A_205 = tpu.memref_slice %arg9[%dma_wait3A_202, %dma_wait3A_203, %dma_wait3A_204] : memref<2x352x128xf32, #tpu.memory_space<vmem>> -> memref<1x352x128xf32, #tpu.memory_space<vmem>>
      %dma_wait3A_206 = tpu.memref_squeeze %dma_wait3A_205 : memref<1x352x128xf32, #tpu.memory_space<vmem>> -> memref<352x128xf32, #tpu.memory_space<vmem>>
      %dma_wait3A_207 = tpu.memref_slice %arg7[%mul3A_201] : memref<5632xi32, #tpu.memory_space<vmem>> -> memref<352xi32, #tpu.memory_space<vmem>>
      %dma_wait3A_208 = arith.constant 0 : i32
      %dma_wait3A_209 = arith.constant 0 : i32
      %dma_wait3A_210 = tpu.memref_slice %arg2[%dma_wait3A_208, %dma_wait3A_209] : memref<131072x128xf32, #tpu.memory_space<hbm>> -> memref<131072x128xf32, #tpu.memory_space<hbm>>
      tpu.wait_indirect_dma semaphore(%arg13 : memref<!tpu.dma_semaphore, #tpu.memory_space<semaphore_mem>>) src(%dma_wait3A_210 : memref<131072x128xf32, #tpu.memory_space<hbm>>) dst(%dma_wait3A_206 : memref<352x128xf32, #tpu.memory_space<vmem>>)
      %mul3A_211 = arith.constant 32 : i32
      %mul3A_212 = arith.muli %add3A_199, %mul3A_211 : i32
      %add3A_213 = arith.addi %mul3A_2, %mul3A_212 : i32
      %dma_wait3A_214 = arith.constant 1 : i32
      %dma_wait3A_215 = arith.constant 0 : i32
      %dma_wait3A_216 = arith.constant 0 : i32
      %dma_wait3A_217 = tpu.memref_slice %arg8[%dma_wait3A_214, %dma_wait3A_215, %dma_wait3A_216] : memref<2x32x64xf32, #tpu.memory_space<vmem>> -> memref<1x32x64xf32, #tpu.memory_space<vmem>>
      %dma_wait3A_218 = tpu.memref_squeeze %dma_wait3A_217 : memref<1x32x64xf32, #tpu.memory_space<vmem>> -> memref<32x64xf32, #tpu.memory_space<vmem>>
      %dma_wait3A_219 = arith.constant 0 : i32
      %dma_wait3A_220 = tpu.memref_slice %arg3[%add3A_213, %dma_wait3A_219] : memref<16384x64xf32, #tpu.memory_space<hbm>> -> memref<32x64xf32, #tpu.memory_space<hbm>>
      %dma_wait3A_221 = arith.constant 0 : i32
      %dma_wait3A_222 = arith.constant 0 : i32
      %dma_wait3A_223 = tpu.memref_slice %arg8[%dma_wait3A_214, %dma_wait3A_221, %dma_wait3A_222] : memref<2x32x64xf32, #tpu.memory_space<vmem>> -> memref<1x32x64xf32, #tpu.memory_space<vmem>>
      %dma_wait3A_224 = tpu.memref_squeeze %dma_wait3A_223 : memref<1x32x64xf32, #tpu.memory_space<vmem>> -> memref<32x64xf32, #tpu.memory_space<vmem>>
      %dma_wait3A_225 = arith.constant 0 : i32
      %dma_wait3A_226 = tpu.memref_slice %arg3[%add3A_213, %dma_wait3A_225] : memref<16384x64xf32, #tpu.memory_space<hbm>> -> memref<32x64xf32, #tpu.memory_space<hbm>>
      tpu.wait_dma2 semaphore(%arg15 : memref<!tpu.dma_semaphore, #tpu.memory_space<semaphore_mem>>) src(%dma_wait3A_226 : memref<32x64xf32, #tpu.memory_space<hbm>>) dst(%dma_wait3A_224 : memref<32x64xf32, #tpu.memory_space<vmem>>)
      %ge3A_227 = arith.constant 2 : i32
      %ge3A_228 = arith.cmpi sge, %add3A_199, %ge3A_227 : i32
      %convert_element_type3A_229 = arith.extui %ge3A_228 : i1 to i32
      %cond3A_230 = arith.constant 0 : i32
      %cond3A_231 = arith.cmpi ne, %convert_element_type3A_229, %cond3A_230 : i32
      scf.if %cond3A_231 {
        %sub3A = arith.constant 2 : i32
        %sub3A_277 = arith.subi %add3A_199, %sub3A : i32
        %mul3A_278 = arith.constant 32 : i32
        %mul3A_279 = arith.muli %sub3A_277, %mul3A_278 : i32
        %add3A_280 = arith.addi %mul3A_2, %mul3A_279 : i32
        %dma_wait3A_281 = arith.constant 1 : i32
        %dma_wait3A_282 = arith.constant 0 : i32
        %dma_wait3A_283 = arith.constant 0 : i32
        %dma_wait3A_284 = tpu.memref_slice %arg10[%dma_wait3A_281, %dma_wait3A_282, %dma_wait3A_283] : memref<2x32x16xf32, #tpu.memory_space<vmem>> -> memref<1x32x16xf32, #tpu.memory_space<vmem>>
        %dma_wait3A_285 = tpu.memref_squeeze %dma_wait3A_284 : memref<1x32x16xf32, #tpu.memory_space<vmem>> -> memref<32x16xf32, #tpu.memory_space<vmem>>
        %dma_wait3A_286 = arith.constant 0 : i32
        %dma_wait3A_287 = tpu.memref_slice %arg5[%add3A_280, %dma_wait3A_286] : memref<16384x16xf32, #tpu.memory_space<hbm>> -> memref<32x16xf32, #tpu.memory_space<hbm>>
        %dma_wait3A_288 = arith.constant 0 : i32
        %dma_wait3A_289 = tpu.memref_slice %arg5[%add3A_280, %dma_wait3A_288] : memref<16384x16xf32, #tpu.memory_space<hbm>> -> memref<32x16xf32, #tpu.memory_space<hbm>>
        %dma_wait3A_290 = arith.constant 0 : i32
        %dma_wait3A_291 = arith.constant 0 : i32
        %dma_wait3A_292 = tpu.memref_slice %arg10[%dma_wait3A_281, %dma_wait3A_290, %dma_wait3A_291] : memref<2x32x16xf32, #tpu.memory_space<vmem>> -> memref<1x32x16xf32, #tpu.memory_space<vmem>>
        %dma_wait3A_293 = tpu.memref_squeeze %dma_wait3A_292 : memref<1x32x16xf32, #tpu.memory_space<vmem>> -> memref<32x16xf32, #tpu.memory_space<vmem>>
        tpu.wait_dma2 semaphore(%arg17 : memref<!tpu.dma_semaphore, #tpu.memory_space<semaphore_mem>>) src(%dma_wait3A_293 : memref<32x16xf32, #tpu.memory_space<vmem>>) dst(%dma_wait3A_289 : memref<32x16xf32, #tpu.memory_space<hbm>>)
        %sub3A_294 = arith.constant 2 : i32
        %sub3A_295 = arith.subi %add3A_199, %sub3A_294 : i32
        %mul3A_296 = arith.constant 32 : i32
        %mul3A_297 = arith.muli %sub3A_295, %mul3A_296 : i32
        %add3A_298 = arith.addi %mul3A_2, %mul3A_297 : i32
        %dma_wait3A_299 = arith.constant 1 : i32
        %dma_wait3A_300 = arith.constant 0 : i32
        %dma_wait3A_301 = arith.constant 0 : i32
        %dma_wait3A_302 = tpu.memref_slice %arg11[%dma_wait3A_299, %dma_wait3A_300, %dma_wait3A_301] : memref<2x32x16xf32, #tpu.memory_space<vmem>> -> memref<1x32x16xf32, #tpu.memory_space<vmem>>
        %dma_wait3A_303 = tpu.memref_squeeze %dma_wait3A_302 : memref<1x32x16xf32, #tpu.memory_space<vmem>> -> memref<32x16xf32, #tpu.memory_space<vmem>>
        %dma_wait3A_304 = arith.constant 0 : i32
        %dma_wait3A_305 = tpu.memref_slice %arg6[%add3A_298, %dma_wait3A_304] : memref<16384x16xf32, #tpu.memory_space<hbm>> -> memref<32x16xf32, #tpu.memory_space<hbm>>
        %dma_wait3A_306 = arith.constant 0 : i32
        %dma_wait3A_307 = tpu.memref_slice %arg6[%add3A_298, %dma_wait3A_306] : memref<16384x16xf32, #tpu.memory_space<hbm>> -> memref<32x16xf32, #tpu.memory_space<hbm>>
        %dma_wait3A_308 = arith.constant 0 : i32
        %dma_wait3A_309 = arith.constant 0 : i32
        %dma_wait3A_310 = tpu.memref_slice %arg11[%dma_wait3A_299, %dma_wait3A_308, %dma_wait3A_309] : memref<2x32x16xf32, #tpu.memory_space<vmem>> -> memref<1x32x16xf32, #tpu.memory_space<vmem>>
        %dma_wait3A_311 = tpu.memref_squeeze %dma_wait3A_310 : memref<1x32x16xf32, #tpu.memory_space<vmem>> -> memref<32x16xf32, #tpu.memory_space<vmem>>
        tpu.wait_dma2 semaphore(%arg19 : memref<!tpu.dma_semaphore, #tpu.memory_space<semaphore_mem>>) src(%dma_wait3A_311 : memref<32x16xf32, #tpu.memory_space<vmem>>) dst(%dma_wait3A_307 : memref<32x16xf32, #tpu.memory_space<hbm>>)
      } else {
      }
      %scan3A_232 = arith.constant 0 : i32
      %scan3A_233 = arith.constant 0 : i32
      %scan3A_234 = arith.constant 32 : i32
      %scan3A_235 = arith.addi %scan3A_233, %scan3A_234 : i32
      %scan3A_236 = arith.constant 1 : i32
      scf.for %scan3A_277 = %scan3A_233 to %scan3A_235 step %scan3A_236  : i32 {
        %get3A = arith.constant 1 : i32
        %get3A_278 = arith.index_cast %get3A : i32 to index
        %get3A_279 = arith.index_cast %scan3A_277 : i32 to index
        %get3A_280 = arith.constant 0 : index
        %get3A_281 = tpu.vector_load %arg8[%get3A_278, %get3A_279, %get3A_280] {strides = array<i32>} : memref<2x32x64xf32, #tpu.memory_space<vmem>>, vector<1x1x16xf32>,
        %get3A_282 = vector.shape_cast %get3A_281 : vector<1x1x16xf32> to vector<16xf32>
        %get3A_283 = arith.constant 1 : i32
        %get3A_284 = arith.index_cast %get3A_283 : i32 to index
        %get3A_285 = arith.index_cast %scan3A_277 : i32 to index
        %get3A_286 = arith.constant 16 : index
        %get3A_287 = tpu.vector_load %arg8[%get3A_284, %get3A_285, %get3A_286] {strides = array<i32>} : memref<2x32x64xf32, #tpu.memory_space<vmem>>, vector<1x1x16xf32>,
        %get3A_288 = vector.shape_cast %get3A_287 : vector<1x1x16xf32> to vector<16xf32>
        %get3A_289 = arith.constant 1 : i32
        %get3A_290 = arith.index_cast %get3A_289 : i32 to index
        %get3A_291 = arith.index_cast %scan3A_277 : i32 to index
        %get3A_292 = arith.constant 32 : index
        %get3A_293 = tpu.vector_load %arg8[%get3A_290, %get3A_291, %get3A_292] {strides = array<i32>} : memref<2x32x64xf32, #tpu.memory_space<vmem>>, vector<1x1x16xf32>,
        %get3A_294 = vector.shape_cast %get3A_293 : vector<1x1x16xf32> to vector<16xf32>
        %get3A_295 = arith.constant 1 : i32
        %get3A_296 = arith.index_cast %get3A_295 : i32 to index
        %get3A_297 = arith.index_cast %scan3A_277 : i32 to index
        %get3A_298 = arith.constant 48 : index
        %get3A_299 = tpu.vector_load %arg8[%get3A_296, %get3A_297, %get3A_298] {strides = array<i32>} : memref<2x32x64xf32, #tpu.memory_space<vmem>>, vector<1x1x16xf32>,
        %get3A_300 = vector.shape_cast %get3A_299 : vector<1x1x16xf32> to vector<16xf32>
        %iota3A = tpu.iota {dimensions = array<i32: 0>} : vector<16xi32>
        %broadcast_in_dim3A = arith.constant 0.000000e+00 : f32
        %broadcast_in_dim3A_301 = vector.broadcast %broadcast_in_dim3A : f32 to vector<16xf32>
        %broadcast_in_dim3A_302 = arith.constant 0.000000e+00 : f32
        %broadcast_in_dim3A_303 = vector.broadcast %broadcast_in_dim3A_302 : f32 to vector<16xf32>
        %mul3A_304 = arith.constant 11 : i32
        %mul3A_305 = arith.muli %scan3A_277, %mul3A_304 : i32
        %add3A_306 = arith.constant 0 : i32
        %add3A_307 = arith.addi %mul3A_305, %add3A_306 : i32
        %get3A_308 = arith.constant 1 : i32
        %get3A_309 = arith.index_cast %get3A_308 : i32 to index
        %get3A_310 = arith.index_cast %add3A_307 : i32 to index
        %get3A_311 = arith.constant 0 : index
        %get3A_312 = tpu.vector_load %arg9[%get3A_309, %get3A_310, %get3A_311] {strides = array<i32>} : memref<2x352x128xf32, #tpu.memory_space<vmem>>, vector<1x1x16xf32>,
        %get3A_313 = vector.shape_cast %get3A_312 : vector<1x1x16xf32> to vector<16xf32>
        %mul3A_314 = arith.mulf %get3A_313, %get3A_282 : vector<16xf32>
        %get3A_315 = arith.constant 1 : i32
        %get3A_316 = arith.index_cast %get3A_315 : i32 to index
        %get3A_317 = arith.index_cast %add3A_307 : i32 to index
        %get3A_318 = arith.constant 16 : index
        %get3A_319 = tpu.vector_load %arg9[%get3A_316, %get3A_317, %get3A_318] {strides = array<i32>} : memref<2x352x128xf32, #tpu.memory_space<vmem>>, vector<1x1x16xf32>,
        %get3A_320 = vector.shape_cast %get3A_319 : vector<1x1x16xf32> to vector<16xf32>
        %mul3A_321 = arith.mulf %get3A_320, %get3A_288 : vector<16xf32>
        %add3A_322 = arith.addf %mul3A_314, %mul3A_321 : vector<16xf32>
        %get3A_323 = arith.constant 1 : i32
        %get3A_324 = arith.index_cast %get3A_323 : i32 to index
        %get3A_325 = arith.index_cast %add3A_307 : i32 to index
        %get3A_326 = arith.constant 32 : index
        %get3A_327 = tpu.vector_load %arg9[%get3A_324, %get3A_325, %get3A_326] {strides = array<i32>} : memref<2x352x128xf32, #tpu.memory_space<vmem>>, vector<1x1x16xf32>,
        %get3A_328 = vector.shape_cast %get3A_327 : vector<1x1x16xf32> to vector<16xf32>
        %mul3A_329 = arith.mulf %get3A_328, %get3A_294 : vector<16xf32>
        %add3A_330 = arith.addf %add3A_322, %mul3A_329 : vector<16xf32>
        %get3A_331 = arith.constant 1 : i32
        %get3A_332 = arith.index_cast %get3A_331 : i32 to index
        %get3A_333 = arith.index_cast %add3A_307 : i32 to index
        %get3A_334 = arith.constant 48 : index
        %get3A_335 = tpu.vector_load %arg9[%get3A_332, %get3A_333, %get3A_334] {strides = array<i32>} : memref<2x352x128xf32, #tpu.memory_space<vmem>>, vector<1x1x16xf32>,
        %get3A_336 = vector.shape_cast %get3A_335 : vector<1x1x16xf32> to vector<16xf32>
        %mul3A_337 = arith.mulf %get3A_336, %get3A_300 : vector<16xf32>
        %add3A_338 = arith.addf %add3A_330, %mul3A_337 : vector<16xf32>
        %eq3A = arith.constant 0 : i32
        %eq3A_339 = vector.broadcast %eq3A : i32 to vector<16xi32>
        %eq3A_340 = arith.cmpi eq, %iota3A, %eq3A_339 : vector<16xi32>
        %iota3A_341 = tpu.iota {dimensions = array<i32: 0>} : vector<16xi32>
        %xor3A = arith.constant 8 : i32
        %xor3A_342 = vector.broadcast %xor3A : i32 to vector<16xi32>
        %xor3A_343 = arith.xori %iota3A_341, %xor3A_342 : vector<16xi32>
        %lt3A_344 = arith.constant 0 : i32
        %lt3A_345 = vector.broadcast %lt3A_344 : i32 to vector<16xi32>
        %lt3A_346 = arith.cmpi slt, %xor3A_343, %lt3A_345 : vector<16xi32>
        %add3A_347 = arith.constant 16 : i32
        %add3A_348 = vector.broadcast %add3A_347 : i32 to vector<16xi32>
        %add3A_349 = arith.addi %xor3A_343, %add3A_348 : vector<16xi32>
        %select_n3A = arith.select %lt3A_346, %add3A_349, %xor3A_343 : vector<16xi1>, vector<16xi32>
        %broadcast_in_dim3A_350 = vector.shape_cast %select_n3A : vector<16xi32> to vector<16x1xi32>
        %gather3A = vector.shape_cast %broadcast_in_dim3A_350 : vector<16x1xi32> to vector<16xi32>
        %gather3A_351 = tpu.dynamic_gather %add3A_338[%gather3A] in [0] : vector<16xf32>, vector<16xi32> -> vector<16xf32>
        %add3A_352 = arith.addf %add3A_338, %gather3A_351 : vector<16xf32>
        %iota3A_353 = tpu.iota {dimensions = array<i32: 0>} : vector<16xi32>
        %xor3A_354 = arith.constant 4 : i32
        %xor3A_355 = vector.broadcast %xor3A_354 : i32 to vector<16xi32>
        %xor3A_356 = arith.xori %iota3A_353, %xor3A_355 : vector<16xi32>
        %lt3A_357 = arith.constant 0 : i32
        %lt3A_358 = vector.broadcast %lt3A_357 : i32 to vector<16xi32>
        %lt3A_359 = arith.cmpi slt, %xor3A_356, %lt3A_358 : vector<16xi32>
        %add3A_360 = arith.constant 16 : i32
        %add3A_361 = vector.broadcast %add3A_360 : i32 to vector<16xi32>
        %add3A_362 = arith.addi %xor3A_356, %add3A_361 : vector<16xi32>
        %select_n3A_363 = arith.select %lt3A_359, %add3A_362, %xor3A_356 : vector<16xi1>, vector<16xi32>
        %broadcast_in_dim3A_364 = vector.shape_cast %select_n3A_363 : vector<16xi32> to vector<16x1xi32>
        %gather3A_365 = vector.shape_cast %broadcast_in_dim3A_364 : vector<16x1xi32> to vector<16xi32>
        %gather3A_366 = tpu.dynamic_gather %add3A_352[%gather3A_365] in [0] : vector<16xf32>, vector<16xi32> -> vector<16xf32>
        %add3A_367 = arith.addf %add3A_352, %gather3A_366 : vector<16xf32>
        %iota3A_368 = tpu.iota {dimensions = array<i32: 0>} : vector<16xi32>
        %xor3A_369 = arith.constant 2 : i32
        %xor3A_370 = vector.broadcast %xor3A_369 : i32 to vector<16xi32>
        %xor3A_371 = arith.xori %iota3A_368, %xor3A_370 : vector<16xi32>
        %lt3A_372 = arith.constant 0 : i32
        %lt3A_373 = vector.broadcast %lt3A_372 : i32 to vector<16xi32>
        %lt3A_374 = arith.cmpi slt, %xor3A_371, %lt3A_373 : vector<16xi32>
        %add3A_375 = arith.constant 16 : i32
        %add3A_376 = vector.broadcast %add3A_375 : i32 to vector<16xi32>
        %add3A_377 = arith.addi %xor3A_371, %add3A_376 : vector<16xi32>
        %select_n3A_378 = arith.select %lt3A_374, %add3A_377, %xor3A_371 : vector<16xi1>, vector<16xi32>
        %broadcast_in_dim3A_379 = vector.shape_cast %select_n3A_378 : vector<16xi32> to vector<16x1xi32>
        %gather3A_380 = vector.shape_cast %broadcast_in_dim3A_379 : vector<16x1xi32> to vector<16xi32>
        %gather3A_381 = tpu.dynamic_gather %add3A_367[%gather3A_380] in [0] : vector<16xf32>, vector<16xi32> -> vector<16xf32>
        %add3A_382 = arith.addf %add3A_367, %gather3A_381 : vector<16xf32>
        %iota3A_383 = tpu.iota {dimensions = array<i32: 0>} : vector<16xi32>
        %xor3A_384 = arith.constant 1 : i32
        %xor3A_385 = vector.broadcast %xor3A_384 : i32 to vector<16xi32>
        %xor3A_386 = arith.xori %iota3A_383, %xor3A_385 : vector<16xi32>
        %lt3A_387 = arith.constant 0 : i32
        %lt3A_388 = vector.broadcast %lt3A_387 : i32 to vector<16xi32>
        %lt3A_389 = arith.cmpi slt, %xor3A_386, %lt3A_388 : vector<16xi32>
        %add3A_390 = arith.constant 16 : i32
        %add3A_391 = vector.broadcast %add3A_390 : i32 to vector<16xi32>
        %add3A_392 = arith.addi %xor3A_386, %add3A_391 : vector<16xi32>
        %select_n3A_393 = arith.select %lt3A_389, %add3A_392, %xor3A_386 : vector<16xi1>, vector<16xi32>
        %broadcast_in_dim3A_394 = vector.shape_cast %select_n3A_393 : vector<16xi32> to vector<16x1xi32>
        %gather3A_395 = vector.shape_cast %broadcast_in_dim3A_394 : vector<16x1xi32> to vector<16xi32>
        %gather3A_396 = tpu.dynamic_gather %add3A_382[%gather3A_395] in [0] : vector<16xf32>, vector<16xi32> -> vector<16xf32>
        %add3A_397 = arith.addf %add3A_382, %gather3A_396 : vector<16xf32>
        %mul3A_398 = arith.constant 5.000000e+00 : f32
        %mul3A_399 = vector.broadcast %mul3A_398 : f32 to vector<16xf32>
        %mul3A_400 = arith.mulf %add3A_397, %mul3A_399 : vector<16xf32>
        %select_n3A_401 = arith.select %eq3A_340, %mul3A_400, %broadcast_in_dim3A_301 : vector<16xi1>, vector<16xf32>
        %get3A_402 = arith.constant 1 : i32
        %get3A_403 = arith.index_cast %get3A_402 : i32 to index
        %get3A_404 = arith.index_cast %add3A_307 : i32 to index
        %get3A_405 = arith.constant 64 : index
        %get3A_406 = tpu.vector_load %arg9[%get3A_403, %get3A_404, %get3A_405] {strides = array<i32>} : memref<2x352x128xf32, #tpu.memory_space<vmem>>, vector<1x1x16xf32>,
        %get3A_407 = vector.shape_cast %get3A_406 : vector<1x1x16xf32> to vector<16xf32>
        %mul3A_408 = arith.mulf %get3A_407, %get3A_282 : vector<16xf32>
        %get3A_409 = arith.constant 1 : i32
        %get3A_410 = arith.index_cast %get3A_409 : i32 to index
        %get3A_411 = arith.index_cast %add3A_307 : i32 to index
        %get3A_412 = arith.constant 80 : index
        %get3A_413 = tpu.vector_load %arg9[%get3A_410, %get3A_411, %get3A_412] {strides = array<i32>} : memref<2x352x128xf32, #tpu.memory_space<vmem>>, vector<1x1x16xf32>,
        %get3A_414 = vector.shape_cast %get3A_413 : vector<1x1x16xf32> to vector<16xf32>
        %mul3A_415 = arith.mulf %get3A_414, %get3A_288 : vector<16xf32>
        %add3A_416 = arith.addf %mul3A_408, %mul3A_415 : vector<16xf32>
        %get3A_417 = arith.constant 1 : i32
        %get3A_418 = arith.index_cast %get3A_417 : i32 to index
        %get3A_419 = arith.index_cast %add3A_307 : i32 to index
        %get3A_420 = arith.constant 96 : index
        %get3A_421 = tpu.vector_load %arg9[%get3A_418, %get3A_419, %get3A_420] {strides = array<i32>} : memref<2x352x128xf32, #tpu.memory_space<vmem>>, vector<1x1x16xf32>,
        %get3A_422 = vector.shape_cast %get3A_421 : vector<1x1x16xf32> to vector<16xf32>
        %mul3A_423 = arith.mulf %get3A_422, %get3A_294 : vector<16xf32>
        %add3A_424 = arith.addf %add3A_416, %mul3A_423 : vector<16xf32>
        %get3A_425 = arith.constant 1 : i32
        %get3A_426 = arith.index_cast %get3A_425 : i32 to index
        %get3A_427 = arith.index_cast %add3A_307 : i32 to index
        %get3A_428 = arith.constant 112 : index
        %get3A_429 = tpu.vector_load %arg9[%get3A_426, %get3A_427, %get3A_428] {strides = array<i32>} : memref<2x352x128xf32, #tpu.memory_space<vmem>>, vector<1x1x16xf32>,
        %get3A_430 = vector.shape_cast %get3A_429 : vector<1x1x16xf32> to vector<16xf32>
        %mul3A_431 = arith.mulf %get3A_430, %get3A_300 : vector<16xf32>
        %add3A_432 = arith.addf %add3A_424, %mul3A_431 : vector<16xf32>
        %eq3A_433 = arith.constant 0 : i32
        %eq3A_434 = vector.broadcast %eq3A_433 : i32 to vector<16xi32>
        %eq3A_435 = arith.cmpi eq, %iota3A, %eq3A_434 : vector<16xi32>
        %iota3A_436 = tpu.iota {dimensions = array<i32: 0>} : vector<16xi32>
        %xor3A_437 = arith.constant 8 : i32
        %xor3A_438 = vector.broadcast %xor3A_437 : i32 to vector<16xi32>
        %xor3A_439 = arith.xori %iota3A_436, %xor3A_438 : vector<16xi32>
        %lt3A_440 = arith.constant 0 : i32
        %lt3A_441 = vector.broadcast %lt3A_440 : i32 to vector<16xi32>
        %lt3A_442 = arith.cmpi slt, %xor3A_439, %lt3A_441 : vector<16xi32>
        %add3A_443 = arith.constant 16 : i32
        %add3A_444 = vector.broadcast %add3A_443 : i32 to vector<16xi32>
        %add3A_445 = arith.addi %xor3A_439, %add3A_444 : vector<16xi32>
        %select_n3A_446 = arith.select %lt3A_442, %add3A_445, %xor3A_439 : vector<16xi1>, vector<16xi32>
        %broadcast_in_dim3A_447 = vector.shape_cast %select_n3A_446 : vector<16xi32> to vector<16x1xi32>
        %gather3A_448 = vector.shape_cast %broadcast_in_dim3A_447 : vector<16x1xi32> to vector<16xi32>
        %gather3A_449 = tpu.dynamic_gather %add3A_432[%gather3A_448] in [0] : vector<16xf32>, vector<16xi32> -> vector<16xf32>
        %add3A_450 = arith.addf %add3A_432, %gather3A_449 : vector<16xf32>
        %iota3A_451 = tpu.iota {dimensions = array<i32: 0>} : vector<16xi32>
        %xor3A_452 = arith.constant 4 : i32
        %xor3A_453 = vector.broadcast %xor3A_452 : i32 to vector<16xi32>
        %xor3A_454 = arith.xori %iota3A_451, %xor3A_453 : vector<16xi32>
        %lt3A_455 = arith.constant 0 : i32
        %lt3A_456 = vector.broadcast %lt3A_455 : i32 to vector<16xi32>
        %lt3A_457 = arith.cmpi slt, %xor3A_454, %lt3A_456 : vector<16xi32>
        %add3A_458 = arith.constant 16 : i32
        %add3A_459 = vector.broadcast %add3A_458 : i32 to vector<16xi32>
        %add3A_460 = arith.addi %xor3A_454, %add3A_459 : vector<16xi32>
        %select_n3A_461 = arith.select %lt3A_457, %add3A_460, %xor3A_454 : vector<16xi1>, vector<16xi32>
        %broadcast_in_dim3A_462 = vector.shape_cast %select_n3A_461 : vector<16xi32> to vector<16x1xi32>
        %gather3A_463 = vector.shape_cast %broadcast_in_dim3A_462 : vector<16x1xi32> to vector<16xi32>
        %gather3A_464 = tpu.dynamic_gather %add3A_450[%gather3A_463] in [0] : vector<16xf32>, vector<16xi32> -> vector<16xf32>
        %add3A_465 = arith.addf %add3A_450, %gather3A_464 : vector<16xf32>
        %iota3A_466 = tpu.iota {dimensions = array<i32: 0>} : vector<16xi32>
        %xor3A_467 = arith.constant 2 : i32
        %xor3A_468 = vector.broadcast %xor3A_467 : i32 to vector<16xi32>
        %xor3A_469 = arith.xori %iota3A_466, %xor3A_468 : vector<16xi32>
        %lt3A_470 = arith.constant 0 : i32
        %lt3A_471 = vector.broadcast %lt3A_470 : i32 to vector<16xi32>
        %lt3A_472 = arith.cmpi slt, %xor3A_469, %lt3A_471 : vector<16xi32>
        %add3A_473 = arith.constant 16 : i32
        %add3A_474 = vector.broadcast %add3A_473 : i32 to vector<16xi32>
        %add3A_475 = arith.addi %xor3A_469, %add3A_474 : vector<16xi32>
        %select_n3A_476 = arith.select %lt3A_472, %add3A_475, %xor3A_469 : vector<16xi1>, vector<16xi32>
        %broadcast_in_dim3A_477 = vector.shape_cast %select_n3A_476 : vector<16xi32> to vector<16x1xi32>
        %gather3A_478 = vector.shape_cast %broadcast_in_dim3A_477 : vector<16x1xi32> to vector<16xi32>
        %gather3A_479 = tpu.dynamic_gather %add3A_465[%gather3A_478] in [0] : vector<16xf32>, vector<16xi32> -> vector<16xf32>
        %add3A_480 = arith.addf %add3A_465, %gather3A_479 : vector<16xf32>
        %iota3A_481 = tpu.iota {dimensions = array<i32: 0>} : vector<16xi32>
        %xor3A_482 = arith.constant 1 : i32
        %xor3A_483 = vector.broadcast %xor3A_482 : i32 to vector<16xi32>
        %xor3A_484 = arith.xori %iota3A_481, %xor3A_483 : vector<16xi32>
        %lt3A_485 = arith.constant 0 : i32
        %lt3A_486 = vector.broadcast %lt3A_485 : i32 to vector<16xi32>
        %lt3A_487 = arith.cmpi slt, %xor3A_484, %lt3A_486 : vector<16xi32>
        %add3A_488 = arith.constant 16 : i32
        %add3A_489 = vector.broadcast %add3A_488 : i32 to vector<16xi32>
        %add3A_490 = arith.addi %xor3A_484, %add3A_489 : vector<16xi32>
        %select_n3A_491 = arith.select %lt3A_487, %add3A_490, %xor3A_484 : vector<16xi1>, vector<16xi32>
        %broadcast_in_dim3A_492 = vector.shape_cast %select_n3A_491 : vector<16xi32> to vector<16x1xi32>
        %gather3A_493 = vector.shape_cast %broadcast_in_dim3A_492 : vector<16x1xi32> to vector<16xi32>
        %gather3A_494 = tpu.dynamic_gather %add3A_480[%gather3A_493] in [0] : vector<16xf32>, vector<16xi32> -> vector<16xf32>
        %add3A_495 = arith.addf %add3A_480, %gather3A_494 : vector<16xf32>
        %mul3A_496 = arith.constant 5.000000e+00 : f32
        %mul3A_497 = vector.broadcast %mul3A_496 : f32 to vector<16xf32>
        %mul3A_498 = arith.mulf %add3A_495, %mul3A_497 : vector<16xf32>
        %select_n3A_499 = arith.select %eq3A_435, %mul3A_498, %broadcast_in_dim3A_303 : vector<16xi1>, vector<16xf32>
        %mul3A_500 = arith.constant 11 : i32
        %mul3A_501 = arith.muli %scan3A_277, %mul3A_500 : i32
        %add3A_502 = arith.constant 1 : i32
        %add3A_503 = arith.addi %mul3A_501, %add3A_502 : i32
        %get3A_504 = arith.constant 1 : i32
        %get3A_505 = arith.index_cast %get3A_504 : i32 to index
        %get3A_506 = arith.index_cast %add3A_503 : i32 to index
        %get3A_507 = arith.constant 0 : index
        %get3A_508 = tpu.vector_load %arg9[%get3A_505, %get3A_506, %get3A_507] {strides = array<i32>} : memref<2x352x128xf32, #tpu.memory_space<vmem>>, vector<1x1x16xf32>,
        %get3A_509 = vector.shape_cast %get3A_508 : vector<1x1x16xf32> to vector<16xf32>
        %mul3A_510 = arith.mulf %get3A_509, %get3A_282 : vector<16xf32>
        %get3A_511 = arith.constant 1 : i32
        %get3A_512 = arith.index_cast %get3A_511 : i32 to index
        %get3A_513 = arith.index_cast %add3A_503 : i32 to index
        %get3A_514 = arith.constant 16 : index
        %get3A_515 = tpu.vector_load %arg9[%get3A_512, %get3A_513, %get3A_514] {strides = array<i32>} : memref<2x352x128xf32, #tpu.memory_space<vmem>>, vector<1x1x16xf32>,
        %get3A_516 = vector.shape_cast %get3A_515 : vector<1x1x16xf32> to vector<16xf32>
        %mul3A_517 = arith.mulf %get3A_516, %get3A_288 : vector<16xf32>
        %add3A_518 = arith.addf %mul3A_510, %mul3A_517 : vector<16xf32>
        %get3A_519 = arith.constant 1 : i32
        %get3A_520 = arith.index_cast %get3A_519 : i32 to index
        %get3A_521 = arith.index_cast %add3A_503 : i32 to index
        %get3A_522 = arith.constant 32 : index
        %get3A_523 = tpu.vector_load %arg9[%get3A_520, %get3A_521, %get3A_522] {strides = array<i32>} : memref<2x352x128xf32, #tpu.memory_space<vmem>>, vector<1x1x16xf32>,
        %get3A_524 = vector.shape_cast %get3A_523 : vector<1x1x16xf32> to vector<16xf32>
        %mul3A_525 = arith.mulf %get3A_524, %get3A_294 : vector<16xf32>
        %add3A_526 = arith.addf %add3A_518, %mul3A_525 : vector<16xf32>
        %get3A_527 = arith.constant 1 : i32
        %get3A_528 = arith.index_cast %get3A_527 : i32 to index
        %get3A_529 = arith.index_cast %add3A_503 : i32 to index
        %get3A_530 = arith.constant 48 : index
        %get3A_531 = tpu.vector_load %arg9[%get3A_528, %get3A_529, %get3A_530] {strides = array<i32>} : memref<2x352x128xf32, #tpu.memory_space<vmem>>, vector<1x1x16xf32>,
        %get3A_532 = vector.shape_cast %get3A_531 : vector<1x1x16xf32> to vector<16xf32>
        %mul3A_533 = arith.mulf %get3A_532, %get3A_300 : vector<16xf32>
        %add3A_534 = arith.addf %add3A_526, %mul3A_533 : vector<16xf32>
        %eq3A_535 = arith.constant 1 : i32
        %eq3A_536 = vector.broadcast %eq3A_535 : i32 to vector<16xi32>
        %eq3A_537 = arith.cmpi eq, %iota3A, %eq3A_536 : vector<16xi32>
        %iota3A_538 = tpu.iota {dimensions = array<i32: 0>} : vector<16xi32>
        %xor3A_539 = arith.constant 8 : i32
        %xor3A_540 = vector.broadcast %xor3A_539 : i32 to vector<16xi32>
        %xor3A_541 = arith.xori %iota3A_538, %xor3A_540 : vector<16xi32>
        %lt3A_542 = arith.constant 0 : i32
        %lt3A_543 = vector.broadcast %lt3A_542 : i32 to vector<16xi32>
        %lt3A_544 = arith.cmpi slt, %xor3A_541, %lt3A_543 : vector<16xi32>
        %add3A_545 = arith.constant 16 : i32
        %add3A_546 = vector.broadcast %add3A_545 : i32 to vector<16xi32>
        %add3A_547 = arith.addi %xor3A_541, %add3A_546 : vector<16xi32>
        %select_n3A_548 = arith.select %lt3A_544, %add3A_547, %xor3A_541 : vector<16xi1>, vector<16xi32>
        %broadcast_in_dim3A_549 = vector.shape_cast %select_n3A_548 : vector<16xi32> to vector<16x1xi32>
        %gather3A_550 = vector.shape_cast %broadcast_in_dim3A_549 : vector<16x1xi32> to vector<16xi32>
        %gather3A_551 = tpu.dynamic_gather %add3A_534[%gather3A_550] in [0] : vector<16xf32>, vector<16xi32> -> vector<16xf32>
        %add3A_552 = arith.addf %add3A_534, %gather3A_551 : vector<16xf32>
        %iota3A_553 = tpu.iota {dimensions = array<i32: 0>} : vector<16xi32>
        %xor3A_554 = arith.constant 4 : i32
        %xor3A_555 = vector.broadcast %xor3A_554 : i32 to vector<16xi32>
        %xor3A_556 = arith.xori %iota3A_553, %xor3A_555 : vector<16xi32>
        %lt3A_557 = arith.constant 0 : i32
        %lt3A_558 = vector.broadcast %lt3A_557 : i32 to vector<16xi32>
        %lt3A_559 = arith.cmpi slt, %xor3A_556, %lt3A_558 : vector<16xi32>
        %add3A_560 = arith.constant 16 : i32
        %add3A_561 = vector.broadcast %add3A_560 : i32 to vector<16xi32>
        %add3A_562 = arith.addi %xor3A_556, %add3A_561 : vector<16xi32>
        %select_n3A_563 = arith.select %lt3A_559, %add3A_562, %xor3A_556 : vector<16xi1>, vector<16xi32>
        %broadcast_in_dim3A_564 = vector.shape_cast %select_n3A_563 : vector<16xi32> to vector<16x1xi32>
        %gather3A_565 = vector.shape_cast %broadcast_in_dim3A_564 : vector<16x1xi32> to vector<16xi32>
        %gather3A_566 = tpu.dynamic_gather %add3A_552[%gather3A_565] in [0] : vector<16xf32>, vector<16xi32> -> vector<16xf32>
        %add3A_567 = arith.addf %add3A_552, %gather3A_566 : vector<16xf32>
        %iota3A_568 = tpu.iota {dimensions = array<i32: 0>} : vector<16xi32>
        %xor3A_569 = arith.constant 2 : i32
        %xor3A_570 = vector.broadcast %xor3A_569 : i32 to vector<16xi32>
        %xor3A_571 = arith.xori %iota3A_568, %xor3A_570 : vector<16xi32>
        %lt3A_572 = arith.constant 0 : i32
        %lt3A_573 = vector.broadcast %lt3A_572 : i32 to vector<16xi32>
        %lt3A_574 = arith.cmpi slt, %xor3A_571, %lt3A_573 : vector<16xi32>
        %add3A_575 = arith.constant 16 : i32
        %add3A_576 = vector.broadcast %add3A_575 : i32 to vector<16xi32>
        %add3A_577 = arith.addi %xor3A_571, %add3A_576 : vector<16xi32>
        %select_n3A_578 = arith.select %lt3A_574, %add3A_577, %xor3A_571 : vector<16xi1>, vector<16xi32>
        %broadcast_in_dim3A_579 = vector.shape_cast %select_n3A_578 : vector<16xi32> to vector<16x1xi32>
        %gather3A_580 = vector.shape_cast %broadcast_in_dim3A_579 : vector<16x1xi32> to vector<16xi32>
        %gather3A_581 = tpu.dynamic_gather %add3A_567[%gather3A_580] in [0] : vector<16xf32>, vector<16xi32> -> vector<16xf32>
        %add3A_582 = arith.addf %add3A_567, %gather3A_581 : vector<16xf32>
        %iota3A_583 = tpu.iota {dimensions = array<i32: 0>} : vector<16xi32>
        %xor3A_584 = arith.constant 1 : i32
        %xor3A_585 = vector.broadcast %xor3A_584 : i32 to vector<16xi32>
        %xor3A_586 = arith.xori %iota3A_583, %xor3A_585 : vector<16xi32>
        %lt3A_587 = arith.constant 0 : i32
        %lt3A_588 = vector.broadcast %lt3A_587 : i32 to vector<16xi32>
        %lt3A_589 = arith.cmpi slt, %xor3A_586, %lt3A_588 : vector<16xi32>
        %add3A_590 = arith.constant 16 : i32
        %add3A_591 = vector.broadcast %add3A_590 : i32 to vector<16xi32>
        %add3A_592 = arith.addi %xor3A_586, %add3A_591 : vector<16xi32>
        %select_n3A_593 = arith.select %lt3A_589, %add3A_592, %xor3A_586 : vector<16xi1>, vector<16xi32>
        %broadcast_in_dim3A_594 = vector.shape_cast %select_n3A_593 : vector<16xi32> to vector<16x1xi32>
        %gather3A_595 = vector.shape_cast %broadcast_in_dim3A_594 : vector<16x1xi32> to vector<16xi32>
        %gather3A_596 = tpu.dynamic_gather %add3A_582[%gather3A_595] in [0] : vector<16xf32>, vector<16xi32> -> vector<16xf32>
        %add3A_597 = arith.addf %add3A_582, %gather3A_596 : vector<16xf32>
        %mul3A_598 = arith.constant 5.000000e+00 : f32
        %mul3A_599 = vector.broadcast %mul3A_598 : f32 to vector<16xf32>
        %mul3A_600 = arith.mulf %add3A_597, %mul3A_599 : vector<16xf32>
        %select_n3A_601 = arith.select %eq3A_537, %mul3A_600, %select_n3A_401 : vector<16xi1>, vector<16xf32>
        %get3A_602 = arith.constant 1 : i32
        %get3A_603 = arith.index_cast %get3A_602 : i32 to index
        %get3A_604 = arith.index_cast %add3A_503 : i32 to index
        %get3A_605 = arith.constant 64 : index
        %get3A_606 = tpu.vector_load %arg9[%get3A_603, %get3A_604, %get3A_605] {strides = array<i32>} : memref<2x352x128xf32, #tpu.memory_space<vmem>>, vector<1x1x16xf32>,
        %get3A_607 = vector.shape_cast %get3A_606 : vector<1x1x16xf32> to vector<16xf32>
        %mul3A_608 = arith.mulf %get3A_607, %get3A_282 : vector<16xf32>
        %get3A_609 = arith.constant 1 : i32
        %get3A_610 = arith.index_cast %get3A_609 : i32 to index
        %get3A_611 = arith.index_cast %add3A_503 : i32 to index
        %get3A_612 = arith.constant 80 : index
        %get3A_613 = tpu.vector_load %arg9[%get3A_610, %get3A_611, %get3A_612] {strides = array<i32>} : memref<2x352x128xf32, #tpu.memory_space<vmem>>, vector<1x1x16xf32>,
        %get3A_614 = vector.shape_cast %get3A_613 : vector<1x1x16xf32> to vector<16xf32>
        %mul3A_615 = arith.mulf %get3A_614, %get3A_288 : vector<16xf32>
        %add3A_616 = arith.addf %mul3A_608, %mul3A_615 : vector<16xf32>
        %get3A_617 = arith.constant 1 : i32
        %get3A_618 = arith.index_cast %get3A_617 : i32 to index
        %get3A_619 = arith.index_cast %add3A_503 : i32 to index
        %get3A_620 = arith.constant 96 : index
        %get3A_621 = tpu.vector_load %arg9[%get3A_618, %get3A_619, %get3A_620] {strides = array<i32>} : memref<2x352x128xf32, #tpu.memory_space<vmem>>, vector<1x1x16xf32>,
        %get3A_622 = vector.shape_cast %get3A_621 : vector<1x1x16xf32> to vector<16xf32>
        %mul3A_623 = arith.mulf %get3A_622, %get3A_294 : vector<16xf32>
        %add3A_624 = arith.addf %add3A_616, %mul3A_623 : vector<16xf32>
        %get3A_625 = arith.constant 1 : i32
        %get3A_626 = arith.index_cast %get3A_625 : i32 to index
        %get3A_627 = arith.index_cast %add3A_503 : i32 to index
        %get3A_628 = arith.constant 112 : index
        %get3A_629 = tpu.vector_load %arg9[%get3A_626, %get3A_627, %get3A_628] {strides = array<i32>} : memref<2x352x128xf32, #tpu.memory_space<vmem>>, vector<1x1x16xf32>,
        %get3A_630 = vector.shape_cast %get3A_629 : vector<1x1x16xf32> to vector<16xf32>
        %mul3A_631 = arith.mulf %get3A_630, %get3A_300 : vector<16xf32>
        %add3A_632 = arith.addf %add3A_624, %mul3A_631 : vector<16xf32>
        %eq3A_633 = arith.constant 1 : i32
        %eq3A_634 = vector.broadcast %eq3A_633 : i32 to vector<16xi32>
        %eq3A_635 = arith.cmpi eq, %iota3A, %eq3A_634 : vector<16xi32>
        %iota3A_636 = tpu.iota {dimensions = array<i32: 0>} : vector<16xi32>
        %xor3A_637 = arith.constant 8 : i32
        %xor3A_638 = vector.broadcast %xor3A_637 : i32 to vector<16xi32>
        %xor3A_639 = arith.xori %iota3A_636, %xor3A_638 : vector<16xi32>
        %lt3A_640 = arith.constant 0 : i32
        %lt3A_641 = vector.broadcast %lt3A_640 : i32 to vector<16xi32>
        %lt3A_642 = arith.cmpi slt, %xor3A_639, %lt3A_641 : vector<16xi32>
        %add3A_643 = arith.constant 16 : i32
        %add3A_644 = vector.broadcast %add3A_643 : i32 to vector<16xi32>
        %add3A_645 = arith.addi %xor3A_639, %add3A_644 : vector<16xi32>
        %select_n3A_646 = arith.select %lt3A_642, %add3A_645, %xor3A_639 : vector<16xi1>, vector<16xi32>
        %broadcast_in_dim3A_647 = vector.shape_cast %select_n3A_646 : vector<16xi32> to vector<16x1xi32>
        %gather3A_648 = vector.shape_cast %broadcast_in_dim3A_647 : vector<16x1xi32> to vector<16xi32>
        %gather3A_649 = tpu.dynamic_gather %add3A_632[%gather3A_648] in [0] : vector<16xf32>, vector<16xi32> -> vector<16xf32>
        %add3A_650 = arith.addf %add3A_632, %gather3A_649 : vector<16xf32>
        %iota3A_651 = tpu.iota {dimensions = array<i32: 0>} : vector<16xi32>
        %xor3A_652 = arith.constant 4 : i32
        %xor3A_653 = vector.broadcast %xor3A_652 : i32 to vector<16xi32>
        %xor3A_654 = arith.xori %iota3A_651, %xor3A_653 : vector<16xi32>
        %lt3A_655 = arith.constant 0 : i32
        %lt3A_656 = vector.broadcast %lt3A_655 : i32 to vector<16xi32>
        %lt3A_657 = arith.cmpi slt, %xor3A_654, %lt3A_656 : vector<16xi32>
        %add3A_658 = arith.constant 16 : i32
        %add3A_659 = vector.broadcast %add3A_658 : i32 to vector<16xi32>
        %add3A_660 = arith.addi %xor3A_654, %add3A_659 : vector<16xi32>
        %select_n3A_661 = arith.select %lt3A_657, %add3A_660, %xor3A_654 : vector<16xi1>, vector<16xi32>
        %broadcast_in_dim3A_662 = vector.shape_cast %select_n3A_661 : vector<16xi32> to vector<16x1xi32>
        %gather3A_663 = vector.shape_cast %broadcast_in_dim3A_662 : vector<16x1xi32> to vector<16xi32>
        %gather3A_664 = tpu.dynamic_gather %add3A_650[%gather3A_663] in [0] : vector<16xf32>, vector<16xi32> -> vector<16xf32>
        %add3A_665 = arith.addf %add3A_650, %gather3A_664 : vector<16xf32>
        %iota3A_666 = tpu.iota {dimensions = array<i32: 0>} : vector<16xi32>
        %xor3A_667 = arith.constant 2 : i32
        %xor3A_668 = vector.broadcast %xor3A_667 : i32 to vector<16xi32>
        %xor3A_669 = arith.xori %iota3A_666, %xor3A_668 : vector<16xi32>
        %lt3A_670 = arith.constant 0 : i32
        %lt3A_671 = vector.broadcast %lt3A_670 : i32 to vector<16xi32>
        %lt3A_672 = arith.cmpi slt, %xor3A_669, %lt3A_671 : vector<16xi32>
        %add3A_673 = arith.constant 16 : i32
        %add3A_674 = vector.broadcast %add3A_673 : i32 to vector<16xi32>
        %add3A_675 = arith.addi %xor3A_669, %add3A_674 : vector<16xi32>
        %select_n3A_676 = arith.select %lt3A_672, %add3A_675, %xor3A_669 : vector<16xi1>, vector<16xi32>
        %broadcast_in_dim3A_677 = vector.shape_cast %select_n3A_676 : vector<16xi32> to vector<16x1xi32>
        %gather3A_678 = vector.shape_cast %broadcast_in_dim3A_677 : vector<16x1xi32> to vector<16xi32>
        %gather3A_679 = tpu.dynamic_gather %add3A_665[%gather3A_678] in [0] : vector<16xf32>, vector<16xi32> -> vector<16xf32>
        %add3A_680 = arith.addf %add3A_665, %gather3A_679 : vector<16xf32>
        %iota3A_681 = tpu.iota {dimensions = array<i32: 0>} : vector<16xi32>
        %xor3A_682 = arith.constant 1 : i32
        %xor3A_683 = vector.broadcast %xor3A_682 : i32 to vector<16xi32>
        %xor3A_684 = arith.xori %iota3A_681, %xor3A_683 : vector<16xi32>
        %lt3A_685 = arith.constant 0 : i32
        %lt3A_686 = vector.broadcast %lt3A_685 : i32 to vector<16xi32>
        %lt3A_687 = arith.cmpi slt, %xor3A_684, %lt3A_686 : vector<16xi32>
        %add3A_688 = arith.constant 16 : i32
        %add3A_689 = vector.broadcast %add3A_688 : i32 to vector<16xi32>
        %add3A_690 = arith.addi %xor3A_684, %add3A_689 : vector<16xi32>
        %select_n3A_691 = arith.select %lt3A_687, %add3A_690, %xor3A_684 : vector<16xi1>, vector<16xi32>
        %broadcast_in_dim3A_692 = vector.shape_cast %select_n3A_691 : vector<16xi32> to vector<16x1xi32>
        %gather3A_693 = vector.shape_cast %broadcast_in_dim3A_692 : vector<16x1xi32> to vector<16xi32>
        %gather3A_694 = tpu.dynamic_gather %add3A_680[%gather3A_693] in [0] : vector<16xf32>, vector<16xi32> -> vector<16xf32>
        %add3A_695 = arith.addf %add3A_680, %gather3A_694 : vector<16xf32>
        %mul3A_696 = arith.constant 5.000000e+00 : f32
        %mul3A_697 = vector.broadcast %mul3A_696 : f32 to vector<16xf32>
        %mul3A_698 = arith.mulf %add3A_695, %mul3A_697 : vector<16xf32>
        %select_n3A_699 = arith.select %eq3A_635, %mul3A_698, %select_n3A_499 : vector<16xi1>, vector<16xf32>
        %mul3A_700 = arith.constant 11 : i32
        %mul3A_701 = arith.muli %scan3A_277, %mul3A_700 : i32
        %add3A_702 = arith.constant 2 : i32
        %add3A_703 = arith.addi %mul3A_701, %add3A_702 : i32
        %get3A_704 = arith.constant 1 : i32
        %get3A_705 = arith.index_cast %get3A_704 : i32 to index
        %get3A_706 = arith.index_cast %add3A_703 : i32 to index
        %get3A_707 = arith.constant 0 : index
        %get3A_708 = tpu.vector_load %arg9[%get3A_705, %get3A_706, %get3A_707] {strides = array<i32>} : memref<2x352x128xf32, #tpu.memory_space<vmem>>, vector<1x1x16xf32>,
        %get3A_709 = vector.shape_cast %get3A_708 : vector<1x1x16xf32> to vector<16xf32>
        %mul3A_710 = arith.mulf %get3A_709, %get3A_282 : vector<16xf32>
        %get3A_711 = arith.constant 1 : i32
        %get3A_712 = arith.index_cast %get3A_711 : i32 to index
        %get3A_713 = arith.index_cast %add3A_703 : i32 to index
        %get3A_714 = arith.constant 16 : index
        %get3A_715 = tpu.vector_load %arg9[%get3A_712, %get3A_713, %get3A_714] {strides = array<i32>} : memref<2x352x128xf32, #tpu.memory_space<vmem>>, vector<1x1x16xf32>,
        %get3A_716 = vector.shape_cast %get3A_715 : vector<1x1x16xf32> to vector<16xf32>
        %mul3A_717 = arith.mulf %get3A_716, %get3A_288 : vector<16xf32>
        %add3A_718 = arith.addf %mul3A_710, %mul3A_717 : vector<16xf32>
        %get3A_719 = arith.constant 1 : i32
        %get3A_720 = arith.index_cast %get3A_719 : i32 to index
        %get3A_721 = arith.index_cast %add3A_703 : i32 to index
        %get3A_722 = arith.constant 32 : index
        %get3A_723 = tpu.vector_load %arg9[%get3A_720, %get3A_721, %get3A_722] {strides = array<i32>} : memref<2x352x128xf32, #tpu.memory_space<vmem>>, vector<1x1x16xf32>,
        %get3A_724 = vector.shape_cast %get3A_723 : vector<1x1x16xf32> to vector<16xf32>
        %mul3A_725 = arith.mulf %get3A_724, %get3A_294 : vector<16xf32>
        %add3A_726 = arith.addf %add3A_718, %mul3A_725 : vector<16xf32>
        %get3A_727 = arith.constant 1 : i32
        %get3A_728 = arith.index_cast %get3A_727 : i32 to index
        %get3A_729 = arith.index_cast %add3A_703 : i32 to index
        %get3A_730 = arith.constant 48 : index
        %get3A_731 = tpu.vector_load %arg9[%get3A_728, %get3A_729, %get3A_730] {strides = array<i32>} : memref<2x352x128xf32, #tpu.memory_space<vmem>>, vector<1x1x16xf32>,
        %get3A_732 = vector.shape_cast %get3A_731 : vector<1x1x16xf32> to vector<16xf32>
        %mul3A_733 = arith.mulf %get3A_732, %get3A_300 : vector<16xf32>
        %add3A_734 = arith.addf %add3A_726, %mul3A_733 : vector<16xf32>
        %eq3A_735 = arith.constant 2 : i32
        %eq3A_736 = vector.broadcast %eq3A_735 : i32 to vector<16xi32>
        %eq3A_737 = arith.cmpi eq, %iota3A, %eq3A_736 : vector<16xi32>
        %iota3A_738 = tpu.iota {dimensions = array<i32: 0>} : vector<16xi32>
        %xor3A_739 = arith.constant 8 : i32
        %xor3A_740 = vector.broadcast %xor3A_739 : i32 to vector<16xi32>
        %xor3A_741 = arith.xori %iota3A_738, %xor3A_740 : vector<16xi32>
        %lt3A_742 = arith.constant 0 : i32
        %lt3A_743 = vector.broadcast %lt3A_742 : i32 to vector<16xi32>
        %lt3A_744 = arith.cmpi slt, %xor3A_741, %lt3A_743 : vector<16xi32>
        %add3A_745 = arith.constant 16 : i32
        %add3A_746 = vector.broadcast %add3A_745 : i32 to vector<16xi32>
        %add3A_747 = arith.addi %xor3A_741, %add3A_746 : vector<16xi32>
        %select_n3A_748 = arith.select %lt3A_744, %add3A_747, %xor3A_741 : vector<16xi1>, vector<16xi32>
        %broadcast_in_dim3A_749 = vector.shape_cast %select_n3A_748 : vector<16xi32> to vector<16x1xi32>
        %gather3A_750 = vector.shape_cast %broadcast_in_dim3A_749 : vector<16x1xi32> to vector<16xi32>
        %gather3A_751 = tpu.dynamic_gather %add3A_734[%gather3A_750] in [0] : vector<16xf32>, vector<16xi32> -> vector<16xf32>
        %add3A_752 = arith.addf %add3A_734, %gather3A_751 : vector<16xf32>
        %iota3A_753 = tpu.iota {dimensions = array<i32: 0>} : vector<16xi32>
        %xor3A_754 = arith.constant 4 : i32
        %xor3A_755 = vector.broadcast %xor3A_754 : i32 to vector<16xi32>
        %xor3A_756 = arith.xori %iota3A_753, %xor3A_755 : vector<16xi32>
        %lt3A_757 = arith.constant 0 : i32
        %lt3A_758 = vector.broadcast %lt3A_757 : i32 to vector<16xi32>
        %lt3A_759 = arith.cmpi slt, %xor3A_756, %lt3A_758 : vector<16xi32>
        %add3A_760 = arith.constant 16 : i32
        %add3A_761 = vector.broadcast %add3A_760 : i32 to vector<16xi32>
        %add3A_762 = arith.addi %xor3A_756, %add3A_761 : vector<16xi32>
        %select_n3A_763 = arith.select %lt3A_759, %add3A_762, %xor3A_756 : vector<16xi1>, vector<16xi32>
        %broadcast_in_dim3A_764 = vector.shape_cast %select_n3A_763 : vector<16xi32> to vector<16x1xi32>
        %gather3A_765 = vector.shape_cast %broadcast_in_dim3A_764 : vector<16x1xi32> to vector<16xi32>
        %gather3A_766 = tpu.dynamic_gather %add3A_752[%gather3A_765] in [0] : vector<16xf32>, vector<16xi32> -> vector<16xf32>
        %add3A_767 = arith.addf %add3A_752, %gather3A_766 : vector<16xf32>
        %iota3A_768 = tpu.iota {dimensions = array<i32: 0>} : vector<16xi32>
        %xor3A_769 = arith.constant 2 : i32
        %xor3A_770 = vector.broadcast %xor3A_769 : i32 to vector<16xi32>
        %xor3A_771 = arith.xori %iota3A_768, %xor3A_770 : vector<16xi32>
        %lt3A_772 = arith.constant 0 : i32
        %lt3A_773 = vector.broadcast %lt3A_772 : i32 to vector<16xi32>
        %lt3A_774 = arith.cmpi slt, %xor3A_771, %lt3A_773 : vector<16xi32>
        %add3A_775 = arith.constant 16 : i32
        %add3A_776 = vector.broadcast %add3A_775 : i32 to vector<16xi32>
        %add3A_777 = arith.addi %xor3A_771, %add3A_776 : vector<16xi32>
        %select_n3A_778 = arith.select %lt3A_774, %add3A_777, %xor3A_771 : vector<16xi1>, vector<16xi32>
        %broadcast_in_dim3A_779 = vector.shape_cast %select_n3A_778 : vector<16xi32> to vector<16x1xi32>
        %gather3A_780 = vector.shape_cast %broadcast_in_dim3A_779 : vector<16x1xi32> to vector<16xi32>
        %gather3A_781 = tpu.dynamic_gather %add3A_767[%gather3A_780] in [0] : vector<16xf32>, vector<16xi32> -> vector<16xf32>
        %add3A_782 = arith.addf %add3A_767, %gather3A_781 : vector<16xf32>
        %iota3A_783 = tpu.iota {dimensions = array<i32: 0>} : vector<16xi32>
        %xor3A_784 = arith.constant 1 : i32
        %xor3A_785 = vector.broadcast %xor3A_784 : i32 to vector<16xi32>
        %xor3A_786 = arith.xori %iota3A_783, %xor3A_785 : vector<16xi32>
        %lt3A_787 = arith.constant 0 : i32
        %lt3A_788 = vector.broadcast %lt3A_787 : i32 to vector<16xi32>
        %lt3A_789 = arith.cmpi slt, %xor3A_786, %lt3A_788 : vector<16xi32>
        %add3A_790 = arith.constant 16 : i32
        %add3A_791 = vector.broadcast %add3A_790 : i32 to vector<16xi32>
        %add3A_792 = arith.addi %xor3A_786, %add3A_791 : vector<16xi32>
        %select_n3A_793 = arith.select %lt3A_789, %add3A_792, %xor3A_786 : vector<16xi1>, vector<16xi32>
        %broadcast_in_dim3A_794 = vector.shape_cast %select_n3A_793 : vector<16xi32> to vector<16x1xi32>
        %gather3A_795 = vector.shape_cast %broadcast_in_dim3A_794 : vector<16x1xi32> to vector<16xi32>
        %gather3A_796 = tpu.dynamic_gather %add3A_782[%gather3A_795] in [0] : vector<16xf32>, vector<16xi32> -> vector<16xf32>
        %add3A_797 = arith.addf %add3A_782, %gather3A_796 : vector<16xf32>
        %mul3A_798 = arith.constant 5.000000e+00 : f32
        %mul3A_799 = vector.broadcast %mul3A_798 : f32 to vector<16xf32>
        %mul3A_800 = arith.mulf %add3A_797, %mul3A_799 : vector<16xf32>
        %select_n3A_801 = arith.select %eq3A_737, %mul3A_800, %select_n3A_601 : vector<16xi1>, vector<16xf32>
        %get3A_802 = arith.constant 1 : i32
        %get3A_803 = arith.index_cast %get3A_802 : i32 to index
        %get3A_804 = arith.index_cast %add3A_703 : i32 to index
        %get3A_805 = arith.constant 64 : index
        %get3A_806 = tpu.vector_load %arg9[%get3A_803, %get3A_804, %get3A_805] {strides = array<i32>} : memref<2x352x128xf32, #tpu.memory_space<vmem>>, vector<1x1x16xf32>,
        %get3A_807 = vector.shape_cast %get3A_806 : vector<1x1x16xf32> to vector<16xf32>
        %mul3A_808 = arith.mulf %get3A_807, %get3A_282 : vector<16xf32>
        %get3A_809 = arith.constant 1 : i32
        %get3A_810 = arith.index_cast %get3A_809 : i32 to index
        %get3A_811 = arith.index_cast %add3A_703 : i32 to index
        %get3A_812 = arith.constant 80 : index
        %get3A_813 = tpu.vector_load %arg9[%get3A_810, %get3A_811, %get3A_812] {strides = array<i32>} : memref<2x352x128xf32, #tpu.memory_space<vmem>>, vector<1x1x16xf32>,
        %get3A_814 = vector.shape_cast %get3A_813 : vector<1x1x16xf32> to vector<16xf32>
        %mul3A_815 = arith.mulf %get3A_814, %get3A_288 : vector<16xf32>
        %add3A_816 = arith.addf %mul3A_808, %mul3A_815 : vector<16xf32>
        %get3A_817 = arith.constant 1 : i32
        %get3A_818 = arith.index_cast %get3A_817 : i32 to index
        %get3A_819 = arith.index_cast %add3A_703 : i32 to index
        %get3A_820 = arith.constant 96 : index
        %get3A_821 = tpu.vector_load %arg9[%get3A_818, %get3A_819, %get3A_820] {strides = array<i32>} : memref<2x352x128xf32, #tpu.memory_space<vmem>>, vector<1x1x16xf32>,
        %get3A_822 = vector.shape_cast %get3A_821 : vector<1x1x16xf32> to vector<16xf32>
        %mul3A_823 = arith.mulf %get3A_822, %get3A_294 : vector<16xf32>
        %add3A_824 = arith.addf %add3A_816, %mul3A_823 : vector<16xf32>
        %get3A_825 = arith.constant 1 : i32
        %get3A_826 = arith.index_cast %get3A_825 : i32 to index
        %get3A_827 = arith.index_cast %add3A_703 : i32 to index
        %get3A_828 = arith.constant 112 : index
        %get3A_829 = tpu.vector_load %arg9[%get3A_826, %get3A_827, %get3A_828] {strides = array<i32>} : memref<2x352x128xf32, #tpu.memory_space<vmem>>, vector<1x1x16xf32>,
        %get3A_830 = vector.shape_cast %get3A_829 : vector<1x1x16xf32> to vector<16xf32>
        %mul3A_831 = arith.mulf %get3A_830, %get3A_300 : vector<16xf32>
        %add3A_832 = arith.addf %add3A_824, %mul3A_831 : vector<16xf32>
        %eq3A_833 = arith.constant 2 : i32
        %eq3A_834 = vector.broadcast %eq3A_833 : i32 to vector<16xi32>
        %eq3A_835 = arith.cmpi eq, %iota3A, %eq3A_834 : vector<16xi32>
        %iota3A_836 = tpu.iota {dimensions = array<i32: 0>} : vector<16xi32>
        %xor3A_837 = arith.constant 8 : i32
        %xor3A_838 = vector.broadcast %xor3A_837 : i32 to vector<16xi32>
        %xor3A_839 = arith.xori %iota3A_836, %xor3A_838 : vector<16xi32>
        %lt3A_840 = arith.constant 0 : i32
        %lt3A_841 = vector.broadcast %lt3A_840 : i32 to vector<16xi32>
        %lt3A_842 = arith.cmpi slt, %xor3A_839, %lt3A_841 : vector<16xi32>
        %add3A_843 = arith.constant 16 : i32
        %add3A_844 = vector.broadcast %add3A_843 : i32 to vector<16xi32>
        %add3A_845 = arith.addi %xor3A_839, %add3A_844 : vector<16xi32>
        %select_n3A_846 = arith.select %lt3A_842, %add3A_845, %xor3A_839 : vector<16xi1>, vector<16xi32>
        %broadcast_in_dim3A_847 = vector.shape_cast %select_n3A_846 : vector<16xi32> to vector<16x1xi32>
        %gather3A_848 = vector.shape_cast %broadcast_in_dim3A_847 : vector<16x1xi32> to vector<16xi32>
        %gather3A_849 = tpu.dynamic_gather %add3A_832[%gather3A_848] in [0] : vector<16xf32>, vector<16xi32> -> vector<16xf32>
        %add3A_850 = arith.addf %add3A_832, %gather3A_849 : vector<16xf32>
        %iota3A_851 = tpu.iota {dimensions = array<i32: 0>} : vector<16xi32>
        %xor3A_852 = arith.constant 4 : i32
        %xor3A_853 = vector.broadcast %xor3A_852 : i32 to vector<16xi32>
        %xor3A_854 = arith.xori %iota3A_851, %xor3A_853 : vector<16xi32>
        %lt3A_855 = arith.constant 0 : i32
        %lt3A_856 = vector.broadcast %lt3A_855 : i32 to vector<16xi32>
        %lt3A_857 = arith.cmpi slt, %xor3A_854, %lt3A_856 : vector<16xi32>
        %add3A_858 = arith.constant 16 : i32
        %add3A_859 = vector.broadcast %add3A_858 : i32 to vector<16xi32>
        %add3A_860 = arith.addi %xor3A_854, %add3A_859 : vector<16xi32>
        %select_n3A_861 = arith.select %lt3A_857, %add3A_860, %xor3A_854 : vector<16xi1>, vector<16xi32>
        %broadcast_in_dim3A_862 = vector.shape_cast %select_n3A_861 : vector<16xi32> to vector<16x1xi32>
        %gather3A_863 = vector.shape_cast %broadcast_in_dim3A_862 : vector<16x1xi32> to vector<16xi32>
        %gather3A_864 = tpu.dynamic_gather %add3A_850[%gather3A_863] in [0] : vector<16xf32>, vector<16xi32> -> vector<16xf32>
        %add3A_865 = arith.addf %add3A_850, %gather3A_864 : vector<16xf32>
        %iota3A_866 = tpu.iota {dimensions = array<i32: 0>} : vector<16xi32>
        %xor3A_867 = arith.constant 2 : i32
        %xor3A_868 = vector.broadcast %xor3A_867 : i32 to vector<16xi32>
        %xor3A_869 = arith.xori %iota3A_866, %xor3A_868 : vector<16xi32>
        %lt3A_870 = arith.constant 0 : i32
        %lt3A_871 = vector.broadcast %lt3A_870 : i32 to vector<16xi32>
        %lt3A_872 = arith.cmpi slt, %xor3A_869, %lt3A_871 : vector<16xi32>
        %add3A_873 = arith.constant 16 : i32
        %add3A_874 = vector.broadcast %add3A_873 : i32 to vector<16xi32>
        %add3A_875 = arith.addi %xor3A_869, %add3A_874 : vector<16xi32>
        %select_n3A_876 = arith.select %lt3A_872, %add3A_875, %xor3A_869 : vector<16xi1>, vector<16xi32>
        %broadcast_in_dim3A_877 = vector.shape_cast %select_n3A_876 : vector<16xi32> to vector<16x1xi32>
        %gather3A_878 = vector.shape_cast %broadcast_in_dim3A_877 : vector<16x1xi32> to vector<16xi32>
        %gather3A_879 = tpu.dynamic_gather %add3A_865[%gather3A_878] in [0] : vector<16xf32>, vector<16xi32> -> vector<16xf32>
        %add3A_880 = arith.addf %add3A_865, %gather3A_879 : vector<16xf32>
        %iota3A_881 = tpu.iota {dimensions = array<i32: 0>} : vector<16xi32>
        %xor3A_882 = arith.constant 1 : i32
        %xor3A_883 = vector.broadcast %xor3A_882 : i32 to vector<16xi32>
        %xor3A_884 = arith.xori %iota3A_881, %xor3A_883 : vector<16xi32>
        %lt3A_885 = arith.constant 0 : i32
        %lt3A_886 = vector.broadcast %lt3A_885 : i32 to vector<16xi32>
        %lt3A_887 = arith.cmpi slt, %xor3A_884, %lt3A_886 : vector<16xi32>
        %add3A_888 = arith.constant 16 : i32
        %add3A_889 = vector.broadcast %add3A_888 : i32 to vector<16xi32>
        %add3A_890 = arith.addi %xor3A_884, %add3A_889 : vector<16xi32>
        %select_n3A_891 = arith.select %lt3A_887, %add3A_890, %xor3A_884 : vector<16xi1>, vector<16xi32>
        %broadcast_in_dim3A_892 = vector.shape_cast %select_n3A_891 : vector<16xi32> to vector<16x1xi32>
        %gather3A_893 = vector.shape_cast %broadcast_in_dim3A_892 : vector<16x1xi32> to vector<16xi32>
        %gather3A_894 = tpu.dynamic_gather %add3A_880[%gather3A_893] in [0] : vector<16xf32>, vector<16xi32> -> vector<16xf32>
        %add3A_895 = arith.addf %add3A_880, %gather3A_894 : vector<16xf32>
        %mul3A_896 = arith.constant 5.000000e+00 : f32
        %mul3A_897 = vector.broadcast %mul3A_896 : f32 to vector<16xf32>
        %mul3A_898 = arith.mulf %add3A_895, %mul3A_897 : vector<16xf32>
        %select_n3A_899 = arith.select %eq3A_835, %mul3A_898, %select_n3A_699 : vector<16xi1>, vector<16xf32>
        %mul3A_900 = arith.constant 11 : i32
        %mul3A_901 = arith.muli %scan3A_277, %mul3A_900 : i32
        %add3A_902 = arith.constant 3 : i32
        %add3A_903 = arith.addi %mul3A_901, %add3A_902 : i32
        %get3A_904 = arith.constant 1 : i32
        %get3A_905 = arith.index_cast %get3A_904 : i32 to index
        %get3A_906 = arith.index_cast %add3A_903 : i32 to index
        %get3A_907 = arith.constant 0 : index
        %get3A_908 = tpu.vector_load %arg9[%get3A_905, %get3A_906, %get3A_907] {strides = array<i32>} : memref<2x352x128xf32, #tpu.memory_space<vmem>>, vector<1x1x16xf32>,
        %get3A_909 = vector.shape_cast %get3A_908 : vector<1x1x16xf32> to vector<16xf32>
        %mul3A_910 = arith.mulf %get3A_909, %get3A_282 : vector<16xf32>
        %get3A_911 = arith.constant 1 : i32
        %get3A_912 = arith.index_cast %get3A_911 : i32 to index
        %get3A_913 = arith.index_cast %add3A_903 : i32 to index
        %get3A_914 = arith.constant 16 : index
        %get3A_915 = tpu.vector_load %arg9[%get3A_912, %get3A_913, %get3A_914] {strides = array<i32>} : memref<2x352x128xf32, #tpu.memory_space<vmem>>, vector<1x1x16xf32>,
        %get3A_916 = vector.shape_cast %get3A_915 : vector<1x1x16xf32> to vector<16xf32>
        %mul3A_917 = arith.mulf %get3A_916, %get3A_288 : vector<16xf32>
        %add3A_918 = arith.addf %mul3A_910, %mul3A_917 : vector<16xf32>
        %get3A_919 = arith.constant 1 : i32
        %get3A_920 = arith.index_cast %get3A_919 : i32 to index
        %get3A_921 = arith.index_cast %add3A_903 : i32 to index
        %get3A_922 = arith.constant 32 : index
        %get3A_923 = tpu.vector_load %arg9[%get3A_920, %get3A_921, %get3A_922] {strides = array<i32>} : memref<2x352x128xf32, #tpu.memory_space<vmem>>, vector<1x1x16xf32>,
        %get3A_924 = vector.shape_cast %get3A_923 : vector<1x1x16xf32> to vector<16xf32>
        %mul3A_925 = arith.mulf %get3A_924, %get3A_294 : vector<16xf32>
        %add3A_926 = arith.addf %add3A_918, %mul3A_925 : vector<16xf32>
        %get3A_927 = arith.constant 1 : i32
        %get3A_928 = arith.index_cast %get3A_927 : i32 to index
        %get3A_929 = arith.index_cast %add3A_903 : i32 to index
        %get3A_930 = arith.constant 48 : index
        %get3A_931 = tpu.vector_load %arg9[%get3A_928, %get3A_929, %get3A_930] {strides = array<i32>} : memref<2x352x128xf32, #tpu.memory_space<vmem>>, vector<1x1x16xf32>,
        %get3A_932 = vector.shape_cast %get3A_931 : vector<1x1x16xf32> to vector<16xf32>
        %mul3A_933 = arith.mulf %get3A_932, %get3A_300 : vector<16xf32>
        %add3A_934 = arith.addf %add3A_926, %mul3A_933 : vector<16xf32>
        %eq3A_935 = arith.constant 3 : i32
        %eq3A_936 = vector.broadcast %eq3A_935 : i32 to vector<16xi32>
        %eq3A_937 = arith.cmpi eq, %iota3A, %eq3A_936 : vector<16xi32>
        %iota3A_938 = tpu.iota {dimensions = array<i32: 0>} : vector<16xi32>
        %xor3A_939 = arith.constant 8 : i32
        %xor3A_940 = vector.broadcast %xor3A_939 : i32 to vector<16xi32>
        %xor3A_941 = arith.xori %iota3A_938, %xor3A_940 : vector<16xi32>
        %lt3A_942 = arith.constant 0 : i32
        %lt3A_943 = vector.broadcast %lt3A_942 : i32 to vector<16xi32>
        %lt3A_944 = arith.cmpi slt, %xor3A_941, %lt3A_943 : vector<16xi32>
        %add3A_945 = arith.constant 16 : i32
        %add3A_946 = vector.broadcast %add3A_945 : i32 to vector<16xi32>
        %add3A_947 = arith.addi %xor3A_941, %add3A_946 : vector<16xi32>
        %select_n3A_948 = arith.select %lt3A_944, %add3A_947, %xor3A_941 : vector<16xi1>, vector<16xi32>
        %broadcast_in_dim3A_949 = vector.shape_cast %select_n3A_948 : vector<16xi32> to vector<16x1xi32>
        %gather3A_950 = vector.shape_cast %broadcast_in_dim3A_949 : vector<16x1xi32> to vector<16xi32>
        %gather3A_951 = tpu.dynamic_gather %add3A_934[%gather3A_950] in [0] : vector<16xf32>, vector<16xi32> -> vector<16xf32>
        %add3A_952 = arith.addf %add3A_934, %gather3A_951 : vector<16xf32>
        %iota3A_953 = tpu.iota {dimensions = array<i32: 0>} : vector<16xi32>
        %xor3A_954 = arith.constant 4 : i32
        %xor3A_955 = vector.broadcast %xor3A_954 : i32 to vector<16xi32>
        %xor3A_956 = arith.xori %iota3A_953, %xor3A_955 : vector<16xi32>
        %lt3A_957 = arith.constant 0 : i32
        %lt3A_958 = vector.broadcast %lt3A_957 : i32 to vector<16xi32>
        %lt3A_959 = arith.cmpi slt, %xor3A_956, %lt3A_958 : vector<16xi32>
        %add3A_960 = arith.constant 16 : i32
        %add3A_961 = vector.broadcast %add3A_960 : i32 to vector<16xi32>
        %add3A_962 = arith.addi %xor3A_956, %add3A_961 : vector<16xi32>
        %select_n3A_963 = arith.select %lt3A_959, %add3A_962, %xor3A_956 : vector<16xi1>, vector<16xi32>
        %broadcast_in_dim3A_964 = vector.shape_cast %select_n3A_963 : vector<16xi32> to vector<16x1xi32>
        %gather3A_965 = vector.shape_cast %broadcast_in_dim3A_964 : vector<16x1xi32> to vector<16xi32>
        %gather3A_966 = tpu.dynamic_gather %add3A_952[%gather3A_965] in [0] : vector<16xf32>, vector<16xi32> -> vector<16xf32>
        %add3A_967 = arith.addf %add3A_952, %gather3A_966 : vector<16xf32>
        %iota3A_968 = tpu.iota {dimensions = array<i32: 0>} : vector<16xi32>
        %xor3A_969 = arith.constant 2 : i32
        %xor3A_970 = vector.broadcast %xor3A_969 : i32 to vector<16xi32>
        %xor3A_971 = arith.xori %iota3A_968, %xor3A_970 : vector<16xi32>
        %lt3A_972 = arith.constant 0 : i32
        %lt3A_973 = vector.broadcast %lt3A_972 : i32 to vector<16xi32>
        %lt3A_974 = arith.cmpi slt, %xor3A_971, %lt3A_973 : vector<16xi32>
        %add3A_975 = arith.constant 16 : i32
        %add3A_976 = vector.broadcast %add3A_975 : i32 to vector<16xi32>
        %add3A_977 = arith.addi %xor3A_971, %add3A_976 : vector<16xi32>
        %select_n3A_978 = arith.select %lt3A_974, %add3A_977, %xor3A_971 : vector<16xi1>, vector<16xi32>
        %broadcast_in_dim3A_979 = vector.shape_cast %select_n3A_978 : vector<16xi32> to vector<16x1xi32>
        %gather3A_980 = vector.shape_cast %broadcast_in_dim3A_979 : vector<16x1xi32> to vector<16xi32>
        %gather3A_981 = tpu.dynamic_gather %add3A_967[%gather3A_980] in [0] : vector<16xf32>, vector<16xi32> -> vector<16xf32>
        %add3A_982 = arith.addf %add3A_967, %gather3A_981 : vector<16xf32>
        %iota3A_983 = tpu.iota {dimensions = array<i32: 0>} : vector<16xi32>
        %xor3A_984 = arith.constant 1 : i32
        %xor3A_985 = vector.broadcast %xor3A_984 : i32 to vector<16xi32>
        %xor3A_986 = arith.xori %iota3A_983, %xor3A_985 : vector<16xi32>
        %lt3A_987 = arith.constant 0 : i32
        %lt3A_988 = vector.broadcast %lt3A_987 : i32 to vector<16xi32>
        %lt3A_989 = arith.cmpi slt, %xor3A_986, %lt3A_988 : vector<16xi32>
        %add3A_990 = arith.constant 16 : i32
        %add3A_991 = vector.broadcast %add3A_990 : i32 to vector<16xi32>
        %add3A_992 = arith.addi %xor3A_986, %add3A_991 : vector<16xi32>
        %select_n3A_993 = arith.select %lt3A_989, %add3A_992, %xor3A_986 : vector<16xi1>, vector<16xi32>
        %broadcast_in_dim3A_994 = vector.shape_cast %select_n3A_993 : vector<16xi32> to vector<16x1xi32>
        %gather3A_995 = vector.shape_cast %broadcast_in_dim3A_994 : vector<16x1xi32> to vector<16xi32>
        %gather3A_996 = tpu.dynamic_gather %add3A_982[%gather3A_995] in [0] : vector<16xf32>, vector<16xi32> -> vector<16xf32>
        %add3A_997 = arith.addf %add3A_982, %gather3A_996 : vector<16xf32>
        %mul3A_998 = arith.constant 5.000000e+00 : f32
        %mul3A_999 = vector.broadcast %mul3A_998 : f32 to vector<16xf32>
        %mul3A_1000 = arith.mulf %add3A_997, %mul3A_999 : vector<16xf32>
        %select_n3A_1001 = arith.select %eq3A_937, %mul3A_1000, %select_n3A_801 : vector<16xi1>, vector<16xf32>
        %get3A_1002 = arith.constant 1 : i32
        %get3A_1003 = arith.index_cast %get3A_1002 : i32 to index
        %get3A_1004 = arith.index_cast %add3A_903 : i32 to index
        %get3A_1005 = arith.constant 64 : index
        %get3A_1006 = tpu.vector_load %arg9[%get3A_1003, %get3A_1004, %get3A_1005] {strides = array<i32>} : memref<2x352x128xf32, #tpu.memory_space<vmem>>, vector<1x1x16xf32>,
        %get3A_1007 = vector.shape_cast %get3A_1006 : vector<1x1x16xf32> to vector<16xf32>
        %mul3A_1008 = arith.mulf %get3A_1007, %get3A_282 : vector<16xf32>
        %get3A_1009 = arith.constant 1 : i32
        %get3A_1010 = arith.index_cast %get3A_1009 : i32 to index
        %get3A_1011 = arith.index_cast %add3A_903 : i32 to index
        %get3A_1012 = arith.constant 80 : index
        %get3A_1013 = tpu.vector_load %arg9[%get3A_1010, %get3A_1011, %get3A_1012] {strides = array<i32>} : memref<2x352x128xf32, #tpu.memory_space<vmem>>, vector<1x1x16xf32>,
        %get3A_1014 = vector.shape_cast %get3A_1013 : vector<1x1x16xf32> to vector<16xf32>
        %mul3A_1015 = arith.mulf %get3A_1014, %get3A_288 : vector<16xf32>
        %add3A_1016 = arith.addf %mul3A_1008, %mul3A_1015 : vector<16xf32>
        %get3A_1017 = arith.constant 1 : i32
        %get3A_1018 = arith.index_cast %get3A_1017 : i32 to index
        %get3A_1019 = arith.index_cast %add3A_903 : i32 to index
        %get3A_1020 = arith.constant 96 : index
        %get3A_1021 = tpu.vector_load %arg9[%get3A_1018, %get3A_1019, %get3A_1020] {strides = array<i32>} : memref<2x352x128xf32, #tpu.memory_space<vmem>>, vector<1x1x16xf32>,
        %get3A_1022 = vector.shape_cast %get3A_1021 : vector<1x1x16xf32> to vector<16xf32>
        %mul3A_1023 = arith.mulf %get3A_1022, %get3A_294 : vector<16xf32>
        %add3A_1024 = arith.addf %add3A_1016, %mul3A_1023 : vector<16xf32>
        %get3A_1025 = arith.constant 1 : i32
        %get3A_1026 = arith.index_cast %get3A_1025 : i32 to index
        %get3A_1027 = arith.index_cast %add3A_903 : i32 to index
        %get3A_1028 = arith.constant 112 : index
        %get3A_1029 = tpu.vector_load %arg9[%get3A_1026, %get3A_1027, %get3A_1028] {strides = array<i32>} : memref<2x352x128xf32, #tpu.memory_space<vmem>>, vector<1x1x16xf32>,
        %get3A_1030 = vector.shape_cast %get3A_1029 : vector<1x1x16xf32> to vector<16xf32>
        %mul3A_1031 = arith.mulf %get3A_1030, %get3A_300 : vector<16xf32>
        %add3A_1032 = arith.addf %add3A_1024, %mul3A_1031 : vector<16xf32>
        %eq3A_1033 = arith.constant 3 : i32
        %eq3A_1034 = vector.broadcast %eq3A_1033 : i32 to vector<16xi32>
        %eq3A_1035 = arith.cmpi eq, %iota3A, %eq3A_1034 : vector<16xi32>
        %iota3A_1036 = tpu.iota {dimensions = array<i32: 0>} : vector<16xi32>
        %xor3A_1037 = arith.constant 8 : i32
        %xor3A_1038 = vector.broadcast %xor3A_1037 : i32 to vector<16xi32>
        %xor3A_1039 = arith.xori %iota3A_1036, %xor3A_1038 : vector<16xi32>
        %lt3A_1040 = arith.constant 0 : i32
        %lt3A_1041 = vector.broadcast %lt3A_1040 : i32 to vector<16xi32>
        %lt3A_1042 = arith.cmpi slt, %xor3A_1039, %lt3A_1041 : vector<16xi32>
        %add3A_1043 = arith.constant 16 : i32
        %add3A_1044 = vector.broadcast %add3A_1043 : i32 to vector<16xi32>
        %add3A_1045 = arith.addi %xor3A_1039, %add3A_1044 : vector<16xi32>
        %select_n3A_1046 = arith.select %lt3A_1042, %add3A_1045, %xor3A_1039 : vector<16xi1>, vector<16xi32>
        %broadcast_in_dim3A_1047 = vector.shape_cast %select_n3A_1046 : vector<16xi32> to vector<16x1xi32>
        %gather3A_1048 = vector.shape_cast %broadcast_in_dim3A_1047 : vector<16x1xi32> to vector<16xi32>
        %gather3A_1049 = tpu.dynamic_gather %add3A_1032[%gather3A_1048] in [0] : vector<16xf32>, vector<16xi32> -> vector<16xf32>
        %add3A_1050 = arith.addf %add3A_1032, %gather3A_1049 : vector<16xf32>
        %iota3A_1051 = tpu.iota {dimensions = array<i32: 0>} : vector<16xi32>
        %xor3A_1052 = arith.constant 4 : i32
        %xor3A_1053 = vector.broadcast %xor3A_1052 : i32 to vector<16xi32>
        %xor3A_1054 = arith.xori %iota3A_1051, %xor3A_1053 : vector<16xi32>
        %lt3A_1055 = arith.constant 0 : i32
        %lt3A_1056 = vector.broadcast %lt3A_1055 : i32 to vector<16xi32>
        %lt3A_1057 = arith.cmpi slt, %xor3A_1054, %lt3A_1056 : vector<16xi32>
        %add3A_1058 = arith.constant 16 : i32
        %add3A_1059 = vector.broadcast %add3A_1058 : i32 to vector<16xi32>
        %add3A_1060 = arith.addi %xor3A_1054, %add3A_1059 : vector<16xi32>
        %select_n3A_1061 = arith.select %lt3A_1057, %add3A_1060, %xor3A_1054 : vector<16xi1>, vector<16xi32>
        %broadcast_in_dim3A_1062 = vector.shape_cast %select_n3A_1061 : vector<16xi32> to vector<16x1xi32>
        %gather3A_1063 = vector.shape_cast %broadcast_in_dim3A_1062 : vector<16x1xi32> to vector<16xi32>
        %gather3A_1064 = tpu.dynamic_gather %add3A_1050[%gather3A_1063] in [0] : vector<16xf32>, vector<16xi32> -> vector<16xf32>
        %add3A_1065 = arith.addf %add3A_1050, %gather3A_1064 : vector<16xf32>
        %iota3A_1066 = tpu.iota {dimensions = array<i32: 0>} : vector<16xi32>
        %xor3A_1067 = arith.constant 2 : i32
        %xor3A_1068 = vector.broadcast %xor3A_1067 : i32 to vector<16xi32>
        %xor3A_1069 = arith.xori %iota3A_1066, %xor3A_1068 : vector<16xi32>
        %lt3A_1070 = arith.constant 0 : i32
        %lt3A_1071 = vector.broadcast %lt3A_1070 : i32 to vector<16xi32>
        %lt3A_1072 = arith.cmpi slt, %xor3A_1069, %lt3A_1071 : vector<16xi32>
        %add3A_1073 = arith.constant 16 : i32
        %add3A_1074 = vector.broadcast %add3A_1073 : i32 to vector<16xi32>
        %add3A_1075 = arith.addi %xor3A_1069, %add3A_1074 : vector<16xi32>
        %select_n3A_1076 = arith.select %lt3A_1072, %add3A_1075, %xor3A_1069 : vector<16xi1>, vector<16xi32>
        %broadcast_in_dim3A_1077 = vector.shape_cast %select_n3A_1076 : vector<16xi32> to vector<16x1xi32>
        %gather3A_1078 = vector.shape_cast %broadcast_in_dim3A_1077 : vector<16x1xi32> to vector<16xi32>
        %gather3A_1079 = tpu.dynamic_gather %add3A_1065[%gather3A_1078] in [0] : vector<16xf32>, vector<16xi32> -> vector<16xf32>
        %add3A_1080 = arith.addf %add3A_1065, %gather3A_1079 : vector<16xf32>
        %iota3A_1081 = tpu.iota {dimensions = array<i32: 0>} : vector<16xi32>
        %xor3A_1082 = arith.constant 1 : i32
        %xor3A_1083 = vector.broadcast %xor3A_1082 : i32 to vector<16xi32>
        %xor3A_1084 = arith.xori %iota3A_1081, %xor3A_1083 : vector<16xi32>
        %lt3A_1085 = arith.constant 0 : i32
        %lt3A_1086 = vector.broadcast %lt3A_1085 : i32 to vector<16xi32>
        %lt3A_1087 = arith.cmpi slt, %xor3A_1084, %lt3A_1086 : vector<16xi32>
        %add3A_1088 = arith.constant 16 : i32
        %add3A_1089 = vector.broadcast %add3A_1088 : i32 to vector<16xi32>
        %add3A_1090 = arith.addi %xor3A_1084, %add3A_1089 : vector<16xi32>
        %select_n3A_1091 = arith.select %lt3A_1087, %add3A_1090, %xor3A_1084 : vector<16xi1>, vector<16xi32>
        %broadcast_in_dim3A_1092 = vector.shape_cast %select_n3A_1091 : vector<16xi32> to vector<16x1xi32>
        %gather3A_1093 = vector.shape_cast %broadcast_in_dim3A_1092 : vector<16x1xi32> to vector<16xi32>
        %gather3A_1094 = tpu.dynamic_gather %add3A_1080[%gather3A_1093] in [0] : vector<16xf32>, vector<16xi32> -> vector<16xf32>
        %add3A_1095 = arith.addf %add3A_1080, %gather3A_1094 : vector<16xf32>
        %mul3A_1096 = arith.constant 5.000000e+00 : f32
        %mul3A_1097 = vector.broadcast %mul3A_1096 : f32 to vector<16xf32>
        %mul3A_1098 = arith.mulf %add3A_1095, %mul3A_1097 : vector<16xf32>
        %select_n3A_1099 = arith.select %eq3A_1035, %mul3A_1098, %select_n3A_899 : vector<16xi1>, vector<16xf32>
        %mul3A_1100 = arith.constant 11 : i32
        %mul3A_1101 = arith.muli %scan3A_277, %mul3A_1100 : i32
        %add3A_1102 = arith.constant 4 : i32
        %add3A_1103 = arith.addi %mul3A_1101, %add3A_1102 : i32
        %get3A_1104 = arith.constant 1 : i32
        %get3A_1105 = arith.index_cast %get3A_1104 : i32 to index
        %get3A_1106 = arith.index_cast %add3A_1103 : i32 to index
        %get3A_1107 = arith.constant 0 : index
        %get3A_1108 = tpu.vector_load %arg9[%get3A_1105, %get3A_1106, %get3A_1107] {strides = array<i32>} : memref<2x352x128xf32, #tpu.memory_space<vmem>>, vector<1x1x16xf32>,
        %get3A_1109 = vector.shape_cast %get3A_1108 : vector<1x1x16xf32> to vector<16xf32>
        %mul3A_1110 = arith.mulf %get3A_1109, %get3A_282 : vector<16xf32>
        %get3A_1111 = arith.constant 1 : i32
        %get3A_1112 = arith.index_cast %get3A_1111 : i32 to index
        %get3A_1113 = arith.index_cast %add3A_1103 : i32 to index
        %get3A_1114 = arith.constant 16 : index
        %get3A_1115 = tpu.vector_load %arg9[%get3A_1112, %get3A_1113, %get3A_1114] {strides = array<i32>} : memref<2x352x128xf32, #tpu.memory_space<vmem>>, vector<1x1x16xf32>,
        %get3A_1116 = vector.shape_cast %get3A_1115 : vector<1x1x16xf32> to vector<16xf32>
        %mul3A_1117 = arith.mulf %get3A_1116, %get3A_288 : vector<16xf32>
        %add3A_1118 = arith.addf %mul3A_1110, %mul3A_1117 : vector<16xf32>
        %get3A_1119 = arith.constant 1 : i32
        %get3A_1120 = arith.index_cast %get3A_1119 : i32 to index
        %get3A_1121 = arith.index_cast %add3A_1103 : i32 to index
        %get3A_1122 = arith.constant 32 : index
        %get3A_1123 = tpu.vector_load %arg9[%get3A_1120, %get3A_1121, %get3A_1122] {strides = array<i32>} : memref<2x352x128xf32, #tpu.memory_space<vmem>>, vector<1x1x16xf32>,
        %get3A_1124 = vector.shape_cast %get3A_1123 : vector<1x1x16xf32> to vector<16xf32>
        %mul3A_1125 = arith.mulf %get3A_1124, %get3A_294 : vector<16xf32>
        %add3A_1126 = arith.addf %add3A_1118, %mul3A_1125 : vector<16xf32>
        %get3A_1127 = arith.constant 1 : i32
        %get3A_1128 = arith.index_cast %get3A_1127 : i32 to index
        %get3A_1129 = arith.index_cast %add3A_1103 : i32 to index
        %get3A_1130 = arith.constant 48 : index
        %get3A_1131 = tpu.vector_load %arg9[%get3A_1128, %get3A_1129, %get3A_1130] {strides = array<i32>} : memref<2x352x128xf32, #tpu.memory_space<vmem>>, vector<1x1x16xf32>,
        %get3A_1132 = vector.shape_cast %get3A_1131 : vector<1x1x16xf32> to vector<16xf32>
        %mul3A_1133 = arith.mulf %get3A_1132, %get3A_300 : vector<16xf32>
        %add3A_1134 = arith.addf %add3A_1126, %mul3A_1133 : vector<16xf32>
        %eq3A_1135 = arith.constant 4 : i32
        %eq3A_1136 = vector.broadcast %eq3A_1135 : i32 to vector<16xi32>
        %eq3A_1137 = arith.cmpi eq, %iota3A, %eq3A_1136 : vector<16xi32>
        %iota3A_1138 = tpu.iota {dimensions = array<i32: 0>} : vector<16xi32>
        %xor3A_1139 = arith.constant 8 : i32
        %xor3A_1140 = vector.broadcast %xor3A_1139 : i32 to vector<16xi32>
        %xor3A_1141 = arith.xori %iota3A_1138, %xor3A_1140 : vector<16xi32>
        %lt3A_1142 = arith.constant 0 : i32
        %lt3A_1143 = vector.broadcast %lt3A_1142 : i32 to vector<16xi32>
        %lt3A_1144 = arith.cmpi slt, %xor3A_1141, %lt3A_1143 : vector<16xi32>
        %add3A_1145 = arith.constant 16 : i32
        %add3A_1146 = vector.broadcast %add3A_1145 : i32 to vector<16xi32>
        %add3A_1147 = arith.addi %xor3A_1141, %add3A_1146 : vector<16xi32>
        %select_n3A_1148 = arith.select %lt3A_1144, %add3A_1147, %xor3A_1141 : vector<16xi1>, vector<16xi32>
        %broadcast_in_dim3A_1149 = vector.shape_cast %select_n3A_1148 : vector<16xi32> to vector<16x1xi32>
        %gather3A_1150 = vector.shape_cast %broadcast_in_dim3A_1149 : vector<16x1xi32> to vector<16xi32>
        %gather3A_1151 = tpu.dynamic_gather %add3A_1134[%gather3A_1150] in [0] : vector<16xf32>, vector<16xi32> -> vector<16xf32>
        %add3A_1152 = arith.addf %add3A_1134, %gather3A_1151 : vector<16xf32>
        %iota3A_1153 = tpu.iota {dimensions = array<i32: 0>} : vector<16xi32>
        %xor3A_1154 = arith.constant 4 : i32
        %xor3A_1155 = vector.broadcast %xor3A_1154 : i32 to vector<16xi32>
        %xor3A_1156 = arith.xori %iota3A_1153, %xor3A_1155 : vector<16xi32>
        %lt3A_1157 = arith.constant 0 : i32
        %lt3A_1158 = vector.broadcast %lt3A_1157 : i32 to vector<16xi32>
        %lt3A_1159 = arith.cmpi slt, %xor3A_1156, %lt3A_1158 : vector<16xi32>
        %add3A_1160 = arith.constant 16 : i32
        %add3A_1161 = vector.broadcast %add3A_1160 : i32 to vector<16xi32>
        %add3A_1162 = arith.addi %xor3A_1156, %add3A_1161 : vector<16xi32>
        %select_n3A_1163 = arith.select %lt3A_1159, %add3A_1162, %xor3A_1156 : vector<16xi1>, vector<16xi32>
        %broadcast_in_dim3A_1164 = vector.shape_cast %select_n3A_1163 : vector<16xi32> to vector<16x1xi32>
        %gather3A_1165 = vector.shape_cast %broadcast_in_dim3A_1164 : vector<16x1xi32> to vector<16xi32>
        %gather3A_1166 = tpu.dynamic_gather %add3A_1152[%gather3A_1165] in [0] : vector<16xf32>, vector<16xi32> -> vector<16xf32>
        %add3A_1167 = arith.addf %add3A_1152, %gather3A_1166 : vector<16xf32>
        %iota3A_1168 = tpu.iota {dimensions = array<i32: 0>} : vector<16xi32>
        %xor3A_1169 = arith.constant 2 : i32
        %xor3A_1170 = vector.broadcast %xor3A_1169 : i32 to vector<16xi32>
        %xor3A_1171 = arith.xori %iota3A_1168, %xor3A_1170 : vector<16xi32>
        %lt3A_1172 = arith.constant 0 : i32
        %lt3A_1173 = vector.broadcast %lt3A_1172 : i32 to vector<16xi32>
        %lt3A_1174 = arith.cmpi slt, %xor3A_1171, %lt3A_1173 : vector<16xi32>
        %add3A_1175 = arith.constant 16 : i32
        %add3A_1176 = vector.broadcast %add3A_1175 : i32 to vector<16xi32>
        %add3A_1177 = arith.addi %xor3A_1171, %add3A_1176 : vector<16xi32>
        %select_n3A_1178 = arith.select %lt3A_1174, %add3A_1177, %xor3A_1171 : vector<16xi1>, vector<16xi32>
        %broadcast_in_dim3A_1179 = vector.shape_cast %select_n3A_1178 : vector<16xi32> to vector<16x1xi32>
        %gather3A_1180 = vector.shape_cast %broadcast_in_dim3A_1179 : vector<16x1xi32> to vector<16xi32>
        %gather3A_1181 = tpu.dynamic_gather %add3A_1167[%gather3A_1180] in [0] : vector<16xf32>, vector<16xi32> -> vector<16xf32>
        %add3A_1182 = arith.addf %add3A_1167, %gather3A_1181 : vector<16xf32>
        %iota3A_1183 = tpu.iota {dimensions = array<i32: 0>} : vector<16xi32>
        %xor3A_1184 = arith.constant 1 : i32
        %xor3A_1185 = vector.broadcast %xor3A_1184 : i32 to vector<16xi32>
        %xor3A_1186 = arith.xori %iota3A_1183, %xor3A_1185 : vector<16xi32>
        %lt3A_1187 = arith.constant 0 : i32
        %lt3A_1188 = vector.broadcast %lt3A_1187 : i32 to vector<16xi32>
        %lt3A_1189 = arith.cmpi slt, %xor3A_1186, %lt3A_1188 : vector<16xi32>
        %add3A_1190 = arith.constant 16 : i32
        %add3A_1191 = vector.broadcast %add3A_1190 : i32 to vector<16xi32>
        %add3A_1192 = arith.addi %xor3A_1186, %add3A_1191 : vector<16xi32>
        %select_n3A_1193 = arith.select %lt3A_1189, %add3A_1192, %xor3A_1186 : vector<16xi1>, vector<16xi32>
        %broadcast_in_dim3A_1194 = vector.shape_cast %select_n3A_1193 : vector<16xi32> to vector<16x1xi32>
        %gather3A_1195 = vector.shape_cast %broadcast_in_dim3A_1194 : vector<16x1xi32> to vector<16xi32>
        %gather3A_1196 = tpu.dynamic_gather %add3A_1182[%gather3A_1195] in [0] : vector<16xf32>, vector<16xi32> -> vector<16xf32>
        %add3A_1197 = arith.addf %add3A_1182, %gather3A_1196 : vector<16xf32>
        %mul3A_1198 = arith.constant 5.000000e+00 : f32
        %mul3A_1199 = vector.broadcast %mul3A_1198 : f32 to vector<16xf32>
        %mul3A_1200 = arith.mulf %add3A_1197, %mul3A_1199 : vector<16xf32>
        %select_n3A_1201 = arith.select %eq3A_1137, %mul3A_1200, %select_n3A_1001 : vector<16xi1>, vector<16xf32>
        %get3A_1202 = arith.constant 1 : i32
        %get3A_1203 = arith.index_cast %get3A_1202 : i32 to index
        %get3A_1204 = arith.index_cast %add3A_1103 : i32 to index
        %get3A_1205 = arith.constant 64 : index
        %get3A_1206 = tpu.vector_load %arg9[%get3A_1203, %get3A_1204, %get3A_1205] {strides = array<i32>} : memref<2x352x128xf32, #tpu.memory_space<vmem>>, vector<1x1x16xf32>,
        %get3A_1207 = vector.shape_cast %get3A_1206 : vector<1x1x16xf32> to vector<16xf32>
        %mul3A_1208 = arith.mulf %get3A_1207, %get3A_282 : vector<16xf32>
        %get3A_1209 = arith.constant 1 : i32
        %get3A_1210 = arith.index_cast %get3A_1209 : i32 to index
        %get3A_1211 = arith.index_cast %add3A_1103 : i32 to index
        %get3A_1212 = arith.constant 80 : index
        %get3A_1213 = tpu.vector_load %arg9[%get3A_1210, %get3A_1211, %get3A_1212] {strides = array<i32>} : memref<2x352x128xf32, #tpu.memory_space<vmem>>, vector<1x1x16xf32>,
        %get3A_1214 = vector.shape_cast %get3A_1213 : vector<1x1x16xf32> to vector<16xf32>
        %mul3A_1215 = arith.mulf %get3A_1214, %get3A_288 : vector<16xf32>
        %add3A_1216 = arith.addf %mul3A_1208, %mul3A_1215 : vector<16xf32>
        %get3A_1217 = arith.constant 1 : i32
        %get3A_1218 = arith.index_cast %get3A_1217 : i32 to index
        %get3A_1219 = arith.index_cast %add3A_1103 : i32 to index
        %get3A_1220 = arith.constant 96 : index
        %get3A_1221 = tpu.vector_load %arg9[%get3A_1218, %get3A_1219, %get3A_1220] {strides = array<i32>} : memref<2x352x128xf32, #tpu.memory_space<vmem>>, vector<1x1x16xf32>,
        %get3A_1222 = vector.shape_cast %get3A_1221 : vector<1x1x16xf32> to vector<16xf32>
        %mul3A_1223 = arith.mulf %get3A_1222, %get3A_294 : vector<16xf32>
        %add3A_1224 = arith.addf %add3A_1216, %mul3A_1223 : vector<16xf32>
        %get3A_1225 = arith.constant 1 : i32
        %get3A_1226 = arith.index_cast %get3A_1225 : i32 to index
        %get3A_1227 = arith.index_cast %add3A_1103 : i32 to index
        %get3A_1228 = arith.constant 112 : index
        %get3A_1229 = tpu.vector_load %arg9[%get3A_1226, %get3A_1227, %get3A_1228] {strides = array<i32>} : memref<2x352x128xf32, #tpu.memory_space<vmem>>, vector<1x1x16xf32>,
        %get3A_1230 = vector.shape_cast %get3A_1229 : vector<1x1x16xf32> to vector<16xf32>
        %mul3A_1231 = arith.mulf %get3A_1230, %get3A_300 : vector<16xf32>
        %add3A_1232 = arith.addf %add3A_1224, %mul3A_1231 : vector<16xf32>
        %eq3A_1233 = arith.constant 4 : i32
        %eq3A_1234 = vector.broadcast %eq3A_1233 : i32 to vector<16xi32>
        %eq3A_1235 = arith.cmpi eq, %iota3A, %eq3A_1234 : vector<16xi32>
        %iota3A_1236 = tpu.iota {dimensions = array<i32: 0>} : vector<16xi32>
        %xor3A_1237 = arith.constant 8 : i32
        %xor3A_1238 = vector.broadcast %xor3A_1237 : i32 to vector<16xi32>
        %xor3A_1239 = arith.xori %iota3A_1236, %xor3A_1238 : vector<16xi32>
        %lt3A_1240 = arith.constant 0 : i32
        %lt3A_1241 = vector.broadcast %lt3A_1240 : i32 to vector<16xi32>
        %lt3A_1242 = arith.cmpi slt, %xor3A_1239, %lt3A_1241 : vector<16xi32>
        %add3A_1243 = arith.constant 16 : i32
        %add3A_1244 = vector.broadcast %add3A_1243 : i32 to vector<16xi32>
        %add3A_1245 = arith.addi %xor3A_1239, %add3A_1244 : vector<16xi32>
        %select_n3A_1246 = arith.select %lt3A_1242, %add3A_1245, %xor3A_1239 : vector<16xi1>, vector<16xi32>
        %broadcast_in_dim3A_1247 = vector.shape_cast %select_n3A_1246 : vector<16xi32> to vector<16x1xi32>
        %gather3A_1248 = vector.shape_cast %broadcast_in_dim3A_1247 : vector<16x1xi32> to vector<16xi32>
        %gather3A_1249 = tpu.dynamic_gather %add3A_1232[%gather3A_1248] in [0] : vector<16xf32>, vector<16xi32> -> vector<16xf32>
        %add3A_1250 = arith.addf %add3A_1232, %gather3A_1249 : vector<16xf32>
        %iota3A_1251 = tpu.iota {dimensions = array<i32: 0>} : vector<16xi32>
        %xor3A_1252 = arith.constant 4 : i32
        %xor3A_1253 = vector.broadcast %xor3A_1252 : i32 to vector<16xi32>
        %xor3A_1254 = arith.xori %iota3A_1251, %xor3A_1253 : vector<16xi32>
        %lt3A_1255 = arith.constant 0 : i32
        %lt3A_1256 = vector.broadcast %lt3A_1255 : i32 to vector<16xi32>
        %lt3A_1257 = arith.cmpi slt, %xor3A_1254, %lt3A_1256 : vector<16xi32>
        %add3A_1258 = arith.constant 16 : i32
        %add3A_1259 = vector.broadcast %add3A_1258 : i32 to vector<16xi32>
        %add3A_1260 = arith.addi %xor3A_1254, %add3A_1259 : vector<16xi32>
        %select_n3A_1261 = arith.select %lt3A_1257, %add3A_1260, %xor3A_1254 : vector<16xi1>, vector<16xi32>
        %broadcast_in_dim3A_1262 = vector.shape_cast %select_n3A_1261 : vector<16xi32> to vector<16x1xi32>
        %gather3A_1263 = vector.shape_cast %broadcast_in_dim3A_1262 : vector<16x1xi32> to vector<16xi32>
        %gather3A_1264 = tpu.dynamic_gather %add3A_1250[%gather3A_1263] in [0] : vector<16xf32>, vector<16xi32> -> vector<16xf32>
        %add3A_1265 = arith.addf %add3A_1250, %gather3A_1264 : vector<16xf32>
        %iota3A_1266 = tpu.iota {dimensions = array<i32: 0>} : vector<16xi32>
        %xor3A_1267 = arith.constant 2 : i32
        %xor3A_1268 = vector.broadcast %xor3A_1267 : i32 to vector<16xi32>
        %xor3A_1269 = arith.xori %iota3A_1266, %xor3A_1268 : vector<16xi32>
        %lt3A_1270 = arith.constant 0 : i32
        %lt3A_1271 = vector.broadcast %lt3A_1270 : i32 to vector<16xi32>
        %lt3A_1272 = arith.cmpi slt, %xor3A_1269, %lt3A_1271 : vector<16xi32>
        %add3A_1273 = arith.constant 16 : i32
        %add3A_1274 = vector.broadcast %add3A_1273 : i32 to vector<16xi32>
        %add3A_1275 = arith.addi %xor3A_1269, %add3A_1274 : vector<16xi32>
        %select_n3A_1276 = arith.select %lt3A_1272, %add3A_1275, %xor3A_1269 : vector<16xi1>, vector<16xi32>
        %broadcast_in_dim3A_1277 = vector.shape_cast %select_n3A_1276 : vector<16xi32> to vector<16x1xi32>
        %gather3A_1278 = vector.shape_cast %broadcast_in_dim3A_1277 : vector<16x1xi32> to vector<16xi32>
        %gather3A_1279 = tpu.dynamic_gather %add3A_1265[%gather3A_1278] in [0] : vector<16xf32>, vector<16xi32> -> vector<16xf32>
        %add3A_1280 = arith.addf %add3A_1265, %gather3A_1279 : vector<16xf32>
        %iota3A_1281 = tpu.iota {dimensions = array<i32: 0>} : vector<16xi32>
        %xor3A_1282 = arith.constant 1 : i32
        %xor3A_1283 = vector.broadcast %xor3A_1282 : i32 to vector<16xi32>
        %xor3A_1284 = arith.xori %iota3A_1281, %xor3A_1283 : vector<16xi32>
        %lt3A_1285 = arith.constant 0 : i32
        %lt3A_1286 = vector.broadcast %lt3A_1285 : i32 to vector<16xi32>
        %lt3A_1287 = arith.cmpi slt, %xor3A_1284, %lt3A_1286 : vector<16xi32>
        %add3A_1288 = arith.constant 16 : i32
        %add3A_1289 = vector.broadcast %add3A_1288 : i32 to vector<16xi32>
        %add3A_1290 = arith.addi %xor3A_1284, %add3A_1289 : vector<16xi32>
        %select_n3A_1291 = arith.select %lt3A_1287, %add3A_1290, %xor3A_1284 : vector<16xi1>, vector<16xi32>
        %broadcast_in_dim3A_1292 = vector.shape_cast %select_n3A_1291 : vector<16xi32> to vector<16x1xi32>
        %gather3A_1293 = vector.shape_cast %broadcast_in_dim3A_1292 : vector<16x1xi32> to vector<16xi32>
        %gather3A_1294 = tpu.dynamic_gather %add3A_1280[%gather3A_1293] in [0] : vector<16xf32>, vector<16xi32> -> vector<16xf32>
        %add3A_1295 = arith.addf %add3A_1280, %gather3A_1294 : vector<16xf32>
        %mul3A_1296 = arith.constant 5.000000e+00 : f32
        %mul3A_1297 = vector.broadcast %mul3A_1296 : f32 to vector<16xf32>
        %mul3A_1298 = arith.mulf %add3A_1295, %mul3A_1297 : vector<16xf32>
        %select_n3A_1299 = arith.select %eq3A_1235, %mul3A_1298, %select_n3A_1099 : vector<16xi1>, vector<16xf32>
        %mul3A_1300 = arith.constant 11 : i32
        %mul3A_1301 = arith.muli %scan3A_277, %mul3A_1300 : i32
        %add3A_1302 = arith.constant 5 : i32
        %add3A_1303 = arith.addi %mul3A_1301, %add3A_1302 : i32
        %get3A_1304 = arith.constant 1 : i32
        %get3A_1305 = arith.index_cast %get3A_1304 : i32 to index
        %get3A_1306 = arith.index_cast %add3A_1303 : i32 to index
        %get3A_1307 = arith.constant 0 : index
        %get3A_1308 = tpu.vector_load %arg9[%get3A_1305, %get3A_1306, %get3A_1307] {strides = array<i32>} : memref<2x352x128xf32, #tpu.memory_space<vmem>>, vector<1x1x16xf32>,
        %get3A_1309 = vector.shape_cast %get3A_1308 : vector<1x1x16xf32> to vector<16xf32>
        %mul3A_1310 = arith.mulf %get3A_1309, %get3A_282 : vector<16xf32>
        %get3A_1311 = arith.constant 1 : i32
        %get3A_1312 = arith.index_cast %get3A_1311 : i32 to index
        %get3A_1313 = arith.index_cast %add3A_1303 : i32 to index
        %get3A_1314 = arith.constant 16 : index
        %get3A_1315 = tpu.vector_load %arg9[%get3A_1312, %get3A_1313, %get3A_1314] {strides = array<i32>} : memref<2x352x128xf32, #tpu.memory_space<vmem>>, vector<1x1x16xf32>,
        %get3A_1316 = vector.shape_cast %get3A_1315 : vector<1x1x16xf32> to vector<16xf32>
        %mul3A_1317 = arith.mulf %get3A_1316, %get3A_288 : vector<16xf32>
        %add3A_1318 = arith.addf %mul3A_1310, %mul3A_1317 : vector<16xf32>
        %get3A_1319 = arith.constant 1 : i32
        %get3A_1320 = arith.index_cast %get3A_1319 : i32 to index
        %get3A_1321 = arith.index_cast %add3A_1303 : i32 to index
        %get3A_1322 = arith.constant 32 : index
        %get3A_1323 = tpu.vector_load %arg9[%get3A_1320, %get3A_1321, %get3A_1322] {strides = array<i32>} : memref<2x352x128xf32, #tpu.memory_space<vmem>>, vector<1x1x16xf32>,
        %get3A_1324 = vector.shape_cast %get3A_1323 : vector<1x1x16xf32> to vector<16xf32>
        %mul3A_1325 = arith.mulf %get3A_1324, %get3A_294 : vector<16xf32>
        %add3A_1326 = arith.addf %add3A_1318, %mul3A_1325 : vector<16xf32>
        %get3A_1327 = arith.constant 1 : i32
        %get3A_1328 = arith.index_cast %get3A_1327 : i32 to index
        %get3A_1329 = arith.index_cast %add3A_1303 : i32 to index
        %get3A_1330 = arith.constant 48 : index
        %get3A_1331 = tpu.vector_load %arg9[%get3A_1328, %get3A_1329, %get3A_1330] {strides = array<i32>} : memref<2x352x128xf32, #tpu.memory_space<vmem>>, vector<1x1x16xf32>,
        %get3A_1332 = vector.shape_cast %get3A_1331 : vector<1x1x16xf32> to vector<16xf32>
        %mul3A_1333 = arith.mulf %get3A_1332, %get3A_300 : vector<16xf32>
        %add3A_1334 = arith.addf %add3A_1326, %mul3A_1333 : vector<16xf32>
        %eq3A_1335 = arith.constant 5 : i32
        %eq3A_1336 = vector.broadcast %eq3A_1335 : i32 to vector<16xi32>
        %eq3A_1337 = arith.cmpi eq, %iota3A, %eq3A_1336 : vector<16xi32>
        %iota3A_1338 = tpu.iota {dimensions = array<i32: 0>} : vector<16xi32>
        %xor3A_1339 = arith.constant 8 : i32
        %xor3A_1340 = vector.broadcast %xor3A_1339 : i32 to vector<16xi32>
        %xor3A_1341 = arith.xori %iota3A_1338, %xor3A_1340 : vector<16xi32>
        %lt3A_1342 = arith.constant 0 : i32
        %lt3A_1343 = vector.broadcast %lt3A_1342 : i32 to vector<16xi32>
        %lt3A_1344 = arith.cmpi slt, %xor3A_1341, %lt3A_1343 : vector<16xi32>
        %add3A_1345 = arith.constant 16 : i32
        %add3A_1346 = vector.broadcast %add3A_1345 : i32 to vector<16xi32>
        %add3A_1347 = arith.addi %xor3A_1341, %add3A_1346 : vector<16xi32>
        %select_n3A_1348 = arith.select %lt3A_1344, %add3A_1347, %xor3A_1341 : vector<16xi1>, vector<16xi32>
        %broadcast_in_dim3A_1349 = vector.shape_cast %select_n3A_1348 : vector<16xi32> to vector<16x1xi32>
        %gather3A_1350 = vector.shape_cast %broadcast_in_dim3A_1349 : vector<16x1xi32> to vector<16xi32>
        %gather3A_1351 = tpu.dynamic_gather %add3A_1334[%gather3A_1350] in [0] : vector<16xf32>, vector<16xi32> -> vector<16xf32>
        %add3A_1352 = arith.addf %add3A_1334, %gather3A_1351 : vector<16xf32>
        %iota3A_1353 = tpu.iota {dimensions = array<i32: 0>} : vector<16xi32>
        %xor3A_1354 = arith.constant 4 : i32
        %xor3A_1355 = vector.broadcast %xor3A_1354 : i32 to vector<16xi32>
        %xor3A_1356 = arith.xori %iota3A_1353, %xor3A_1355 : vector<16xi32>
        %lt3A_1357 = arith.constant 0 : i32
        %lt3A_1358 = vector.broadcast %lt3A_1357 : i32 to vector<16xi32>
        %lt3A_1359 = arith.cmpi slt, %xor3A_1356, %lt3A_1358 : vector<16xi32>
        %add3A_1360 = arith.constant 16 : i32
        %add3A_1361 = vector.broadcast %add3A_1360 : i32 to vector<16xi32>
        %add3A_1362 = arith.addi %xor3A_1356, %add3A_1361 : vector<16xi32>
        %select_n3A_1363 = arith.select %lt3A_1359, %add3A_1362, %xor3A_1356 : vector<16xi1>, vector<16xi32>
        %broadcast_in_dim3A_1364 = vector.shape_cast %select_n3A_1363 : vector<16xi32> to vector<16x1xi32>
        %gather3A_1365 = vector.shape_cast %broadcast_in_dim3A_1364 : vector<16x1xi32> to vector<16xi32>
        %gather3A_1366 = tpu.dynamic_gather %add3A_1352[%gather3A_1365] in [0] : vector<16xf32>, vector<16xi32> -> vector<16xf32>
        %add3A_1367 = arith.addf %add3A_1352, %gather3A_1366 : vector<16xf32>
        %iota3A_1368 = tpu.iota {dimensions = array<i32: 0>} : vector<16xi32>
        %xor3A_1369 = arith.constant 2 : i32
        %xor3A_1370 = vector.broadcast %xor3A_1369 : i32 to vector<16xi32>
        %xor3A_1371 = arith.xori %iota3A_1368, %xor3A_1370 : vector<16xi32>
        %lt3A_1372 = arith.constant 0 : i32
        %lt3A_1373 = vector.broadcast %lt3A_1372 : i32 to vector<16xi32>
        %lt3A_1374 = arith.cmpi slt, %xor3A_1371, %lt3A_1373 : vector<16xi32>
        %add3A_1375 = arith.constant 16 : i32
        %add3A_1376 = vector.broadcast %add3A_1375 : i32 to vector<16xi32>
        %add3A_1377 = arith.addi %xor3A_1371, %add3A_1376 : vector<16xi32>
        %select_n3A_1378 = arith.select %lt3A_1374, %add3A_1377, %xor3A_1371 : vector<16xi1>, vector<16xi32>
        %broadcast_in_dim3A_1379 = vector.shape_cast %select_n3A_1378 : vector<16xi32> to vector<16x1xi32>
        %gather3A_1380 = vector.shape_cast %broadcast_in_dim3A_1379 : vector<16x1xi32> to vector<16xi32>
        %gather3A_1381 = tpu.dynamic_gather %add3A_1367[%gather3A_1380] in [0] : vector<16xf32>, vector<16xi32> -> vector<16xf32>
        %add3A_1382 = arith.addf %add3A_1367, %gather3A_1381 : vector<16xf32>
        %iota3A_1383 = tpu.iota {dimensions = array<i32: 0>} : vector<16xi32>
        %xor3A_1384 = arith.constant 1 : i32
        %xor3A_1385 = vector.broadcast %xor3A_1384 : i32 to vector<16xi32>
        %xor3A_1386 = arith.xori %iota3A_1383, %xor3A_1385 : vector<16xi32>
        %lt3A_1387 = arith.constant 0 : i32
        %lt3A_1388 = vector.broadcast %lt3A_1387 : i32 to vector<16xi32>
        %lt3A_1389 = arith.cmpi slt, %xor3A_1386, %lt3A_1388 : vector<16xi32>
        %add3A_1390 = arith.constant 16 : i32
        %add3A_1391 = vector.broadcast %add3A_1390 : i32 to vector<16xi32>
        %add3A_1392 = arith.addi %xor3A_1386, %add3A_1391 : vector<16xi32>
        %select_n3A_1393 = arith.select %lt3A_1389, %add3A_1392, %xor3A_1386 : vector<16xi1>, vector<16xi32>
        %broadcast_in_dim3A_1394 = vector.shape_cast %select_n3A_1393 : vector<16xi32> to vector<16x1xi32>
        %gather3A_1395 = vector.shape_cast %broadcast_in_dim3A_1394 : vector<16x1xi32> to vector<16xi32>
        %gather3A_1396 = tpu.dynamic_gather %add3A_1382[%gather3A_1395] in [0] : vector<16xf32>, vector<16xi32> -> vector<16xf32>
        %add3A_1397 = arith.addf %add3A_1382, %gather3A_1396 : vector<16xf32>
        %mul3A_1398 = arith.constant 5.000000e+00 : f32
        %mul3A_1399 = vector.broadcast %mul3A_1398 : f32 to vector<16xf32>
        %mul3A_1400 = arith.mulf %add3A_1397, %mul3A_1399 : vector<16xf32>
        %select_n3A_1401 = arith.select %eq3A_1337, %mul3A_1400, %select_n3A_1201 : vector<16xi1>, vector<16xf32>
        %get3A_1402 = arith.constant 1 : i32
        %get3A_1403 = arith.index_cast %get3A_1402 : i32 to index
        %get3A_1404 = arith.index_cast %add3A_1303 : i32 to index
        %get3A_1405 = arith.constant 64 : index
        %get3A_1406 = tpu.vector_load %arg9[%get3A_1403, %get3A_1404, %get3A_1405] {strides = array<i32>} : memref<2x352x128xf32, #tpu.memory_space<vmem>>, vector<1x1x16xf32>,
        %get3A_1407 = vector.shape_cast %get3A_1406 : vector<1x1x16xf32> to vector<16xf32>
        %mul3A_1408 = arith.mulf %get3A_1407, %get3A_282 : vector<16xf32>
        %get3A_1409 = arith.constant 1 : i32
        %get3A_1410 = arith.index_cast %get3A_1409 : i32 to index
        %get3A_1411 = arith.index_cast %add3A_1303 : i32 to index
        %get3A_1412 = arith.constant 80 : index
        %get3A_1413 = tpu.vector_load %arg9[%get3A_1410, %get3A_1411, %get3A_1412] {strides = array<i32>} : memref<2x352x128xf32, #tpu.memory_space<vmem>>, vector<1x1x16xf32>,
        %get3A_1414 = vector.shape_cast %get3A_1413 : vector<1x1x16xf32> to vector<16xf32>
        %mul3A_1415 = arith.mulf %get3A_1414, %get3A_288 : vector<16xf32>
        %add3A_1416 = arith.addf %mul3A_1408, %mul3A_1415 : vector<16xf32>
        %get3A_1417 = arith.constant 1 : i32
        %get3A_1418 = arith.index_cast %get3A_1417 : i32 to index
        %get3A_1419 = arith.index_cast %add3A_1303 : i32 to index
        %get3A_1420 = arith.constant 96 : index
        %get3A_1421 = tpu.vector_load %arg9[%get3A_1418, %get3A_1419, %get3A_1420] {strides = array<i32>} : memref<2x352x128xf32, #tpu.memory_space<vmem>>, vector<1x1x16xf32>,
        %get3A_1422 = vector.shape_cast %get3A_1421 : vector<1x1x16xf32> to vector<16xf32>
        %mul3A_1423 = arith.mulf %get3A_1422, %get3A_294 : vector<16xf32>
        %add3A_1424 = arith.addf %add3A_1416, %mul3A_1423 : vector<16xf32>
        %get3A_1425 = arith.constant 1 : i32
        %get3A_1426 = arith.index_cast %get3A_1425 : i32 to index
        %get3A_1427 = arith.index_cast %add3A_1303 : i32 to index
        %get3A_1428 = arith.constant 112 : index
        %get3A_1429 = tpu.vector_load %arg9[%get3A_1426, %get3A_1427, %get3A_1428] {strides = array<i32>} : memref<2x352x128xf32, #tpu.memory_space<vmem>>, vector<1x1x16xf32>,
        %get3A_1430 = vector.shape_cast %get3A_1429 : vector<1x1x16xf32> to vector<16xf32>
        %mul3A_1431 = arith.mulf %get3A_1430, %get3A_300 : vector<16xf32>
        %add3A_1432 = arith.addf %add3A_1424, %mul3A_1431 : vector<16xf32>
        %eq3A_1433 = arith.constant 5 : i32
        %eq3A_1434 = vector.broadcast %eq3A_1433 : i32 to vector<16xi32>
        %eq3A_1435 = arith.cmpi eq, %iota3A, %eq3A_1434 : vector<16xi32>
        %iota3A_1436 = tpu.iota {dimensions = array<i32: 0>} : vector<16xi32>
        %xor3A_1437 = arith.constant 8 : i32
        %xor3A_1438 = vector.broadcast %xor3A_1437 : i32 to vector<16xi32>
        %xor3A_1439 = arith.xori %iota3A_1436, %xor3A_1438 : vector<16xi32>
        %lt3A_1440 = arith.constant 0 : i32
        %lt3A_1441 = vector.broadcast %lt3A_1440 : i32 to vector<16xi32>
        %lt3A_1442 = arith.cmpi slt, %xor3A_1439, %lt3A_1441 : vector<16xi32>
        %add3A_1443 = arith.constant 16 : i32
        %add3A_1444 = vector.broadcast %add3A_1443 : i32 to vector<16xi32>
        %add3A_1445 = arith.addi %xor3A_1439, %add3A_1444 : vector<16xi32>
        %select_n3A_1446 = arith.select %lt3A_1442, %add3A_1445, %xor3A_1439 : vector<16xi1>, vector<16xi32>
        %broadcast_in_dim3A_1447 = vector.shape_cast %select_n3A_1446 : vector<16xi32> to vector<16x1xi32>
        %gather3A_1448 = vector.shape_cast %broadcast_in_dim3A_1447 : vector<16x1xi32> to vector<16xi32>
        %gather3A_1449 = tpu.dynamic_gather %add3A_1432[%gather3A_1448] in [0] : vector<16xf32>, vector<16xi32> -> vector<16xf32>
        %add3A_1450 = arith.addf %add3A_1432, %gather3A_1449 : vector<16xf32>
        %iota3A_1451 = tpu.iota {dimensions = array<i32: 0>} : vector<16xi32>
        %xor3A_1452 = arith.constant 4 : i32
        %xor3A_1453 = vector.broadcast %xor3A_1452 : i32 to vector<16xi32>
        %xor3A_1454 = arith.xori %iota3A_1451, %xor3A_1453 : vector<16xi32>
        %lt3A_1455 = arith.constant 0 : i32
        %lt3A_1456 = vector.broadcast %lt3A_1455 : i32 to vector<16xi32>
        %lt3A_1457 = arith.cmpi slt, %xor3A_1454, %lt3A_1456 : vector<16xi32>
        %add3A_1458 = arith.constant 16 : i32
        %add3A_1459 = vector.broadcast %add3A_1458 : i32 to vector<16xi32>
        %add3A_1460 = arith.addi %xor3A_1454, %add3A_1459 : vector<16xi32>
        %select_n3A_1461 = arith.select %lt3A_1457, %add3A_1460, %xor3A_1454 : vector<16xi1>, vector<16xi32>
        %broadcast_in_dim3A_1462 = vector.shape_cast %select_n3A_1461 : vector<16xi32> to vector<16x1xi32>
        %gather3A_1463 = vector.shape_cast %broadcast_in_dim3A_1462 : vector<16x1xi32> to vector<16xi32>
        %gather3A_1464 = tpu.dynamic_gather %add3A_1450[%gather3A_1463] in [0] : vector<16xf32>, vector<16xi32> -> vector<16xf32>
        %add3A_1465 = arith.addf %add3A_1450, %gather3A_1464 : vector<16xf32>
        %iota3A_1466 = tpu.iota {dimensions = array<i32: 0>} : vector<16xi32>
        %xor3A_1467 = arith.constant 2 : i32
        %xor3A_1468 = vector.broadcast %xor3A_1467 : i32 to vector<16xi32>
        %xor3A_1469 = arith.xori %iota3A_1466, %xor3A_1468 : vector<16xi32>
        %lt3A_1470 = arith.constant 0 : i32
        %lt3A_1471 = vector.broadcast %lt3A_1470 : i32 to vector<16xi32>
        %lt3A_1472 = arith.cmpi slt, %xor3A_1469, %lt3A_1471 : vector<16xi32>
        %add3A_1473 = arith.constant 16 : i32
        %add3A_1474 = vector.broadcast %add3A_1473 : i32 to vector<16xi32>
        %add3A_1475 = arith.addi %xor3A_1469, %add3A_1474 : vector<16xi32>
        %select_n3A_1476 = arith.select %lt3A_1472, %add3A_1475, %xor3A_1469 : vector<16xi1>, vector<16xi32>
        %broadcast_in_dim3A_1477 = vector.shape_cast %select_n3A_1476 : vector<16xi32> to vector<16x1xi32>
        %gather3A_1478 = vector.shape_cast %broadcast_in_dim3A_1477 : vector<16x1xi32> to vector<16xi32>
        %gather3A_1479 = tpu.dynamic_gather %add3A_1465[%gather3A_1478] in [0] : vector<16xf32>, vector<16xi32> -> vector<16xf32>
        %add3A_1480 = arith.addf %add3A_1465, %gather3A_1479 : vector<16xf32>
        %iota3A_1481 = tpu.iota {dimensions = array<i32: 0>} : vector<16xi32>
        %xor3A_1482 = arith.constant 1 : i32
        %xor3A_1483 = vector.broadcast %xor3A_1482 : i32 to vector<16xi32>
        %xor3A_1484 = arith.xori %iota3A_1481, %xor3A_1483 : vector<16xi32>
        %lt3A_1485 = arith.constant 0 : i32
        %lt3A_1486 = vector.broadcast %lt3A_1485 : i32 to vector<16xi32>
        %lt3A_1487 = arith.cmpi slt, %xor3A_1484, %lt3A_1486 : vector<16xi32>
        %add3A_1488 = arith.constant 16 : i32
        %add3A_1489 = vector.broadcast %add3A_1488 : i32 to vector<16xi32>
        %add3A_1490 = arith.addi %xor3A_1484, %add3A_1489 : vector<16xi32>
        %select_n3A_1491 = arith.select %lt3A_1487, %add3A_1490, %xor3A_1484 : vector<16xi1>, vector<16xi32>
        %broadcast_in_dim3A_1492 = vector.shape_cast %select_n3A_1491 : vector<16xi32> to vector<16x1xi32>
        %gather3A_1493 = vector.shape_cast %broadcast_in_dim3A_1492 : vector<16x1xi32> to vector<16xi32>
        %gather3A_1494 = tpu.dynamic_gather %add3A_1480[%gather3A_1493] in [0] : vector<16xf32>, vector<16xi32> -> vector<16xf32>
        %add3A_1495 = arith.addf %add3A_1480, %gather3A_1494 : vector<16xf32>
        %mul3A_1496 = arith.constant 5.000000e+00 : f32
        %mul3A_1497 = vector.broadcast %mul3A_1496 : f32 to vector<16xf32>
        %mul3A_1498 = arith.mulf %add3A_1495, %mul3A_1497 : vector<16xf32>
        %select_n3A_1499 = arith.select %eq3A_1435, %mul3A_1498, %select_n3A_1299 : vector<16xi1>, vector<16xf32>
        %mul3A_1500 = arith.constant 11 : i32
        %mul3A_1501 = arith.muli %scan3A_277, %mul3A_1500 : i32
        %add3A_1502 = arith.constant 6 : i32
        %add3A_1503 = arith.addi %mul3A_1501, %add3A_1502 : i32
        %get3A_1504 = arith.constant 1 : i32
        %get3A_1505 = arith.index_cast %get3A_1504 : i32 to index
        %get3A_1506 = arith.index_cast %add3A_1503 : i32 to index
        %get3A_1507 = arith.constant 0 : index
        %get3A_1508 = tpu.vector_load %arg9[%get3A_1505, %get3A_1506, %get3A_1507] {strides = array<i32>} : memref<2x352x128xf32, #tpu.memory_space<vmem>>, vector<1x1x16xf32>,
        %get3A_1509 = vector.shape_cast %get3A_1508 : vector<1x1x16xf32> to vector<16xf32>
        %mul3A_1510 = arith.mulf %get3A_1509, %get3A_282 : vector<16xf32>
        %get3A_1511 = arith.constant 1 : i32
        %get3A_1512 = arith.index_cast %get3A_1511 : i32 to index
        %get3A_1513 = arith.index_cast %add3A_1503 : i32 to index
        %get3A_1514 = arith.constant 16 : index
        %get3A_1515 = tpu.vector_load %arg9[%get3A_1512, %get3A_1513, %get3A_1514] {strides = array<i32>} : memref<2x352x128xf32, #tpu.memory_space<vmem>>, vector<1x1x16xf32>,
        %get3A_1516 = vector.shape_cast %get3A_1515 : vector<1x1x16xf32> to vector<16xf32>
        %mul3A_1517 = arith.mulf %get3A_1516, %get3A_288 : vector<16xf32>
        %add3A_1518 = arith.addf %mul3A_1510, %mul3A_1517 : vector<16xf32>
        %get3A_1519 = arith.constant 1 : i32
        %get3A_1520 = arith.index_cast %get3A_1519 : i32 to index
        %get3A_1521 = arith.index_cast %add3A_1503 : i32 to index
        %get3A_1522 = arith.constant 32 : index
        %get3A_1523 = tpu.vector_load %arg9[%get3A_1520, %get3A_1521, %get3A_1522] {strides = array<i32>} : memref<2x352x128xf32, #tpu.memory_space<vmem>>, vector<1x1x16xf32>,
        %get3A_1524 = vector.shape_cast %get3A_1523 : vector<1x1x16xf32> to vector<16xf32>
        %mul3A_1525 = arith.mulf %get3A_1524, %get3A_294 : vector<16xf32>
        %add3A_1526 = arith.addf %add3A_1518, %mul3A_1525 : vector<16xf32>
        %get3A_1527 = arith.constant 1 : i32
        %get3A_1528 = arith.index_cast %get3A_1527 : i32 to index
        %get3A_1529 = arith.index_cast %add3A_1503 : i32 to index
        %get3A_1530 = arith.constant 48 : index
        %get3A_1531 = tpu.vector_load %arg9[%get3A_1528, %get3A_1529, %get3A_1530] {strides = array<i32>} : memref<2x352x128xf32, #tpu.memory_space<vmem>>, vector<1x1x16xf32>,
        %get3A_1532 = vector.shape_cast %get3A_1531 : vector<1x1x16xf32> to vector<16xf32>
        %mul3A_1533 = arith.mulf %get3A_1532, %get3A_300 : vector<16xf32>
        %add3A_1534 = arith.addf %add3A_1526, %mul3A_1533 : vector<16xf32>
        %eq3A_1535 = arith.constant 6 : i32
        %eq3A_1536 = vector.broadcast %eq3A_1535 : i32 to vector<16xi32>
        %eq3A_1537 = arith.cmpi eq, %iota3A, %eq3A_1536 : vector<16xi32>
        %iota3A_1538 = tpu.iota {dimensions = array<i32: 0>} : vector<16xi32>
        %xor3A_1539 = arith.constant 8 : i32
        %xor3A_1540 = vector.broadcast %xor3A_1539 : i32 to vector<16xi32>
        %xor3A_1541 = arith.xori %iota3A_1538, %xor3A_1540 : vector<16xi32>
        %lt3A_1542 = arith.constant 0 : i32
        %lt3A_1543 = vector.broadcast %lt3A_1542 : i32 to vector<16xi32>
        %lt3A_1544 = arith.cmpi slt, %xor3A_1541, %lt3A_1543 : vector<16xi32>
        %add3A_1545 = arith.constant 16 : i32
        %add3A_1546 = vector.broadcast %add3A_1545 : i32 to vector<16xi32>
        %add3A_1547 = arith.addi %xor3A_1541, %add3A_1546 : vector<16xi32>
        %select_n3A_1548 = arith.select %lt3A_1544, %add3A_1547, %xor3A_1541 : vector<16xi1>, vector<16xi32>
        %broadcast_in_dim3A_1549 = vector.shape_cast %select_n3A_1548 : vector<16xi32> to vector<16x1xi32>
        %gather3A_1550 = vector.shape_cast %broadcast_in_dim3A_1549 : vector<16x1xi32> to vector<16xi32>
        %gather3A_1551 = tpu.dynamic_gather %add3A_1534[%gather3A_1550] in [0] : vector<16xf32>, vector<16xi32> -> vector<16xf32>
        %add3A_1552 = arith.addf %add3A_1534, %gather3A_1551 : vector<16xf32>
        %iota3A_1553 = tpu.iota {dimensions = array<i32: 0>} : vector<16xi32>
        %xor3A_1554 = arith.constant 4 : i32
        %xor3A_1555 = vector.broadcast %xor3A_1554 : i32 to vector<16xi32>
        %xor3A_1556 = arith.xori %iota3A_1553, %xor3A_1555 : vector<16xi32>
        %lt3A_1557 = arith.constant 0 : i32
        %lt3A_1558 = vector.broadcast %lt3A_1557 : i32 to vector<16xi32>
        %lt3A_1559 = arith.cmpi slt, %xor3A_1556, %lt3A_1558 : vector<16xi32>
        %add3A_1560 = arith.constant 16 : i32
        %add3A_1561 = vector.broadcast %add3A_1560 : i32 to vector<16xi32>
        %add3A_1562 = arith.addi %xor3A_1556, %add3A_1561 : vector<16xi32>
        %select_n3A_1563 = arith.select %lt3A_1559, %add3A_1562, %xor3A_1556 : vector<16xi1>, vector<16xi32>
        %broadcast_in_dim3A_1564 = vector.shape_cast %select_n3A_1563 : vector<16xi32> to vector<16x1xi32>
        %gather3A_1565 = vector.shape_cast %broadcast_in_dim3A_1564 : vector<16x1xi32> to vector<16xi32>
        %gather3A_1566 = tpu.dynamic_gather %add3A_1552[%gather3A_1565] in [0] : vector<16xf32>, vector<16xi32> -> vector<16xf32>
        %add3A_1567 = arith.addf %add3A_1552, %gather3A_1566 : vector<16xf32>
        %iota3A_1568 = tpu.iota {dimensions = array<i32: 0>} : vector<16xi32>
        %xor3A_1569 = arith.constant 2 : i32
        %xor3A_1570 = vector.broadcast %xor3A_1569 : i32 to vector<16xi32>
        %xor3A_1571 = arith.xori %iota3A_1568, %xor3A_1570 : vector<16xi32>
        %lt3A_1572 = arith.constant 0 : i32
        %lt3A_1573 = vector.broadcast %lt3A_1572 : i32 to vector<16xi32>
        %lt3A_1574 = arith.cmpi slt, %xor3A_1571, %lt3A_1573 : vector<16xi32>
        %add3A_1575 = arith.constant 16 : i32
        %add3A_1576 = vector.broadcast %add3A_1575 : i32 to vector<16xi32>
        %add3A_1577 = arith.addi %xor3A_1571, %add3A_1576 : vector<16xi32>
        %select_n3A_1578 = arith.select %lt3A_1574, %add3A_1577, %xor3A_1571 : vector<16xi1>, vector<16xi32>
        %broadcast_in_dim3A_1579 = vector.shape_cast %select_n3A_1578 : vector<16xi32> to vector<16x1xi32>
        %gather3A_1580 = vector.shape_cast %broadcast_in_dim3A_1579 : vector<16x1xi32> to vector<16xi32>
        %gather3A_1581 = tpu.dynamic_gather %add3A_1567[%gather3A_1580] in [0] : vector<16xf32>, vector<16xi32> -> vector<16xf32>
        %add3A_1582 = arith.addf %add3A_1567, %gather3A_1581 : vector<16xf32>
        %iota3A_1583 = tpu.iota {dimensions = array<i32: 0>} : vector<16xi32>
        %xor3A_1584 = arith.constant 1 : i32
        %xor3A_1585 = vector.broadcast %xor3A_1584 : i32 to vector<16xi32>
        %xor3A_1586 = arith.xori %iota3A_1583, %xor3A_1585 : vector<16xi32>
        %lt3A_1587 = arith.constant 0 : i32
        %lt3A_1588 = vector.broadcast %lt3A_1587 : i32 to vector<16xi32>
        %lt3A_1589 = arith.cmpi slt, %xor3A_1586, %lt3A_1588 : vector<16xi32>
        %add3A_1590 = arith.constant 16 : i32
        %add3A_1591 = vector.broadcast %add3A_1590 : i32 to vector<16xi32>
        %add3A_1592 = arith.addi %xor3A_1586, %add3A_1591 : vector<16xi32>
        %select_n3A_1593 = arith.select %lt3A_1589, %add3A_1592, %xor3A_1586 : vector<16xi1>, vector<16xi32>
        %broadcast_in_dim3A_1594 = vector.shape_cast %select_n3A_1593 : vector<16xi32> to vector<16x1xi32>
        %gather3A_1595 = vector.shape_cast %broadcast_in_dim3A_1594 : vector<16x1xi32> to vector<16xi32>
        %gather3A_1596 = tpu.dynamic_gather %add3A_1582[%gather3A_1595] in [0] : vector<16xf32>, vector<16xi32> -> vector<16xf32>
        %add3A_1597 = arith.addf %add3A_1582, %gather3A_1596 : vector<16xf32>
        %mul3A_1598 = arith.constant 5.000000e+00 : f32
        %mul3A_1599 = vector.broadcast %mul3A_1598 : f32 to vector<16xf32>
        %mul3A_1600 = arith.mulf %add3A_1597, %mul3A_1599 : vector<16xf32>
        %select_n3A_1601 = arith.select %eq3A_1537, %mul3A_1600, %select_n3A_1401 : vector<16xi1>, vector<16xf32>
        %get3A_1602 = arith.constant 1 : i32
        %get3A_1603 = arith.index_cast %get3A_1602 : i32 to index
        %get3A_1604 = arith.index_cast %add3A_1503 : i32 to index
        %get3A_1605 = arith.constant 64 : index
        %get3A_1606 = tpu.vector_load %arg9[%get3A_1603, %get3A_1604, %get3A_1605] {strides = array<i32>} : memref<2x352x128xf32, #tpu.memory_space<vmem>>, vector<1x1x16xf32>,
        %get3A_1607 = vector.shape_cast %get3A_1606 : vector<1x1x16xf32> to vector<16xf32>
        %mul3A_1608 = arith.mulf %get3A_1607, %get3A_282 : vector<16xf32>
        %get3A_1609 = arith.constant 1 : i32
        %get3A_1610 = arith.index_cast %get3A_1609 : i32 to index
        %get3A_1611 = arith.index_cast %add3A_1503 : i32 to index
        %get3A_1612 = arith.constant 80 : index
        %get3A_1613 = tpu.vector_load %arg9[%get3A_1610, %get3A_1611, %get3A_1612] {strides = array<i32>} : memref<2x352x128xf32, #tpu.memory_space<vmem>>, vector<1x1x16xf32>,
        %get3A_1614 = vector.shape_cast %get3A_1613 : vector<1x1x16xf32> to vector<16xf32>
        %mul3A_1615 = arith.mulf %get3A_1614, %get3A_288 : vector<16xf32>
        %add3A_1616 = arith.addf %mul3A_1608, %mul3A_1615 : vector<16xf32>
        %get3A_1617 = arith.constant 1 : i32
        %get3A_1618 = arith.index_cast %get3A_1617 : i32 to index
        %get3A_1619 = arith.index_cast %add3A_1503 : i32 to index
        %get3A_1620 = arith.constant 96 : index
        %get3A_1621 = tpu.vector_load %arg9[%get3A_1618, %get3A_1619, %get3A_1620] {strides = array<i32>} : memref<2x352x128xf32, #tpu.memory_space<vmem>>, vector<1x1x16xf32>,
        %get3A_1622 = vector.shape_cast %get3A_1621 : vector<1x1x16xf32> to vector<16xf32>
        %mul3A_1623 = arith.mulf %get3A_1622, %get3A_294 : vector<16xf32>
        %add3A_1624 = arith.addf %add3A_1616, %mul3A_1623 : vector<16xf32>
        %get3A_1625 = arith.constant 1 : i32
        %get3A_1626 = arith.index_cast %get3A_1625 : i32 to index
        %get3A_1627 = arith.index_cast %add3A_1503 : i32 to index
        %get3A_1628 = arith.constant 112 : index
        %get3A_1629 = tpu.vector_load %arg9[%get3A_1626, %get3A_1627, %get3A_1628] {strides = array<i32>} : memref<2x352x128xf32, #tpu.memory_space<vmem>>, vector<1x1x16xf32>,
        %get3A_1630 = vector.shape_cast %get3A_1629 : vector<1x1x16xf32> to vector<16xf32>
        %mul3A_1631 = arith.mulf %get3A_1630, %get3A_300 : vector<16xf32>
        %add3A_1632 = arith.addf %add3A_1624, %mul3A_1631 : vector<16xf32>
        %eq3A_1633 = arith.constant 6 : i32
        %eq3A_1634 = vector.broadcast %eq3A_1633 : i32 to vector<16xi32>
        %eq3A_1635 = arith.cmpi eq, %iota3A, %eq3A_1634 : vector<16xi32>
        %iota3A_1636 = tpu.iota {dimensions = array<i32: 0>} : vector<16xi32>
        %xor3A_1637 = arith.constant 8 : i32
        %xor3A_1638 = vector.broadcast %xor3A_1637 : i32 to vector<16xi32>
        %xor3A_1639 = arith.xori %iota3A_1636, %xor3A_1638 : vector<16xi32>
        %lt3A_1640 = arith.constant 0 : i32
        %lt3A_1641 = vector.broadcast %lt3A_1640 : i32 to vector<16xi32>
        %lt3A_1642 = arith.cmpi slt, %xor3A_1639, %lt3A_1641 : vector<16xi32>
        %add3A_1643 = arith.constant 16 : i32
        %add3A_1644 = vector.broadcast %add3A_1643 : i32 to vector<16xi32>
        %add3A_1645 = arith.addi %xor3A_1639, %add3A_1644 : vector<16xi32>
        %select_n3A_1646 = arith.select %lt3A_1642, %add3A_1645, %xor3A_1639 : vector<16xi1>, vector<16xi32>
        %broadcast_in_dim3A_1647 = vector.shape_cast %select_n3A_1646 : vector<16xi32> to vector<16x1xi32>
        %gather3A_1648 = vector.shape_cast %broadcast_in_dim3A_1647 : vector<16x1xi32> to vector<16xi32>
        %gather3A_1649 = tpu.dynamic_gather %add3A_1632[%gather3A_1648] in [0] : vector<16xf32>, vector<16xi32> -> vector<16xf32>
        %add3A_1650 = arith.addf %add3A_1632, %gather3A_1649 : vector<16xf32>
        %iota3A_1651 = tpu.iota {dimensions = array<i32: 0>} : vector<16xi32>
        %xor3A_1652 = arith.constant 4 : i32
        %xor3A_1653 = vector.broadcast %xor3A_1652 : i32 to vector<16xi32>
        %xor3A_1654 = arith.xori %iota3A_1651, %xor3A_1653 : vector<16xi32>
        %lt3A_1655 = arith.constant 0 : i32
        %lt3A_1656 = vector.broadcast %lt3A_1655 : i32 to vector<16xi32>
        %lt3A_1657 = arith.cmpi slt, %xor3A_1654, %lt3A_1656 : vector<16xi32>
        %add3A_1658 = arith.constant 16 : i32
        %add3A_1659 = vector.broadcast %add3A_1658 : i32 to vector<16xi32>
        %add3A_1660 = arith.addi %xor3A_1654, %add3A_1659 : vector<16xi32>
        %select_n3A_1661 = arith.select %lt3A_1657, %add3A_1660, %xor3A_1654 : vector<16xi1>, vector<16xi32>
        %broadcast_in_dim3A_1662 = vector.shape_cast %select_n3A_1661 : vector<16xi32> to vector<16x1xi32>
        %gather3A_1663 = vector.shape_cast %broadcast_in_dim3A_1662 : vector<16x1xi32> to vector<16xi32>
        %gather3A_1664 = tpu.dynamic_gather %add3A_1650[%gather3A_1663] in [0] : vector<16xf32>, vector<16xi32> -> vector<16xf32>
        %add3A_1665 = arith.addf %add3A_1650, %gather3A_1664 : vector<16xf32>
        %iota3A_1666 = tpu.iota {dimensions = array<i32: 0>} : vector<16xi32>
        %xor3A_1667 = arith.constant 2 : i32
        %xor3A_1668 = vector.broadcast %xor3A_1667 : i32 to vector<16xi32>
        %xor3A_1669 = arith.xori %iota3A_1666, %xor3A_1668 : vector<16xi32>
        %lt3A_1670 = arith.constant 0 : i32
        %lt3A_1671 = vector.broadcast %lt3A_1670 : i32 to vector<16xi32>
        %lt3A_1672 = arith.cmpi slt, %xor3A_1669, %lt3A_1671 : vector<16xi32>
        %add3A_1673 = arith.constant 16 : i32
        %add3A_1674 = vector.broadcast %add3A_1673 : i32 to vector<16xi32>
        %add3A_1675 = arith.addi %xor3A_1669, %add3A_1674 : vector<16xi32>
        %select_n3A_1676 = arith.select %lt3A_1672, %add3A_1675, %xor3A_1669 : vector<16xi1>, vector<16xi32>
        %broadcast_in_dim3A_1677 = vector.shape_cast %select_n3A_1676 : vector<16xi32> to vector<16x1xi32>
        %gather3A_1678 = vector.shape_cast %broadcast_in_dim3A_1677 : vector<16x1xi32> to vector<16xi32>
        %gather3A_1679 = tpu.dynamic_gather %add3A_1665[%gather3A_1678] in [0] : vector<16xf32>, vector<16xi32> -> vector<16xf32>
        %add3A_1680 = arith.addf %add3A_1665, %gather3A_1679 : vector<16xf32>
        %iota3A_1681 = tpu.iota {dimensions = array<i32: 0>} : vector<16xi32>
        %xor3A_1682 = arith.constant 1 : i32
        %xor3A_1683 = vector.broadcast %xor3A_1682 : i32 to vector<16xi32>
        %xor3A_1684 = arith.xori %iota3A_1681, %xor3A_1683 : vector<16xi32>
        %lt3A_1685 = arith.constant 0 : i32
        %lt3A_1686 = vector.broadcast %lt3A_1685 : i32 to vector<16xi32>
        %lt3A_1687 = arith.cmpi slt, %xor3A_1684, %lt3A_1686 : vector<16xi32>
        %add3A_1688 = arith.constant 16 : i32
        %add3A_1689 = vector.broadcast %add3A_1688 : i32 to vector<16xi32>
        %add3A_1690 = arith.addi %xor3A_1684, %add3A_1689 : vector<16xi32>
        %select_n3A_1691 = arith.select %lt3A_1687, %add3A_1690, %xor3A_1684 : vector<16xi1>, vector<16xi32>
        %broadcast_in_dim3A_1692 = vector.shape_cast %select_n3A_1691 : vector<16xi32> to vector<16x1xi32>
        %gather3A_1693 = vector.shape_cast %broadcast_in_dim3A_1692 : vector<16x1xi32> to vector<16xi32>
        %gather3A_1694 = tpu.dynamic_gather %add3A_1680[%gather3A_1693] in [0] : vector<16xf32>, vector<16xi32> -> vector<16xf32>
        %add3A_1695 = arith.addf %add3A_1680, %gather3A_1694 : vector<16xf32>
        %mul3A_1696 = arith.constant 5.000000e+00 : f32
        %mul3A_1697 = vector.broadcast %mul3A_1696 : f32 to vector<16xf32>
        %mul3A_1698 = arith.mulf %add3A_1695, %mul3A_1697 : vector<16xf32>
        %select_n3A_1699 = arith.select %eq3A_1635, %mul3A_1698, %select_n3A_1499 : vector<16xi1>, vector<16xf32>
        %mul3A_1700 = arith.constant 11 : i32
        %mul3A_1701 = arith.muli %scan3A_277, %mul3A_1700 : i32
        %add3A_1702 = arith.constant 7 : i32
        %add3A_1703 = arith.addi %mul3A_1701, %add3A_1702 : i32
        %get3A_1704 = arith.constant 1 : i32
        %get3A_1705 = arith.index_cast %get3A_1704 : i32 to index
        %get3A_1706 = arith.index_cast %add3A_1703 : i32 to index
        %get3A_1707 = arith.constant 0 : index
        %get3A_1708 = tpu.vector_load %arg9[%get3A_1705, %get3A_1706, %get3A_1707] {strides = array<i32>} : memref<2x352x128xf32, #tpu.memory_space<vmem>>, vector<1x1x16xf32>,
        %get3A_1709 = vector.shape_cast %get3A_1708 : vector<1x1x16xf32> to vector<16xf32>
        %mul3A_1710 = arith.mulf %get3A_1709, %get3A_282 : vector<16xf32>
        %get3A_1711 = arith.constant 1 : i32
        %get3A_1712 = arith.index_cast %get3A_1711 : i32 to index
        %get3A_1713 = arith.index_cast %add3A_1703 : i32 to index
        %get3A_1714 = arith.constant 16 : index
        %get3A_1715 = tpu.vector_load %arg9[%get3A_1712, %get3A_1713, %get3A_1714] {strides = array<i32>} : memref<2x352x128xf32, #tpu.memory_space<vmem>>, vector<1x1x16xf32>,
        %get3A_1716 = vector.shape_cast %get3A_1715 : vector<1x1x16xf32> to vector<16xf32>
        %mul3A_1717 = arith.mulf %get3A_1716, %get3A_288 : vector<16xf32>
        %add3A_1718 = arith.addf %mul3A_1710, %mul3A_1717 : vector<16xf32>
        %get3A_1719 = arith.constant 1 : i32
        %get3A_1720 = arith.index_cast %get3A_1719 : i32 to index
        %get3A_1721 = arith.index_cast %add3A_1703 : i32 to index
        %get3A_1722 = arith.constant 32 : index
        %get3A_1723 = tpu.vector_load %arg9[%get3A_1720, %get3A_1721, %get3A_1722] {strides = array<i32>} : memref<2x352x128xf32, #tpu.memory_space<vmem>>, vector<1x1x16xf32>,
        %get3A_1724 = vector.shape_cast %get3A_1723 : vector<1x1x16xf32> to vector<16xf32>
        %mul3A_1725 = arith.mulf %get3A_1724, %get3A_294 : vector<16xf32>
        %add3A_1726 = arith.addf %add3A_1718, %mul3A_1725 : vector<16xf32>
        %get3A_1727 = arith.constant 1 : i32
        %get3A_1728 = arith.index_cast %get3A_1727 : i32 to index
        %get3A_1729 = arith.index_cast %add3A_1703 : i32 to index
        %get3A_1730 = arith.constant 48 : index
        %get3A_1731 = tpu.vector_load %arg9[%get3A_1728, %get3A_1729, %get3A_1730] {strides = array<i32>} : memref<2x352x128xf32, #tpu.memory_space<vmem>>, vector<1x1x16xf32>,
        %get3A_1732 = vector.shape_cast %get3A_1731 : vector<1x1x16xf32> to vector<16xf32>
        %mul3A_1733 = arith.mulf %get3A_1732, %get3A_300 : vector<16xf32>
        %add3A_1734 = arith.addf %add3A_1726, %mul3A_1733 : vector<16xf32>
        %eq3A_1735 = arith.constant 7 : i32
        %eq3A_1736 = vector.broadcast %eq3A_1735 : i32 to vector<16xi32>
        %eq3A_1737 = arith.cmpi eq, %iota3A, %eq3A_1736 : vector<16xi32>
        %iota3A_1738 = tpu.iota {dimensions = array<i32: 0>} : vector<16xi32>
        %xor3A_1739 = arith.constant 8 : i32
        %xor3A_1740 = vector.broadcast %xor3A_1739 : i32 to vector<16xi32>
        %xor3A_1741 = arith.xori %iota3A_1738, %xor3A_1740 : vector<16xi32>
        %lt3A_1742 = arith.constant 0 : i32
        %lt3A_1743 = vector.broadcast %lt3A_1742 : i32 to vector<16xi32>
        %lt3A_1744 = arith.cmpi slt, %xor3A_1741, %lt3A_1743 : vector<16xi32>
        %add3A_1745 = arith.constant 16 : i32
        %add3A_1746 = vector.broadcast %add3A_1745 : i32 to vector<16xi32>
        %add3A_1747 = arith.addi %xor3A_1741, %add3A_1746 : vector<16xi32>
        %select_n3A_1748 = arith.select %lt3A_1744, %add3A_1747, %xor3A_1741 : vector<16xi1>, vector<16xi32>
        %broadcast_in_dim3A_1749 = vector.shape_cast %select_n3A_1748 : vector<16xi32> to vector<16x1xi32>
        %gather3A_1750 = vector.shape_cast %broadcast_in_dim3A_1749 : vector<16x1xi32> to vector<16xi32>
        %gather3A_1751 = tpu.dynamic_gather %add3A_1734[%gather3A_1750] in [0] : vector<16xf32>, vector<16xi32> -> vector<16xf32>
        %add3A_1752 = arith.addf %add3A_1734, %gather3A_1751 : vector<16xf32>
        %iota3A_1753 = tpu.iota {dimensions = array<i32: 0>} : vector<16xi32>
        %xor3A_1754 = arith.constant 4 : i32
        %xor3A_1755 = vector.broadcast %xor3A_1754 : i32 to vector<16xi32>
        %xor3A_1756 = arith.xori %iota3A_1753, %xor3A_1755 : vector<16xi32>
        %lt3A_1757 = arith.constant 0 : i32
        %lt3A_1758 = vector.broadcast %lt3A_1757 : i32 to vector<16xi32>
        %lt3A_1759 = arith.cmpi slt, %xor3A_1756, %lt3A_1758 : vector<16xi32>
        %add3A_1760 = arith.constant 16 : i32
        %add3A_1761 = vector.broadcast %add3A_1760 : i32 to vector<16xi32>
        %add3A_1762 = arith.addi %xor3A_1756, %add3A_1761 : vector<16xi32>
        %select_n3A_1763 = arith.select %lt3A_1759, %add3A_1762, %xor3A_1756 : vector<16xi1>, vector<16xi32>
        %broadcast_in_dim3A_1764 = vector.shape_cast %select_n3A_1763 : vector<16xi32> to vector<16x1xi32>
        %gather3A_1765 = vector.shape_cast %broadcast_in_dim3A_1764 : vector<16x1xi32> to vector<16xi32>
        %gather3A_1766 = tpu.dynamic_gather %add3A_1752[%gather3A_1765] in [0] : vector<16xf32>, vector<16xi32> -> vector<16xf32>
        %add3A_1767 = arith.addf %add3A_1752, %gather3A_1766 : vector<16xf32>
        %iota3A_1768 = tpu.iota {dimensions = array<i32: 0>} : vector<16xi32>
        %xor3A_1769 = arith.constant 2 : i32
        %xor3A_1770 = vector.broadcast %xor3A_1769 : i32 to vector<16xi32>
        %xor3A_1771 = arith.xori %iota3A_1768, %xor3A_1770 : vector<16xi32>
        %lt3A_1772 = arith.constant 0 : i32
        %lt3A_1773 = vector.broadcast %lt3A_1772 : i32 to vector<16xi32>
        %lt3A_1774 = arith.cmpi slt, %xor3A_1771, %lt3A_1773 : vector<16xi32>
        %add3A_1775 = arith.constant 16 : i32
        %add3A_1776 = vector.broadcast %add3A_1775 : i32 to vector<16xi32>
        %add3A_1777 = arith.addi %xor3A_1771, %add3A_1776 : vector<16xi32>
        %select_n3A_1778 = arith.select %lt3A_1774, %add3A_1777, %xor3A_1771 : vector<16xi1>, vector<16xi32>
        %broadcast_in_dim3A_1779 = vector.shape_cast %select_n3A_1778 : vector<16xi32> to vector<16x1xi32>
        %gather3A_1780 = vector.shape_cast %broadcast_in_dim3A_1779 : vector<16x1xi32> to vector<16xi32>
        %gather3A_1781 = tpu.dynamic_gather %add3A_1767[%gather3A_1780] in [0] : vector<16xf32>, vector<16xi32> -> vector<16xf32>
        %add3A_1782 = arith.addf %add3A_1767, %gather3A_1781 : vector<16xf32>
        %iota3A_1783 = tpu.iota {dimensions = array<i32: 0>} : vector<16xi32>
        %xor3A_1784 = arith.constant 1 : i32
        %xor3A_1785 = vector.broadcast %xor3A_1784 : i32 to vector<16xi32>
        %xor3A_1786 = arith.xori %iota3A_1783, %xor3A_1785 : vector<16xi32>
        %lt3A_1787 = arith.constant 0 : i32
        %lt3A_1788 = vector.broadcast %lt3A_1787 : i32 to vector<16xi32>
        %lt3A_1789 = arith.cmpi slt, %xor3A_1786, %lt3A_1788 : vector<16xi32>
        %add3A_1790 = arith.constant 16 : i32
        %add3A_1791 = vector.broadcast %add3A_1790 : i32 to vector<16xi32>
        %add3A_1792 = arith.addi %xor3A_1786, %add3A_1791 : vector<16xi32>
        %select_n3A_1793 = arith.select %lt3A_1789, %add3A_1792, %xor3A_1786 : vector<16xi1>, vector<16xi32>
        %broadcast_in_dim3A_1794 = vector.shape_cast %select_n3A_1793 : vector<16xi32> to vector<16x1xi32>
        %gather3A_1795 = vector.shape_cast %broadcast_in_dim3A_1794 : vector<16x1xi32> to vector<16xi32>
        %gather3A_1796 = tpu.dynamic_gather %add3A_1782[%gather3A_1795] in [0] : vector<16xf32>, vector<16xi32> -> vector<16xf32>
        %add3A_1797 = arith.addf %add3A_1782, %gather3A_1796 : vector<16xf32>
        %mul3A_1798 = arith.constant 5.000000e+00 : f32
        %mul3A_1799 = vector.broadcast %mul3A_1798 : f32 to vector<16xf32>
        %mul3A_1800 = arith.mulf %add3A_1797, %mul3A_1799 : vector<16xf32>
        %select_n3A_1801 = arith.select %eq3A_1737, %mul3A_1800, %select_n3A_1601 : vector<16xi1>, vector<16xf32>
        %get3A_1802 = arith.constant 1 : i32
        %get3A_1803 = arith.index_cast %get3A_1802 : i32 to index
        %get3A_1804 = arith.index_cast %add3A_1703 : i32 to index
        %get3A_1805 = arith.constant 64 : index
        %get3A_1806 = tpu.vector_load %arg9[%get3A_1803, %get3A_1804, %get3A_1805] {strides = array<i32>} : memref<2x352x128xf32, #tpu.memory_space<vmem>>, vector<1x1x16xf32>,
        %get3A_1807 = vector.shape_cast %get3A_1806 : vector<1x1x16xf32> to vector<16xf32>
        %mul3A_1808 = arith.mulf %get3A_1807, %get3A_282 : vector<16xf32>
        %get3A_1809 = arith.constant 1 : i32
        %get3A_1810 = arith.index_cast %get3A_1809 : i32 to index
        %get3A_1811 = arith.index_cast %add3A_1703 : i32 to index
        %get3A_1812 = arith.constant 80 : index
        %get3A_1813 = tpu.vector_load %arg9[%get3A_1810, %get3A_1811, %get3A_1812] {strides = array<i32>} : memref<2x352x128xf32, #tpu.memory_space<vmem>>, vector<1x1x16xf32>,
        %get3A_1814 = vector.shape_cast %get3A_1813 : vector<1x1x16xf32> to vector<16xf32>
        %mul3A_1815 = arith.mulf %get3A_1814, %get3A_288 : vector<16xf32>
        %add3A_1816 = arith.addf %mul3A_1808, %mul3A_1815 : vector<16xf32>
        %get3A_1817 = arith.constant 1 : i32
        %get3A_1818 = arith.index_cast %get3A_1817 : i32 to index
        %get3A_1819 = arith.index_cast %add3A_1703 : i32 to index
        %get3A_1820 = arith.constant 96 : index
        %get3A_1821 = tpu.vector_load %arg9[%get3A_1818, %get3A_1819, %get3A_1820] {strides = array<i32>} : memref<2x352x128xf32, #tpu.memory_space<vmem>>, vector<1x1x16xf32>,
        %get3A_1822 = vector.shape_cast %get3A_1821 : vector<1x1x16xf32> to vector<16xf32>
        %mul3A_1823 = arith.mulf %get3A_1822, %get3A_294 : vector<16xf32>
        %add3A_1824 = arith.addf %add3A_1816, %mul3A_1823 : vector<16xf32>
        %get3A_1825 = arith.constant 1 : i32
        %get3A_1826 = arith.index_cast %get3A_1825 : i32 to index
        %get3A_1827 = arith.index_cast %add3A_1703 : i32 to index
        %get3A_1828 = arith.constant 112 : index
        %get3A_1829 = tpu.vector_load %arg9[%get3A_1826, %get3A_1827, %get3A_1828] {strides = array<i32>} : memref<2x352x128xf32, #tpu.memory_space<vmem>>, vector<1x1x16xf32>,
        %get3A_1830 = vector.shape_cast %get3A_1829 : vector<1x1x16xf32> to vector<16xf32>
        %mul3A_1831 = arith.mulf %get3A_1830, %get3A_300 : vector<16xf32>
        %add3A_1832 = arith.addf %add3A_1824, %mul3A_1831 : vector<16xf32>
        %eq3A_1833 = arith.constant 7 : i32
        %eq3A_1834 = vector.broadcast %eq3A_1833 : i32 to vector<16xi32>
        %eq3A_1835 = arith.cmpi eq, %iota3A, %eq3A_1834 : vector<16xi32>
        %iota3A_1836 = tpu.iota {dimensions = array<i32: 0>} : vector<16xi32>
        %xor3A_1837 = arith.constant 8 : i32
        %xor3A_1838 = vector.broadcast %xor3A_1837 : i32 to vector<16xi32>
        %xor3A_1839 = arith.xori %iota3A_1836, %xor3A_1838 : vector<16xi32>
        %lt3A_1840 = arith.constant 0 : i32
        %lt3A_1841 = vector.broadcast %lt3A_1840 : i32 to vector<16xi32>
        %lt3A_1842 = arith.cmpi slt, %xor3A_1839, %lt3A_1841 : vector<16xi32>
        %add3A_1843 = arith.constant 16 : i32
        %add3A_1844 = vector.broadcast %add3A_1843 : i32 to vector<16xi32>
        %add3A_1845 = arith.addi %xor3A_1839, %add3A_1844 : vector<16xi32>
        %select_n3A_1846 = arith.select %lt3A_1842, %add3A_1845, %xor3A_1839 : vector<16xi1>, vector<16xi32>
        %broadcast_in_dim3A_1847 = vector.shape_cast %select_n3A_1846 : vector<16xi32> to vector<16x1xi32>
        %gather3A_1848 = vector.shape_cast %broadcast_in_dim3A_1847 : vector<16x1xi32> to vector<16xi32>
        %gather3A_1849 = tpu.dynamic_gather %add3A_1832[%gather3A_1848] in [0] : vector<16xf32>, vector<16xi32> -> vector<16xf32>
        %add3A_1850 = arith.addf %add3A_1832, %gather3A_1849 : vector<16xf32>
        %iota3A_1851 = tpu.iota {dimensions = array<i32: 0>} : vector<16xi32>
        %xor3A_1852 = arith.constant 4 : i32
        %xor3A_1853 = vector.broadcast %xor3A_1852 : i32 to vector<16xi32>
        %xor3A_1854 = arith.xori %iota3A_1851, %xor3A_1853 : vector<16xi32>
        %lt3A_1855 = arith.constant 0 : i32
        %lt3A_1856 = vector.broadcast %lt3A_1855 : i32 to vector<16xi32>
        %lt3A_1857 = arith.cmpi slt, %xor3A_1854, %lt3A_1856 : vector<16xi32>
        %add3A_1858 = arith.constant 16 : i32
        %add3A_1859 = vector.broadcast %add3A_1858 : i32 to vector<16xi32>
        %add3A_1860 = arith.addi %xor3A_1854, %add3A_1859 : vector<16xi32>
        %select_n3A_1861 = arith.select %lt3A_1857, %add3A_1860, %xor3A_1854 : vector<16xi1>, vector<16xi32>
        %broadcast_in_dim3A_1862 = vector.shape_cast %select_n3A_1861 : vector<16xi32> to vector<16x1xi32>
        %gather3A_1863 = vector.shape_cast %broadcast_in_dim3A_1862 : vector<16x1xi32> to vector<16xi32>
        %gather3A_1864 = tpu.dynamic_gather %add3A_1850[%gather3A_1863] in [0] : vector<16xf32>, vector<16xi32> -> vector<16xf32>
        %add3A_1865 = arith.addf %add3A_1850, %gather3A_1864 : vector<16xf32>
        %iota3A_1866 = tpu.iota {dimensions = array<i32: 0>} : vector<16xi32>
        %xor3A_1867 = arith.constant 2 : i32
        %xor3A_1868 = vector.broadcast %xor3A_1867 : i32 to vector<16xi32>
        %xor3A_1869 = arith.xori %iota3A_1866, %xor3A_1868 : vector<16xi32>
        %lt3A_1870 = arith.constant 0 : i32
        %lt3A_1871 = vector.broadcast %lt3A_1870 : i32 to vector<16xi32>
        %lt3A_1872 = arith.cmpi slt, %xor3A_1869, %lt3A_1871 : vector<16xi32>
        %add3A_1873 = arith.constant 16 : i32
        %add3A_1874 = vector.broadcast %add3A_1873 : i32 to vector<16xi32>
        %add3A_1875 = arith.addi %xor3A_1869, %add3A_1874 : vector<16xi32>
        %select_n3A_1876 = arith.select %lt3A_1872, %add3A_1875, %xor3A_1869 : vector<16xi1>, vector<16xi32>
        %broadcast_in_dim3A_1877 = vector.shape_cast %select_n3A_1876 : vector<16xi32> to vector<16x1xi32>
        %gather3A_1878 = vector.shape_cast %broadcast_in_dim3A_1877 : vector<16x1xi32> to vector<16xi32>
        %gather3A_1879 = tpu.dynamic_gather %add3A_1865[%gather3A_1878] in [0] : vector<16xf32>, vector<16xi32> -> vector<16xf32>
        %add3A_1880 = arith.addf %add3A_1865, %gather3A_1879 : vector<16xf32>
        %iota3A_1881 = tpu.iota {dimensions = array<i32: 0>} : vector<16xi32>
        %xor3A_1882 = arith.constant 1 : i32
        %xor3A_1883 = vector.broadcast %xor3A_1882 : i32 to vector<16xi32>
        %xor3A_1884 = arith.xori %iota3A_1881, %xor3A_1883 : vector<16xi32>
        %lt3A_1885 = arith.constant 0 : i32
        %lt3A_1886 = vector.broadcast %lt3A_1885 : i32 to vector<16xi32>
        %lt3A_1887 = arith.cmpi slt, %xor3A_1884, %lt3A_1886 : vector<16xi32>
        %add3A_1888 = arith.constant 16 : i32
        %add3A_1889 = vector.broadcast %add3A_1888 : i32 to vector<16xi32>
        %add3A_1890 = arith.addi %xor3A_1884, %add3A_1889 : vector<16xi32>
        %select_n3A_1891 = arith.select %lt3A_1887, %add3A_1890, %xor3A_1884 : vector<16xi1>, vector<16xi32>
        %broadcast_in_dim3A_1892 = vector.shape_cast %select_n3A_1891 : vector<16xi32> to vector<16x1xi32>
        %gather3A_1893 = vector.shape_cast %broadcast_in_dim3A_1892 : vector<16x1xi32> to vector<16xi32>
        %gather3A_1894 = tpu.dynamic_gather %add3A_1880[%gather3A_1893] in [0] : vector<16xf32>, vector<16xi32> -> vector<16xf32>
        %add3A_1895 = arith.addf %add3A_1880, %gather3A_1894 : vector<16xf32>
        %mul3A_1896 = arith.constant 5.000000e+00 : f32
        %mul3A_1897 = vector.broadcast %mul3A_1896 : f32 to vector<16xf32>
        %mul3A_1898 = arith.mulf %add3A_1895, %mul3A_1897 : vector<16xf32>
        %select_n3A_1899 = arith.select %eq3A_1835, %mul3A_1898, %select_n3A_1699 : vector<16xi1>, vector<16xf32>
        %mul3A_1900 = arith.constant 11 : i32
        %mul3A_1901 = arith.muli %scan3A_277, %mul3A_1900 : i32
        %add3A_1902 = arith.constant 8 : i32
        %add3A_1903 = arith.addi %mul3A_1901, %add3A_1902 : i32
        %get3A_1904 = arith.constant 1 : i32
        %get3A_1905 = arith.index_cast %get3A_1904 : i32 to index
        %get3A_1906 = arith.index_cast %add3A_1903 : i32 to index
        %get3A_1907 = arith.constant 0 : index
        %get3A_1908 = tpu.vector_load %arg9[%get3A_1905, %get3A_1906, %get3A_1907] {strides = array<i32>} : memref<2x352x128xf32, #tpu.memory_space<vmem>>, vector<1x1x16xf32>,
        %get3A_1909 = vector.shape_cast %get3A_1908 : vector<1x1x16xf32> to vector<16xf32>
        %mul3A_1910 = arith.mulf %get3A_1909, %get3A_282 : vector<16xf32>
        %get3A_1911 = arith.constant 1 : i32
        %get3A_1912 = arith.index_cast %get3A_1911 : i32 to index
        %get3A_1913 = arith.index_cast %add3A_1903 : i32 to index
        %get3A_1914 = arith.constant 16 : index
        %get3A_1915 = tpu.vector_load %arg9[%get3A_1912, %get3A_1913, %get3A_1914] {strides = array<i32>} : memref<2x352x128xf32, #tpu.memory_space<vmem>>, vector<1x1x16xf32>,
        %get3A_1916 = vector.shape_cast %get3A_1915 : vector<1x1x16xf32> to vector<16xf32>
        %mul3A_1917 = arith.mulf %get3A_1916, %get3A_288 : vector<16xf32>
        %add3A_1918 = arith.addf %mul3A_1910, %mul3A_1917 : vector<16xf32>
        %get3A_1919 = arith.constant 1 : i32
        %get3A_1920 = arith.index_cast %get3A_1919 : i32 to index
        %get3A_1921 = arith.index_cast %add3A_1903 : i32 to index
        %get3A_1922 = arith.constant 32 : index
        %get3A_1923 = tpu.vector_load %arg9[%get3A_1920, %get3A_1921, %get3A_1922] {strides = array<i32>} : memref<2x352x128xf32, #tpu.memory_space<vmem>>, vector<1x1x16xf32>,
        %get3A_1924 = vector.shape_cast %get3A_1923 : vector<1x1x16xf32> to vector<16xf32>
        %mul3A_1925 = arith.mulf %get3A_1924, %get3A_294 : vector<16xf32>
        %add3A_1926 = arith.addf %add3A_1918, %mul3A_1925 : vector<16xf32>
        %get3A_1927 = arith.constant 1 : i32
        %get3A_1928 = arith.index_cast %get3A_1927 : i32 to index
        %get3A_1929 = arith.index_cast %add3A_1903 : i32 to index
        %get3A_1930 = arith.constant 48 : index
        %get3A_1931 = tpu.vector_load %arg9[%get3A_1928, %get3A_1929, %get3A_1930] {strides = array<i32>} : memref<2x352x128xf32, #tpu.memory_space<vmem>>, vector<1x1x16xf32>,
        %get3A_1932 = vector.shape_cast %get3A_1931 : vector<1x1x16xf32> to vector<16xf32>
        %mul3A_1933 = arith.mulf %get3A_1932, %get3A_300 : vector<16xf32>
        %add3A_1934 = arith.addf %add3A_1926, %mul3A_1933 : vector<16xf32>
        %eq3A_1935 = arith.constant 8 : i32
        %eq3A_1936 = vector.broadcast %eq3A_1935 : i32 to vector<16xi32>
        %eq3A_1937 = arith.cmpi eq, %iota3A, %eq3A_1936 : vector<16xi32>
        %iota3A_1938 = tpu.iota {dimensions = array<i32: 0>} : vector<16xi32>
        %xor3A_1939 = arith.constant 8 : i32
        %xor3A_1940 = vector.broadcast %xor3A_1939 : i32 to vector<16xi32>
        %xor3A_1941 = arith.xori %iota3A_1938, %xor3A_1940 : vector<16xi32>
        %lt3A_1942 = arith.constant 0 : i32
        %lt3A_1943 = vector.broadcast %lt3A_1942 : i32 to vector<16xi32>
        %lt3A_1944 = arith.cmpi slt, %xor3A_1941, %lt3A_1943 : vector<16xi32>
        %add3A_1945 = arith.constant 16 : i32
        %add3A_1946 = vector.broadcast %add3A_1945 : i32 to vector<16xi32>
        %add3A_1947 = arith.addi %xor3A_1941, %add3A_1946 : vector<16xi32>
        %select_n3A_1948 = arith.select %lt3A_1944, %add3A_1947, %xor3A_1941 : vector<16xi1>, vector<16xi32>
        %broadcast_in_dim3A_1949 = vector.shape_cast %select_n3A_1948 : vector<16xi32> to vector<16x1xi32>
        %gather3A_1950 = vector.shape_cast %broadcast_in_dim3A_1949 : vector<16x1xi32> to vector<16xi32>
        %gather3A_1951 = tpu.dynamic_gather %add3A_1934[%gather3A_1950] in [0] : vector<16xf32>, vector<16xi32> -> vector<16xf32>
        %add3A_1952 = arith.addf %add3A_1934, %gather3A_1951 : vector<16xf32>
        %iota3A_1953 = tpu.iota {dimensions = array<i32: 0>} : vector<16xi32>
        %xor3A_1954 = arith.constant 4 : i32
        %xor3A_1955 = vector.broadcast %xor3A_1954 : i32 to vector<16xi32>
        %xor3A_1956 = arith.xori %iota3A_1953, %xor3A_1955 : vector<16xi32>
        %lt3A_1957 = arith.constant 0 : i32
        %lt3A_1958 = vector.broadcast %lt3A_1957 : i32 to vector<16xi32>
        %lt3A_1959 = arith.cmpi slt, %xor3A_1956, %lt3A_1958 : vector<16xi32>
        %add3A_1960 = arith.constant 16 : i32
        %add3A_1961 = vector.broadcast %add3A_1960 : i32 to vector<16xi32>
        %add3A_1962 = arith.addi %xor3A_1956, %add3A_1961 : vector<16xi32>
        %select_n3A_1963 = arith.select %lt3A_1959, %add3A_1962, %xor3A_1956 : vector<16xi1>, vector<16xi32>
        %broadcast_in_dim3A_1964 = vector.shape_cast %select_n3A_1963 : vector<16xi32> to vector<16x1xi32>
        %gather3A_1965 = vector.shape_cast %broadcast_in_dim3A_1964 : vector<16x1xi32> to vector<16xi32>
        %gather3A_1966 = tpu.dynamic_gather %add3A_1952[%gather3A_1965] in [0] : vector<16xf32>, vector<16xi32> -> vector<16xf32>
        %add3A_1967 = arith.addf %add3A_1952, %gather3A_1966 : vector<16xf32>
        %iota3A_1968 = tpu.iota {dimensions = array<i32: 0>} : vector<16xi32>
        %xor3A_1969 = arith.constant 2 : i32
        %xor3A_1970 = vector.broadcast %xor3A_1969 : i32 to vector<16xi32>
        %xor3A_1971 = arith.xori %iota3A_1968, %xor3A_1970 : vector<16xi32>
        %lt3A_1972 = arith.constant 0 : i32
        %lt3A_1973 = vector.broadcast %lt3A_1972 : i32 to vector<16xi32>
        %lt3A_1974 = arith.cmpi slt, %xor3A_1971, %lt3A_1973 : vector<16xi32>
        %add3A_1975 = arith.constant 16 : i32
        %add3A_1976 = vector.broadcast %add3A_1975 : i32 to vector<16xi32>
        %add3A_1977 = arith.addi %xor3A_1971, %add3A_1976 : vector<16xi32>
        %select_n3A_1978 = arith.select %lt3A_1974, %add3A_1977, %xor3A_1971 : vector<16xi1>, vector<16xi32>
        %broadcast_in_dim3A_1979 = vector.shape_cast %select_n3A_1978 : vector<16xi32> to vector<16x1xi32>
        %gather3A_1980 = vector.shape_cast %broadcast_in_dim3A_1979 : vector<16x1xi32> to vector<16xi32>
        %gather3A_1981 = tpu.dynamic_gather %add3A_1967[%gather3A_1980] in [0] : vector<16xf32>, vector<16xi32> -> vector<16xf32>
        %add3A_1982 = arith.addf %add3A_1967, %gather3A_1981 : vector<16xf32>
        %iota3A_1983 = tpu.iota {dimensions = array<i32: 0>} : vector<16xi32>
        %xor3A_1984 = arith.constant 1 : i32
        %xor3A_1985 = vector.broadcast %xor3A_1984 : i32 to vector<16xi32>
        %xor3A_1986 = arith.xori %iota3A_1983, %xor3A_1985 : vector<16xi32>
        %lt3A_1987 = arith.constant 0 : i32
        %lt3A_1988 = vector.broadcast %lt3A_1987 : i32 to vector<16xi32>
        %lt3A_1989 = arith.cmpi slt, %xor3A_1986, %lt3A_1988 : vector<16xi32>
        %add3A_1990 = arith.constant 16 : i32
        %add3A_1991 = vector.broadcast %add3A_1990 : i32 to vector<16xi32>
        %add3A_1992 = arith.addi %xor3A_1986, %add3A_1991 : vector<16xi32>
        %select_n3A_1993 = arith.select %lt3A_1989, %add3A_1992, %xor3A_1986 : vector<16xi1>, vector<16xi32>
        %broadcast_in_dim3A_1994 = vector.shape_cast %select_n3A_1993 : vector<16xi32> to vector<16x1xi32>
        %gather3A_1995 = vector.shape_cast %broadcast_in_dim3A_1994 : vector<16x1xi32> to vector<16xi32>
        %gather3A_1996 = tpu.dynamic_gather %add3A_1982[%gather3A_1995] in [0] : vector<16xf32>, vector<16xi32> -> vector<16xf32>
        %add3A_1997 = arith.addf %add3A_1982, %gather3A_1996 : vector<16xf32>
        %mul3A_1998 = arith.constant 5.000000e+00 : f32
        %mul3A_1999 = vector.broadcast %mul3A_1998 : f32 to vector<16xf32>
        %mul3A_2000 = arith.mulf %add3A_1997, %mul3A_1999 : vector<16xf32>
        %select_n3A_2001 = arith.select %eq3A_1937, %mul3A_2000, %select_n3A_1801 : vector<16xi1>, vector<16xf32>
        %get3A_2002 = arith.constant 1 : i32
        %get3A_2003 = arith.index_cast %get3A_2002 : i32 to index
        %get3A_2004 = arith.index_cast %add3A_1903 : i32 to index
        %get3A_2005 = arith.constant 64 : index
        %get3A_2006 = tpu.vector_load %arg9[%get3A_2003, %get3A_2004, %get3A_2005] {strides = array<i32>} : memref<2x352x128xf32, #tpu.memory_space<vmem>>, vector<1x1x16xf32>,
        %get3A_2007 = vector.shape_cast %get3A_2006 : vector<1x1x16xf32> to vector<16xf32>
        %mul3A_2008 = arith.mulf %get3A_2007, %get3A_282 : vector<16xf32>
        %get3A_2009 = arith.constant 1 : i32
        %get3A_2010 = arith.index_cast %get3A_2009 : i32 to index
        %get3A_2011 = arith.index_cast %add3A_1903 : i32 to index
        %get3A_2012 = arith.constant 80 : index
        %get3A_2013 = tpu.vector_load %arg9[%get3A_2010, %get3A_2011, %get3A_2012] {strides = array<i32>} : memref<2x352x128xf32, #tpu.memory_space<vmem>>, vector<1x1x16xf32>,
        %get3A_2014 = vector.shape_cast %get3A_2013 : vector<1x1x16xf32> to vector<16xf32>
        %mul3A_2015 = arith.mulf %get3A_2014, %get3A_288 : vector<16xf32>
        %add3A_2016 = arith.addf %mul3A_2008, %mul3A_2015 : vector<16xf32>
        %get3A_2017 = arith.constant 1 : i32
        %get3A_2018 = arith.index_cast %get3A_2017 : i32 to index
        %get3A_2019 = arith.index_cast %add3A_1903 : i32 to index
        %get3A_2020 = arith.constant 96 : index
        %get3A_2021 = tpu.vector_load %arg9[%get3A_2018, %get3A_2019, %get3A_2020] {strides = array<i32>} : memref<2x352x128xf32, #tpu.memory_space<vmem>>, vector<1x1x16xf32>,
        %get3A_2022 = vector.shape_cast %get3A_2021 : vector<1x1x16xf32> to vector<16xf32>
        %mul3A_2023 = arith.mulf %get3A_2022, %get3A_294 : vector<16xf32>
        %add3A_2024 = arith.addf %add3A_2016, %mul3A_2023 : vector<16xf32>
        %get3A_2025 = arith.constant 1 : i32
        %get3A_2026 = arith.index_cast %get3A_2025 : i32 to index
        %get3A_2027 = arith.index_cast %add3A_1903 : i32 to index
        %get3A_2028 = arith.constant 112 : index
        %get3A_2029 = tpu.vector_load %arg9[%get3A_2026, %get3A_2027, %get3A_2028] {strides = array<i32>} : memref<2x352x128xf32, #tpu.memory_space<vmem>>, vector<1x1x16xf32>,
        %get3A_2030 = vector.shape_cast %get3A_2029 : vector<1x1x16xf32> to vector<16xf32>
        %mul3A_2031 = arith.mulf %get3A_2030, %get3A_300 : vector<16xf32>
        %add3A_2032 = arith.addf %add3A_2024, %mul3A_2031 : vector<16xf32>
        %eq3A_2033 = arith.constant 8 : i32
        %eq3A_2034 = vector.broadcast %eq3A_2033 : i32 to vector<16xi32>
        %eq3A_2035 = arith.cmpi eq, %iota3A, %eq3A_2034 : vector<16xi32>
        %iota3A_2036 = tpu.iota {dimensions = array<i32: 0>} : vector<16xi32>
        %xor3A_2037 = arith.constant 8 : i32
        %xor3A_2038 = vector.broadcast %xor3A_2037 : i32 to vector<16xi32>
        %xor3A_2039 = arith.xori %iota3A_2036, %xor3A_2038 : vector<16xi32>
        %lt3A_2040 = arith.constant 0 : i32
        %lt3A_2041 = vector.broadcast %lt3A_2040 : i32 to vector<16xi32>
        %lt3A_2042 = arith.cmpi slt, %xor3A_2039, %lt3A_2041 : vector<16xi32>
        %add3A_2043 = arith.constant 16 : i32
        %add3A_2044 = vector.broadcast %add3A_2043 : i32 to vector<16xi32>
        %add3A_2045 = arith.addi %xor3A_2039, %add3A_2044 : vector<16xi32>
        %select_n3A_2046 = arith.select %lt3A_2042, %add3A_2045, %xor3A_2039 : vector<16xi1>, vector<16xi32>
        %broadcast_in_dim3A_2047 = vector.shape_cast %select_n3A_2046 : vector<16xi32> to vector<16x1xi32>
        %gather3A_2048 = vector.shape_cast %broadcast_in_dim3A_2047 : vector<16x1xi32> to vector<16xi32>
        %gather3A_2049 = tpu.dynamic_gather %add3A_2032[%gather3A_2048] in [0] : vector<16xf32>, vector<16xi32> -> vector<16xf32>
        %add3A_2050 = arith.addf %add3A_2032, %gather3A_2049 : vector<16xf32>
        %iota3A_2051 = tpu.iota {dimensions = array<i32: 0>} : vector<16xi32>
        %xor3A_2052 = arith.constant 4 : i32
        %xor3A_2053 = vector.broadcast %xor3A_2052 : i32 to vector<16xi32>
        %xor3A_2054 = arith.xori %iota3A_2051, %xor3A_2053 : vector<16xi32>
        %lt3A_2055 = arith.constant 0 : i32
        %lt3A_2056 = vector.broadcast %lt3A_2055 : i32 to vector<16xi32>
        %lt3A_2057 = arith.cmpi slt, %xor3A_2054, %lt3A_2056 : vector<16xi32>
        %add3A_2058 = arith.constant 16 : i32
        %add3A_2059 = vector.broadcast %add3A_2058 : i32 to vector<16xi32>
        %add3A_2060 = arith.addi %xor3A_2054, %add3A_2059 : vector<16xi32>
        %select_n3A_2061 = arith.select %lt3A_2057, %add3A_2060, %xor3A_2054 : vector<16xi1>, vector<16xi32>
        %broadcast_in_dim3A_2062 = vector.shape_cast %select_n3A_2061 : vector<16xi32> to vector<16x1xi32>
        %gather3A_2063 = vector.shape_cast %broadcast_in_dim3A_2062 : vector<16x1xi32> to vector<16xi32>
        %gather3A_2064 = tpu.dynamic_gather %add3A_2050[%gather3A_2063] in [0] : vector<16xf32>, vector<16xi32> -> vector<16xf32>
        %add3A_2065 = arith.addf %add3A_2050, %gather3A_2064 : vector<16xf32>
        %iota3A_2066 = tpu.iota {dimensions = array<i32: 0>} : vector<16xi32>
        %xor3A_2067 = arith.constant 2 : i32
        %xor3A_2068 = vector.broadcast %xor3A_2067 : i32 to vector<16xi32>
        %xor3A_2069 = arith.xori %iota3A_2066, %xor3A_2068 : vector<16xi32>
        %lt3A_2070 = arith.constant 0 : i32
        %lt3A_2071 = vector.broadcast %lt3A_2070 : i32 to vector<16xi32>
        %lt3A_2072 = arith.cmpi slt, %xor3A_2069, %lt3A_2071 : vector<16xi32>
        %add3A_2073 = arith.constant 16 : i32
        %add3A_2074 = vector.broadcast %add3A_2073 : i32 to vector<16xi32>
        %add3A_2075 = arith.addi %xor3A_2069, %add3A_2074 : vector<16xi32>
        %select_n3A_2076 = arith.select %lt3A_2072, %add3A_2075, %xor3A_2069 : vector<16xi1>, vector<16xi32>
        %broadcast_in_dim3A_2077 = vector.shape_cast %select_n3A_2076 : vector<16xi32> to vector<16x1xi32>
        %gather3A_2078 = vector.shape_cast %broadcast_in_dim3A_2077 : vector<16x1xi32> to vector<16xi32>
        %gather3A_2079 = tpu.dynamic_gather %add3A_2065[%gather3A_2078] in [0] : vector<16xf32>, vector<16xi32> -> vector<16xf32>
        %add3A_2080 = arith.addf %add3A_2065, %gather3A_2079 : vector<16xf32>
        %iota3A_2081 = tpu.iota {dimensions = array<i32: 0>} : vector<16xi32>
        %xor3A_2082 = arith.constant 1 : i32
        %xor3A_2083 = vector.broadcast %xor3A_2082 : i32 to vector<16xi32>
        %xor3A_2084 = arith.xori %iota3A_2081, %xor3A_2083 : vector<16xi32>
        %lt3A_2085 = arith.constant 0 : i32
        %lt3A_2086 = vector.broadcast %lt3A_2085 : i32 to vector<16xi32>
        %lt3A_2087 = arith.cmpi slt, %xor3A_2084, %lt3A_2086 : vector<16xi32>
        %add3A_2088 = arith.constant 16 : i32
        %add3A_2089 = vector.broadcast %add3A_2088 : i32 to vector<16xi32>
        %add3A_2090 = arith.addi %xor3A_2084, %add3A_2089 : vector<16xi32>
        %select_n3A_2091 = arith.select %lt3A_2087, %add3A_2090, %xor3A_2084 : vector<16xi1>, vector<16xi32>
        %broadcast_in_dim3A_2092 = vector.shape_cast %select_n3A_2091 : vector<16xi32> to vector<16x1xi32>
        %gather3A_2093 = vector.shape_cast %broadcast_in_dim3A_2092 : vector<16x1xi32> to vector<16xi32>
        %gather3A_2094 = tpu.dynamic_gather %add3A_2080[%gather3A_2093] in [0] : vector<16xf32>, vector<16xi32> -> vector<16xf32>
        %add3A_2095 = arith.addf %add3A_2080, %gather3A_2094 : vector<16xf32>
        %mul3A_2096 = arith.constant 5.000000e+00 : f32
        %mul3A_2097 = vector.broadcast %mul3A_2096 : f32 to vector<16xf32>
        %mul3A_2098 = arith.mulf %add3A_2095, %mul3A_2097 : vector<16xf32>
        %select_n3A_2099 = arith.select %eq3A_2035, %mul3A_2098, %select_n3A_1899 : vector<16xi1>, vector<16xf32>
        %mul3A_2100 = arith.constant 11 : i32
        %mul3A_2101 = arith.muli %scan3A_277, %mul3A_2100 : i32
        %add3A_2102 = arith.constant 9 : i32
        %add3A_2103 = arith.addi %mul3A_2101, %add3A_2102 : i32
        %get3A_2104 = arith.constant 1 : i32
        %get3A_2105 = arith.index_cast %get3A_2104 : i32 to index
        %get3A_2106 = arith.index_cast %add3A_2103 : i32 to index
        %get3A_2107 = arith.constant 0 : index
        %get3A_2108 = tpu.vector_load %arg9[%get3A_2105, %get3A_2106, %get3A_2107] {strides = array<i32>} : memref<2x352x128xf32, #tpu.memory_space<vmem>>, vector<1x1x16xf32>,
        %get3A_2109 = vector.shape_cast %get3A_2108 : vector<1x1x16xf32> to vector<16xf32>
        %mul3A_2110 = arith.mulf %get3A_2109, %get3A_282 : vector<16xf32>
        %get3A_2111 = arith.constant 1 : i32
        %get3A_2112 = arith.index_cast %get3A_2111 : i32 to index
        %get3A_2113 = arith.index_cast %add3A_2103 : i32 to index
        %get3A_2114 = arith.constant 16 : index
        %get3A_2115 = tpu.vector_load %arg9[%get3A_2112, %get3A_2113, %get3A_2114] {strides = array<i32>} : memref<2x352x128xf32, #tpu.memory_space<vmem>>, vector<1x1x16xf32>,
        %get3A_2116 = vector.shape_cast %get3A_2115 : vector<1x1x16xf32> to vector<16xf32>
        %mul3A_2117 = arith.mulf %get3A_2116, %get3A_288 : vector<16xf32>
        %add3A_2118 = arith.addf %mul3A_2110, %mul3A_2117 : vector<16xf32>
        %get3A_2119 = arith.constant 1 : i32
        %get3A_2120 = arith.index_cast %get3A_2119 : i32 to index
        %get3A_2121 = arith.index_cast %add3A_2103 : i32 to index
        %get3A_2122 = arith.constant 32 : index
        %get3A_2123 = tpu.vector_load %arg9[%get3A_2120, %get3A_2121, %get3A_2122] {strides = array<i32>} : memref<2x352x128xf32, #tpu.memory_space<vmem>>, vector<1x1x16xf32>,
        %get3A_2124 = vector.shape_cast %get3A_2123 : vector<1x1x16xf32> to vector<16xf32>
        %mul3A_2125 = arith.mulf %get3A_2124, %get3A_294 : vector<16xf32>
        %add3A_2126 = arith.addf %add3A_2118, %mul3A_2125 : vector<16xf32>
        %get3A_2127 = arith.constant 1 : i32
        %get3A_2128 = arith.index_cast %get3A_2127 : i32 to index
        %get3A_2129 = arith.index_cast %add3A_2103 : i32 to index
        %get3A_2130 = arith.constant 48 : index
        %get3A_2131 = tpu.vector_load %arg9[%get3A_2128, %get3A_2129, %get3A_2130] {strides = array<i32>} : memref<2x352x128xf32, #tpu.memory_space<vmem>>, vector<1x1x16xf32>,
        %get3A_2132 = vector.shape_cast %get3A_2131 : vector<1x1x16xf32> to vector<16xf32>
        %mul3A_2133 = arith.mulf %get3A_2132, %get3A_300 : vector<16xf32>
        %add3A_2134 = arith.addf %add3A_2126, %mul3A_2133 : vector<16xf32>
        %eq3A_2135 = arith.constant 9 : i32
        %eq3A_2136 = vector.broadcast %eq3A_2135 : i32 to vector<16xi32>
        %eq3A_2137 = arith.cmpi eq, %iota3A, %eq3A_2136 : vector<16xi32>
        %iota3A_2138 = tpu.iota {dimensions = array<i32: 0>} : vector<16xi32>
        %xor3A_2139 = arith.constant 8 : i32
        %xor3A_2140 = vector.broadcast %xor3A_2139 : i32 to vector<16xi32>
        %xor3A_2141 = arith.xori %iota3A_2138, %xor3A_2140 : vector<16xi32>
        %lt3A_2142 = arith.constant 0 : i32
        %lt3A_2143 = vector.broadcast %lt3A_2142 : i32 to vector<16xi32>
        %lt3A_2144 = arith.cmpi slt, %xor3A_2141, %lt3A_2143 : vector<16xi32>
        %add3A_2145 = arith.constant 16 : i32
        %add3A_2146 = vector.broadcast %add3A_2145 : i32 to vector<16xi32>
        %add3A_2147 = arith.addi %xor3A_2141, %add3A_2146 : vector<16xi32>
        %select_n3A_2148 = arith.select %lt3A_2144, %add3A_2147, %xor3A_2141 : vector<16xi1>, vector<16xi32>
        %broadcast_in_dim3A_2149 = vector.shape_cast %select_n3A_2148 : vector<16xi32> to vector<16x1xi32>
        %gather3A_2150 = vector.shape_cast %broadcast_in_dim3A_2149 : vector<16x1xi32> to vector<16xi32>
        %gather3A_2151 = tpu.dynamic_gather %add3A_2134[%gather3A_2150] in [0] : vector<16xf32>, vector<16xi32> -> vector<16xf32>
        %add3A_2152 = arith.addf %add3A_2134, %gather3A_2151 : vector<16xf32>
        %iota3A_2153 = tpu.iota {dimensions = array<i32: 0>} : vector<16xi32>
        %xor3A_2154 = arith.constant 4 : i32
        %xor3A_2155 = vector.broadcast %xor3A_2154 : i32 to vector<16xi32>
        %xor3A_2156 = arith.xori %iota3A_2153, %xor3A_2155 : vector<16xi32>
        %lt3A_2157 = arith.constant 0 : i32
        %lt3A_2158 = vector.broadcast %lt3A_2157 : i32 to vector<16xi32>
        %lt3A_2159 = arith.cmpi slt, %xor3A_2156, %lt3A_2158 : vector<16xi32>
        %add3A_2160 = arith.constant 16 : i32
        %add3A_2161 = vector.broadcast %add3A_2160 : i32 to vector<16xi32>
        %add3A_2162 = arith.addi %xor3A_2156, %add3A_2161 : vector<16xi32>
        %select_n3A_2163 = arith.select %lt3A_2159, %add3A_2162, %xor3A_2156 : vector<16xi1>, vector<16xi32>
        %broadcast_in_dim3A_2164 = vector.shape_cast %select_n3A_2163 : vector<16xi32> to vector<16x1xi32>
        %gather3A_2165 = vector.shape_cast %broadcast_in_dim3A_2164 : vector<16x1xi32> to vector<16xi32>
        %gather3A_2166 = tpu.dynamic_gather %add3A_2152[%gather3A_2165] in [0] : vector<16xf32>, vector<16xi32> -> vector<16xf32>
        %add3A_2167 = arith.addf %add3A_2152, %gather3A_2166 : vector<16xf32>
        %iota3A_2168 = tpu.iota {dimensions = array<i32: 0>} : vector<16xi32>
        %xor3A_2169 = arith.constant 2 : i32
        %xor3A_2170 = vector.broadcast %xor3A_2169 : i32 to vector<16xi32>
        %xor3A_2171 = arith.xori %iota3A_2168, %xor3A_2170 : vector<16xi32>
        %lt3A_2172 = arith.constant 0 : i32
        %lt3A_2173 = vector.broadcast %lt3A_2172 : i32 to vector<16xi32>
        %lt3A_2174 = arith.cmpi slt, %xor3A_2171, %lt3A_2173 : vector<16xi32>
        %add3A_2175 = arith.constant 16 : i32
        %add3A_2176 = vector.broadcast %add3A_2175 : i32 to vector<16xi32>
        %add3A_2177 = arith.addi %xor3A_2171, %add3A_2176 : vector<16xi32>
        %select_n3A_2178 = arith.select %lt3A_2174, %add3A_2177, %xor3A_2171 : vector<16xi1>, vector<16xi32>
        %broadcast_in_dim3A_2179 = vector.shape_cast %select_n3A_2178 : vector<16xi32> to vector<16x1xi32>
        %gather3A_2180 = vector.shape_cast %broadcast_in_dim3A_2179 : vector<16x1xi32> to vector<16xi32>
        %gather3A_2181 = tpu.dynamic_gather %add3A_2167[%gather3A_2180] in [0] : vector<16xf32>, vector<16xi32> -> vector<16xf32>
        %add3A_2182 = arith.addf %add3A_2167, %gather3A_2181 : vector<16xf32>
        %iota3A_2183 = tpu.iota {dimensions = array<i32: 0>} : vector<16xi32>
        %xor3A_2184 = arith.constant 1 : i32
        %xor3A_2185 = vector.broadcast %xor3A_2184 : i32 to vector<16xi32>
        %xor3A_2186 = arith.xori %iota3A_2183, %xor3A_2185 : vector<16xi32>
        %lt3A_2187 = arith.constant 0 : i32
        %lt3A_2188 = vector.broadcast %lt3A_2187 : i32 to vector<16xi32>
        %lt3A_2189 = arith.cmpi slt, %xor3A_2186, %lt3A_2188 : vector<16xi32>
        %add3A_2190 = arith.constant 16 : i32
        %add3A_2191 = vector.broadcast %add3A_2190 : i32 to vector<16xi32>
        %add3A_2192 = arith.addi %xor3A_2186, %add3A_2191 : vector<16xi32>
        %select_n3A_2193 = arith.select %lt3A_2189, %add3A_2192, %xor3A_2186 : vector<16xi1>, vector<16xi32>
        %broadcast_in_dim3A_2194 = vector.shape_cast %select_n3A_2193 : vector<16xi32> to vector<16x1xi32>
        %gather3A_2195 = vector.shape_cast %broadcast_in_dim3A_2194 : vector<16x1xi32> to vector<16xi32>
        %gather3A_2196 = tpu.dynamic_gather %add3A_2182[%gather3A_2195] in [0] : vector<16xf32>, vector<16xi32> -> vector<16xf32>
        %add3A_2197 = arith.addf %add3A_2182, %gather3A_2196 : vector<16xf32>
        %mul3A_2198 = arith.constant 5.000000e+00 : f32
        %mul3A_2199 = vector.broadcast %mul3A_2198 : f32 to vector<16xf32>
        %mul3A_2200 = arith.mulf %add3A_2197, %mul3A_2199 : vector<16xf32>
        %select_n3A_2201 = arith.select %eq3A_2137, %mul3A_2200, %select_n3A_2001 : vector<16xi1>, vector<16xf32>
        %get3A_2202 = arith.constant 1 : i32
        %get3A_2203 = arith.index_cast %get3A_2202 : i32 to index
        %get3A_2204 = arith.index_cast %add3A_2103 : i32 to index
        %get3A_2205 = arith.constant 64 : index
        %get3A_2206 = tpu.vector_load %arg9[%get3A_2203, %get3A_2204, %get3A_2205] {strides = array<i32>} : memref<2x352x128xf32, #tpu.memory_space<vmem>>, vector<1x1x16xf32>,
        %get3A_2207 = vector.shape_cast %get3A_2206 : vector<1x1x16xf32> to vector<16xf32>
        %mul3A_2208 = arith.mulf %get3A_2207, %get3A_282 : vector<16xf32>
        %get3A_2209 = arith.constant 1 : i32
        %get3A_2210 = arith.index_cast %get3A_2209 : i32 to index
        %get3A_2211 = arith.index_cast %add3A_2103 : i32 to index
        %get3A_2212 = arith.constant 80 : index
        %get3A_2213 = tpu.vector_load %arg9[%get3A_2210, %get3A_2211, %get3A_2212] {strides = array<i32>} : memref<2x352x128xf32, #tpu.memory_space<vmem>>, vector<1x1x16xf32>,
        %get3A_2214 = vector.shape_cast %get3A_2213 : vector<1x1x16xf32> to vector<16xf32>
        %mul3A_2215 = arith.mulf %get3A_2214, %get3A_288 : vector<16xf32>
        %add3A_2216 = arith.addf %mul3A_2208, %mul3A_2215 : vector<16xf32>
        %get3A_2217 = arith.constant 1 : i32
        %get3A_2218 = arith.index_cast %get3A_2217 : i32 to index
        %get3A_2219 = arith.index_cast %add3A_2103 : i32 to index
        %get3A_2220 = arith.constant 96 : index
        %get3A_2221 = tpu.vector_load %arg9[%get3A_2218, %get3A_2219, %get3A_2220] {strides = array<i32>} : memref<2x352x128xf32, #tpu.memory_space<vmem>>, vector<1x1x16xf32>,
        %get3A_2222 = vector.shape_cast %get3A_2221 : vector<1x1x16xf32> to vector<16xf32>
        %mul3A_2223 = arith.mulf %get3A_2222, %get3A_294 : vector<16xf32>
        %add3A_2224 = arith.addf %add3A_2216, %mul3A_2223 : vector<16xf32>
        %get3A_2225 = arith.constant 1 : i32
        %get3A_2226 = arith.index_cast %get3A_2225 : i32 to index
        %get3A_2227 = arith.index_cast %add3A_2103 : i32 to index
        %get3A_2228 = arith.constant 112 : index
        %get3A_2229 = tpu.vector_load %arg9[%get3A_2226, %get3A_2227, %get3A_2228] {strides = array<i32>} : memref<2x352x128xf32, #tpu.memory_space<vmem>>, vector<1x1x16xf32>,
        %get3A_2230 = vector.shape_cast %get3A_2229 : vector<1x1x16xf32> to vector<16xf32>
        %mul3A_2231 = arith.mulf %get3A_2230, %get3A_300 : vector<16xf32>
        %add3A_2232 = arith.addf %add3A_2224, %mul3A_2231 : vector<16xf32>
        %eq3A_2233 = arith.constant 9 : i32
        %eq3A_2234 = vector.broadcast %eq3A_2233 : i32 to vector<16xi32>
        %eq3A_2235 = arith.cmpi eq, %iota3A, %eq3A_2234 : vector<16xi32>
        %iota3A_2236 = tpu.iota {dimensions = array<i32: 0>} : vector<16xi32>
        %xor3A_2237 = arith.constant 8 : i32
        %xor3A_2238 = vector.broadcast %xor3A_2237 : i32 to vector<16xi32>
        %xor3A_2239 = arith.xori %iota3A_2236, %xor3A_2238 : vector<16xi32>
        %lt3A_2240 = arith.constant 0 : i32
        %lt3A_2241 = vector.broadcast %lt3A_2240 : i32 to vector<16xi32>
        %lt3A_2242 = arith.cmpi slt, %xor3A_2239, %lt3A_2241 : vector<16xi32>
        %add3A_2243 = arith.constant 16 : i32
        %add3A_2244 = vector.broadcast %add3A_2243 : i32 to vector<16xi32>
        %add3A_2245 = arith.addi %xor3A_2239, %add3A_2244 : vector<16xi32>
        %select_n3A_2246 = arith.select %lt3A_2242, %add3A_2245, %xor3A_2239 : vector<16xi1>, vector<16xi32>
        %broadcast_in_dim3A_2247 = vector.shape_cast %select_n3A_2246 : vector<16xi32> to vector<16x1xi32>
        %gather3A_2248 = vector.shape_cast %broadcast_in_dim3A_2247 : vector<16x1xi32> to vector<16xi32>
        %gather3A_2249 = tpu.dynamic_gather %add3A_2232[%gather3A_2248] in [0] : vector<16xf32>, vector<16xi32> -> vector<16xf32>
        %add3A_2250 = arith.addf %add3A_2232, %gather3A_2249 : vector<16xf32>
        %iota3A_2251 = tpu.iota {dimensions = array<i32: 0>} : vector<16xi32>
        %xor3A_2252 = arith.constant 4 : i32
        %xor3A_2253 = vector.broadcast %xor3A_2252 : i32 to vector<16xi32>
        %xor3A_2254 = arith.xori %iota3A_2251, %xor3A_2253 : vector<16xi32>
        %lt3A_2255 = arith.constant 0 : i32
        %lt3A_2256 = vector.broadcast %lt3A_2255 : i32 to vector<16xi32>
        %lt3A_2257 = arith.cmpi slt, %xor3A_2254, %lt3A_2256 : vector<16xi32>
        %add3A_2258 = arith.constant 16 : i32
        %add3A_2259 = vector.broadcast %add3A_2258 : i32 to vector<16xi32>
        %add3A_2260 = arith.addi %xor3A_2254, %add3A_2259 : vector<16xi32>
        %select_n3A_2261 = arith.select %lt3A_2257, %add3A_2260, %xor3A_2254 : vector<16xi1>, vector<16xi32>
        %broadcast_in_dim3A_2262 = vector.shape_cast %select_n3A_2261 : vector<16xi32> to vector<16x1xi32>
        %gather3A_2263 = vector.shape_cast %broadcast_in_dim3A_2262 : vector<16x1xi32> to vector<16xi32>
        %gather3A_2264 = tpu.dynamic_gather %add3A_2250[%gather3A_2263] in [0] : vector<16xf32>, vector<16xi32> -> vector<16xf32>
        %add3A_2265 = arith.addf %add3A_2250, %gather3A_2264 : vector<16xf32>
        %iota3A_2266 = tpu.iota {dimensions = array<i32: 0>} : vector<16xi32>
        %xor3A_2267 = arith.constant 2 : i32
        %xor3A_2268 = vector.broadcast %xor3A_2267 : i32 to vector<16xi32>
        %xor3A_2269 = arith.xori %iota3A_2266, %xor3A_2268 : vector<16xi32>
        %lt3A_2270 = arith.constant 0 : i32
        %lt3A_2271 = vector.broadcast %lt3A_2270 : i32 to vector<16xi32>
        %lt3A_2272 = arith.cmpi slt, %xor3A_2269, %lt3A_2271 : vector<16xi32>
        %add3A_2273 = arith.constant 16 : i32
        %add3A_2274 = vector.broadcast %add3A_2273 : i32 to vector<16xi32>
        %add3A_2275 = arith.addi %xor3A_2269, %add3A_2274 : vector<16xi32>
        %select_n3A_2276 = arith.select %lt3A_2272, %add3A_2275, %xor3A_2269 : vector<16xi1>, vector<16xi32>
        %broadcast_in_dim3A_2277 = vector.shape_cast %select_n3A_2276 : vector<16xi32> to vector<16x1xi32>
        %gather3A_2278 = vector.shape_cast %broadcast_in_dim3A_2277 : vector<16x1xi32> to vector<16xi32>
        %gather3A_2279 = tpu.dynamic_gather %add3A_2265[%gather3A_2278] in [0] : vector<16xf32>, vector<16xi32> -> vector<16xf32>
        %add3A_2280 = arith.addf %add3A_2265, %gather3A_2279 : vector<16xf32>
        %iota3A_2281 = tpu.iota {dimensions = array<i32: 0>} : vector<16xi32>
        %xor3A_2282 = arith.constant 1 : i32
        %xor3A_2283 = vector.broadcast %xor3A_2282 : i32 to vector<16xi32>
        %xor3A_2284 = arith.xori %iota3A_2281, %xor3A_2283 : vector<16xi32>
        %lt3A_2285 = arith.constant 0 : i32
        %lt3A_2286 = vector.broadcast %lt3A_2285 : i32 to vector<16xi32>
        %lt3A_2287 = arith.cmpi slt, %xor3A_2284, %lt3A_2286 : vector<16xi32>
        %add3A_2288 = arith.constant 16 : i32
        %add3A_2289 = vector.broadcast %add3A_2288 : i32 to vector<16xi32>
        %add3A_2290 = arith.addi %xor3A_2284, %add3A_2289 : vector<16xi32>
        %select_n3A_2291 = arith.select %lt3A_2287, %add3A_2290, %xor3A_2284 : vector<16xi1>, vector<16xi32>
        %broadcast_in_dim3A_2292 = vector.shape_cast %select_n3A_2291 : vector<16xi32> to vector<16x1xi32>
        %gather3A_2293 = vector.shape_cast %broadcast_in_dim3A_2292 : vector<16x1xi32> to vector<16xi32>
        %gather3A_2294 = tpu.dynamic_gather %add3A_2280[%gather3A_2293] in [0] : vector<16xf32>, vector<16xi32> -> vector<16xf32>
        %add3A_2295 = arith.addf %add3A_2280, %gather3A_2294 : vector<16xf32>
        %mul3A_2296 = arith.constant 5.000000e+00 : f32
        %mul3A_2297 = vector.broadcast %mul3A_2296 : f32 to vector<16xf32>
        %mul3A_2298 = arith.mulf %add3A_2295, %mul3A_2297 : vector<16xf32>
        %select_n3A_2299 = arith.select %eq3A_2235, %mul3A_2298, %select_n3A_2099 : vector<16xi1>, vector<16xf32>
        %mul3A_2300 = arith.constant 11 : i32
        %mul3A_2301 = arith.muli %scan3A_277, %mul3A_2300 : i32
        %add3A_2302 = arith.constant 10 : i32
        %add3A_2303 = arith.addi %mul3A_2301, %add3A_2302 : i32
        %get3A_2304 = arith.constant 1 : i32
        %get3A_2305 = arith.index_cast %get3A_2304 : i32 to index
        %get3A_2306 = arith.index_cast %add3A_2303 : i32 to index
        %get3A_2307 = arith.constant 0 : index
        %get3A_2308 = tpu.vector_load %arg9[%get3A_2305, %get3A_2306, %get3A_2307] {strides = array<i32>} : memref<2x352x128xf32, #tpu.memory_space<vmem>>, vector<1x1x16xf32>,
        %get3A_2309 = vector.shape_cast %get3A_2308 : vector<1x1x16xf32> to vector<16xf32>
        %mul3A_2310 = arith.mulf %get3A_2309, %get3A_282 : vector<16xf32>
        %get3A_2311 = arith.constant 1 : i32
        %get3A_2312 = arith.index_cast %get3A_2311 : i32 to index
        %get3A_2313 = arith.index_cast %add3A_2303 : i32 to index
        %get3A_2314 = arith.constant 16 : index
        %get3A_2315 = tpu.vector_load %arg9[%get3A_2312, %get3A_2313, %get3A_2314] {strides = array<i32>} : memref<2x352x128xf32, #tpu.memory_space<vmem>>, vector<1x1x16xf32>,
        %get3A_2316 = vector.shape_cast %get3A_2315 : vector<1x1x16xf32> to vector<16xf32>
        %mul3A_2317 = arith.mulf %get3A_2316, %get3A_288 : vector<16xf32>
        %add3A_2318 = arith.addf %mul3A_2310, %mul3A_2317 : vector<16xf32>
        %get3A_2319 = arith.constant 1 : i32
        %get3A_2320 = arith.index_cast %get3A_2319 : i32 to index
        %get3A_2321 = arith.index_cast %add3A_2303 : i32 to index
        %get3A_2322 = arith.constant 32 : index
        %get3A_2323 = tpu.vector_load %arg9[%get3A_2320, %get3A_2321, %get3A_2322] {strides = array<i32>} : memref<2x352x128xf32, #tpu.memory_space<vmem>>, vector<1x1x16xf32>,
        %get3A_2324 = vector.shape_cast %get3A_2323 : vector<1x1x16xf32> to vector<16xf32>
        %mul3A_2325 = arith.mulf %get3A_2324, %get3A_294 : vector<16xf32>
        %add3A_2326 = arith.addf %add3A_2318, %mul3A_2325 : vector<16xf32>
        %get3A_2327 = arith.constant 1 : i32
        %get3A_2328 = arith.index_cast %get3A_2327 : i32 to index
        %get3A_2329 = arith.index_cast %add3A_2303 : i32 to index
        %get3A_2330 = arith.constant 48 : index
        %get3A_2331 = tpu.vector_load %arg9[%get3A_2328, %get3A_2329, %get3A_2330] {strides = array<i32>} : memref<2x352x128xf32, #tpu.memory_space<vmem>>, vector<1x1x16xf32>,
        %get3A_2332 = vector.shape_cast %get3A_2331 : vector<1x1x16xf32> to vector<16xf32>
        %mul3A_2333 = arith.mulf %get3A_2332, %get3A_300 : vector<16xf32>
        %add3A_2334 = arith.addf %add3A_2326, %mul3A_2333 : vector<16xf32>
        %eq3A_2335 = arith.constant 10 : i32
        %eq3A_2336 = vector.broadcast %eq3A_2335 : i32 to vector<16xi32>
        %eq3A_2337 = arith.cmpi eq, %iota3A, %eq3A_2336 : vector<16xi32>
        %iota3A_2338 = tpu.iota {dimensions = array<i32: 0>} : vector<16xi32>
        %xor3A_2339 = arith.constant 8 : i32
        %xor3A_2340 = vector.broadcast %xor3A_2339 : i32 to vector<16xi32>
        %xor3A_2341 = arith.xori %iota3A_2338, %xor3A_2340 : vector<16xi32>
        %lt3A_2342 = arith.constant 0 : i32
        %lt3A_2343 = vector.broadcast %lt3A_2342 : i32 to vector<16xi32>
        %lt3A_2344 = arith.cmpi slt, %xor3A_2341, %lt3A_2343 : vector<16xi32>
        %add3A_2345 = arith.constant 16 : i32
        %add3A_2346 = vector.broadcast %add3A_2345 : i32 to vector<16xi32>
        %add3A_2347 = arith.addi %xor3A_2341, %add3A_2346 : vector<16xi32>
        %select_n3A_2348 = arith.select %lt3A_2344, %add3A_2347, %xor3A_2341 : vector<16xi1>, vector<16xi32>
        %broadcast_in_dim3A_2349 = vector.shape_cast %select_n3A_2348 : vector<16xi32> to vector<16x1xi32>
        %gather3A_2350 = vector.shape_cast %broadcast_in_dim3A_2349 : vector<16x1xi32> to vector<16xi32>
        %gather3A_2351 = tpu.dynamic_gather %add3A_2334[%gather3A_2350] in [0] : vector<16xf32>, vector<16xi32> -> vector<16xf32>
        %add3A_2352 = arith.addf %add3A_2334, %gather3A_2351 : vector<16xf32>
        %iota3A_2353 = tpu.iota {dimensions = array<i32: 0>} : vector<16xi32>
        %xor3A_2354 = arith.constant 4 : i32
        %xor3A_2355 = vector.broadcast %xor3A_2354 : i32 to vector<16xi32>
        %xor3A_2356 = arith.xori %iota3A_2353, %xor3A_2355 : vector<16xi32>
        %lt3A_2357 = arith.constant 0 : i32
        %lt3A_2358 = vector.broadcast %lt3A_2357 : i32 to vector<16xi32>
        %lt3A_2359 = arith.cmpi slt, %xor3A_2356, %lt3A_2358 : vector<16xi32>
        %add3A_2360 = arith.constant 16 : i32
        %add3A_2361 = vector.broadcast %add3A_2360 : i32 to vector<16xi32>
        %add3A_2362 = arith.addi %xor3A_2356, %add3A_2361 : vector<16xi32>
        %select_n3A_2363 = arith.select %lt3A_2359, %add3A_2362, %xor3A_2356 : vector<16xi1>, vector<16xi32>
        %broadcast_in_dim3A_2364 = vector.shape_cast %select_n3A_2363 : vector<16xi32> to vector<16x1xi32>
        %gather3A_2365 = vector.shape_cast %broadcast_in_dim3A_2364 : vector<16x1xi32> to vector<16xi32>
        %gather3A_2366 = tpu.dynamic_gather %add3A_2352[%gather3A_2365] in [0] : vector<16xf32>, vector<16xi32> -> vector<16xf32>
        %add3A_2367 = arith.addf %add3A_2352, %gather3A_2366 : vector<16xf32>
        %iota3A_2368 = tpu.iota {dimensions = array<i32: 0>} : vector<16xi32>
        %xor3A_2369 = arith.constant 2 : i32
        %xor3A_2370 = vector.broadcast %xor3A_2369 : i32 to vector<16xi32>
        %xor3A_2371 = arith.xori %iota3A_2368, %xor3A_2370 : vector<16xi32>
        %lt3A_2372 = arith.constant 0 : i32
        %lt3A_2373 = vector.broadcast %lt3A_2372 : i32 to vector<16xi32>
        %lt3A_2374 = arith.cmpi slt, %xor3A_2371, %lt3A_2373 : vector<16xi32>
        %add3A_2375 = arith.constant 16 : i32
        %add3A_2376 = vector.broadcast %add3A_2375 : i32 to vector<16xi32>
        %add3A_2377 = arith.addi %xor3A_2371, %add3A_2376 : vector<16xi32>
        %select_n3A_2378 = arith.select %lt3A_2374, %add3A_2377, %xor3A_2371 : vector<16xi1>, vector<16xi32>
        %broadcast_in_dim3A_2379 = vector.shape_cast %select_n3A_2378 : vector<16xi32> to vector<16x1xi32>
        %gather3A_2380 = vector.shape_cast %broadcast_in_dim3A_2379 : vector<16x1xi32> to vector<16xi32>
        %gather3A_2381 = tpu.dynamic_gather %add3A_2367[%gather3A_2380] in [0] : vector<16xf32>, vector<16xi32> -> vector<16xf32>
        %add3A_2382 = arith.addf %add3A_2367, %gather3A_2381 : vector<16xf32>
        %iota3A_2383 = tpu.iota {dimensions = array<i32: 0>} : vector<16xi32>
        %xor3A_2384 = arith.constant 1 : i32
        %xor3A_2385 = vector.broadcast %xor3A_2384 : i32 to vector<16xi32>
        %xor3A_2386 = arith.xori %iota3A_2383, %xor3A_2385 : vector<16xi32>
        %lt3A_2387 = arith.constant 0 : i32
        %lt3A_2388 = vector.broadcast %lt3A_2387 : i32 to vector<16xi32>
        %lt3A_2389 = arith.cmpi slt, %xor3A_2386, %lt3A_2388 : vector<16xi32>
        %add3A_2390 = arith.constant 16 : i32
        %add3A_2391 = vector.broadcast %add3A_2390 : i32 to vector<16xi32>
        %add3A_2392 = arith.addi %xor3A_2386, %add3A_2391 : vector<16xi32>
        %select_n3A_2393 = arith.select %lt3A_2389, %add3A_2392, %xor3A_2386 : vector<16xi1>, vector<16xi32>
        %broadcast_in_dim3A_2394 = vector.shape_cast %select_n3A_2393 : vector<16xi32> to vector<16x1xi32>
        %gather3A_2395 = vector.shape_cast %broadcast_in_dim3A_2394 : vector<16x1xi32> to vector<16xi32>
        %gather3A_2396 = tpu.dynamic_gather %add3A_2382[%gather3A_2395] in [0] : vector<16xf32>, vector<16xi32> -> vector<16xf32>
        %add3A_2397 = arith.addf %add3A_2382, %gather3A_2396 : vector<16xf32>
        %mul3A_2398 = arith.constant 5.000000e+00 : f32
        %mul3A_2399 = vector.broadcast %mul3A_2398 : f32 to vector<16xf32>
        %mul3A_2400 = arith.mulf %add3A_2397, %mul3A_2399 : vector<16xf32>
        %select_n3A_2401 = arith.select %eq3A_2337, %mul3A_2400, %select_n3A_2201 : vector<16xi1>, vector<16xf32>
        %get3A_2402 = arith.constant 1 : i32
        %get3A_2403 = arith.index_cast %get3A_2402 : i32 to index
        %get3A_2404 = arith.index_cast %add3A_2303 : i32 to index
        %get3A_2405 = arith.constant 64 : index
        %get3A_2406 = tpu.vector_load %arg9[%get3A_2403, %get3A_2404, %get3A_2405] {strides = array<i32>} : memref<2x352x128xf32, #tpu.memory_space<vmem>>, vector<1x1x16xf32>,
        %get3A_2407 = vector.shape_cast %get3A_2406 : vector<1x1x16xf32> to vector<16xf32>
        %mul3A_2408 = arith.mulf %get3A_2407, %get3A_282 : vector<16xf32>
        %get3A_2409 = arith.constant 1 : i32
        %get3A_2410 = arith.index_cast %get3A_2409 : i32 to index
        %get3A_2411 = arith.index_cast %add3A_2303 : i32 to index
        %get3A_2412 = arith.constant 80 : index
        %get3A_2413 = tpu.vector_load %arg9[%get3A_2410, %get3A_2411, %get3A_2412] {strides = array<i32>} : memref<2x352x128xf32, #tpu.memory_space<vmem>>, vector<1x1x16xf32>,
        %get3A_2414 = vector.shape_cast %get3A_2413 : vector<1x1x16xf32> to vector<16xf32>
        %mul3A_2415 = arith.mulf %get3A_2414, %get3A_288 : vector<16xf32>
        %add3A_2416 = arith.addf %mul3A_2408, %mul3A_2415 : vector<16xf32>
        %get3A_2417 = arith.constant 1 : i32
        %get3A_2418 = arith.index_cast %get3A_2417 : i32 to index
        %get3A_2419 = arith.index_cast %add3A_2303 : i32 to index
        %get3A_2420 = arith.constant 96 : index
        %get3A_2421 = tpu.vector_load %arg9[%get3A_2418, %get3A_2419, %get3A_2420] {strides = array<i32>} : memref<2x352x128xf32, #tpu.memory_space<vmem>>, vector<1x1x16xf32>,
        %get3A_2422 = vector.shape_cast %get3A_2421 : vector<1x1x16xf32> to vector<16xf32>
        %mul3A_2423 = arith.mulf %get3A_2422, %get3A_294 : vector<16xf32>
        %add3A_2424 = arith.addf %add3A_2416, %mul3A_2423 : vector<16xf32>
        %get3A_2425 = arith.constant 1 : i32
        %get3A_2426 = arith.index_cast %get3A_2425 : i32 to index
        %get3A_2427 = arith.index_cast %add3A_2303 : i32 to index
        %get3A_2428 = arith.constant 112 : index
        %get3A_2429 = tpu.vector_load %arg9[%get3A_2426, %get3A_2427, %get3A_2428] {strides = array<i32>} : memref<2x352x128xf32, #tpu.memory_space<vmem>>, vector<1x1x16xf32>,
        %get3A_2430 = vector.shape_cast %get3A_2429 : vector<1x1x16xf32> to vector<16xf32>
        %mul3A_2431 = arith.mulf %get3A_2430, %get3A_300 : vector<16xf32>
        %add3A_2432 = arith.addf %add3A_2424, %mul3A_2431 : vector<16xf32>
        %eq3A_2433 = arith.constant 10 : i32
        %eq3A_2434 = vector.broadcast %eq3A_2433 : i32 to vector<16xi32>
        %eq3A_2435 = arith.cmpi eq, %iota3A, %eq3A_2434 : vector<16xi32>
        %iota3A_2436 = tpu.iota {dimensions = array<i32: 0>} : vector<16xi32>
        %xor3A_2437 = arith.constant 8 : i32
        %xor3A_2438 = vector.broadcast %xor3A_2437 : i32 to vector<16xi32>
        %xor3A_2439 = arith.xori %iota3A_2436, %xor3A_2438 : vector<16xi32>
        %lt3A_2440 = arith.constant 0 : i32
        %lt3A_2441 = vector.broadcast %lt3A_2440 : i32 to vector<16xi32>
        %lt3A_2442 = arith.cmpi slt, %xor3A_2439, %lt3A_2441 : vector<16xi32>
        %add3A_2443 = arith.constant 16 : i32
        %add3A_2444 = vector.broadcast %add3A_2443 : i32 to vector<16xi32>
        %add3A_2445 = arith.addi %xor3A_2439, %add3A_2444 : vector<16xi32>
        %select_n3A_2446 = arith.select %lt3A_2442, %add3A_2445, %xor3A_2439 : vector<16xi1>, vector<16xi32>
        %broadcast_in_dim3A_2447 = vector.shape_cast %select_n3A_2446 : vector<16xi32> to vector<16x1xi32>
        %gather3A_2448 = vector.shape_cast %broadcast_in_dim3A_2447 : vector<16x1xi32> to vector<16xi32>
        %gather3A_2449 = tpu.dynamic_gather %add3A_2432[%gather3A_2448] in [0] : vector<16xf32>, vector<16xi32> -> vector<16xf32>
        %add3A_2450 = arith.addf %add3A_2432, %gather3A_2449 : vector<16xf32>
        %iota3A_2451 = tpu.iota {dimensions = array<i32: 0>} : vector<16xi32>
        %xor3A_2452 = arith.constant 4 : i32
        %xor3A_2453 = vector.broadcast %xor3A_2452 : i32 to vector<16xi32>
        %xor3A_2454 = arith.xori %iota3A_2451, %xor3A_2453 : vector<16xi32>
        %lt3A_2455 = arith.constant 0 : i32
        %lt3A_2456 = vector.broadcast %lt3A_2455 : i32 to vector<16xi32>
        %lt3A_2457 = arith.cmpi slt, %xor3A_2454, %lt3A_2456 : vector<16xi32>
        %add3A_2458 = arith.constant 16 : i32
        %add3A_2459 = vector.broadcast %add3A_2458 : i32 to vector<16xi32>
        %add3A_2460 = arith.addi %xor3A_2454, %add3A_2459 : vector<16xi32>
        %select_n3A_2461 = arith.select %lt3A_2457, %add3A_2460, %xor3A_2454 : vector<16xi1>, vector<16xi32>
        %broadcast_in_dim3A_2462 = vector.shape_cast %select_n3A_2461 : vector<16xi32> to vector<16x1xi32>
        %gather3A_2463 = vector.shape_cast %broadcast_in_dim3A_2462 : vector<16x1xi32> to vector<16xi32>
        %gather3A_2464 = tpu.dynamic_gather %add3A_2450[%gather3A_2463] in [0] : vector<16xf32>, vector<16xi32> -> vector<16xf32>
        %add3A_2465 = arith.addf %add3A_2450, %gather3A_2464 : vector<16xf32>
        %iota3A_2466 = tpu.iota {dimensions = array<i32: 0>} : vector<16xi32>
        %xor3A_2467 = arith.constant 2 : i32
        %xor3A_2468 = vector.broadcast %xor3A_2467 : i32 to vector<16xi32>
        %xor3A_2469 = arith.xori %iota3A_2466, %xor3A_2468 : vector<16xi32>
        %lt3A_2470 = arith.constant 0 : i32
        %lt3A_2471 = vector.broadcast %lt3A_2470 : i32 to vector<16xi32>
        %lt3A_2472 = arith.cmpi slt, %xor3A_2469, %lt3A_2471 : vector<16xi32>
        %add3A_2473 = arith.constant 16 : i32
        %add3A_2474 = vector.broadcast %add3A_2473 : i32 to vector<16xi32>
        %add3A_2475 = arith.addi %xor3A_2469, %add3A_2474 : vector<16xi32>
        %select_n3A_2476 = arith.select %lt3A_2472, %add3A_2475, %xor3A_2469 : vector<16xi1>, vector<16xi32>
        %broadcast_in_dim3A_2477 = vector.shape_cast %select_n3A_2476 : vector<16xi32> to vector<16x1xi32>
        %gather3A_2478 = vector.shape_cast %broadcast_in_dim3A_2477 : vector<16x1xi32> to vector<16xi32>
        %gather3A_2479 = tpu.dynamic_gather %add3A_2465[%gather3A_2478] in [0] : vector<16xf32>, vector<16xi32> -> vector<16xf32>
        %add3A_2480 = arith.addf %add3A_2465, %gather3A_2479 : vector<16xf32>
        %iota3A_2481 = tpu.iota {dimensions = array<i32: 0>} : vector<16xi32>
        %xor3A_2482 = arith.constant 1 : i32
        %xor3A_2483 = vector.broadcast %xor3A_2482 : i32 to vector<16xi32>
        %xor3A_2484 = arith.xori %iota3A_2481, %xor3A_2483 : vector<16xi32>
        %lt3A_2485 = arith.constant 0 : i32
        %lt3A_2486 = vector.broadcast %lt3A_2485 : i32 to vector<16xi32>
        %lt3A_2487 = arith.cmpi slt, %xor3A_2484, %lt3A_2486 : vector<16xi32>
        %add3A_2488 = arith.constant 16 : i32
        %add3A_2489 = vector.broadcast %add3A_2488 : i32 to vector<16xi32>
        %add3A_2490 = arith.addi %xor3A_2484, %add3A_2489 : vector<16xi32>
        %select_n3A_2491 = arith.select %lt3A_2487, %add3A_2490, %xor3A_2484 : vector<16xi1>, vector<16xi32>
        %broadcast_in_dim3A_2492 = vector.shape_cast %select_n3A_2491 : vector<16xi32> to vector<16x1xi32>
        %gather3A_2493 = vector.shape_cast %broadcast_in_dim3A_2492 : vector<16x1xi32> to vector<16xi32>
        %gather3A_2494 = tpu.dynamic_gather %add3A_2480[%gather3A_2493] in [0] : vector<16xf32>, vector<16xi32> -> vector<16xf32>
        %add3A_2495 = arith.addf %add3A_2480, %gather3A_2494 : vector<16xf32>
        %mul3A_2496 = arith.constant 5.000000e+00 : f32
        %mul3A_2497 = vector.broadcast %mul3A_2496 : f32 to vector<16xf32>
        %mul3A_2498 = arith.mulf %add3A_2495, %mul3A_2497 : vector<16xf32>
        %select_n3A_2499 = arith.select %eq3A_2435, %mul3A_2498, %select_n3A_2299 : vector<16xi1>, vector<16xf32>
        %swap3A = arith.constant 1 : i32
        %swap3A_2500 = arith.index_cast %swap3A : i32 to index
        %swap3A_2501 = arith.index_cast %scan3A_277 : i32 to index
        %swap3A_2502 = arith.constant 0 : index
        %swap3A_2503 = tpu.vector_load %arg10[%swap3A_2500, %swap3A_2501, %swap3A_2502] {strides = array<i32>} : memref<2x32x16xf32, #tpu.memory_space<vmem>>, vector<1x1x16xf32>,
        %swap3A_2504 = vector.shape_cast %swap3A_2503 : vector<1x1x16xf32> to vector<16xf32>
        %swap3A_2505 = vector.shape_cast %select_n3A_2401 : vector<16xf32> to vector<1x1x16xf32>
        tpu.vector_store %arg10[%swap3A_2500, %swap3A_2501, %swap3A_2502], %swap3A_2505 {strides = array<i32>} : memref<2x32x16xf32, #tpu.memory_space<vmem>>, vector<1x1x16xf32>,
        %swap3A_2506 = arith.constant 1 : i32
        %swap3A_2507 = arith.index_cast %swap3A_2506 : i32 to index
        %swap3A_2508 = arith.index_cast %scan3A_277 : i32 to index
        %swap3A_2509 = arith.constant 0 : index
        %swap3A_2510 = tpu.vector_load %arg11[%swap3A_2507, %swap3A_2508, %swap3A_2509] {strides = array<i32>} : memref<2x32x16xf32, #tpu.memory_space<vmem>>, vector<1x1x16xf32>,
        %swap3A_2511 = vector.shape_cast %swap3A_2510 : vector<1x1x16xf32> to vector<16xf32>
        %swap3A_2512 = vector.shape_cast %select_n3A_2499 : vector<16xf32> to vector<1x1x16xf32>
        tpu.vector_store %arg11[%swap3A_2507, %swap3A_2508, %swap3A_2509], %swap3A_2512 {strides = array<i32>} : memref<2x32x16xf32, #tpu.memory_space<vmem>>, vector<1x1x16xf32>,
      }
      %scan3A_237 = arith.constant 32 : i32
      %add3A_238 = arith.constant 2 : i32
      %add3A_239 = arith.addi %add3A_199, %add3A_238 : i32
      %lt3A_240 = arith.constant 16 : i32
      %lt3A_241 = arith.cmpi slt, %add3A_239, %lt3A_240 : i32
      %convert_element_type3A_242 = arith.extui %lt3A_241 : i1 to i32
      %cond3A_243 = arith.constant 0 : i32
      %cond3A_244 = arith.cmpi ne, %convert_element_type3A_242, %cond3A_243 : i32
      scf.if %cond3A_244 {
        %add3A_277 = arith.constant 2 : i32
        %add3A_278 = arith.addi %add3A_199, %add3A_277 : i32
        %mul3A_279 = arith.constant 352 : i32
        %mul3A_280 = arith.muli %add3A_278, %mul3A_279 : i32
        %dma_start3A_281 = arith.constant 1 : i32
        %dma_start3A_282 = arith.constant 0 : i32
        %dma_start3A_283 = arith.constant 0 : i32
        %dma_start3A_284 = tpu.memref_slice %arg9[%dma_start3A_281, %dma_start3A_282, %dma_start3A_283] : memref<2x352x128xf32, #tpu.memory_space<vmem>> -> memref<1x352x128xf32, #tpu.memory_space<vmem>>
        %dma_start3A_285 = tpu.memref_squeeze %dma_start3A_284 : memref<1x352x128xf32, #tpu.memory_space<vmem>> -> memref<352x128xf32, #tpu.memory_space<vmem>>
        %dma_start3A_286 = tpu.memref_slice %arg7[%mul3A_280] : memref<5632xi32, #tpu.memory_space<vmem>> -> memref<352xi32, #tpu.memory_space<vmem>>
        %dma_start3A_287 = arith.constant 0 : i32
        %dma_start3A_288 = arith.constant 0 : i32
        %dma_start3A_289 = tpu.memref_slice %arg2[%dma_start3A_287, %dma_start3A_288] : memref<131072x128xf32, #tpu.memory_space<hbm>> -> memref<131072x128xf32, #tpu.memory_space<hbm>>
        tpu.enqueue_indirect_dma source(%dma_start3A_289 : memref<131072x128xf32, #tpu.memory_space<hbm>>) target(%dma_start3A_285 : memref<352x128xf32, #tpu.memory_space<vmem>>) offsets(%dma_start3A_286 : memref<352xi32, #tpu.memory_space<vmem>>) semaphore(%arg13 : memref<!tpu.dma_semaphore, #tpu.memory_space<semaphore_mem>>)
        %add3A_290 = arith.constant 2 : i32
        %add3A_291 = arith.addi %add3A_199, %add3A_290 : i32
        %mul3A_292 = arith.constant 32 : i32
        %mul3A_293 = arith.muli %add3A_291, %mul3A_292 : i32
        %add3A_294 = arith.addi %mul3A_2, %mul3A_293 : i32
        %dma_start3A_295 = arith.constant 1 : i32
        %dma_start3A_296 = arith.constant 0 : i32
        %dma_start3A_297 = arith.constant 0 : i32
        %dma_start3A_298 = tpu.memref_slice %arg8[%dma_start3A_295, %dma_start3A_296, %dma_start3A_297] : memref<2x32x64xf32, #tpu.memory_space<vmem>> -> memref<1x32x64xf32, #tpu.memory_space<vmem>>
        %dma_start3A_299 = tpu.memref_squeeze %dma_start3A_298 : memref<1x32x64xf32, #tpu.memory_space<vmem>> -> memref<32x64xf32, #tpu.memory_space<vmem>>
        %dma_start3A_300 = arith.constant 0 : i32
        %dma_start3A_301 = tpu.memref_slice %arg3[%add3A_294, %dma_start3A_300] : memref<16384x64xf32, #tpu.memory_space<hbm>> -> memref<32x64xf32, #tpu.memory_space<hbm>>
        %dma_start3A_302 = arith.constant 0 : i32
        %dma_start3A_303 = arith.constant 0 : i32
        %dma_start3A_304 = tpu.memref_slice %arg8[%dma_start3A_295, %dma_start3A_302, %dma_start3A_303] : memref<2x32x64xf32, #tpu.memory_space<vmem>> -> memref<1x32x64xf32, #tpu.memory_space<vmem>>
        %dma_start3A_305 = tpu.memref_squeeze %dma_start3A_304 : memref<1x32x64xf32, #tpu.memory_space<vmem>> -> memref<32x64xf32, #tpu.memory_space<vmem>>
        %dma_start3A_306 = arith.constant 0 : i32
        %dma_start3A_307 = tpu.memref_slice %arg3[%add3A_294, %dma_start3A_306] : memref<16384x64xf32, #tpu.memory_space<hbm>> -> memref<32x64xf32, #tpu.memory_space<hbm>>
        tpu.enqueue_dma source(%dma_start3A_307 : memref<32x64xf32, #tpu.memory_space<hbm>>) target(%dma_start3A_305 : memref<32x64xf32, #tpu.memory_space<vmem>>) target_semaphore(%arg15 : memref<!tpu.dma_semaphore, #tpu.memory_space<semaphore_mem>>)
      } else {
      }
      %mul3A_245 = arith.constant 32 : i32
      %mul3A_246 = arith.muli %add3A_199, %mul3A_245 : i32
      %add3A_247 = arith.addi %mul3A_2, %mul3A_246 : i32
      %dma_start3A_248 = arith.constant 1 : i32
      %dma_start3A_249 = arith.constant 0 : i32
      %dma_start3A_250 = arith.constant 0 : i32
      %dma_start3A_251 = tpu.memref_slice %arg10[%dma_start3A_248, %dma_start3A_249, %dma_start3A_250] : memref<2x32x16xf32, #tpu.memory_space<vmem>> -> memref<1x32x16xf32, #tpu.memory_space<vmem>>
      %dma_start3A_252 = tpu.memref_squeeze %dma_start3A_251 : memref<1x32x16xf32, #tpu.memory_space<vmem>> -> memref<32x16xf32, #tpu.memory_space<vmem>>
      %dma_start3A_253 = arith.constant 0 : i32
      %dma_start3A_254 = tpu.memref_slice %arg5[%add3A_247, %dma_start3A_253] : memref<16384x16xf32, #tpu.memory_space<hbm>> -> memref<32x16xf32, #tpu.memory_space<hbm>>
      %dma_start3A_255 = arith.constant 0 : i32
      %dma_start3A_256 = tpu.memref_slice %arg5[%add3A_247, %dma_start3A_255] : memref<16384x16xf32, #tpu.memory_space<hbm>> -> memref<32x16xf32, #tpu.memory_space<hbm>>
      %dma_start3A_257 = arith.constant 0 : i32
      %dma_start3A_258 = arith.constant 0 : i32
      %dma_start3A_259 = tpu.memref_slice %arg10[%dma_start3A_248, %dma_start3A_257, %dma_start3A_258] : memref<2x32x16xf32, #tpu.memory_space<vmem>> -> memref<1x32x16xf32, #tpu.memory_space<vmem>>
      %dma_start3A_260 = tpu.memref_squeeze %dma_start3A_259 : memref<1x32x16xf32, #tpu.memory_space<vmem>> -> memref<32x16xf32, #tpu.memory_space<vmem>>
      tpu.enqueue_dma source(%dma_start3A_260 : memref<32x16xf32, #tpu.memory_space<vmem>>) target(%dma_start3A_256 : memref<32x16xf32, #tpu.memory_space<hbm>>) target_semaphore(%arg17 : memref<!tpu.dma_semaphore, #tpu.memory_space<semaphore_mem>>)
      %mul3A_261 = arith.constant 32 : i32
      %mul3A_262 = arith.muli %add3A_199, %mul3A_261 : i32
      %add3A_263 = arith.addi %mul3A_2, %mul3A_262 : i32
      %dma_start3A_264 = arith.constant 1 : i32
      %dma_start3A_265 = arith.constant 0 : i32
      %dma_start3A_266 = arith.constant 0 : i32
      %dma_start3A_267 = tpu.memref_slice %arg11[%dma_start3A_264, %dma_start3A_265, %dma_start3A_266] : memref<2x32x16xf32, #tpu.memory_space<vmem>> -> memref<1x32x16xf32, #tpu.memory_space<vmem>>
      %dma_start3A_268 = tpu.memref_squeeze %dma_start3A_267 : memref<1x32x16xf32, #tpu.memory_space<vmem>> -> memref<32x16xf32, #tpu.memory_space<vmem>>
      %dma_start3A_269 = arith.constant 0 : i32
      %dma_start3A_270 = tpu.memref_slice %arg6[%add3A_263, %dma_start3A_269] : memref<16384x16xf32, #tpu.memory_space<hbm>> -> memref<32x16xf32, #tpu.memory_space<hbm>>
      %dma_start3A_271 = arith.constant 0 : i32
      %dma_start3A_272 = tpu.memref_slice %arg6[%add3A_263, %dma_start3A_271] : memref<16384x16xf32, #tpu.memory_space<hbm>> -> memref<32x16xf32, #tpu.memory_space<hbm>>
      %dma_start3A_273 = arith.constant 0 : i32
      %dma_start3A_274 = arith.constant 0 : i32
      %dma_start3A_275 = tpu.memref_slice %arg11[%dma_start3A_264, %dma_start3A_273, %dma_start3A_274] : memref<2x32x16xf32, #tpu.memory_space<vmem>> -> memref<1x32x16xf32, #tpu.memory_space<vmem>>
      %dma_start3A_276 = tpu.memref_squeeze %dma_start3A_275 : memref<1x32x16xf32, #tpu.memory_space<vmem>> -> memref<32x16xf32, #tpu.memory_space<vmem>>
      tpu.enqueue_dma source(%dma_start3A_276 : memref<32x16xf32, #tpu.memory_space<vmem>>) target(%dma_start3A_272 : memref<32x16xf32, #tpu.memory_space<hbm>>) target_semaphore(%arg19 : memref<!tpu.dma_semaphore, #tpu.memory_space<semaphore_mem>>)
    }
    %scan3A_58 = arith.constant 8 : i32
    %add3A_59 = arith.constant 448 : i32
    %add3A_60 = arith.addi %mul3A_2, %add3A_59 : i32
    %dma_wait3A = arith.constant 0 : i32
    %dma_wait3A_61 = arith.constant 0 : i32
    %dma_wait3A_62 = arith.constant 0 : i32
    %dma_wait3A_63 = tpu.memref_slice %arg10[%dma_wait3A, %dma_wait3A_61, %dma_wait3A_62] : memref<2x32x16xf32, #tpu.memory_space<vmem>> -> memref<1x32x16xf32, #tpu.memory_space<vmem>>
    %dma_wait3A_64 = tpu.memref_squeeze %dma_wait3A_63 : memref<1x32x16xf32, #tpu.memory_space<vmem>> -> memref<32x16xf32, #tpu.memory_space<vmem>>
    %dma_wait3A_65 = arith.constant 0 : i32
    %dma_wait3A_66 = tpu.memref_slice %arg5[%add3A_60, %dma_wait3A_65] : memref<16384x16xf32, #tpu.memory_space<hbm>> -> memref<32x16xf32, #tpu.memory_space<hbm>>
    %dma_wait3A_67 = arith.constant 0 : i32
    %dma_wait3A_68 = tpu.memref_slice %arg5[%add3A_60, %dma_wait3A_67] : memref<16384x16xf32, #tpu.memory_space<hbm>> -> memref<32x16xf32, #tpu.memory_space<hbm>>
    %dma_wait3A_69 = arith.constant 0 : i32
    %dma_wait3A_70 = arith.constant 0 : i32
    %dma_wait3A_71 = tpu.memref_slice %arg10[%dma_wait3A, %dma_wait3A_69, %dma_wait3A_70] : memref<2x32x16xf32, #tpu.memory_space<vmem>> -> memref<1x32x16xf32, #tpu.memory_space<vmem>>
    %dma_wait3A_72 = tpu.memref_squeeze %dma_wait3A_71 : memref<1x32x16xf32, #tpu.memory_space<vmem>> -> memref<32x16xf32, #tpu.memory_space<vmem>>
    tpu.wait_dma2 semaphore(%arg16 : memref<!tpu.dma_semaphore, #tpu.memory_space<semaphore_mem>>) src(%dma_wait3A_72 : memref<32x16xf32, #tpu.memory_space<vmem>>) dst(%dma_wait3A_68 : memref<32x16xf32, #tpu.memory_space<hbm>>)
    %add3A_73 = arith.constant 448 : i32
    %add3A_74 = arith.addi %mul3A_2, %add3A_73 : i32
    %dma_wait3A_75 = arith.constant 0 : i32
    %dma_wait3A_76 = arith.constant 0 : i32
    %dma_wait3A_77 = arith.constant 0 : i32
    %dma_wait3A_78 = tpu.memref_slice %arg11[%dma_wait3A_75, %dma_wait3A_76, %dma_wait3A_77] : memref<2x32x16xf32, #tpu.memory_space<vmem>> -> memref<1x32x16xf32, #tpu.memory_space<vmem>>
    %dma_wait3A_79 = tpu.memref_squeeze %dma_wait3A_78 : memref<1x32x16xf32, #tpu.memory_space<vmem>> -> memref<32x16xf32, #tpu.memory_space<vmem>>
    %dma_wait3A_80 = arith.constant 0 : i32
    %dma_wait3A_81 = tpu.memref_slice %arg6[%add3A_74, %dma_wait3A_80] : memref<16384x16xf32, #tpu.memory_space<hbm>> -> memref<32x16xf32, #tpu.memory_space<hbm>>
    %dma_wait3A_82 = arith.constant 0 : i32
    %dma_wait3A_83 = tpu.memref_slice %arg6[%add3A_74, %dma_wait3A_82] : memref<16384x16xf32, #tpu.memory_space<hbm>> -> memref<32x16xf32, #tpu.memory_space<hbm>>
    %dma_wait3A_84 = arith.constant 0 : i32
    %dma_wait3A_85 = arith.constant 0 : i32
    %dma_wait3A_86 = tpu.memref_slice %arg11[%dma_wait3A_75, %dma_wait3A_84, %dma_wait3A_85] : memref<2x32x16xf32, #tpu.memory_space<vmem>> -> memref<1x32x16xf32, #tpu.memory_space<vmem>>
    %dma_wait3A_87 = tpu.memref_squeeze %dma_wait3A_86 : memref<1x32x16xf32, #tpu.memory_space<vmem>> -> memref<32x16xf32, #tpu.memory_space<vmem>>
    tpu.wait_dma2 semaphore(%arg18 : memref<!tpu.dma_semaphore, #tpu.memory_space<semaphore_mem>>) src(%dma_wait3A_87 : memref<32x16xf32, #tpu.memory_space<vmem>>) dst(%dma_wait3A_83 : memref<32x16xf32, #tpu.memory_space<hbm>>)
    %add3A_88 = arith.constant 480 : i32
    %add3A_89 = arith.addi %mul3A_2, %add3A_88 : i32
    %dma_wait3A_90 = arith.constant 1 : i32
    %dma_wait3A_91 = arith.constant 0 : i32
    %dma_wait3A_92 = arith.constant 0 : i32
    %dma_wait3A_93 = tpu.memref_slice %arg10[%dma_wait3A_90, %dma_wait3A_91, %dma_wait3A_92] : memref<2x32x16xf32, #tpu.memory_space<vmem>> -> memref<1x32x16xf32, #tpu.memory_space<vmem>>
    %dma_wait3A_94 = tpu.memref_squeeze %dma_wait3A_93 : memref<1x32x16xf32, #tpu.memory_space<vmem>> -> memref<32x16xf32, #tpu.memory_space<vmem>>
    %dma_wait3A_95 = arith.constant 0 : i32
    %dma_wait3A_96 = tpu.memref_slice %arg5[%add3A_89, %dma_wait3A_95] : memref<16384x16xf32, #tpu.memory_space<hbm>> -> memref<32x16xf32, #tpu.memory_space<hbm>>
    %dma_wait3A_97 = arith.constant 0 : i32
    %dma_wait3A_98 = tpu.memref_slice %arg5[%add3A_89, %dma_wait3A_97] : memref<16384x16xf32, #tpu.memory_space<hbm>> -> memref<32x16xf32, #tpu.memory_space<hbm>>
    %dma_wait3A_99 = arith.constant 0 : i32
    %dma_wait3A_100 = arith.constant 0 : i32
    %dma_wait3A_101 = tpu.memref_slice %arg10[%dma_wait3A_90, %dma_wait3A_99, %dma_wait3A_100] : memref<2x32x16xf32, #tpu.memory_space<vmem>> -> memref<1x32x16xf32, #tpu.memory_space<vmem>>
    %dma_wait3A_102 = tpu.memref_squeeze %dma_wait3A_101 : memref<1x32x16xf32, #tpu.memory_space<vmem>> -> memref<32x16xf32, #tpu.memory_space<vmem>>
    tpu.wait_dma2 semaphore(%arg17 : memref<!tpu.dma_semaphore, #tpu.memory_space<semaphore_mem>>) src(%dma_wait3A_102 : memref<32x16xf32, #tpu.memory_space<vmem>>) dst(%dma_wait3A_98 : memref<32x16xf32, #tpu.memory_space<hbm>>)
    %add3A_103 = arith.constant 480 : i32
    %add3A_104 = arith.addi %mul3A_2, %add3A_103 : i32
    %dma_wait3A_105 = arith.constant 1 : i32
    %dma_wait3A_106 = arith.constant 0 : i32
    %dma_wait3A_107 = arith.constant 0 : i32
    %dma_wait3A_108 = tpu.memref_slice %arg11[%dma_wait3A_105, %dma_wait3A_106, %dma_wait3A_107] : memref<2x32x16xf32, #tpu.memory_space<vmem>> -> memref<1x32x16xf32, #tpu.memory_space<vmem>>
    %dma_wait3A_109 = tpu.memref_squeeze %dma_wait3A_108 : memref<1x32x16xf32, #tpu.memory_space<vmem>> -> memref<32x16xf32, #tpu.memory_space<vmem>>
    %dma_wait3A_110 = arith.constant 0 : i32
    %dma_wait3A_111 = tpu.memref_slice %arg6[%add3A_104, %dma_wait3A_110] : memref<16384x16xf32, #tpu.memory_space<hbm>> -> memref<32x16xf32, #tpu.memory_space<hbm>>
    %dma_wait3A_112 = arith.constant 0 : i32
    %dma_wait3A_113 = tpu.memref_slice %arg6[%add3A_104, %dma_wait3A_112] : memref<16384x16xf32, #tpu.memory_space<hbm>> -> memref<32x16xf32, #tpu.memory_space<hbm>>
    %dma_wait3A_114 = arith.constant 0 : i32
    %dma_wait3A_115 = arith.constant 0 : i32
    %dma_wait3A_116 = tpu.memref_slice %arg11[%dma_wait3A_105, %dma_wait3A_114, %dma_wait3A_115] : memref<2x32x16xf32, #tpu.memory_space<vmem>> -> memref<1x32x16xf32, #tpu.memory_space<vmem>>
    %dma_wait3A_117 = tpu.memref_squeeze %dma_wait3A_116 : memref<1x32x16xf32, #tpu.memory_space<vmem>> -> memref<32x16xf32, #tpu.memory_space<vmem>>
    tpu.wait_dma2 semaphore(%arg19 : memref<!tpu.dma_semaphore, #tpu.memory_space<semaphore_mem>>) src(%dma_wait3A_117 : memref<32x16xf32, #tpu.memory_space<vmem>>) dst(%dma_wait3A_113 : memref<32x16xf32, #tpu.memory_space<hbm>>)
    return
  }
}

module attributes {stable_mosaic.version = 14 : i64} {
  func.func @_stage_a_body(%arg0: i32, %arg1: memref<4096x128xf32, #tpu.memory_space<vmem>>, %arg2: memref<512x8x8xf32, #tpu.memory_space<vmem>>, %arg3: memref<4096x128xf32, #tpu.memory_space<vmem>>, %arg4: memref<512x8x8xf32, #tpu.memory_space<vmem>>, %arg5: memref<128x64xf32, #tpu.memory_space<vmem>>, %arg6: memref<128x64xf32, #tpu.memory_space<vmem>>, %arg7: memref<1x64xf32, #tpu.memory_space<vmem>>, %arg8: memref<1x64xf32, #tpu.memory_space<vmem>>, %arg9: memref<1x1xf32, #tpu.memory_space<vmem>>, %arg10: memref<1x1xf32, #tpu.memory_space<vmem>>, %arg11: memref<4096x128xf32, #tpu.memory_space<vmem>>, %arg12: memref<512x64xf32, #tpu.memory_space<vmem>>) attributes {dimension_semantics = [#tpu.dimension_semantics<parallel>], iteration_bounds = array<i64: 32>, scalar_prefetch = 0 : i64, scratch_operands = 0 : i64, tpu.core_type = #tpu.core_type<tc>, window_params = [{transform_indices = @transform_0, window_bounds = array<i64: 4096, 128>}, {transform_indices = @transform_1, window_bounds = array<i64: 512, 8, 8>}, {transform_indices = @transform_2, window_bounds = array<i64: 4096, 128>}, {transform_indices = @transform_3, window_bounds = array<i64: 512, 8, 8>}, {pipeline_mode = #tpu.pipeline_mode<synchronous>, transform_indices = @transform_4, window_bounds = array<i64: 128, 64>}, {pipeline_mode = #tpu.pipeline_mode<synchronous>, transform_indices = @transform_5, window_bounds = array<i64: 128, 64>}, {pipeline_mode = #tpu.pipeline_mode<synchronous>, transform_indices = @transform_6, window_bounds = array<i64: 1, 64>}, {pipeline_mode = #tpu.pipeline_mode<synchronous>, transform_indices = @transform_7, window_bounds = array<i64: 1, 64>}, {pipeline_mode = #tpu.pipeline_mode<synchronous>, transform_indices = @transform_8, window_bounds = array<i64: 1, 1>}, {pipeline_mode = #tpu.pipeline_mode<synchronous>, transform_indices = @transform_9, window_bounds = array<i64: 1, 1>}, {transform_indices = @transform_10, window_bounds = array<i64: 4096, 128>}, {transform_indices = @transform_11, window_bounds = array<i64: 512, 64>}]} {
    %get3A = arith.constant 0 : index
    %get3A_0 = arith.constant 0 : index
    %get3A_1 = vector.load %arg1[%get3A, %get3A_0] : memref<4096x128xf32, #tpu.memory_space<vmem>>, vector<4096x128xf32>
    %get3A_2 = arith.constant 0 : index
    %get3A_3 = arith.constant 0 : index
    %get3A_4 = vector.load %arg5[%get3A_2, %get3A_3] : memref<128x64xf32, #tpu.memory_space<vmem>>, vector<128x64xf32>
    %dot_general3A = arith.constant dense<0.000000e+00> : vector<4096x64xf32>
    %dot_general3A_5 = tpu.matmul %get3A_1, %get3A_4, %dot_general3A {dimension_numbers = #tpu.dot_dimension_numbers<[1], [0], [0], [1], [0, 0, 1, 1], [], []>, transpose_lhs_hint = false} : vector<4096x128xf32>, vector<128x64xf32>, vector<4096x64xf32> -> vector<4096x64xf32>
    %reshape3A = vector.shape_cast %dot_general3A_5 : vector<4096x64xf32> to vector<512x8x64xf32>
    %get3A_6 = arith.constant 0 : index
    %get3A_7 = arith.constant 0 : index
    %get3A_8 = vector.load %arg3[%get3A_6, %get3A_7] : memref<4096x128xf32, #tpu.memory_space<vmem>>, vector<4096x128xf32>
    %get3A_9 = arith.constant 0 : index
    %get3A_10 = arith.constant 0 : index
    %get3A_11 = vector.load %arg6[%get3A_9, %get3A_10] : memref<128x64xf32, #tpu.memory_space<vmem>>, vector<128x64xf32>
    %dot_general3A_12 = arith.constant dense<0.000000e+00> : vector<4096x64xf32>
    %dot_general3A_13 = tpu.matmul %get3A_8, %get3A_11, %dot_general3A_12 {dimension_numbers = #tpu.dot_dimension_numbers<[1], [0], [0], [1], [0, 0, 1, 1], [], []>, transpose_lhs_hint = false} : vector<4096x128xf32>, vector<128x64xf32>, vector<4096x64xf32> -> vector<4096x64xf32>
    %reshape3A_14 = vector.shape_cast %dot_general3A_13 : vector<4096x64xf32> to vector<512x8x64xf32>
    %concatenate3A = tpu.concatenate %reshape3A, %reshape3A_14 in 2 : vector<512x8x64xf32>, vector<512x8x64xf32> -> vector<512x8x128xf32>
    %get3A_15 = arith.constant 0 : index
    %get3A_16 = arith.constant 0 : index
    %get3A_17 = arith.constant 0 : index
    %get3A_18 = vector.load %arg2[%get3A_15, %get3A_16, %get3A_17] : memref<512x8x8xf32, #tpu.memory_space<vmem>>, vector<512x8x8xf32>
    %get3A_19 = arith.constant 0 : index
    %get3A_20 = arith.constant 0 : index
    %get3A_21 = arith.constant 0 : index
    %get3A_22 = vector.load %arg4[%get3A_19, %get3A_20, %get3A_21] : memref<512x8x8xf32, #tpu.memory_space<vmem>>, vector<512x8x8xf32>
    %concatenate3A_23 = tpu.concatenate %get3A_18, %get3A_22 in 2 : vector<512x8x8xf32>, vector<512x8x8xf32> -> vector<512x8x16xf32>
    %reshape3A_24 = vector.shape_cast %concatenate3A_23 : vector<512x8x16xf32> to vector<4096x16xf32>
    %iota3A = tpu.iota {dimensions = array<i32: 1>} : vector<16x1024xi32>
    %iota3A_25 = tpu.iota {dimensions = array<i32: 0>} : vector<16x1024xi32>
    %jit3A = arith.constant 128 : i32
    %div3A = vector.broadcast %jit3A : i32 to vector<16x1024xi32>
    %div3A_26 = arith.divsi %iota3A, %div3A : vector<16x1024xi32>
    %sign3A = arith.constant 0 : i32
    %sign3A_27 = vector.broadcast %sign3A : i32 to vector<16x1024xi32>
    %sign3A_28 = arith.cmpi sgt, %iota3A, %sign3A_27 : vector<16x1024xi32>
    %sign3A_29 = arith.extui %sign3A_28 : vector<16x1024xi1> to vector<16x1024xi32>
    %sign3A_30 = arith.constant 0 : i32
    %sign3A_31 = vector.broadcast %sign3A_30 : i32 to vector<16x1024xi32>
    %sign3A_32 = arith.cmpi slt, %iota3A, %sign3A_31 : vector<16x1024xi32>
    %sign3A_33 = arith.extui %sign3A_32 : vector<16x1024xi1> to vector<16x1024xi32>
    %sign3A_34 = arith.subi %sign3A_29, %sign3A_33 : vector<16x1024xi32>
    %sign3A_35 = arith.constant 0 : i32
    %sign3A_36 = arith.cmpi sgt, %jit3A, %sign3A_35 : i32
    %sign3A_37 = arith.extui %sign3A_36 : i1 to i32
    %sign3A_38 = arith.constant 0 : i32
    %sign3A_39 = arith.cmpi slt, %jit3A, %sign3A_38 : i32
    %sign3A_40 = arith.extui %sign3A_39 : i1 to i32
    %sign3A_41 = arith.subi %sign3A_37, %sign3A_40 : i32
    %ne3A = vector.broadcast %sign3A_41 : i32 to vector<16x1024xi32>
    %ne3A_42 = arith.cmpi ne, %sign3A_34, %ne3A : vector<16x1024xi32>
    %rem3A = vector.broadcast %jit3A : i32 to vector<16x1024xi32>
    %rem3A_43 = arith.remsi %iota3A, %rem3A : vector<16x1024xi32>
    %ne3A_44 = arith.constant 0 : i32
    %ne3A_45 = vector.broadcast %ne3A_44 : i32 to vector<16x1024xi32>
    %ne3A_46 = arith.cmpi ne, %rem3A_43, %ne3A_45 : vector<16x1024xi32>
    %and3A = arith.andi %ne3A_42, %ne3A_46 : vector<16x1024xi1>
    %sub3A = arith.constant 1 : i32
    %sub3A_47 = vector.broadcast %sub3A : i32 to vector<16x1024xi32>
    %sub3A_48 = arith.subi %div3A_26, %sub3A_47 : vector<16x1024xi32>
    %select_n3A = arith.select %and3A, %sub3A_48, %div3A_26 : vector<16x1024xi1>, vector<16x1024xi32>
    %jit3A_49 = arith.constant 128 : i32
    %eq3A = arith.constant 0 : i32
    %eq3A_50 = arith.cmpi eq, %jit3A_49, %eq3A : i32
    %jit3A_51 = arith.constant 1 : i32
    %select_n3A_52 = arith.select %eq3A_50, %jit3A_51, %jit3A_49 : i32
    %rem3A_53 = vector.broadcast %select_n3A_52 : i32 to vector<16x1024xi32>
    %rem3A_54 = arith.remsi %iota3A, %rem3A_53 : vector<16x1024xi32>
    %ne3A_55 = arith.constant 0 : i32
    %ne3A_56 = vector.broadcast %ne3A_55 : i32 to vector<16x1024xi32>
    %ne3A_57 = arith.cmpi ne, %rem3A_54, %ne3A_56 : vector<16x1024xi32>
    %lt3A = arith.constant 0 : i32
    %lt3A_58 = vector.broadcast %lt3A : i32 to vector<16x1024xi32>
    %lt3A_59 = arith.cmpi slt, %rem3A_54, %lt3A_58 : vector<16x1024xi32>
    %lt3A_60 = arith.constant 0 : i32
    %lt3A_61 = arith.cmpi slt, %select_n3A_52, %lt3A_60 : i32
    %ne3A_62 = vector.broadcast %lt3A_61 : i1 to vector<16x1024xi1>
    %ne3A_63 = vector.broadcast %ne3A_62 : vector<16x1024xi1> to vector<16x1024xi1>
    %ne3A_64 = arith.xori %lt3A_59, %ne3A_63 : vector<16x1024xi1>
    %and3A_65 = arith.andi %ne3A_64, %ne3A_57 : vector<16x1024xi1>
    %add3A = vector.broadcast %select_n3A_52 : i32 to vector<16x1024xi32>
    %add3A_66 = arith.addi %rem3A_54, %add3A : vector<16x1024xi32>
    %select_n3A_67 = arith.select %and3A_65, %add3A_66, %rem3A_54 : vector<16x1024xi1>, vector<16x1024xi32>
    %eq3A_68 = arith.cmpi eq, %iota3A_25, %select_n3A : vector<16x1024xi32>
    %lt3A_69 = arith.constant 64 : i32
    %lt3A_70 = vector.broadcast %lt3A_69 : i32 to vector<16x1024xi32>
    %lt3A_71 = arith.cmpi slt, %select_n3A_67, %lt3A_70 : vector<16x1024xi32>
    %and3A_72 = arith.andi %eq3A_68, %lt3A_71 : vector<16x1024xi1>
    %add3A_73 = arith.constant 8 : i32
    %add3A_74 = vector.broadcast %add3A_73 : i32 to vector<16x1024xi32>
    %add3A_75 = arith.addi %select_n3A, %add3A_74 : vector<16x1024xi32>
    %eq3A_76 = arith.cmpi eq, %iota3A_25, %add3A_75 : vector<16x1024xi32>
    %ge3A = arith.constant 64 : i32
    %ge3A_77 = vector.broadcast %ge3A : i32 to vector<16x1024xi32>
    %ge3A_78 = arith.cmpi sge, %select_n3A_67, %ge3A_77 : vector<16x1024xi32>
    %and3A_79 = arith.andi %eq3A_76, %ge3A_78 : vector<16x1024xi1>
    %or3A = arith.ori %and3A_72, %and3A_79 : vector<16x1024xi1>
    %convert_element_type3A = arith.extui %or3A : vector<16x1024xi1> to vector<16x1024xi32>
    %convert_element_type3A_80 = arith.sitofp %convert_element_type3A : vector<16x1024xi32> to vector<16x1024xf32>
    %convert_element_type3A_81 = arith.truncf %convert_element_type3A_80 : vector<16x1024xf32> to vector<16x1024xbf16>
    %convert_element_type3A_82 = arith.truncf %reshape3A_24 : vector<4096x16xf32> to vector<4096x16xbf16>
    %dot_general3A_83 = arith.constant dense<0.000000e+00> : vector<4096x1024xf32>
    %dot_general3A_84 = tpu.matmul %convert_element_type3A_82, %convert_element_type3A_81, %dot_general3A_83 {dimension_numbers = #tpu.dot_dimension_numbers<[1], [0], [0], [1], [0, 0, 1, 1], [], []>, transpose_lhs_hint = false} : vector<4096x16xbf16>, vector<16x1024xbf16>, vector<4096x1024xf32> -> vector<4096x1024xf32>
    %broadcast_in_dim3A = arith.constant 0.000000e+00 : f32
    %broadcast_in_dim3A_85 = vector.broadcast %broadcast_in_dim3A : f32 to vector<4096x128xf32>
    %slice3A = vector.extract_strided_slice %concatenate3A {offsets = [0, 0, 0], sizes = [512, 1, 128], strides = [1, 1, 1]} : vector<512x8x128xf32> to vector<512x1x128xf32>
    %broadcast_in_dim3A_86 = vector.shape_cast %slice3A : vector<512x1x128xf32> to vector<512x1x128xf32>
    %broadcast_in_dim3A_87 = vector.broadcast %broadcast_in_dim3A_86 : vector<512x1x128xf32> to vector<512x8x128xf32>
    %slice3A_88 = vector.extract_strided_slice %dot_general3A_84 {offsets = [0, 0], sizes = [4096, 128], strides = [1, 1]} : vector<4096x1024xf32> to vector<4096x128xf32>
    %reshape3A_89 = vector.shape_cast %broadcast_in_dim3A_87 : vector<512x8x128xf32> to vector<4096x128xf32>
    %mul3A = arith.mulf %slice3A_88, %reshape3A_89 : vector<4096x128xf32>
    %add3A_90 = arith.addf %broadcast_in_dim3A_85, %mul3A : vector<4096x128xf32>
    %slice3A_91 = vector.extract_strided_slice %concatenate3A {offsets = [0, 1, 0], sizes = [512, 1, 128], strides = [1, 1, 1]} : vector<512x8x128xf32> to vector<512x1x128xf32>
    %broadcast_in_dim3A_92 = vector.shape_cast %slice3A_91 : vector<512x1x128xf32> to vector<512x1x128xf32>
    %broadcast_in_dim3A_93 = vector.broadcast %broadcast_in_dim3A_92 : vector<512x1x128xf32> to vector<512x8x128xf32>
    %slice3A_94 = vector.extract_strided_slice %dot_general3A_84 {offsets = [0, 128], sizes = [4096, 128], strides = [1, 1]} : vector<4096x1024xf32> to vector<4096x128xf32>
    %reshape3A_95 = vector.shape_cast %broadcast_in_dim3A_93 : vector<512x8x128xf32> to vector<4096x128xf32>
    %mul3A_96 = arith.mulf %slice3A_94, %reshape3A_95 : vector<4096x128xf32>
    %add3A_97 = arith.addf %add3A_90, %mul3A_96 : vector<4096x128xf32>
    %slice3A_98 = vector.extract_strided_slice %concatenate3A {offsets = [0, 2, 0], sizes = [512, 1, 128], strides = [1, 1, 1]} : vector<512x8x128xf32> to vector<512x1x128xf32>
    %broadcast_in_dim3A_99 = vector.shape_cast %slice3A_98 : vector<512x1x128xf32> to vector<512x1x128xf32>
    %broadcast_in_dim3A_100 = vector.broadcast %broadcast_in_dim3A_99 : vector<512x1x128xf32> to vector<512x8x128xf32>
    %slice3A_101 = vector.extract_strided_slice %dot_general3A_84 {offsets = [0, 256], sizes = [4096, 128], strides = [1, 1]} : vector<4096x1024xf32> to vector<4096x128xf32>
    %reshape3A_102 = vector.shape_cast %broadcast_in_dim3A_100 : vector<512x8x128xf32> to vector<4096x128xf32>
    %mul3A_103 = arith.mulf %slice3A_101, %reshape3A_102 : vector<4096x128xf32>
    %add3A_104 = arith.addf %add3A_97, %mul3A_103 : vector<4096x128xf32>
    %slice3A_105 = vector.extract_strided_slice %concatenate3A {offsets = [0, 3, 0], sizes = [512, 1, 128], strides = [1, 1, 1]} : vector<512x8x128xf32> to vector<512x1x128xf32>
    %broadcast_in_dim3A_106 = vector.shape_cast %slice3A_105 : vector<512x1x128xf32> to vector<512x1x128xf32>
    %broadcast_in_dim3A_107 = vector.broadcast %broadcast_in_dim3A_106 : vector<512x1x128xf32> to vector<512x8x128xf32>
    %slice3A_108 = vector.extract_strided_slice %dot_general3A_84 {offsets = [0, 384], sizes = [4096, 128], strides = [1, 1]} : vector<4096x1024xf32> to vector<4096x128xf32>
    %reshape3A_109 = vector.shape_cast %broadcast_in_dim3A_107 : vector<512x8x128xf32> to vector<4096x128xf32>
    %mul3A_110 = arith.mulf %slice3A_108, %reshape3A_109 : vector<4096x128xf32>
    %add3A_111 = arith.addf %add3A_104, %mul3A_110 : vector<4096x128xf32>
    %slice3A_112 = vector.extract_strided_slice %concatenate3A {offsets = [0, 4, 0], sizes = [512, 1, 128], strides = [1, 1, 1]} : vector<512x8x128xf32> to vector<512x1x128xf32>
    %broadcast_in_dim3A_113 = vector.shape_cast %slice3A_112 : vector<512x1x128xf32> to vector<512x1x128xf32>
    %broadcast_in_dim3A_114 = vector.broadcast %broadcast_in_dim3A_113 : vector<512x1x128xf32> to vector<512x8x128xf32>
    %slice3A_115 = vector.extract_strided_slice %dot_general3A_84 {offsets = [0, 512], sizes = [4096, 128], strides = [1, 1]} : vector<4096x1024xf32> to vector<4096x128xf32>
    %reshape3A_116 = vector.shape_cast %broadcast_in_dim3A_114 : vector<512x8x128xf32> to vector<4096x128xf32>
    %mul3A_117 = arith.mulf %slice3A_115, %reshape3A_116 : vector<4096x128xf32>
    %add3A_118 = arith.addf %add3A_111, %mul3A_117 : vector<4096x128xf32>
    %slice3A_119 = vector.extract_strided_slice %concatenate3A {offsets = [0, 5, 0], sizes = [512, 1, 128], strides = [1, 1, 1]} : vector<512x8x128xf32> to vector<512x1x128xf32>
    %broadcast_in_dim3A_120 = vector.shape_cast %slice3A_119 : vector<512x1x128xf32> to vector<512x1x128xf32>
    %broadcast_in_dim3A_121 = vector.broadcast %broadcast_in_dim3A_120 : vector<512x1x128xf32> to vector<512x8x128xf32>
    %slice3A_122 = vector.extract_strided_slice %dot_general3A_84 {offsets = [0, 640], sizes = [4096, 128], strides = [1, 1]} : vector<4096x1024xf32> to vector<4096x128xf32>
    %reshape3A_123 = vector.shape_cast %broadcast_in_dim3A_121 : vector<512x8x128xf32> to vector<4096x128xf32>
    %mul3A_124 = arith.mulf %slice3A_122, %reshape3A_123 : vector<4096x128xf32>
    %add3A_125 = arith.addf %add3A_118, %mul3A_124 : vector<4096x128xf32>
    %slice3A_126 = vector.extract_strided_slice %concatenate3A {offsets = [0, 6, 0], sizes = [512, 1, 128], strides = [1, 1, 1]} : vector<512x8x128xf32> to vector<512x1x128xf32>
    %broadcast_in_dim3A_127 = vector.shape_cast %slice3A_126 : vector<512x1x128xf32> to vector<512x1x128xf32>
    %broadcast_in_dim3A_128 = vector.broadcast %broadcast_in_dim3A_127 : vector<512x1x128xf32> to vector<512x8x128xf32>
    %slice3A_129 = vector.extract_strided_slice %dot_general3A_84 {offsets = [0, 768], sizes = [4096, 128], strides = [1, 1]} : vector<4096x1024xf32> to vector<4096x128xf32>
    %reshape3A_130 = vector.shape_cast %broadcast_in_dim3A_128 : vector<512x8x128xf32> to vector<4096x128xf32>
    %mul3A_131 = arith.mulf %slice3A_129, %reshape3A_130 : vector<4096x128xf32>
    %add3A_132 = arith.addf %add3A_125, %mul3A_131 : vector<4096x128xf32>
    %slice3A_133 = vector.extract_strided_slice %concatenate3A {offsets = [0, 7, 0], sizes = [512, 1, 128], strides = [1, 1, 1]} : vector<512x8x128xf32> to vector<512x1x128xf32>
    %broadcast_in_dim3A_134 = vector.shape_cast %slice3A_133 : vector<512x1x128xf32> to vector<512x1x128xf32>
    %broadcast_in_dim3A_135 = vector.broadcast %broadcast_in_dim3A_134 : vector<512x1x128xf32> to vector<512x8x128xf32>
    %slice3A_136 = vector.extract_strided_slice %dot_general3A_84 {offsets = [0, 896], sizes = [4096, 128], strides = [1, 1]} : vector<4096x1024xf32> to vector<4096x128xf32>
    %reshape3A_137 = vector.shape_cast %broadcast_in_dim3A_135 : vector<512x8x128xf32> to vector<4096x128xf32>
    %mul3A_138 = arith.mulf %slice3A_136, %reshape3A_137 : vector<4096x128xf32>
    %add3A_139 = arith.addf %add3A_132, %mul3A_138 : vector<4096x128xf32>
    %get3A_140 = arith.constant 0 : index
    %get3A_141 = arith.constant 0 : index
    %get3A_142 = vector.load %arg7[%get3A_140, %get3A_141] : memref<1x64xf32, #tpu.memory_space<vmem>>, vector<1x64xf32>
    %get3A_143 = arith.constant 0 : index
    %get3A_144 = arith.constant 0 : index
    %get3A_145 = vector.load %arg8[%get3A_143, %get3A_144] : memref<1x64xf32, #tpu.memory_space<vmem>>, vector<1x64xf32>
    %concatenate3A_146 = tpu.concatenate %get3A_142, %get3A_145 in 1 : vector<1x64xf32>, vector<1x64xf32> -> vector<1x128xf32>
    %iota3A_147 = tpu.iota {dimensions = array<i32: 1>} : vector<1x128xi32>
    %lt3A_148 = arith.constant 64 : i32
    %lt3A_149 = vector.broadcast %lt3A_148 : i32 to vector<1x128xi32>
    %lt3A_150 = arith.cmpi slt, %iota3A_147, %lt3A_149 : vector<1x128xi32>
    %get3A_151 = arith.constant 0 : index
    %get3A_152 = arith.constant 0 : index
    %get3A_153 = vector.load %arg9[%get3A_151, %get3A_152] : memref<1x1xf32, #tpu.memory_space<vmem>>, vector<1x1xf32>
    %get3A_154 = vector.extract %get3A_153[0, 0] : f32 from vector<1x1xf32>
    %get3A_155 = arith.constant 0 : index
    %get3A_156 = arith.constant 0 : index
    %get3A_157 = vector.load %arg10[%get3A_155, %get3A_156] : memref<1x1xf32, #tpu.memory_space<vmem>>, vector<1x1xf32>
    %get3A_158 = vector.extract %get3A_157[0, 0] : f32 from vector<1x1xf32>
    %broadcast_in_dim3A_159 = vector.broadcast %get3A_154 : f32 to vector<1x128xf32>
    %broadcast_in_dim3A_160 = vector.broadcast %get3A_158 : f32 to vector<1x128xf32>
    %select_n3A_161 = arith.select %lt3A_150, %broadcast_in_dim3A_159, %broadcast_in_dim3A_160 : vector<1x128xi1>, vector<1x128xf32>
    %add3A_162 = vector.broadcast %concatenate3A_146 : vector<1x128xf32> to vector<4096x128xf32>
    %add3A_163 = arith.addf %add3A_139, %add3A_162 : vector<4096x128xf32>
    %ge3A_164 = arith.constant 0.000000e+00 : f32
    %ge3A_165 = vector.broadcast %ge3A_164 : f32 to vector<4096x128xf32>
    %ge3A_166 = arith.cmpf oge, %add3A_163, %ge3A_165 : vector<4096x128xf32>
    %mul3A_167 = vector.broadcast %select_n3A_161 : vector<1x128xf32> to vector<4096x128xf32>
    %mul3A_168 = arith.mulf %mul3A_167, %add3A_163 : vector<4096x128xf32>
    %select_n3A_169 = arith.select %ge3A_166, %add3A_163, %mul3A_168 : vector<4096x128xi1>, vector<4096x128xf32>
    %reshape3A_170 = vector.shape_cast %select_n3A_169 : vector<4096x128xf32> to vector<512x8x128xf32>
    %slice3A_171 = vector.extract_strided_slice %reshape3A_170 {offsets = [0, 0, 0], sizes = [512, 8, 64], strides = [1, 1, 1]} : vector<512x8x128xf32> to vector<512x8x64xf32>
    %slice3A_172 = vector.extract_strided_slice %reshape3A_170 {offsets = [0, 0, 64], sizes = [512, 8, 64], strides = [1, 1, 1]} : vector<512x8x128xf32> to vector<512x8x64xf32>
    %mul3A_173 = arith.mulf %slice3A_171, %slice3A_171 : vector<512x8x64xf32>
    %reduce_sum3A = arith.constant dense<0.000000e+00> : vector<512x8xf32>
    %reduce_sum3A_174 = vector.multi_reduction <add>, %mul3A_173, %reduce_sum3A [2] : vector<512x8x64xf32> to vector<512x8xf32>
    %broadcast_in_dim3A_175 = vector.shape_cast %reduce_sum3A_174 : vector<512x8xf32> to vector<512x8x1xf32>
    %max3A = arith.constant 1.000000e-24 : f32
    %max3A_176 = vector.broadcast %max3A : f32 to vector<512x8x1xf32>
    %max3A_177 = arith.maximumf %broadcast_in_dim3A_175, %max3A_176 : vector<512x8x1xf32>
    %rsqrt3A = math.rsqrt %max3A_177 : vector<512x8x1xf32>
    %mul3A_178 = vector.broadcast %rsqrt3A : vector<512x8x1xf32> to vector<512x8x64xf32>
    %mul3A_179 = arith.mulf %slice3A_171, %mul3A_178 : vector<512x8x64xf32>
    %slice3A_180 = vector.extract_strided_slice %mul3A_179 {offsets = [0, 7, 0], sizes = [512, 1, 64], strides = [1, 1, 1]} : vector<512x8x64xf32> to vector<512x1x64xf32>
    %squeeze3A = vector.shape_cast %slice3A_180 : vector<512x1x64xf32> to vector<512x64xf32>
    %swap3A = arith.constant 0 : index
    %swap3A_181 = arith.constant 0 : index
    %swap3A_182 = vector.load %arg12[%swap3A, %swap3A_181] : memref<512x64xf32, #tpu.memory_space<vmem>>, vector<512x64xf32>
    tpu.vector_store %arg12[%swap3A, %swap3A_181], %squeeze3A {strides = array<i32>} : memref<512x64xf32, #tpu.memory_space<vmem>>, vector<512x64xf32>,
    %slice3A_183 = vector.extract_strided_slice %slice3A_172 {offsets = [0, 0, 0], sizes = [512, 7, 64], strides = [1, 1, 1]} : vector<512x8x64xf32> to vector<512x7x64xf32>
    %reduce_sum3A_184 = arith.constant dense<0.000000e+00> : vector<512x64xf32>
    %reduce_sum3A_185 = vector.multi_reduction <add>, %slice3A_183, %reduce_sum3A_184 [1] : vector<512x7x64xf32> to vector<512x64xf32>
    %mul3A_186 = arith.constant 0.142857149 : f32
    %mul3A_187 = vector.broadcast %mul3A_186 : f32 to vector<512x64xf32>
    %mul3A_188 = arith.mulf %reduce_sum3A_185, %mul3A_187 : vector<512x64xf32>
    %broadcast_in_dim3A_189 = vector.shape_cast %mul3A_188 : vector<512x64xf32> to vector<512x1x64xf32>
    %broadcast_in_dim3A_190 = vector.shape_cast %broadcast_in_dim3A_189 : vector<512x1x64xf32> to vector<512x1x64xf32>
    %broadcast_in_dim3A_191 = vector.broadcast %broadcast_in_dim3A_190 : vector<512x1x64xf32> to vector<512x8x64xf32>
    %concatenate3A_192 = tpu.concatenate %mul3A_179, %broadcast_in_dim3A_191 in 2 : vector<512x8x64xf32>, vector<512x8x64xf32> -> vector<512x8x128xf32>
    %reshape3A_193 = vector.shape_cast %concatenate3A_192 : vector<512x8x128xf32> to vector<4096x128xf32>
    %swap3A_194 = arith.constant 0 : index
    %swap3A_195 = arith.constant 0 : index
    %swap3A_196 = vector.load %arg11[%swap3A_194, %swap3A_195] : memref<4096x128xf32, #tpu.memory_space<vmem>>, vector<4096x128xf32>
    tpu.vector_store %arg11[%swap3A_194, %swap3A_195], %reshape3A_193 {strides = array<i32>} : memref<4096x128xf32, #tpu.memory_space<vmem>>, vector<4096x128xf32>,
    return
  }
  func.func @transform_0(%arg0: i32) -> (i32, i32) {
    %c0_i32 = arith.constant 0 : i32
    %c0_i32_0 = arith.constant 0 : i32
    return %arg0, %c0_i32 : i32, i32
  }
  func.func @transform_1(%arg0: i32) -> (i32, i32, i32) {
    %c0_i32 = arith.constant 0 : i32
    %c0_i32_0 = arith.constant 0 : i32
    %c0_i32_1 = arith.constant 0 : i32
    return %arg0, %c0_i32, %c0_i32_0 : i32, i32, i32
  }
  func.func @transform_2(%arg0: i32) -> (i32, i32) {
    %c0_i32 = arith.constant 0 : i32
    %c0_i32_0 = arith.constant 0 : i32
    return %arg0, %c0_i32 : i32, i32
  }
  func.func @transform_3(%arg0: i32) -> (i32, i32, i32) {
    %c0_i32 = arith.constant 0 : i32
    %c0_i32_0 = arith.constant 0 : i32
    %c0_i32_1 = arith.constant 0 : i32
    return %arg0, %c0_i32, %c0_i32_0 : i32, i32, i32
  }
  func.func @transform_4(%arg0: i32) -> (i32, i32) {
    %c0_i32 = arith.constant 0 : i32
    %c0_i32_0 = arith.constant 0 : i32
    %c0_i32_1 = arith.constant 0 : i32
    return %c0_i32, %c0_i32_0 : i32, i32
  }
  func.func @transform_5(%arg0: i32) -> (i32, i32) {
    %c0_i32 = arith.constant 0 : i32
    %c0_i32_0 = arith.constant 0 : i32
    %c0_i32_1 = arith.constant 0 : i32
    return %c0_i32, %c0_i32_0 : i32, i32
  }
  func.func @transform_6(%arg0: i32) -> (i32, i32) {
    %c0_i32 = arith.constant 0 : i32
    %c0_i32_0 = arith.constant 0 : i32
    %c0_i32_1 = arith.constant 0 : i32
    return %c0_i32, %c0_i32_0 : i32, i32
  }
  func.func @transform_7(%arg0: i32) -> (i32, i32) {
    %c0_i32 = arith.constant 0 : i32
    %c0_i32_0 = arith.constant 0 : i32
    %c0_i32_1 = arith.constant 0 : i32
    return %c0_i32, %c0_i32_0 : i32, i32
  }
  func.func @transform_8(%arg0: i32) -> (i32, i32) {
    %c0_i32 = arith.constant 0 : i32
    %c0_i32_0 = arith.constant 0 : i32
    %c0_i32_1 = arith.constant 0 : i32
    return %c0_i32, %c0_i32_0 : i32, i32
  }
  func.func @transform_9(%arg0: i32) -> (i32, i32) {
    %c0_i32 = arith.constant 0 : i32
    %c0_i32_0 = arith.constant 0 : i32
    %c0_i32_1 = arith.constant 0 : i32
    return %c0_i32, %c0_i32_0 : i32, i32
  }
  func.func @transform_10(%arg0: i32) -> (i32, i32) {
    %c0_i32 = arith.constant 0 : i32
    %c0_i32_0 = arith.constant 0 : i32
    return %arg0, %c0_i32 : i32, i32
  }
  func.func @transform_11(%arg0: i32) -> (i32, i32) {
    %c0_i32 = arith.constant 0 : i32
    %c0_i32_0 = arith.constant 0 : i32
    return %arg0, %c0_i32 : i32, i32
  }
}

</mosaic_0001>

<sc_bundles>
// kernel: kernel.4.cloned.1.call-start
scs
__scs_entry_jumppad:
0x0: {  	(pc) =	sbr.rel $0x88, $3  }
0x1: {  	(tag) =	ssettag $0x0;
	lr =	simm.s32 $0x1  }
0x2: {  	[smem:$0x3F95] =	sst lr;
	_ =	strace $0xD0000000  }
0x3: {  	_ = 	snop  }
0x4: {  	_ = 	snop  }
0x5: {  	_ = 	snop  }
0x6: {  	_ = 	snop  }
0x7: {  	_ = 	snop  }
__scs_overlays_trampoline_lowered:
0x8: {  	[smem:$0x3FA4] =	sst s0  }
0x9: {  	[smem:$0x3FA5] =	sst s1  }
0xa: {  	[smem:$0x3FA6] =	sst s2  }
0xb: {  	[smem:$0x3FA7] =	sst s3  }
0xc: {  	[smem:$0x3FA8] =	sst s4  }
0xd: {  	[smem:$0x3FA9] =	sst s5  }
0xe: {  	[smem:$0x3FAA] =	sst s6  }
0xf: {  	[smem:$0x3FAB] =	sst s7  }
0x10: {  	[smem:$0x3FAC] =	sst s8  }
0x11: {  	[smem:$0x3FAD] =	sst s9;
	s0 =	simm.s32 @!p0 $0x0  }
0x12: {  	s1 =	sld [smem:$0x3F93];
	s0 =	simm.s32 @p0 $0x1  }
0x13: {  	[smem:$0x3FAE] =	sst s0;
	s0 =	simm.s32 @!p1 $0x0  }
0x14: {  	s2 =	sld [smem:$0x3F92];
	s0 =	simm.s32 @p1 $0x1  }
0x15: {  	[smem:$0x3FAF] =	sst s0;
	s0 =	simm.s32 @!p2 $0x0  }
0x16: {  	s3 =	sld [smem:$0x3FDB];
	s0 =	simm.s32 @p2 $0x1  }
0x17: {  	s4 =	simm.s32 $0x1BF5;
	[smem:$0x3FB1] =	sst s0  }
0x18: {  	s0 =	sld [smem:$0x3F94];
	_ =	swait.ge [sflag:s4], $0x0  }
0x19: {  	s7 =	sld [smem:$0x3F95]  }
0x1a: {  	s8 =	sadd.s32 $0xFFFFE003, lr  }
0x1b: {  	s9 =	sadd.s32 $0xFFFFFEF7, lr;
	s5 =	simm.s32 $0xFFFFFFFF;
	p2 =	slt.u32 s8, $0xFFFFF086  }
0x1c: {  	p1 =	slt.u32 s9, $0xF7A;
	s5 =	simm.s32 @!p2 $0x0  }
0x1d: {  	s5 =	simm.s32 @p1 $0x1;
	p0 =	seq.s32 s7, s2  }
0x1e: {  	s7 =	smul.u32 @!p0 $0xF7A, s2;
	p2 =	seq.s32 @!p0 s5, $0x0  }
0x1f: {  	s9 =	smul.u32 $0xF7A, s1;
	s8 =	simm.s32 @!p0 $0x1BF5;
	p2 =	por !p2, p0  }
0x20: {  	[sflag:s8] =	ssyncset.s32 @!p0 $0xFFFFF086;
	s6 =	sadd.s32 @!p0 s3, s7;
	s7 =	simm.s32 @!p0 $0x108  }
0x21: {  	s3 =	sadd.s32 s3, s9;
	s6 =	sadd.s32 @!p0 $0x88, s6;
	s7 =	simm.s32 @p2 $0x1082  }
0x22: {  	[simem:s7], [sflag:s8] =	dma.local @!p0 [hbm:s6], $0xF7A  }
0x23: {  	s9 =	sor.u32 $0xD0000000, s2;
	s6 =	simm.s32 $0x108;
	_ =	swait.ge @!p0 [sflag:s8], $0x0  }
0x24: {  	s3 =	sadd.s32 $0x88, s3;
	s6 =	simm.s32 @!p1 $0x1082;
	[sflag:s4] =	ssyncset.s32 $0xFFFFF086  }
0x25: {  	[simem:s6], [sflag:s4] =	dma.local [hbm:s3], $0xF7A  }
0x26: {  	[smem:$0x3F95] =	sst s1;
	(tag) =	ssettag s2;
	_ =	strace s9  }
0x27: {  	s1 =	sld [smem:$0x3FA5]  }
0x28: {  	s2 =	sld [smem:$0x3FA6]  }
0x29: {  	s4 =	sld [smem:$0x3FA8]  }
0x2a: {  	p0 =	seq.s32 s5, $0x0;
	s5 =	sld [smem:$0x3FA9]  }
0x2b: {  	s6 =	sld [smem:$0x3FAA]  }
0x2c: {  	s7 =	sld [smem:$0x3FAB]  }
0x2d: {  	s3 =	simm.s32 $0x108;
	s8 =	sld [smem:$0x3FAC]  }
0x2e: {  	s3 =	simm.s32 @!p0 $0x1082;
	s9 =	sld [smem:$0x3FAD]  }
0x2f: {  	lr =	sadd.s32 s0, s3;
	s0 =	sld [smem:$0x3FA4]  }
0x30: {  	s3 =	sld [smem:$0x3FA7]  }
0x31: {  	[smem:$0x3FB0] =	sst s10  }
0x32: {  	s10 =	sld [smem:$0x3FAE];
	_ =	sdelay $0x3  }
0x33: {  	p0 =	seq.s32 s10, $0x1;
	s10 =	sld [smem:$0x3FB0];
	_ =	sdelay $0x3  }
0x34: {  	[smem:$0x3FB0] =	sst s10  }
0x35: {  	s10 =	sld [smem:$0x3FAF];
	_ =	sdelay $0x3  }
0x36: {  	p1 =	seq.s32 s10, $0x1;
	s10 =	sld [smem:$0x3FB0];
	_ =	sdelay $0x3  }
0x37: {  	[smem:$0x3FB0] =	sst s10  }
0x38: {  	s10 =	sld [smem:$0x3FB1]  }
0x39: {  	_ = 	snop;
	(pc) =	sbr.ind lr, $3  }
0x3a: {  	_ = 	snop  }
0x3b: {  	_ = 	snop  }
0x3c: {  	p2 =	seq.s32 s10, $0x1;
	s10 =	sld [smem:$0x3FB0]  }
0x3d: {  	_ =	shalt  }
0x3e: {  	_ =	shalt  }
0x3f: {  	_ =	shalt  }
0x40: {  	_ =	shalt  }
0x41: {  	_ =	shalt  }
0x42: {  	_ =	shalt  }
0x43: {  	_ =	shalt  }
0x44: {  	_ =	shalt  }
0x45: {  	_ =	shalt  }
0x46: {  	_ =	shalt  }
0x47: {  	_ =	shalt  }
0x48: {  	_ =	shalt  }
0x49: {  	_ =	shalt  }
0x4a: {  	_ =	shalt  }
0x4b: {  	_ =	shalt  }
0x4c: {  	_ =	shalt  }
0x4d: {  	_ =	shalt  }
0x4e: {  	_ =	shalt  }
0x4f: {  	_ =	shalt  }
0x50: {  	_ =	shalt  }
0x51: {  	_ =	shalt  }
0x52: {  	_ =	shalt  }
0x53: {  	_ =	shalt  }
0x54: {  	_ =	shalt  }
0x55: {  	_ =	shalt  }
0x56: {  	_ =	shalt  }
0x57: {  	_ =	shalt  }
0x58: {  	_ =	shalt  }
0x59: {  	_ =	shalt  }
0x5a: {  	_ =	shalt  }
0x5b: {  	_ =	shalt  }
0x5c: {  	_ =	shalt  }
0x5d: {  	_ =	shalt  }
0x5e: {  	_ =	shalt  }
0x5f: {  	_ =	shalt  }
0x60: {  	_ =	shalt  }
0x61: {  	_ =	shalt  }
0x62: {  	_ =	shalt  }
0x63: {  	_ =	shalt  }
0x64: {  	_ =	shalt  }
0x65: {  	_ =	shalt  }
0x66: {  	_ =	shalt  }
0x67: {  	_ =	shalt  }
0x68: {  	_ =	shalt  }
0x69: {  	_ =	shalt  }
0x6a: {  	_ =	shalt  }
0x6b: {  	_ =	shalt  }
0x6c: {  	_ =	shalt  }
0x6d: {  	_ =	shalt  }
0x6e: {  	_ =	shalt  }
0x6f: {  	_ =	shalt  }
0x70: {  	_ =	shalt  }
0x71: {  	_ =	shalt  }
0x72: {  	_ =	shalt  }
0x73: {  	_ =	shalt  }
0x74: {  	_ =	shalt  }
0x75: {  	_ =	shalt  }
0x76: {  	_ =	shalt  }
0x77: {  	_ =	shalt  }
0x78: {  	_ =	shalt  }
0x79: {  	_ =	shalt  }
0x7a: {  	_ =	shalt  }
0x7b: {  	_ =	shalt  }
0x7c: {  	_ =	shalt  }
0x7d: {  	_ =	shalt  }
0x7e: {  	_ =	shalt  }
0x7f: {  	_ =	shalt  }
0x80: {  	_ =	shalt  }
0x81: {  	_ =	shalt  }
0x82: {  	_ =	shalt  }
0x83: {  	_ =	shalt  }
0x84: {  	_ =	shalt  }
0x85: {  	_ =	shalt  }
0x86: {  	_ =	shalt  }
0x87: {  	_ =	shalt  }
.Lfunc_end0:
.L_simem_size_0:
called_computation_lowered:
.L_overlay_start_0:
0x88: {  	s2 =	sld [smem:$0x3FD9]  }
0x89: {  	s3 =	sld [smem:$0x3FFE];
	_ =	sdelay $0x1  }
0x8a: {  	s1 =	srdreg.scid  }
0x8b: {  	s0 =	sand.u32 $0x1, s1  }
0x8c: {  	s14 =	sshll.u32 s0, $0xA;
	s2 =	sadd.s32 s3, s2  }
0x8d: {  	s2 =	sadd.s32 s2, s14  }
0x8e: {  	[smem:$0x3FBC] =	sst s2  }
0x8f: {  	_ = 	snop  }
0x90: {  	s2 =	sld [smem:$0x3FD0];
	_ =	sdelay $0x2  }
0x91: {  	s15 =	simm.s32 $0xA;
	s4 =	simm.s32 $0x10  }
0x92: {  	[smem:s4], [sflag:s15] =	dma.local [hbm:s2], $0x1  }
0x93: {  	_ =	swait.eq [sflag:s15], $0x1  }
0x94: {  	[sflag:s15] =	ssyncset.done $0x0  }
0x95: {  	[sflag:s15] =	ssyncadd.s32 $0xFFFFFFFF  }
0x96: {  	s16 =	sld [smem:$0x11];
	(tm) =	ssettm $0x1  }
0x97: {  	s17 =	sld [smem:$0x3FFB];
	_ =	sdelay $0x3  }
0x98: {  	_ =	strace s17  }
0x99: {  	s3 =	sld [smem:$0x3FFC];
	_ =	sdelay $0x3  }
0x9a: {  	_ =	strace s3  }
0x9b: {  	s3 =	sld [smem:$0x3FFD];
	_ =	sdelay $0x3  }
0x9c: {  	_ =	strace s3  }
0x9d: {  	_ =	strace $0x8FFFFFFF  }
0x9e: {  	s18 =	sld [smem:$0x3FDB];
	_ =	sdelay $0x1  }
0x9f: {  	s19 =	simm.s32 $_scs_section_size  }
0xa0: {  	s5 =	simm.s32 $_size__tile_overlayer_lowered;
	s6 =	simm.s32 $_tile_overlayer_lowered  }
0xa1: {  	s22 =	simm.s32 $0x1BFF;
	s21 =	sshll.u32 s6, $0x1;
	s3 =	sadd.s32 s19, s18  }
0xa2: {  	s7 =	simm.s32 $0x0;
	s20 =	sshll.u32 s5, $0x1;
	s5 =	sadd.s32 s21, s3  }
0xa3: {  	[timem:s7], [sflag:s22] =	dma.local [hbm:s5], s20  }
0xa4: {  	_ =	swait.ge [sflag:s22], s20  }
0xa5: {  	s4 =	ssub.s32 $0x0, s20;
	[sflag:s22] =	ssyncset.done $0x0  }
0xa6: {  	[sflag:s22] =	ssyncadd.s32 s4;
	_ =	sdelay $0x1  }
0xa7: {  	s23 =	simm.s32 $0x1B8B  }
0xa8: {  	_ =	swait.ge [sflag:s23], $0x1  }
0xa9: {  	[sflag:s23] =	ssyncset.done $0x0  }
0xaa: {  	s25 =	simm.s32 $0x1B8E;
	s24 =	sld [smem:$0x3FFE];
	[sflag:s23] =	ssyncadd.s32 $0xFFFFFFFF  }
0xab: {  	s26 =	simm.s32 $execute0_lowered;
	[smem:$0x3FD2] =	sst s25  }
0xac: {  	s5 =	sshll.u32 s26, $0x1;
	_ =	strace $0x80000046;
	[dreg:$0x1] =	wrdreg $0xFFFFFFFF  }
0xad: {  	s28 =	simm.s32 $_size_execute0_lowered;
	s3 =	sadd.s32 s3, s5;
	[dreg:$0x0] =	wrdreg $0x0  }
0xae: {  	s5 =	sshll.u32 s28, $0x1;
	[dreg:$0x2] =	wrdreg s3  }
0xaf: {  	[dreg:$0x3] =	wrdreg s5  }
0xb0: {  	[dreg:$0x4] =	wrdreg $0xC0  }
0xb1: {  	_ =	task [dreg:s7], $0x5FFFF  }
0xb2: {  	[dreg:$0x1] =	wrdreg $0xFFFFFFFF  }
0xb3: {  	[dreg:$0x0] =	wrdreg $0x60  }
0xb4: {  	[dreg:$0x2] =	wrdreg s24  }
0xb5: {  	[dreg:$0x3] =	wrdreg s16  }
0xb6: {  	[dreg:$0x4] =	wrdreg $0x9  }
0xb7: {  	_ =	task.clear_ibuf [dreg:s7], $0x5FFFF;
	_ =	strace $0x90000046  }
0xb8: {  	s29 =	simm.s32 $0x9;
	_ =	strace $0x80000048  }
0xb9: {  	_ =	swait.ge [sflag:s29], $0x1  }
0xba: {  	[sflag:s29] =	ssyncadd.s32 $0xFFFFFFFF  }
0xbb: {  	_ =	strace $0x90000048  }
0xbc: {  	_ =	sfence  }
0xbd: {  	s30 =	sld [smem:$0x0];
	_ =	sdelay $0x2  }
0xbe: {  	s31 =	sshll.u32 s1, $0xD;
	s1 =	sshrl.u32 s1, $0x2  }
0xbf: {  	s3 =	sand.u32 $0x4000, s31;
	s1 =	sadd.s32 s1, s30  }
0xc0: {  	s0 =	sor.u32 s3, s0;
	s1 =	sshll.u32 s1, $0x11  }
0xc1: {  	s0 =	sor.u32 s1, s0  }
0xc2: {  	s0 =	sadd.s32 $0x8F2B, s0  }
0xc3: {  	[sflag:s0] =	ssyncadd.remote.s32 $0x1  }
0xc4: {  	_ =	sfence.sel $0xFFFF  }
0xc5: {  	[dreg:$0x0] =	wrdreg $0xFFFFFFFF;
	(pc) =	sbr.abs _section_cstart, $3  }
0xc6: {  	[dreg:$0x1] =	wrdreg $0xFFFFFFFF  }
0xc7: {  	_ =	task.clear_ibuf [dreg:s7], $0x2FFFF;
	_ =	strace $0x9FFFFFFF  }
0xc8: {  	(tm) =	ssettm $0x7FFFFFFF  }
0xc9: {  	_ =	shalt  }
tec
execute0_lowered:
.L_overlay_start_1:
0x0: {  	(tag) =	ssettag $0x1  }
0x1: {  	v0 =	vimm.s32 $0x76543210  }
0x2: {  	v1 =	vimm.s32 $0xFEDCBA98;
	v2 =	vimm.s32 $0xBA98FEDC;
	v3 =	vimm.s32 $0x32107654  }
0x3: {  	s0 =	rddreg [dreg:$0x0];
	v4 =	vimm.s32 $0xDCFE98BA;
	v5 =	vimm.s32 $0x54761032;
	v6 =	vimm.s32 $0xEFCDAB89  }
0x4: {  	s1 =	rddreg [dreg:$0x1];
	s2 =	simm.s32 $0x0;
	s3 =	srdreg.scid;
	v7 =	vimm.s32 $0x67452301;
	vm0 =	vmmov $0x1;
	vm1 =	vcmask $0x32C  }
0x5: {  	s4 =	stileid.u32;
	s11 =	simm.s32 $0x9;
	s17 =	simm.s32 $0x1;
	vm2 =	vcmask $0x72C;
	vm3 =	vcmask $0xB2C;
	vm4 =	vcmask $0xF2C  }
0x6: {  	s18 =	simm.s32 $0x3;
	s19 =	simm.s32 $0x19600;
	s20 =	simm.s32 $0x1B600;
	vm5 =	vcmask $0x132C;
	vm6 =	vcmask $0x172C;
	vm7 =	vcmask $0x1B2C  }
0x7: {  	s21 =	simm.s32 $0x2;
	s22 =	simm.s32 $0x4;
	s23 =	simm.s32 $0x1A600;
	v0 =	vunpack.c.l.s4.s8 v0;
	v1 =	vunpack.c.l.s4.s8 v1;
	v2 =	vunpack.c.l.s4.s8 v2  }
0x8: {  	s24 =	simm.s32 $0x1C600;
	s25 =	simm.s32 $0x5;
	s26 =	simm.s32 $0x7;
	v3 =	vunpack.c.l.s4.s8 v3;
	v4 =	vunpack.c.l.s4.s8 v4;
	v5 =	vunpack.c.l.s4.s8 v5  }
0x9: {  	s28 =	simm.s32 $0x6;
	s29 =	simm.s32 $0x8;
	s30 =	simm.s32 $0x0;
	v6 =	vunpack.c.l.s4.s8 v6;
	v7 =	vunpack.c.l.s4.s8 v7;
	v2 =	vunpack.c.0.s8.s32 v2  }
0xa: {  	[smem:$0x7FF] =	sst s2;
	s5 =	sand.u32 $0x1, s3;
	s4 =	sshll.u32 s4, $0x1;
	v3 =	vunpack.c.0.s8.s32 v3;
	v4 =	vunpack.c.0.s8.s32 v4;
	v5 =	vunpack.c.0.s8.s32 v5  }
0xb: {  	s3 =	sadd.s32 $0x402600, s0;
	_ =	strace $0x80000047;
	s6 =	sor.u32 s5, s4;
	v1 =	vunpack.c.0.s8.s32 v1;
	v6 =	vunpack.c.0.s8.s32 v6;
	v7 =	vunpack.c.0.s8.s32 v7  }
0xc: {  	vm8 =	vcmask $0x1F2C;
	s7 =	ssub.s32 $0x2, s5;
	s5 =	sadd.s32 $0x82600, s0;
	s8 =	smul.u32 $0x2C0, s6;
	v0 =	vunpack.c.0.s8.s32 v0;
	v2 =	vcombine.low v3, v2  }
0xd: {  	s4 =	sshll.u32 s6, $0xD;
	s6 =	sadd.s32 $0x42600, s0;
	s31 =	sshrl.u32 s7, $0x1;
	v3 =	vcombine.low v5, v4;
	v4 =	vcombine.low v7, v6;
	v1 =	vand.u32 $0xF, v1  }
0xe: {  	vm9 =	vcmask $0x232C;
	vm10 =	vcmask $0x272C;
	s9 =	sadd.s32 s4, s0;
	s0 =	ssub.s32 s7, s31;
	s7 =	sadd.s32 s1, s8;
	v0 =	vcombine.low v1, v0  }
0xf: {  	s8 =	sadd.s32 $0x2600, s9;
	s9 =	sadd.s32 $0x2800, s9;
	s10 =	smax.u32 s0, $0x1;
	v1 =	vand.u32 $0xF, v2;
	v2 =	vand.u32 $0xF, v3;
	v3 =	vand.u32 $0xF, v4  }
.LBB2_1:
0x10: {  	[tilespmem:s2], [sflag:$0x9] =	stream.linear.gather [hbm4b:s7+s2], $0x1600, $0x38;
	[tilespmem:$0x1D600] =	vst v63  }
0x11: {  	_ =	swait.ge [sflag:s11], $0x1600  }
0x12: {  	[sflag:s11] =	ssyncset.done $0x0  }
0x13: {  	s0 =	simm.s32 $0x160;
	s1 =	simm.s32 $0x3600;
	[sflag:s11] =	ssyncadd.s32 $0xFFFFEA00  }
0x14: {  	[tilespmem:s1], [sflag:$0x1] =	stream.indirect.gather [hbm4b:s3+s0], $0x80, s2, s0, $0xb8;
	[tilespmem:$0x1D600] =	vst v63  }
0x15: {  	s14 =	simm.s32 $0x1600  }
0x16: {  	[tilespmem:s14], [sflag:$0x3] =	stream.linear.gather [hbm4b:s8+s2], $0x1000, $0x38;
	[tilespmem:$0x1D600] =	vst v63  }
0x17: {  	s15 =	simm.s32 $0xE600  }
0x18: {  	[tilespmem:s15], [sflag:$0x2] =	stream.indirect.gather [hbm4b:s3+s0], $0x80, s0, s0, $0xb8;
	[tilespmem:$0x1D600] =	vst v63  }
0x19: {  	s16 =	simm.s32 $0x2600;
	s31 =	simm.s32 $0x0  }
0x1a: {  	[tilespmem:s16], [sflag:$0x4] =	stream.linear.gather [hbm4b:s9+s2], $0x1000, $0x38;
	[tilespmem:$0x1D600] =	vst v63  }
.LBB2_2:
0x1b: {  	_ =	swait.ge [sflag:s17], $0xB000  }
0x1c: {  	[sflag:s17] =	ssyncset.done $0x0  }
0x1d: {  	[sflag:s17] =	ssyncadd.s32 $0xFFFF5000  }
0x1e: {  	_ =	swait.ge [sflag:s18], $0x1000  }
0x1f: {  	p1 =	seq.s32 s31, $0x0;
	[sflag:s18] =	ssyncset.done $0x0  }
0x20: {  	s0 =	simm.s32 @!p1 $0x5;
	[sflag:s18] =	ssyncadd.s32 $0xFFFFF000  }
0x21: {  	_ =	swait.ge @!p1 [sflag:s0], $0x1000  }
0x22: {  	[sflag:s0] =	ssyncset.done @!p1 $0x0  }
0x23: {  	s1 =	simm.s32 @!p1 $0x7;
	[sflag:s0] =	ssyncadd.s32 @!p1 $0xFFFFF000  }
0x24: {  	_ =	swait.ge @!p1 [sflag:s1], $0x1000  }
0x25: {  	s13 =	simm.s32 $0x38C0;
	[sflag:s1] =	ssyncset.done @!p1 $0x0  }
0x26: {  	s0 =	sshll.u32 s31, $0x1;
	[sflag:s1] =	ssyncadd.s32 @!p1 $0xFFFFF000;
	s1 =	simm.s32 $0x0  }
.LBB2_3:
0x27: {  	v8 =	vld [tilespmem:s13+$0xFFFFFD40]  }
0x28: {  	v9 =	vld [tilespmem:s13+$0xFFFFFD50]  }
0x29: {  	v10 =	vld [tilespmem:s13+$0xFFFFFD60]  }
0x2a: {  	v11 =	vld [tilespmem:s13+$0xFFFFFD70]  }
0x2b: {  	v12 =	vld [tilespmem:s13+$0xFFFFFD80]  }
0x2c: {  	v13 =	vld [tilespmem:s13+$0xFFFFFD90]  }
0x2d: {  	v14 =	vld [tilespmem:s13+$0xFFFFFDA0]  }
0x2e: {  	v15 =	vld [tilespmem:s13+$0xFFFFFDB0]  }
0x2f: {  	v16 =	vld [tilespmem:s13+$0xFFFFFDC0]  }
0x30: {  	v17 =	vld [tilespmem:s13+$0xFFFFFDD0]  }
0x31: {  	v18 =	vld [tilespmem:s13+$0xFFFFFE00]  }
0x32: {  	v26 =	vld [tilespmem:s13+$0xFFFFFE10]  }
0x33: {  	s14 =	sshra.s32 s1, $0x2;
	v28 =	vld [tilespmem:s13+$0xFFFFFDE0]  }
0x34: {  	v6 =	vld [tilespmem:s14+$0x1600]  }
0x35: {  	v7 =	vld [tilespmem:s14+$0x1610]  }
0x36: {  	v30 =	vld [tilespmem:s13+$0xFFFFFE20]  }
0x37: {  	v5 =	vld [tilespmem:s14+$0x1620]  }
0x38: {  	v4 =	vld [tilespmem:s14+$0x1630]  }
0x39: {  	v32 =	vld [tilespmem:s13+$0xFFFFFDF0]  }
0x3a: {  	v35 =	vld [tilespmem:s13+$0xFFFFFE30];
	v8 =	vmul.f32 v8, v6;
	v9 =	vmul.f32 v9, v7  }
0x3b: {  	v46 =	vld [tilespmem:s13+$0xFFFFFE40];
	v12 =	vmul.f32 v12, v6;
	v13 =	vmul.f32 v13, v7  }
0x3c: {  	v48 =	vld [tilespmem:s13+$0xFFFFFE50];
	v25 =	vmul.f32 v10, v5;
	v27 =	vmul.f32 v14, v5  }
0x3d: {  	v20 =	vld [tilespmem:s13+$0xFFFFFE90];
	v29 =	vmul.f32 v11, v4;
	v31 =	vmul.f32 v15, v4  }
0x3e: {  	v57 =	vld [tilespmem:s13+$0xFFFFFEA0];
	v33 =	vmul.f32 v16, v6;
	v34 =	vmul.f32 v17, v7  }
0x3f: {  	v52 =	vld [tilespmem:s13+$0xFFFFFE70];
	v36 =	vmul.f32 v18, v6;
	v10 =	vmul.f32 v26, v7  }
0x40: {  	v58 =	vld [tilespmem:s13+$0xFFFFFEB0];
	v14 =	vmul.f32 v28, v5;
	v11 =	vmul.f32 v30, v5  }
0x41: {  	v22 =	vld [tilespmem:s13+$0xFFFFFED0];
	v39 =	vmul.f32 v32, v4;
	v40 =	vmul.f32 v35, v4  }
0x42: {  	v59 =	vld [tilespmem:s13+$0xFFFFFEC0];
	v16 =	vmul.f32 v48, v7;
	v20 =	vmul.f32 v20, v7;
	v8 =	vadd.f32 v9, v8  }
0x43: {  	v62 =	vld [tilespmem:s13+$0xFFFFFF10];
	v18 =	vmul.f32 v57, v5;
	v12 =	vadd.f32 v13, v12;
	v9 =	vadd.f32 v34, v33  }
0x44: {  	v10 =	vadd.f32 v10, v36;
	v13 =	vmul.f32 v46, v6;
	v8 =	vadd.f32 v25, v8  }
0x45: {  	v24 =	vld [tilespmem:s13+$0xFFFFFEE0];
	v32 =	vmul.f32 v58, v4;
	v12 =	vadd.f32 v27, v12;
	v9 =	vadd.f32 v14, v9  }
0x46: {  	v63 =	vld [tilespmem:s13+$0xFFFFFF20];
	v35 =	vmul.f32 v22, v7;
	v10 =	vadd.f32 v11, v10;
	v13 =	vadd.f32 v16, v13  }
0x47: {  	v33 =	vld [tilespmem:s13+$0xFFFFFF40];
	v34 =	vmul.f32 v59, v6;
	v8 =	vadd.f32 v29, v8;
	v12 =	vadd.f32 v31, v12  }
0x48: {  	v36 =	vld [tilespmem:s13+$0xFFFFFF50];
	v16 =	vmul.f32 v62, v7;
	v9 =	vadd.f32 v39, v9;
	v29 =	vmul.f32 v52, v4  }
0x49: {  	v10 =	vadd.f32 v40, v10;
	v37 =	vperm.xlane v8, v0;
	v38 =	vperm.xlane v12, v0  }
0x4a: {  	v61 =	vld [tilespmem:s13+$0xFFFFFF00];
	v40 =	vmul.f32 v24, v5;
	v43 =	vperm.xlane v9, v0  }
0x4b: {  	v44 =	vperm.xlane v10, v0;
	v8 =	vadd.f32 v8, v37;
	v12 =	vadd.f32 v12, v38;
	v38 =	vld [tilespmem:s13+$0xFFFFFF80]  }
0x4c: {  	v15 =	vmul.f32 v33, v6;
	v9 =	vadd.f32 v9, v43;
	v43 =	vmul.f32 v63, v5;
	v63 =	vld [tilespmem:s13+$0xFFFFFFC0]  }
0x4d: {  	v48 =	vmul.f32 v36, v7;
	v10 =	vadd.f32 v10, v44;
	v41 =	vperm.xlane v8, v1  }
0x4e: {  	v51 =	vld [tilespmem:s13+$0xFFFFFE60];
	v42 =	vperm.xlane v12, v1;
	v47 =	vperm.xlane v9, v1  }
0x4f: {  	v55 =	vld [tilespmem:s13+$0xFFFFFE80];
	v15 =	vadd.f32 v48, v15;
	v50 =	vperm.xlane v10, v1;
	v8 =	vadd.f32 v8, v41  }
0x50: {  	v60 =	vld [tilespmem:s13+$0xFFFFFEF0];
	v37 =	vmul.f32 v61, v6;
	v12 =	vadd.f32 v12, v42;
	v9 =	vadd.f32 v9, v47  }
0x51: {  	v46 =	vld [tilespmem:s13+$0xFFFFFFA0];
	v10 =	vadd.f32 v10, v50;
	v50 =	vmul.f32 v38, v6;
	v48 =	vmul.f32 v63, v6  }
0x52: {  	v45 =	vperm.xlane v8, v2;
	v14 =	vperm.xlane v12, v2  }
0x53: {  	v19 =	vperm.xlane v9, v2;
	v56 =	vperm.xlane v10, v2  }
0x54: {  	v41 =	vld [tilespmem:s13+$0xFFFFFF90];
	v8 =	vadd.f32 v8, v45;
	v49 =	vadd.f32 v12, v14;
	v12 =	vmul.f32 v55, v6  }
0x55: {  	v30 =	vld [tilespmem:s13+$0xFFFFFF30];
	v9 =	vadd.f32 v9, v19;
	v14 =	vmul.f32 v51, v5;
	v45 =	vmul.f32 v60, v4  }
0x56: {  	v44 =	vld [tilespmem:s13+$0xFFFFFF60];
	v10 =	vadd.f32 v10, v56;
	v55 =	vmul.f32 v46, v5;
	v53 =	vperm.xlane v8, v3  }
0x57: {  	v47 =	vld [tilespmem:s13+$0xFFFFFF70];
	v54 =	vperm.xlane v49, v3;
	v21 =	vperm.xlane v9, v3;
	v12 =	vadd.f32 v20, v12  }
0x58: {  	v23 =	vperm.xlane v10, v3;
	v28 =	vadd.f32 v14, v13;
	v13 =	vadd.f32 v35, v34  }
0x59: {  	v51 =	vmul.f32 v41, v7;
	v8 =	vadd.f32 v8, v53;
	v11 =	vadd.f32 v49, v54  }
0x5a: {  	v14 =	vmul.f32 v30, v4;
	v9 =	vadd.f32 v9, v21;
	v10 =	vadd.f32 v10, v23  }
0x5b: {  	v31 =	vadd.f32 v18, v12;
	v12 =	vadd.f32 v16, v37;
	v53 =	vmul.f32 v44, v5  }
0x5c: {  	v36 =	vld [tilespmem:s13+$0x0];
	v13 =	vadd.f32 v40, v13;
	v16 =	vmul.f32 v47, v4;
	v8 =	vmul.f32 $5.000000000e+00, v8  }
0x5d: {  	v11 =	vmul.f32 $5.000000000e+00, v11;
	v9 =	vmul.f32 $5.000000000e+00, v9  }
0x5e: {  	v49 =	vld [tilespmem:s13+$0xFFFFFFB0];
	v10 =	vmul.f32 $5.000000000e+00, v10;
	v12 =	vadd.f32 v43, v12;
	v13 =	vadd.f32 v45, v13  }
0x5f: {  	v38 =	vld [tilespmem:s13+$0x10];
	v15 =	vadd.f32 v53, v15;
	v8 =	vnsel vm0, $0x0, v8;
	v11 =	vnsel vm0, $0x0, v11  }
0x60: {  	v30 =	vld [tilespmem:s13+$0xFFFFFFE0];
	v12 =	vadd.f32 v14, v12;
	v52 =	vperm.xlane v13, v0;
	v14 =	vadd.f32 v51, v50  }
0x61: {  	v40 =	vld [tilespmem:s13+$0x20];
	v15 =	vadd.f32 v16, v15;
	v51 =	vmul.f32 v36, v6;
	v8 =	vsel vm1, v8, v9  }
0x62: {  	v53 =	vld [tilespmem:s13+$0x80];
	v10 =	vsel vm1, v11, v10;
	v9 =	vadd.f32 v29, v28;
	v11 =	vadd.f32 v32, v31  }
0x63: {  	v63 =	vld [tilespmem:s13+$0xC0];
	v56 =	vmul.f32 v49, v4;
	v54 =	vperm.xlane v12, v0;
	v13 =	vadd.f32 v13, v52  }
0x64: {  	v33 =	vld [tilespmem:s13+$0xFFFFFFF0];
	v14 =	vadd.f32 v55, v14;
	v60 =	vperm.xlane v15, v0;
	v52 =	vmul.f32 v38, v7  }
0x65: {  	v28 =	vld [tilespmem:s13+$0xFFFFFFD0];
	v39 =	vperm.xlane v9, v0;
	v42 =	vperm.xlane v11, v0;
	v12 =	vadd.f32 v12, v54  }
0x66: {  	v59 =	vperm.xlane v13, v1;
	v14 =	vadd.f32 v56, v14;
	v54 =	vmul.f32 v30, v5  }
0x67: {  	v15 =	vadd.f32 v15, v60;
	v56 =	vmul.f32 v40, v5;
	v30 =	vmul.f32 v53, v6  }
0x68: {  	v60 =	vld [tilespmem:s13+$0xB0];
	v40 =	vmul.f32 v63, v6;
	v9 =	vadd.f32 v9, v39;
	v20 =	vperm.xlane v12, v1  }
0x69: {  	v41 =	vld [tilespmem:s13+$0x30];
	v11 =	vadd.f32 v11, v42;
	v61 =	vperm.xlane v14, v0;
	v27 =	vperm.xlane v15, v1  }
0x6a: {  	v42 =	vld [tilespmem:s13+$0x40];
	v13 =	vadd.f32 v13, v59;
	v49 =	vmul.f32 v28, v7;
	v59 =	vmul.f32 v33, v4  }
0x6b: {  	v57 =	vperm.xlane v9, v1;
	v58 =	vperm.xlane v11, v1;
	v12 =	vadd.f32 v12, v20  }
0x6c: {  	v62 =	vperm.xlane v13, v2;
	v14 =	vadd.f32 v14, v61;
	v15 =	vadd.f32 v15, v27  }
0x6d: {  	v55 =	vld [tilespmem:s13+$0x90];
	v9 =	vadd.f32 v9, v57;
	v16 =	vmul.f32 v60, v4;
	v20 =	vperm.xlane v12, v2  }
0x6e: {  	v50 =	vld [tilespmem:s13+$0x70];
	v11 =	vadd.f32 v11, v58;
	v29 =	vperm.xlane v14, v1;
	v37 =	vperm.xlane v15, v2  }
0x6f: {  	v13 =	vadd.f32 v13, v62;
	v62 =	vmul.f32 v41, v4;
	v28 =	vmul.f32 v42, v6  }
0x70: {  	v18 =	vperm.xlane v9, v2;
	v19 =	vperm.xlane v11, v2  }
0x71: {  	v57 =	vld [tilespmem:s13+$0xA0];
	v12 =	vadd.f32 v12, v20;
	v34 =	vperm.xlane v13, v3;
	v14 =	vadd.f32 v14, v29  }
0x72: {  	v29 =	vld [tilespmem:s13+$0xD0];
	v20 =	vmul.f32 v55, v7;
	v9 =	vadd.f32 v9, v18;
	v11 =	vadd.f32 v11, v19  }
0x73: {  	v15 =	vadd.f32 v15, v37;
	v37 =	vmul.f32 v50, v4;
	v35 =	vperm.xlane v12, v3  }
0x74: {  	v45 =	vld [tilespmem:s13+$0x50];
	v13 =	vadd.f32 v13, v34;
	v31 =	vperm.xlane v9, v3;
	v32 =	vperm.xlane v11, v3  }
0x75: {  	v36 =	vld [tilespmem:s13+$0xE0];
	v39 =	vperm.xlane v14, v2;
	v44 =	vperm.xlane v15, v3;
	v12 =	vadd.f32 v12, v35  }
0x76: {  	v42 =	vld [tilespmem:s13+$0x130];
	v13 =	vmul.f32 $5.000000000e+00, v13;
	v9 =	vadd.f32 v9, v31;
	v11 =	vadd.f32 v11, v32  }
0x77: {  	v14 =	vadd.f32 v14, v39;
	v35 =	vmul.f32 v57, v5;
	v39 =	vld [tilespmem:s13+$0xF0];
	v41 =	vmul.f32 v29, v7  }
0x78: {  	v47 =	vld [tilespmem:s13+$0x60];
	v9 =	vmul.f32 $5.000000000e+00, v9;
	v11 =	vmul.f32 $5.000000000e+00, v11  }
0x79: {  	v31 =	vld [tilespmem:s13+$0x100];
	v12 =	vmul.f32 $5.000000000e+00, v12;
	v46 =	vperm.xlane v14, v3  }
0x7a: {  	v33 =	vld [tilespmem:s13+$0x110];
	v8 =	vsel vm2, v8, v9;
	v43 =	vsel vm2, v10, v11;
	v10 =	vadd.f32 v15, v44  }
0x7b: {  	v15 =	vadd.f32 v49, v48;
	v11 =	vmul.f32 v45, v7;
	v45 =	vmul.f32 v36, v5  }
0x7c: {  	v48 =	vmul.f32 v39, v4;
	v49 =	vmul.f32 v42, v4;
	v8 =	vsel vm3, v8, v13  }
0x7d: {  	v38 =	vld [tilespmem:s13+$0x120];
	v9 =	vsel vm3, v43, v12;
	v12 =	vadd.f32 v14, v46;
	v13 =	vmul.f32 v47, v5  }
0x7e: {  	v14 =	vadd.f32 v52, v51;
	v43 =	vmul.f32 v31, v6;
	v10 =	vmul.f32 $5.000000000e+00, v10  }
0x7f: {  	v58 =	vadd.f32 v54, v15;
	v11 =	vadd.f32 v11, v28;
	v15 =	vmul.f32 v33, v7  }
0x80: {  	v55 =	vld [tilespmem:s13+$0x140];
	v12 =	vmul.f32 $5.000000000e+00, v12;
	v61 =	vadd.f32 v56, v14;
	v14 =	vadd.f32 v20, v30  }
0x81: {  	v60 =	vld [tilespmem:s13+$0x160];
	v8 =	vsel vm4, v8, v10;
	v10 =	vadd.f32 v59, v58;
	v11 =	vadd.f32 v13, v11  }
0x82: {  	v57 =	vld [tilespmem:s13+$0x150];
	v47 =	vmul.f32 v38, v5;
	v13 =	vadd.f32 v41, v40;
	v15 =	vadd.f32 v15, v43  }
0x83: {  	v41 =	vld [tilespmem:s13+$0x1E0];
	v9 =	vsel vm4, v9, v12;
	v12 =	vadd.f32 v62, v61;
	v14 =	vadd.f32 v35, v14  }
0x84: {  	v32 =	vperm.xlane v10, v0;
	v11 =	vadd.f32 v37, v11;
	v13 =	vadd.f32 v45, v13  }
0x85: {  	v35 =	vld [tilespmem:s13+$0x1A0];
	v15 =	vadd.f32 v47, v15;
	v47 =	vmul.f32 v55, v6;
	v34 =	vperm.xlane v12, v0  }
0x86: {  	v42 =	vld [tilespmem:s13+$0x1F0];
	v14 =	vadd.f32 v16, v14;
	v16 =	vmul.f32 v60, v5;
	v10 =	vadd.f32 v10, v32  }
0x87: {  	v63 =	vld [tilespmem:s13+$0x170];
	v44 =	vperm.xlane v11, v0;
	v13 =	vadd.f32 v48, v13;
	v48 =	vmul.f32 v57, v7  }
0x88: {  	v31 =	vld [tilespmem:s13+$0x180];
	v15 =	vadd.f32 v49, v15;
	v46 =	vperm.xlane v14, v0;
	v29 =	vmul.f32 v41, v5  }
0x89: {  	v33 =	vld [tilespmem:s13+$0x190];
	v12 =	vadd.f32 v12, v34;
	v50 =	vperm.xlane v10, v1;
	v54 =	vperm.xlane v13, v0  }
0x8a: {  	v49 =	vld [tilespmem:s13+$0x220];
	v11 =	vadd.f32 v11, v44;
	v56 =	vperm.xlane v15, v0;
	v20 =	vmul.f32 v35, v5  }
0x8b: {  	v35 =	vmul.f32 v42, v4;
	v14 =	vadd.f32 v14, v46;
	v51 =	vperm.xlane v12, v1  }
0x8c: {  	v52 =	vperm.xlane v11, v1;
	v10 =	vadd.f32 v10, v50;
	v13 =	vadd.f32 v13, v54  }
0x8d: {  	v36 =	vld [tilespmem:s13+$0x1B0];
	v15 =	vadd.f32 v15, v56;
	v50 =	vmul.f32 v31, v6;
	v56 =	vmul.f32 v63, v4  }
0x8e: {  	v54 =	vld [tilespmem:s13+$0x250];
	v53 =	vperm.xlane v14, v1;
	v12 =	vadd.f32 v12, v51;
	v51 =	vmul.f32 v33, v7  }
0x8f: {  	v19 =	vmul.f32 v49, v5;
	v11 =	vadd.f32 v11, v52;
	v58 =	vperm.xlane v10, v2  }
0x90: {  	v38 =	vld [tilespmem:s13+$0x1C0];
	v30 =	vperm.xlane v13, v1;
	v32 =	vperm.xlane v15, v1;
	v14 =	vadd.f32 v14, v53  }
0x91: {  	v40 =	vld [tilespmem:s13+$0x1D0];
	v59 =	vperm.xlane v12, v2;
	v61 =	vperm.xlane v11, v2;
	v10 =	vadd.f32 v10, v58  }
0x92: {  	v52 =	vld [tilespmem:s13+$0x230];
	v13 =	vadd.f32 v13, v30;
	v15 =	vadd.f32 v15, v32;
	v62 =	vperm.xlane v14, v2  }
0x93: {  	v53 =	vld [tilespmem:s13+$0x240];
	v12 =	vadd.f32 v12, v59;
	v59 =	vmul.f32 v36, v4;
	v32 =	vmul.f32 v54, v7  }
0x94: {  	v63 =	vld [tilespmem:s13+$0x260];
	v34 =	vperm.xlane v10, v3;
	v37 =	vperm.xlane v13, v2  }
0x95: {  	v11 =	vadd.f32 v11, v61;
	v39 =	vperm.xlane v15, v2;
	v61 =	vmul.f32 v38, v6  }
0x96: {  	v14 =	vadd.f32 v14, v62;
	v25 =	vperm.xlane v12, v3;
	v62 =	vmul.f32 v40, v7  }
0x97: {  	v36 =	vmul.f32 v52, v4;
	v26 =	vperm.xlane v11, v3  }
0x98: {  	v10 =	vadd.f32 v10, v34;
	v13 =	vadd.f32 v13, v37;
	v31 =	vmul.f32 v53, v6  }
0x99: {  	v44 =	vld [tilespmem:s13+$0x200];
	v15 =	vadd.f32 v15, v39;
	v34 =	vmul.f32 v63, v5;
	v27 =	vperm.xlane v14, v3  }
0x9a: {  	v57 =	vld [tilespmem:s13+$0x280];
	v12 =	vadd.f32 v12, v25;
	v11 =	vadd.f32 v11, v26;
	v10 =	vmul.f32 $5.000000000e+00, v10  }
0x9b: {  	v43 =	vperm.xlane v13, v3;
	v45 =	vperm.xlane v15, v3  }
0x9c: {  	v46 =	vld [tilespmem:s13+$0x210];
	v14 =	vadd.f32 v14, v27;
	v12 =	vmul.f32 $5.000000000e+00, v12;
	v11 =	vmul.f32 $5.000000000e+00, v11  }
0x9d: {  	v60 =	vld [tilespmem:s13+$0x290];
	v8 =	vsel vm5, v8, v10;
	v10 =	vadd.f32 v13, v43;
	v13 =	vadd.f32 v48, v47  }
0x9e: {  	v14 =	vmul.f32 $5.000000000e+00, v14;
	v9 =	vsel vm5, v9, v12;
	v12 =	vmul.f32 v44, v6  }
0x9f: {  	v28 =	vld [tilespmem:s13+$0x2A0];
	v6 =	vmul.f32 v57, v6;
	v8 =	vsel vm6, v8, v11;
	v11 =	vadd.f32 v15, v45  }
0xa0: {  	v10 =	vmul.f32 $5.000000000e+00, v10;
	v15 =	vadd.f32 v51, v50;
	v55 =	vadd.f32 v16, v13  }
0xa1: {  	v30 =	vld [tilespmem:s13+$0x270];
	v13 =	vadd.f32 v62, v61;
	v9 =	vsel vm6, v9, v14;
	v14 =	vmul.f32 v46, v7  }
0xa2: {  	v33 =	vld [tilespmem:s13+$0x2B0];
	v7 =	vmul.f32 v60, v7;
	v11 =	vmul.f32 $5.000000000e+00, v11;
	v58 =	vadd.f32 v20, v15  }
0xa3: {  	v8 =	vsel vm7, v8, v10;
	v10 =	vadd.f32 v56, v55;
	v13 =	vadd.f32 v29, v13  }
0xa4: {  	v5 =	vmul.f32 v28, v5;
	v12 =	vadd.f32 v14, v12;
	v14 =	vadd.f32 v32, v31  }
0xa5: {  	v6 =	vadd.f32 v7, v6;
	v9 =	vsel vm7, v9, v11;
	v11 =	vadd.f32 v59, v58  }
0xa6: {  	v37 =	vmul.f32 v30, v4;
	v12 =	vadd.f32 v19, v12;
	v14 =	vadd.f32 v34, v14  }
0xa7: {  	v4 =	vmul.f32 v33, v4;
	v7 =	vadd.f32 v35, v13;
	v5 =	vadd.f32 v5, v6  }
0xa8: {  	v38 =	vperm.xlane v10, v0;
	v12 =	vadd.f32 v36, v12;
	v39 =	vadd.f32 v37, v14  }
0xa9: {  	v40 =	vperm.xlane v11, v0;
	v41 =	vperm.xlane v7, v0;
	v4 =	vadd.f32 v4, v5  }
0xaa: {  	v5 =	vadd.f32 v10, v38;
	v42 =	vperm.xlane v12, v0;
	v43 =	vperm.xlane v39, v0  }
0xab: {  	v11 =	vadd.f32 v11, v40;
	v7 =	vadd.f32 v7, v41;
	v44 =	vperm.xlane v4, v0  }
0xac: {  	v45 =	vperm.xlane v5, v1;
	v6 =	vadd.f32 v12, v42;
	v10 =	vadd.f32 v39, v43  }
0xad: {  	v46 =	vperm.xlane v11, v1;
	v47 =	vperm.xlane v7, v1;
	v4 =	vadd.f32 v4, v44  }
0xae: {  	v5 =	vadd.f32 v5, v45;
	v48 =	vperm.xlane v6, v1;
	v49 =	vperm.xlane v10, v1  }
0xaf: {  	v11 =	vadd.f32 v11, v46;
	v7 =	vadd.f32 v7, v47;
	v50 =	vperm.xlane v4, v1  }
0xb0: {  	v51 =	vperm.xlane v5, v2;
	v6 =	vadd.f32 v6, v48;
	v10 =	vadd.f32 v10, v49  }
0xb1: {  	v52 =	vperm.xlane v11, v2;
	v53 =	vperm.xlane v7, v2;
	v4 =	vadd.f32 v4, v50  }
0xb2: {  	v5 =	vadd.f32 v5, v51;
	v54 =	vperm.xlane v6, v2;
	v55 =	vperm.xlane v10, v2  }
0xb3: {  	v11 =	vadd.f32 v11, v52;
	v7 =	vadd.f32 v7, v53;
	v56 =	vperm.xlane v4, v2  }
0xb4: {  	v57 =	vperm.xlane v5, v3;
	v6 =	vadd.f32 v6, v54;
	v10 =	vadd.f32 v10, v55  }
0xb5: {  	v58 =	vperm.xlane v11, v3;
	v59 =	vperm.xlane v7, v3;
	v4 =	vadd.f32 v4, v56  }
0xb6: {  	v5 =	vadd.f32 v5, v57;
	v60 =	vperm.xlane v6, v3;
	v61 =	vperm.xlane v10, v3  }
0xb7: {  	v11 =	vadd.f32 v11, v58;
	v7 =	vadd.f32 v7, v59;
	v62 =	vperm.xlane v4, v3  }
0xb8: {  	v5 =	vmul.f32 $5.000000000e+00, v5;
	v6 =	vadd.f32 v6, v60;
	v10 =	vadd.f32 v10, v61  }
0xb9: {  	p0 =	sne.s32 s1, $0x3E00;
	v11 =	vmul.f32 $5.000000000e+00, v11;
	v7 =	vmul.f32 $5.000000000e+00, v7;
	v4 =	vadd.f32 v4, v62  }
.Ltmp0:
0xba: {  	v5 =	vsel vm8, v8, v5;
	v6 =	vmul.f32 $5.000000000e+00, v6;
	v63 =	vmul.f32 $5.000000000e+00, v10;
	(pc) =	sbr.rel @p0 .LBB2_3-.Ltmp0, $4  }
0xbb: {  	v9 =	vsel vm8, v9, v11;
	v5 =	vsel vm9, v5, v7;
	v4 =	vmul.f32 $5.000000000e+00, v4  }
0xbc: {  	v6 =	vsel vm9, v9, v6;
	v5 =	vsel vm10, v5, v63  }
0xbd: {  	v4 =	vsel vm10, v6, v4;
	[tilespmem:s14+$0x19600] =	vst v5  }
0xbe: {  	s1 =	sadd.s32 $0x200, s1;
	s13 =	sadd.s32 $0x580, s13;
	[tilespmem:s14+$0x1B600] =	vst v4  }
0xbf: {  	p0 =	seq.s32 s31, $0x7  }
0xc0: {  	s1 =	sadd.s32 @!p0 $0x2, s0  }
0xc1: {  	s12 =	smul.u32 @!p0 $0x580, s1  }
0xc2: {  	s13 =	simm.s32 @!p0 $0x160;
	s1 =	sshll.u32 @!p0 s1, $0x9  }
0xc3: {  	s14 =	simm.s32 @!p0 $0x3600;
	s1 =	sadd.s32 @!p0 s1, s8;
	s12 =	sshra.s32 @!p0 s12, $0x2  }
0xc4: {  	[tilespmem:s14], [sflag:$0x1] =	stream.indirect.gather @!p0 [hbm4b:s3+s13], $0x80, s12, s13, $0xb8;
	[tilespmem:$0x1D600] =	vst v63  }
0xc5: {  	s12 =	simm.s32 @!p0 $0x0;
	s13 =	simm.s32 @!p0 $0x1600;
	s14 =	sshll.u32 s31, $0xA  }
0xc6: {  	[tilespmem:s13], [sflag:$0x3] =	stream.linear.gather @!p0 [hbm4b:s1+s12], $0x1000, $0x38;
	[tilespmem:$0x1D600] =	vst v63  }
0xc7: {  	s1 =	sor.u32 s4, s14  }
0xc8: {  	s15 =	sadd.s32 s5, s1  }
0xc9: {  	[hbm4b:s15+s2] =	stream.linear.scatter [tilespmem:s19], [sflag:$0x5], $0x1000, $0x38;
	[tilespmem:$0x1D600] =	vst v63  }
0xca: {  	s16 =	sadd.s32 s6, s1  }
0xcb: {  	[hbm4b:s16+s2] =	stream.linear.scatter [tilespmem:s20], [sflag:$0x7], $0x1000, $0x38;
	[tilespmem:$0x1D600] =	vst v63  }
0xcc: {  	_ =	swait.ge [sflag:s21], $0xB000  }
0xcd: {  	[sflag:s21] =	ssyncset.done $0x0  }
0xce: {  	[sflag:s21] =	ssyncadd.s32 $0xFFFF5000  }
0xcf: {  	_ =	swait.ge [sflag:s22], $0x1000  }
0xd0: {  	[sflag:s22] =	ssyncset.done $0x0  }
0xd1: {  	s12 =	simm.s32 @!p1 $0x6;
	[sflag:s22] =	ssyncadd.s32 $0xFFFFF000  }
0xd2: {  	_ =	swait.ge @!p1 [sflag:s12], $0x1000  }
0xd3: {  	[sflag:s12] =	ssyncset.done @!p1 $0x0  }
0xd4: {  	[sflag:s12] =	ssyncadd.s32 @!p1 $0xFFFFF000;
	s12 =	simm.s32 @!p1 $0x8  }
0xd5: {  	s13 =	simm.s32 $0x0;
	_ =	swait.ge @!p1 [sflag:s12], $0x1000  }
0xd6: {  	s14 =	simm.s32 $0x1A600;
	s1 =	sor.u32 $0x200, s1;
	[sflag:s12] =	ssyncset.done @!p1 $0x0  }
0xd7: {  	s15 =	simm.s32 $0x1C600;
	s16 =	simm.s32 $0x2630;
	[sflag:s12] =	ssyncadd.s32 @!p1 $0xFFFFF000  }
.LBB2_5:
0xd8: {  	v6 =	vld [tilespmem:s16+$0xFFFFFFD0]  }
0xd9: {  	v7 =	vld [tilespmem:s16+$0xFFFFFFE0]  }
0xda: {  	v5 =	vld [tilespmem:s16+$0xFFFFFFF0]  }
0xdb: {  	v4 =	vld [tilespmem:s16+$0x0];
	s12 =	sshra.s32 s13, $0x2  }
0xdc: {  	v8 =	vld [tilespmem:s12+$0xE600]  }
0xdd: {  	v9 =	vld [tilespmem:s12+$0xE610]  }
0xde: {  	v10 =	vld [tilespmem:s12+$0xE620]  }
0xdf: {  	v11 =	vld [tilespmem:s12+$0xE630]  }
0xe0: {  	v12 =	vld [tilespmem:s12+$0xE640]  }
0xe1: {  	v13 =	vld [tilespmem:s12+$0xE650]  }
0xe2: {  	v14 =	vld [tilespmem:s12+$0xE660]  }
0xe3: {  	v15 =	vld [tilespmem:s12+$0xE670]  }
0xe4: {  	v16 =	vld [tilespmem:s12+$0xE680]  }
0xe5: {  	v17 =	vld [tilespmem:s12+$0xE690]  }
0xe6: {  	v18 =	vld [tilespmem:s12+$0xE6C0]  }
0xe7: {  	v26 =	vld [tilespmem:s12+$0xE6D0]  }
0xe8: {  	v28 =	vld [tilespmem:s12+$0xE6A0]  }
0xe9: {  	v30 =	vld [tilespmem:s12+$0xE6E0]  }
0xea: {  	v32 =	vld [tilespmem:s12+$0xE6B0]  }
0xeb: {  	v35 =	vld [tilespmem:s12+$0xE6F0];
	v8 =	vmul.f32 v8, v6;
	v9 =	vmul.f32 v9, v7  }
0xec: {  	v46 =	vld [tilespmem:s12+$0xE700];
	v12 =	vmul.f32 v12, v6;
	v13 =	vmul.f32 v13, v7  }
0xed: {  	v48 =	vld [tilespmem:s12+$0xE710];
	v25 =	vmul.f32 v10, v5;
	v27 =	vmul.f32 v14, v5  }
0xee: {  	v20 =	vld [tilespmem:s12+$0xE750];
	v29 =	vmul.f32 v11, v4;
	v31 =	vmul.f32 v15, v4  }
0xef: {  	v57 =	vld [tilespmem:s12+$0xE760];
	v33 =	vmul.f32 v16, v6;
	v34 =	vmul.f32 v17, v7  }
0xf0: {  	v52 =	vld [tilespmem:s12+$0xE730];
	v36 =	vmul.f32 v18, v6;
	v10 =	vmul.f32 v26, v7  }
0xf1: {  	v58 =	vld [tilespmem:s12+$0xE770];
	v14 =	vmul.f32 v28, v5;
	v11 =	vmul.f32 v30, v5  }
0xf2: {  	v22 =	vld [tilespmem:s12+$0xE790];
	v39 =	vmul.f32 v32, v4;
	v40 =	vmul.f32 v35, v4  }
0xf3: {  	v59 =	vld [tilespmem:s12+$0xE780];
	v16 =	vmul.f32 v48, v7;
	v20 =	vmul.f32 v20, v7;
	v8 =	vadd.f32 v9, v8  }
0xf4: {  	v62 =	vld [tilespmem:s12+$0xE7D0];
	v18 =	vmul.f32 v57, v5;
	v12 =	vadd.f32 v13, v12;
	v9 =	vadd.f32 v34, v33  }
0xf5: {  	v10 =	vadd.f32 v10, v36;
	v13 =	vmul.f32 v46, v6;
	v8 =	vadd.f32 v25, v8  }
0xf6: {  	v24 =	vld [tilespmem:s12+$0xE7A0];
	v32 =	vmul.f32 v58, v4;
	v12 =	vadd.f32 v27, v12;
	v9 =	vadd.f32 v14, v9  }
0xf7: {  	v63 =	vld [tilespmem:s12+$0xE7E0];
	v35 =	vmul.f32 v22, v7;
	v10 =	vadd.f32 v11, v10;
	v13 =	vadd.f32 v16, v13  }
0xf8: {  	v33 =	vld [tilespmem:s12+$0xE800];
	v34 =	vmul.f32 v59, v6;
	v8 =	vadd.f32 v29, v8;
	v12 =	vadd.f32 v31, v12  }
0xf9: {  	v36 =	vld [tilespmem:s12+$0xE810];
	v16 =	vmul.f32 v62, v7;
	v9 =	vadd.f32 v39, v9;
	v29 =	vmul.f32 v52, v4  }
0xfa: {  	v10 =	vadd.f32 v40, v10;
	v37 =	vperm.xlane v8, v0;
	v38 =	vperm.xlane v12, v0  }
0xfb: {  	v61 =	vld [tilespmem:s12+$0xE7C0];
	v40 =	vmul.f32 v24, v5;
	v43 =	vperm.xlane v9, v0  }
0xfc: {  	v44 =	vperm.xlane v10, v0;
	v8 =	vadd.f32 v8, v37;
	v12 =	vadd.f32 v12, v38;
	v38 =	vld [tilespmem:s12+$0xE840]  }
0xfd: {  	v15 =	vmul.f32 v33, v6;
	v9 =	vadd.f32 v9, v43;
	v43 =	vmul.f32 v63, v5;
	v63 =	vld [tilespmem:s12+$0xE880]  }
0xfe: {  	v48 =	vmul.f32 v36, v7;
	v10 =	vadd.f32 v10, v44;
	v41 =	vperm.xlane v8, v1  }
0xff: {  	v51 =	vld [tilespmem:s12+$0xE720];
	v42 =	vperm.xlane v12, v1;
	v47 =	vperm.xlane v9, v1  }
0x100: {  	v55 =	vld [tilespmem:s12+$0xE740];
	v15 =	vadd.f32 v48, v15;
	v50 =	vperm.xlane v10, v1;
	v8 =	vadd.f32 v8, v41  }
0x101: {  	v60 =	vld [tilespmem:s12+$0xE7B0];
	v37 =	vmul.f32 v61, v6;
	v12 =	vadd.f32 v12, v42;
	v9 =	vadd.f32 v9, v47  }
0x102: {  	v46 =	vld [tilespmem:s12+$0xE860];
	v10 =	vadd.f32 v10, v50;
	v50 =	vmul.f32 v38, v6;
	v48 =	vmul.f32 v63, v6  }
0x103: {  	v45 =	vperm.xlane v8, v2;
	v14 =	vperm.xlane v12, v2  }
0x104: {  	v19 =	vperm.xlane v9, v2;
	v56 =	vperm.xlane v10, v2  }
0x105: {  	v41 =	vld [tilespmem:s12+$0xE850];
	v8 =	vadd.f32 v8, v45;
	v49 =	vadd.f32 v12, v14;
	v12 =	vmul.f32 v55, v6  }
0x106: {  	v30 =	vld [tilespmem:s12+$0xE7F0];
	v9 =	vadd.f32 v9, v19;
	v14 =	vmul.f32 v51, v5;
	v45 =	vmul.f32 v60, v4  }
0x107: {  	v44 =	vld [tilespmem:s12+$0xE820];
	v10 =	vadd.f32 v10, v56;
	v55 =	vmul.f32 v46, v5;
	v53 =	vperm.xlane v8, v3  }
0x108: {  	v47 =	vld [tilespmem:s12+$0xE830];
	v54 =	vperm.xlane v49, v3;
	v21 =	vperm.xlane v9, v3;
	v12 =	vadd.f32 v20, v12  }
0x109: {  	v23 =	vperm.xlane v10, v3;
	v28 =	vadd.f32 v14, v13;
	v13 =	vadd.f32 v35, v34  }
0x10a: {  	v51 =	vmul.f32 v41, v7;
	v8 =	vadd.f32 v8, v53;
	v11 =	vadd.f32 v49, v54  }
0x10b: {  	v14 =	vmul.f32 v30, v4;
	v9 =	vadd.f32 v9, v21;
	v10 =	vadd.f32 v10, v23  }
0x10c: {  	v31 =	vadd.f32 v18, v12;
	v12 =	vadd.f32 v16, v37;
	v53 =	vmul.f32 v44, v5  }
0x10d: {  	v36 =	vld [tilespmem:s12+$0xE8C0];
	v13 =	vadd.f32 v40, v13;
	v16 =	vmul.f32 v47, v4;
	v8 =	vmul.f32 $5.000000000e+00, v8  }
0x10e: {  	v11 =	vmul.f32 $5.000000000e+00, v11;
	v9 =	vmul.f32 $5.000000000e+00, v9  }
0x10f: {  	v49 =	vld [tilespmem:s12+$0xE870];
	v10 =	vmul.f32 $5.000000000e+00, v10;
	v12 =	vadd.f32 v43, v12;
	v13 =	vadd.f32 v45, v13  }
0x110: {  	v38 =	vld [tilespmem:s12+$0xE8D0];
	v15 =	vadd.f32 v53, v15;
	v8 =	vnsel vm0, $0x0, v8;
	v11 =	vnsel vm0, $0x0, v11  }
0x111: {  	v30 =	vld [tilespmem:s12+$0xE8A0];
	v12 =	vadd.f32 v14, v12;
	v52 =	vperm.xlane v13, v0;
	v14 =	vadd.f32 v51, v50  }
0x112: {  	v40 =	vld [tilespmem:s12+$0xE8E0];
	v15 =	vadd.f32 v16, v15;
	v51 =	vmul.f32 v36, v6;
	v8 =	vsel vm1, v8, v9  }
0x113: {  	v53 =	vld [tilespmem:s12+$0xE940];
	v10 =	vsel vm1, v11, v10;
	v9 =	vadd.f32 v29, v28;
	v11 =	vadd.f32 v32, v31  }
0x114: {  	v63 =	vld [tilespmem:s12+$0xE980];
	v56 =	vmul.f32 v49, v4;
	v54 =	vperm.xlane v12, v0;
	v13 =	vadd.f32 v13, v52  }
0x115: {  	v33 =	vld [tilespmem:s12+$0xE8B0];
	v14 =	vadd.f32 v55, v14;
	v60 =	vperm.xlane v15, v0;
	v52 =	vmul.f32 v38, v7  }
0x116: {  	v28 =	vld [tilespmem:s12+$0xE890];
	v39 =	vperm.xlane v9, v0;
	v42 =	vperm.xlane v11, v0;
	v12 =	vadd.f32 v12, v54  }
0x117: {  	v59 =	vperm.xlane v13, v1;
	v14 =	vadd.f32 v56, v14;
	v54 =	vmul.f32 v30, v5  }
0x118: {  	v15 =	vadd.f32 v15, v60;
	v56 =	vmul.f32 v40, v5;
	v30 =	vmul.f32 v53, v6  }
0x119: {  	v60 =	vld [tilespmem:s12+$0xE970];
	v40 =	vmul.f32 v63, v6;
	v9 =	vadd.f32 v9, v39;
	v20 =	vperm.xlane v12, v1  }
0x11a: {  	v41 =	vld [tilespmem:s12+$0xE8F0];
	v11 =	vadd.f32 v11, v42;
	v61 =	vperm.xlane v14, v0;
	v27 =	vperm.xlane v15, v1  }
0x11b: {  	v42 =	vld [tilespmem:s12+$0xE900];
	v13 =	vadd.f32 v13, v59;
	v49 =	vmul.f32 v28, v7;
	v59 =	vmul.f32 v33, v4  }
0x11c: {  	v57 =	vperm.xlane v9, v1;
	v58 =	vperm.xlane v11, v1;
	v12 =	vadd.f32 v12, v20  }
0x11d: {  	v62 =	vperm.xlane v13, v2;
	v14 =	vadd.f32 v14, v61;
	v15 =	vadd.f32 v15, v27  }
0x11e: {  	v55 =	vld [tilespmem:s12+$0xE950];
	v9 =	vadd.f32 v9, v57;
	v16 =	vmul.f32 v60, v4;
	v20 =	vperm.xlane v12, v2  }
0x11f: {  	v50 =	vld [tilespmem:s12+$0xE930];
	v11 =	vadd.f32 v11, v58;
	v29 =	vperm.xlane v14, v1;
	v37 =	vperm.xlane v15, v2  }
0x120: {  	v13 =	vadd.f32 v13, v62;
	v62 =	vmul.f32 v41, v4;
	v28 =	vmul.f32 v42, v6  }
0x121: {  	v18 =	vperm.xlane v9, v2;
	v19 =	vperm.xlane v11, v2  }
0x122: {  	v57 =	vld [tilespmem:s12+$0xE960];
	v12 =	vadd.f32 v12, v20;
	v34 =	vperm.xlane v13, v3;
	v14 =	vadd.f32 v14, v29  }
0x123: {  	v29 =	vld [tilespmem:s12+$0xE990];
	v20 =	vmul.f32 v55, v7;
	v9 =	vadd.f32 v9, v18;
	v11 =	vadd.f32 v11, v19  }
0x124: {  	v15 =	vadd.f32 v15, v37;
	v37 =	vmul.f32 v50, v4;
	v35 =	vperm.xlane v12, v3  }
0x125: {  	v45 =	vld [tilespmem:s12+$0xE910];
	v13 =	vadd.f32 v13, v34;
	v31 =	vperm.xlane v9, v3;
	v32 =	vperm.xlane v11, v3  }
0x126: {  	v36 =	vld [tilespmem:s12+$0xE9A0];
	v39 =	vperm.xlane v14, v2;
	v44 =	vperm.xlane v15, v3;
	v12 =	vadd.f32 v12, v35  }
0x127: {  	v42 =	vld [tilespmem:s12+$0xE9F0];
	v13 =	vmul.f32 $5.000000000e+00, v13;
	v9 =	vadd.f32 v9, v31;
	v11 =	vadd.f32 v11, v32  }
0x128: {  	v14 =	vadd.f32 v14, v39;
	v35 =	vmul.f32 v57, v5;
	v39 =	vld [tilespmem:s12+$0xE9B0];
	v41 =	vmul.f32 v29, v7  }
0x129: {  	v47 =	vld [tilespmem:s12+$0xE920];
	v9 =	vmul.f32 $5.000000000e+00, v9;
	v11 =	vmul.f32 $5.000000000e+00, v11  }
0x12a: {  	v31 =	vld [tilespmem:s12+$0xE9C0];
	v12 =	vmul.f32 $5.000000000e+00, v12;
	v46 =	vperm.xlane v14, v3  }
0x12b: {  	v33 =	vld [tilespmem:s12+$0xE9D0];
	v8 =	vsel vm2, v8, v9;
	v43 =	vsel vm2, v10, v11;
	v10 =	vadd.f32 v15, v44  }
0x12c: {  	v15 =	vadd.f32 v49, v48;
	v11 =	vmul.f32 v45, v7;
	v45 =	vmul.f32 v36, v5  }
0x12d: {  	v48 =	vmul.f32 v39, v4;
	v49 =	vmul.f32 v42, v4;
	v8 =	vsel vm3, v8, v13  }
0x12e: {  	v38 =	vld [tilespmem:s12+$0xE9E0];
	v9 =	vsel vm3, v43, v12;
	v12 =	vadd.f32 v14, v46;
	v13 =	vmul.f32 v47, v5  }
0x12f: {  	v14 =	vadd.f32 v52, v51;
	v43 =	vmul.f32 v31, v6;
	v10 =	vmul.f32 $5.000000000e+00, v10  }
0x130: {  	v58 =	vadd.f32 v54, v15;
	v11 =	vadd.f32 v11, v28;
	v15 =	vmul.f32 v33, v7  }
0x131: {  	v55 =	vld [tilespmem:s12+$0xEA00];
	v12 =	vmul.f32 $5.000000000e+00, v12;
	v61 =	vadd.f32 v56, v14;
	v14 =	vadd.f32 v20, v30  }
0x132: {  	v60 =	vld [tilespmem:s12+$0xEA20];
	v8 =	vsel vm4, v8, v10;
	v10 =	vadd.f32 v59, v58;
	v11 =	vadd.f32 v13, v11  }
0x133: {  	v57 =	vld [tilespmem:s12+$0xEA10];
	v47 =	vmul.f32 v38, v5;
	v13 =	vadd.f32 v41, v40;
	v15 =	vadd.f32 v15, v43  }
0x134: {  	v41 =	vld [tilespmem:s12+$0xEAA0];
	v9 =	vsel vm4, v9, v12;
	v12 =	vadd.f32 v62, v61;
	v14 =	vadd.f32 v35, v14  }
0x135: {  	v32 =	vperm.xlane v10, v0;
	v11 =	vadd.f32 v37, v11;
	v13 =	vadd.f32 v45, v13  }
0x136: {  	v35 =	vld [tilespmem:s12+$0xEA60];
	v15 =	vadd.f32 v47, v15;
	v47 =	vmul.f32 v55, v6;
	v34 =	vperm.xlane v12, v0  }
0x137: {  	v42 =	vld [tilespmem:s12+$0xEAB0];
	v14 =	vadd.f32 v16, v14;
	v16 =	vmul.f32 v60, v5;
	v10 =	vadd.f32 v10, v32  }
0x138: {  	v63 =	vld [tilespmem:s12+$0xEA30];
	v44 =	vperm.xlane v11, v0;
	v13 =	vadd.f32 v48, v13;
	v48 =	vmul.f32 v57, v7  }
0x139: {  	v31 =	vld [tilespmem:s12+$0xEA40];
	v15 =	vadd.f32 v49, v15;
	v46 =	vperm.xlane v14, v0;
	v29 =	vmul.f32 v41, v5  }
0x13a: {  	v33 =	vld [tilespmem:s12+$0xEA50];
	v12 =	vadd.f32 v12, v34;
	v50 =	vperm.xlane v10, v1;
	v54 =	vperm.xlane v13, v0  }
0x13b: {  	v49 =	vld [tilespmem:s12+$0xEAE0];
	v11 =	vadd.f32 v11, v44;
	v56 =	vperm.xlane v15, v0;
	v20 =	vmul.f32 v35, v5  }
0x13c: {  	v35 =	vmul.f32 v42, v4;
	v14 =	vadd.f32 v14, v46;
	v51 =	vperm.xlane v12, v1  }
0x13d: {  	v52 =	vperm.xlane v11, v1;
	v10 =	vadd.f32 v10, v50;
	v13 =	vadd.f32 v13, v54  }
0x13e: {  	v36 =	vld [tilespmem:s12+$0xEA70];
	v15 =	vadd.f32 v15, v56;
	v50 =	vmul.f32 v31, v6;
	v56 =	vmul.f32 v63, v4  }
0x13f: {  	v54 =	vld [tilespmem:s12+$0xEB10];
	v53 =	vperm.xlane v14, v1;
	v12 =	vadd.f32 v12, v51;
	v51 =	vmul.f32 v33, v7  }
0x140: {  	v19 =	vmul.f32 v49, v5;
	v11 =	vadd.f32 v11, v52;
	v58 =	vperm.xlane v10, v2  }
0x141: {  	v38 =	vld [tilespmem:s12+$0xEA80];
	v30 =	vperm.xlane v13, v1;
	v32 =	vperm.xlane v15, v1;
	v14 =	vadd.f32 v14, v53  }
0x142: {  	v40 =	vld [tilespmem:s12+$0xEA90];
	v59 =	vperm.xlane v12, v2;
	v61 =	vperm.xlane v11, v2;
	v10 =	vadd.f32 v10, v58  }
0x143: {  	v52 =	vld [tilespmem:s12+$0xEAF0];
	v13 =	vadd.f32 v13, v30;
	v15 =	vadd.f32 v15, v32;
	v62 =	vperm.xlane v14, v2  }
0x144: {  	v53 =	vld [tilespmem:s12+$0xEB00];
	v12 =	vadd.f32 v12, v59;
	v59 =	vmul.f32 v36, v4;
	v32 =	vmul.f32 v54, v7  }
0x145: {  	v63 =	vld [tilespmem:s12+$0xEB20];
	v34 =	vperm.xlane v10, v3;
	v37 =	vperm.xlane v13, v2  }
0x146: {  	v11 =	vadd.f32 v11, v61;
	v39 =	vperm.xlane v15, v2;
	v61 =	vmul.f32 v38, v6  }
0x147: {  	v14 =	vadd.f32 v14, v62;
	v25 =	vperm.xlane v12, v3;
	v62 =	vmul.f32 v40, v7  }
0x148: {  	v36 =	vmul.f32 v52, v4;
	v26 =	vperm.xlane v11, v3  }
0x149: {  	v10 =	vadd.f32 v10, v34;
	v13 =	vadd.f32 v13, v37;
	v31 =	vmul.f32 v53, v6  }
0x14a: {  	v44 =	vld [tilespmem:s12+$0xEAC0];
	v15 =	vadd.f32 v15, v39;
	v34 =	vmul.f32 v63, v5;
	v27 =	vperm.xlane v14, v3  }
0x14b: {  	v57 =	vld [tilespmem:s12+$0xEB40];
	v12 =	vadd.f32 v12, v25;
	v11 =	vadd.f32 v11, v26;
	v10 =	vmul.f32 $5.000000000e+00, v10  }
0x14c: {  	v43 =	vperm.xlane v13, v3;
	v45 =	vperm.xlane v15, v3  }
0x14d: {  	v46 =	vld [tilespmem:s12+$0xEAD0];
	v14 =	vadd.f32 v14, v27;
	v12 =	vmul.f32 $5.000000000e+00, v12;
	v11 =	vmul.f32 $5.000000000e+00, v11  }
0x14e: {  	v60 =	vld [tilespmem:s12+$0xEB50];
	v8 =	vsel vm5, v8, v10;
	v10 =	vadd.f32 v13, v43;
	v13 =	vadd.f32 v48, v47  }
0x14f: {  	v14 =	vmul.f32 $5.000000000e+00, v14;
	v9 =	vsel vm5, v9, v12;
	v12 =	vmul.f32 v44, v6  }
0x150: {  	v28 =	vld [tilespmem:s12+$0xEB60];
	v6 =	vmul.f32 v57, v6;
	v8 =	vsel vm6, v8, v11;
	v11 =	vadd.f32 v15, v45  }
0x151: {  	v10 =	vmul.f32 $5.000000000e+00, v10;
	v15 =	vadd.f32 v51, v50;
	v55 =	vadd.f32 v16, v13  }
0x152: {  	v30 =	vld [tilespmem:s12+$0xEB30];
	v13 =	vadd.f32 v62, v61;
	v9 =	vsel vm6, v9, v14;
	v14 =	vmul.f32 v46, v7  }
0x153: {  	v33 =	vld [tilespmem:s12+$0xEB70];
	v7 =	vmul.f32 v60, v7;
	v11 =	vmul.f32 $5.000000000e+00, v11;
	v58 =	vadd.f32 v20, v15  }
0x154: {  	v8 =	vsel vm7, v8, v10;
	v10 =	vadd.f32 v56, v55;
	v13 =	vadd.f32 v29, v13  }
0x155: {  	v5 =	vmul.f32 v28, v5;
	v12 =	vadd.f32 v14, v12;
	v14 =	vadd.f32 v32, v31  }
0x156: {  	v6 =	vadd.f32 v7, v6;
	v9 =	vsel vm7, v9, v11;
	v11 =	vadd.f32 v59, v58  }
0x157: {  	v37 =	vmul.f32 v30, v4;
	v12 =	vadd.f32 v19, v12;
	v14 =	vadd.f32 v34, v14  }
0x158: {  	v4 =	vmul.f32 v33, v4;
	v7 =	vadd.f32 v35, v13;
	v5 =	vadd.f32 v5, v6  }
0x159: {  	v38 =	vperm.xlane v10, v0;
	v12 =	vadd.f32 v36, v12;
	v39 =	vadd.f32 v37, v14  }
0x15a: {  	v40 =	vperm.xlane v11, v0;
	v41 =	vperm.xlane v7, v0;
	v4 =	vadd.f32 v4, v5  }
0x15b: {  	v5 =	vadd.f32 v10, v38;
	v42 =	vperm.xlane v12, v0;
	v43 =	vperm.xlane v39, v0  }
0x15c: {  	v11 =	vadd.f32 v11, v40;
	v7 =	vadd.f32 v7, v41;
	v44 =	vperm.xlane v4, v0  }
0x15d: {  	v45 =	vperm.xlane v5, v1;
	v6 =	vadd.f32 v12, v42;
	v10 =	vadd.f32 v39, v43  }
0x15e: {  	v46 =	vperm.xlane v11, v1;
	v47 =	vperm.xlane v7, v1;
	v4 =	vadd.f32 v4, v44  }
0x15f: {  	v5 =	vadd.f32 v5, v45;
	v48 =	vperm.xlane v6, v1;
	v49 =	vperm.xlane v10, v1  }
0x160: {  	v11 =	vadd.f32 v11, v46;
	v7 =	vadd.f32 v7, v47;
	v50 =	vperm.xlane v4, v1  }
0x161: {  	v51 =	vperm.xlane v5, v2;
	v6 =	vadd.f32 v6, v48;
	v10 =	vadd.f32 v10, v49  }
0x162: {  	v52 =	vperm.xlane v11, v2;
	v53 =	vperm.xlane v7, v2;
	v4 =	vadd.f32 v4, v50  }
0x163: {  	v5 =	vadd.f32 v5, v51;
	v54 =	vperm.xlane v6, v2;
	v55 =	vperm.xlane v10, v2  }
0x164: {  	v11 =	vadd.f32 v11, v52;
	v7 =	vadd.f32 v7, v53;
	v56 =	vperm.xlane v4, v2  }
0x165: {  	v57 =	vperm.xlane v5, v3;
	v6 =	vadd.f32 v6, v54;
	v10 =	vadd.f32 v10, v55  }
0x166: {  	v58 =	vperm.xlane v11, v3;
	v59 =	vperm.xlane v7, v3;
	v4 =	vadd.f32 v4, v56  }
0x167: {  	v5 =	vadd.f32 v5, v57;
	v60 =	vperm.xlane v6, v3;
	v61 =	vperm.xlane v10, v3  }
0x168: {  	v11 =	vadd.f32 v11, v58;
	v7 =	vadd.f32 v7, v59;
	v62 =	vperm.xlane v4, v3  }
0x169: {  	v5 =	vmul.f32 $5.000000000e+00, v5;
	v6 =	vadd.f32 v6, v60;
	v10 =	vadd.f32 v10, v61  }
0x16a: {  	p1 =	sne.s32 s13, $0x2AA00;
	v11 =	vmul.f32 $5.000000000e+00, v11;
	v7 =	vmul.f32 $5.000000000e+00, v7;
	v4 =	vadd.f32 v4, v62  }
.Ltmp1:
0x16b: {  	v5 =	vsel vm8, v8, v5;
	v6 =	vmul.f32 $5.000000000e+00, v6;
	v63 =	vmul.f32 $5.000000000e+00, v10;
	(pc) =	sbr.rel @p1 .LBB2_5-.Ltmp1, $4  }
0x16c: {  	v9 =	vsel vm8, v9, v11;
	v5 =	vsel vm9, v5, v7;
	v4 =	vmul.f32 $5.000000000e+00, v4  }
0x16d: {  	v6 =	vsel vm9, v9, v6;
	v5 =	vsel vm10, v5, v63  }
0x16e: {  	s16 =	sadd.s32 $0x80, s16;
	v4 =	vsel vm10, v6, v4;
	[tilespmem:s14+$0x0] =	vst v5  }
0x16f: {  	s13 =	sadd.s32 $0x1600, s13;
	s14 =	sadd.s32 $0x80, s14;
	[tilespmem:s15+$0x0] =	vst v4;
	s15 =	sadd.s32 $0x80, s15  }
0x170: {  	s0 =	sadd.s32 @!p0 $0x3, s0  }
0x171: {  	s12 =	smul.u32 @!p0 $0x580, s0  }
0x172: {  	s13 =	simm.s32 @!p0 $0x160;
	s14 =	simm.s32 @!p0 $0xE600  }
0x173: {  	s31 =	sadd.s32 $0x1, s31;
	s0 =	sshll.u32 @!p0 s0, $0x9;
	s12 =	sshra.s32 @!p0 s12, $0x2  }
0x174: {  	[tilespmem:s14], [sflag:$0x2] =	stream.indirect.gather @!p0 [hbm4b:s3+s13], $0x80, s12, s13, $0xb8;
	[tilespmem:$0x1D600] =	vst v63  }
0x175: {  	s0 =	sadd.s32 @!p0 s0, s8;
	s12 =	simm.s32 @!p0 $0x0;
	s13 =	simm.s32 @!p0 $0x2600  }
0x176: {  	[tilespmem:s13], [sflag:$0x4] =	stream.linear.gather @!p0 [hbm4b:s0+s12], $0x1000, $0x38;
	[tilespmem:$0x1D600] =	vst v63  }
0x177: {  	p0 =	sne.s32 s31, $0x8  }
.Ltmp2:
0x178: {  	_ = 	snop;
	(pc) =	sbr.rel @p0 .LBB2_2-.Ltmp2, $4  }
0x179: {  	s15 =	sadd.s32 s5, s1  }
0x17a: {  	[hbm4b:s15+s2] =	stream.linear.scatter [tilespmem:s23], [sflag:$0x6], $0x1000, $0x38;
	[tilespmem:$0x1D600] =	vst v63  }
0x17b: {  	s16 =	sadd.s32 s6, s1  }
0x17c: {  	[hbm4b:s16+s2] =	stream.linear.scatter [tilespmem:s24], [sflag:$0x8], $0x1000, $0x38;
	[tilespmem:$0x1D600] =	vst v63  }
0x17d: {  	_ =	swait.ge [sflag:s25], $0x1000  }
0x17e: {  	[sflag:s25] =	ssyncset.done $0x0  }
0x17f: {  	[sflag:s25] =	ssyncadd.s32 $0xFFFFF000  }
0x180: {  	_ =	swait.ge [sflag:s26], $0x1000  }
0x181: {  	[sflag:s26] =	ssyncset.done $0x0  }
0x182: {  	s30 =	sadd.s32 $0x1, s30;
	[sflag:s26] =	ssyncadd.s32 $0xFFFFF000  }
0x183: {  	p0 =	sne.s32 s30, s10;
	_ =	swait.ge [sflag:s28], $0x1000  }
.Ltmp3:
0x184: {  	[sflag:s28] =	ssyncset.done $0x0;
	(pc) =	sbr.rel @p0 .LBB2_1-.Ltmp3, $4  }
0x185: {  	[sflag:s28] =	ssyncadd.s32 $0xFFFFF000  }
0x186: {  	_ =	swait.ge [sflag:s29], $0x1000  }
0x187: {  	[sflag:s29] =	ssyncset.done $0x0  }
0x188: {  	[sflag:s29] =	ssyncadd.s32 $0xFFFFF000  }
0x189: {  	_ =	sfence.sel $0x180000  }
0x18a: {  	[bflag:$0x0] =	sbarrier.arrive $0xFFFF  }
0x18b: {  	_ =	strace $0x90000047  }
0x18c: {  	s0 =	stileid.u32;
	[bflag:$0x2] =	sbarrier.arrive $0xFFFF  }
0x18d: {  	p0 =	sne.s32 s0, $0x0;
	s0 =	rddreg [dreg:$0x2]  }
0x18e: {  	s0 =	sadd.s32 @!p0 $0x100000, s0  }
0x18f: {  	[sflag:s0] =	ssyncadd.tile.s32 @!p0 $0x1;
	_ =	shalt  }
.Lfunc_end2:
_tile_overlayer_lowered:
.L_overlay_start_2:
0x190: {  	(tag) =	ssettag $0x2  }
0x191: {  	s0 =	rddreg [dreg:$0x0];
	s2 =	stileid.u32  }
0x192: {  	s1 =	rddreg [dreg:$0x1];
	p0 =	sne.s32 s2, $0x0  }
0x193: {  	s3 =	rddreg [dreg:$0x2];
	[bflag:$0x3] =	sbarrier.arrive $0xFFFF;
	s2 =	simm.s32 @!p0 $0x1C09  }
0x194: {  	[timem:s3], [sflag:s2] =	dma.local @!p0 [hbm:s0], s1  }
0x195: {  	s0 =	simm.s32 @!p0 $0x9  }
0x196: {  	_ =	swait.ge @!p0 [sflag:s0], s1  }
0x197: {  	s1 =	ssub.s32 @!p0 $0x0, s1;
	[sflag:s0] =	ssyncset.done @!p0 $0x0  }
0x198: {  	[sflag:s0] =	ssyncadd.s32 @!p0 s1  }
0x199: {  	[bflag:$0x3] =	sbarrier.arrive $0xFFFF  }
0x19a: {  	_ =	shalt  }

</sc_bundles>
